<compile_context>
chip_gen: v7x
topology: tpu7x:2x2x1
jax: 0.10.2.dev20260603
libtpu: 0.0.44.dev20260713+nightly
codegen_flags: <defaults>
</compile_context>

<pallas_src>
import functools

import jax
import jax.numpy as jnp
from jax import lax
from jax.experimental import pallas as pl
from jax.experimental.pallas import tpu as pltpu
from jax.experimental.pallas import tpu_sc as plsc

_INFO = plsc.get_sparse_core_info()
_NC = _INFO.num_cores
_NS = _INFO.num_subcores
_NW = _NC * _NS

_B = 16384
_D = 64
_V = 1000000
_R = 1000
_NQ = 7812
_QTAIL = _NQ * 128
_QPER = _NQ // _NW
_QREM = _NQ % _NW
_F = 16
_SR = _B + _NW * _F

_MESH = plsc.VectorSubcoreMesh(core_axis_name="c", subcore_axis_name="s")


@functools.partial(
    pl.kernel,
    mesh=_MESH,
    out_type=jax.ShapeDtypeStruct((_SR, 128), jnp.float32),
    scratch_types=[
        pltpu.VMEM((_B + 16,), jnp.int32),
        pltpu.VMEM((_B + 16,), jnp.int32),
        pltpu.VMEM((_B + 16,), jnp.int32),
        pltpu.VMEM((288,), jnp.int32),
        pltpu.VMEM((288,), jnp.int32),
        pltpu.VMEM((288,), jnp.int32),
        pltpu.VMEM((288,), jnp.int32),
        pltpu.VMEM((6, _D, 128), jnp.float32),
        pltpu.VMEM((_F, 128), jnp.float32),
        pltpu.VMEM((16,), jnp.int32),
        pltpu.SMEM((8,), jnp.int32),
        pltpu.SemaphoreType.DMA,
        pltpu.SemaphoreType.DMA,
        pltpu.SemaphoreType.DMA,
        pltpu.SemaphoreType.DMA,
        pltpu.SemaphoreType.DMA,
        pltpu.SemaphoreType.DMA,
        pltpu.SemaphoreType.DMA,
    ],
    compiler_params=pltpu.CompilerParams(
        use_tc_tiling_on_sc=True, needs_layout_passes=False
    ),
)
def _ent_gather(tabT, e_hbm, out, ev, lst_p, srt_p, hist, st0, cur,
                nbl, blk, fbuf, fpos, cnt,
                sem0, sem1, sem2, sem3, sem4, sem5, semf):
    wid = lax.axis_index("s") * _NC + lax.axis_index("c")
    qlo = wid * _QPER + jnp.minimum(wid, _QREM)
    nq = jnp.where(wid < _QREM, _QPER + 1, _QPER)
    lane = lax.iota(jnp.int32, 16)
    zeros16 = jnp.zeros((16,), jnp.int32)

    pltpu.sync_copy(e_hbm, ev.at[pl.ds(0, _B)])

    cnt[0] = 0

    def filt(i, _):
        lc = cnt[0]
        for u in range(4):
            base = i * 64 + u * 16
            x = ev[pl.ds(base, 16)]
            q = lax.shift_right_logical(x, 7)
            m = (q >= qlo) & (q < qlo + nq)
            offs = plsc.cumsum(jnp.where(m, 1, 0)) - 1 + lc
            plsc.store_scatter(lst_p, [offs], lane + base, mask=m)
            lc = lc + plsc.all_reduce_population_count(m)[0]
        cnt[0] = lc
        return 0

    lax.fori_loop(0, _B // 64, filt, 0)
    lcount = cnt[0]

    def zero18(i, _):
        hist[pl.ds(i * 16, 16)] = zeros16
        return 0

    lax.fori_loop(0, 288 // 16, zero18, 0)

    def count1(j, _):
        p_j = lst_p[pl.ds(j, 16)][0]
        e_j = ev[pl.ds(p_j, 16)][0]
        k = lax.shift_right_logical(e_j, 7) - qlo
        w = hist[pl.ds(k, 16)]
        hist[pl.ds(k, 16)] = jnp.where(lane == 0, w + 1, w)
        return 0

    lax.fori_loop(0, lcount, count1, 0)

    cnt[1] = 0

    def scan1(i, _):
        v = hist[pl.ds(i * 16, 16)]
        c = plsc.cumsum(v)
        run = cnt[1]
        st0[pl.ds(i * 16, 16)] = run + c - v
        cur[pl.ds(i * 16, 16)] = run + c - v
        cnt[1] = run + c[15]
        return 0

    lax.fori_loop(0, 288 // 16, scan1, 0)

    def place(j, _):
        p_j = lst_p[pl.ds(j, 16)][0]
        e_j = ev[pl.ds(p_j, 16)][0]
        k = lax.shift_right_logical(e_j, 7) - qlo
        o = cur[pl.ds(k, 16)][0]
        w2 = srt_p[pl.ds(o, 16)]
        srt_p[pl.ds(o, 16)] = jnp.where(
            lane == 0, lax.broadcast(p_j, (16,)), w2
        )
        wc = cur[pl.ds(k, 16)]
        cur[pl.ds(k, 16)] = jnp.where(lane == 0, wc + 1, wc)
        return 0

    lax.fori_loop(0, lcount, place, 0)

    def zeronbl(i, _):
        nbl[pl.ds(i * 16, 16)] = zeros16
        return 0

    lax.fori_loop(0, 288 // 16, zeronbl, 0)
    cnt[2] = 0

    def compact(i, _):
        kv = lane + i * 16
        cv = hist[pl.ds(i * 16, 16)]
        m = (cv > 0) & (kv < nq)
        nc = cnt[2]
        offs = plsc.cumsum(jnp.where(m, 1, 0)) - 1 + nc
        plsc.store_scatter(nbl, [offs], kv, mask=m)
        cnt[2] = nc + plsc.all_reduce_population_count(m)[0]
        return 0

    lax.fori_loop(0, 256 // 16, compact, 0)
    nn = cnt[2]

    cnt[3] = 0

    def append_row(j, bref):
        pos = srt_p[pl.ds(j, 16)][0]
        ipos = ev[pl.ds(pos, 16)][0] & 127
        fc = cnt[3]
        for k2 in range(_D // 16):
            g = plsc.load_gather(
                bref, [lane + k2 * 16, lax.broadcast(ipos, (16,))]
            )
            fbuf[fc, pl.ds(k2 * 16, 16)] = g
        fpos[...] = jnp.where(
            lane == fc, lax.broadcast(pos, (16,)), fpos[...]
        )
        fc = fc + 1

        @pl.when(fc == _F)
        def _():
            pltpu.async_copy(fbuf, out.at[fpos], semf).wait()

        cnt[3] = jnp.where(fc == _F, 0, fc)
        return 0

    def process_block(k, bref):
        lo = st0[pl.ds(k, 16)][0]
        c = hist[pl.ds(k, 16)][0]
        lax.fori_loop(lo, lo + c, lambda j, _: append_row(j, bref), 0)

    sems = (sem0, sem1, sem2, sem3, sem4, sem5)

    def blkid(idx):
        return nbl[pl.ds(jnp.minimum(idx, 271), 16)][0]

    def issue(idx, b, sem):
        q = qlo + blkid(idx)
        pltpu.async_copy(tabT.at[:, pl.ds(q * 128, 128)], blk.at[b], sem)

    def wait(b, sem):
        pltpu.make_async_copy(
            tabT.at[:, pl.ds(0, 128)], blk.at[b], sem
        ).wait()

    for b in range(6):
        issue(b, b, sems[b])

    def hexa(t, _):
        for b in range(6):
            idx = t * 6 + b
            wait(b, sems[b])
            process_block(blkid(idx), blk.at[b])
            issue(idx + 6, b, sems[b])
        return 0

    nhex = lax.div(nn, 6) + 1
    lax.fori_loop(0, nhex, hexa, 0)
    for b in range(6):
        wait(b, sems[b])

    fc = cnt[3]
    dump = _B + wid * _F + lane
    fpos[...] = jnp.where(lane < fc, fpos[...], dump)
    pltpu.async_copy(fbuf, out.at[fpos], semf).wait()


def _tc_body(relT_ref, tailT_ref, r_ref, e_ref, rel_out_ref, tail_out_ref):
    r = r_ref[0, 0, :]
    e = e_ref[0, 0, :]
    iota_r = lax.broadcasted_iota(jnp.int32, (_R, 512), 0)
    oh_r = (iota_r == r[None, :]).astype(jnp.float32)
    rel_out_ref[...] = jnp.dot(
        relT_ref[...], oh_r, preferred_element_type=jnp.float32,
        precision=lax.Precision.HIGHEST
    )
    iota_t = lax.broadcasted_iota(jnp.int32, (_D, 512), 0)
    oh_t = (iota_t == (e[None, :] - _QTAIL)).astype(jnp.float32)
    tail_out_ref[...] = jnp.dot(
        tailT_ref[...], oh_t, preferred_element_type=jnp.float32,
        precision=lax.Precision.HIGHEST
    )


_tc_call = pl.pallas_call(
    _tc_body,
    grid=(_B // 512,),
    in_specs=[
        pl.BlockSpec((_D, _R), lambda j: (0, 0)),
        pl.BlockSpec((_D, _D), lambda j: (0, 0)),
        pl.BlockSpec((1, 1, 512), lambda j: (j, 0, 0)),
        pl.BlockSpec((1, 1, 512), lambda j: (j, 0, 0)),
    ],
    out_specs=[
        pl.BlockSpec((_D, 512), lambda j: (0, j)),
        pl.BlockSpec((_D, 512), lambda j: (0, j)),
    ],
    out_shape=[
        jax.ShapeDtypeStruct((_D, _B), jnp.float32),
        jax.ShapeDtypeStruct((_D, _B), jnp.float32),
    ],
)


def kernel(entity_table, relation_table, e, r):
    e = e.astype(jnp.int32)
    r = r.astype(jnp.int32)
    tabT = entity_table.T
    relT = relation_table.T
    tailT = lax.slice(tabT, (0, _QTAIL), (_D, _V))

    scratch = _ent_gather(tabT, e)
    relT_out, tailT_out = _tc_call(
        relT, tailT, r.reshape(_B // 512, 1, 512), e.reshape(_B // 512, 1, 512)
    )

    ent_sc = scratch[:_B, :_D]
    ent_emb = jnp.where((e >= _QTAIL)[:, None], tailT_out.T, ent_sc)
    rel_emb = relT_out.T
    return ent_emb, rel_emb

# --- scband reference (transcript-rebuilt; emitter-appended) ---
"""Pipeline reference for scband-kgemodel-37228776522281 (READ-ONLY COPY).

The authoritative reference and input builder live on the scoring server;
editing this copy changes nothing except your own understanding.
"""

import jax, jax.numpy as jnp
import numpy as np

NUM_ENTITIES = 1000000
NUM_RELATIONS = 1000
ENTITY_DIM = 64
RELATION_DIM = 64
BATCH = 16384


def setup_inputs(seed: int = 0) -> dict:
    key = jax.random.key(seed)
    k1, k2, k3, k4 = jax.random.split(key, 4)
    # xavier_normal init: std = sqrt(2 / (fan_in + fan_out))
    ent_std = (2.0 / (NUM_ENTITIES + ENTITY_DIM)) ** 0.5
    rel_std = (2.0 / (NUM_RELATIONS + RELATION_DIM)) ** 0.5
    entity_table = jax.random.normal(k1, (NUM_ENTITIES, ENTITY_DIM), dtype=jnp.float32) * ent_std
    relation_table = jax.random.normal(k2, (NUM_RELATIONS, RELATION_DIM), dtype=jnp.float32) * rel_std
    e = jax.random.randint(k3, (BATCH,), 0, NUM_ENTITIES, dtype=jnp.int64 if jax.config.jax_enable_x64 else jnp.int32)
    r = jax.random.randint(k4, (BATCH,), 0, NUM_RELATIONS, dtype=jnp.int64 if jax.config.jax_enable_x64 else jnp.int32)
    return {"entity_table": entity_table, "relation_table": relation_table, "e": e, "r": r}


def reference(entity_table, relation_table, e, r):
    # get_entity_embeddings(e): embedding lookup + dropout (identity in eval mode)
    ent_emb = jnp.take(entity_table, e, axis=0)
    # get_relation_embeddings(r): embedding lookup + dropout (identity in eval mode)
    rel_emb = jnp.take(relation_table, r, axis=0)
    return ent_emb, rel_emb

if __name__ == "__main__":
    import jax
    _d = setup_inputs()
    print(jax.jit(kernel)(*tuple(_d.values())))

</pallas_src>

<mosaic_0001>
#map = affine_map<(d0, d1) -> (0, 0)>
#map1 = affine_map<(d0, d1) -> (0)>
module attributes {stable_mosaic.version = 14 : i64} {
  func.func @_ent_gather(%arg0: i32, %arg1: i32, %arg2: memref<64x1000000xf32, #tpu.memory_space<hbm>>, %arg3: memref<16384xi32, #tpu.memory_space<hbm>>, %arg4: memref<16896x128xf32, #tpu.memory_space<hbm>>, %arg5: memref<16400xi32, #tpu.memory_space<vmem>>, %arg6: memref<16400xi32, #tpu.memory_space<vmem>>, %arg7: memref<16400xi32, #tpu.memory_space<vmem>>, %arg8: memref<288xi32, #tpu.memory_space<vmem>>, %arg9: memref<288xi32, #tpu.memory_space<vmem>>, %arg10: memref<288xi32, #tpu.memory_space<vmem>>, %arg11: memref<288xi32, #tpu.memory_space<vmem>>, %arg12: memref<6x64x128xf32, #tpu.memory_space<vmem>>, %arg13: memref<16x128xf32, #tpu.memory_space<vmem>>, %arg14: memref<16xi32, #tpu.memory_space<vmem>>, %arg15: memref<8xi32, #tpu.memory_space<smem>>, %arg16: memref<!tpu.dma_semaphore, #tpu.memory_space<semaphore_mem>>, %arg17: memref<!tpu.dma_semaphore, #tpu.memory_space<semaphore_mem>>, %arg18: memref<!tpu.dma_semaphore, #tpu.memory_space<semaphore_mem>>, %arg19: memref<!tpu.dma_semaphore, #tpu.memory_space<semaphore_mem>>, %arg20: memref<!tpu.dma_semaphore, #tpu.memory_space<semaphore_mem>>, %arg21: memref<!tpu.dma_semaphore, #tpu.memory_space<semaphore_mem>>, %arg22: memref<!tpu.dma_semaphore, #tpu.memory_space<semaphore_mem>>) attributes {dimension_semantics = [#tpu.dimension_semantics<core_parallel>, #tpu.dimension_semantics<subcore_parallel>], iteration_bounds = array<i64: 2, 16>, scalar_prefetch = 0 : i64, scratch_operands = 18 : i64, tpu.core_type = #tpu.core_type<sc_vector_subcore>, window_params = [{transform_indices = #map}, {transform_indices = #map1}, {transform_indices = #map}]} {
    %mul3A = arith.constant 2 : i32
    %mul3A_0 = arith.muli %arg1, %mul3A : i32
    %add3A = arith.addi %mul3A_0, %arg0 : i32
    %mul3A_1 = arith.constant 244 : i32
    %mul3A_2 = arith.muli %add3A, %mul3A_1 : i32
    %min3A = arith.constant 4 : i32
    %min3A_3 = arith.minsi %add3A, %min3A : i32
    %add3A_4 = arith.addi %mul3A_2, %min3A_3 : i32
    %lt3A = arith.constant 4 : i32
    %lt3A_5 = arith.cmpi slt, %add3A, %lt3A : i32
    %jit3A = arith.constant 245 : i32
    %jit3A_6 = arith.constant 244 : i32
    %select_n3A = arith.select %lt3A_5, %jit3A, %jit3A_6 : i32
    %iota3A = tpu.iota {dimensions = array<i32: 0>} : vector<16xi32>
    %broadcast_in_dim3A = arith.constant 0 : i32
    %broadcast_in_dim3A_7 = vector.broadcast %broadcast_in_dim3A : i32 to vector<16xi32>
    "tpu.region"() ({
      %run_scoped3A = tpu.sem_alloc : memref<!tpu.dma_semaphore, #tpu.memory_space<semaphore_mem>>
      %dma_start3A_346 = arith.constant 0 : i32
      %dma_start3A_347 = tpu.memref_slice %arg5[%dma_start3A_346] : memref<16400xi32, #tpu.memory_space<vmem>> -> memref<16384xi32, #tpu.memory_space<vmem>>
      %dma_start3A_348 = arith.constant 0 : i32
      %dma_start3A_349 = tpu.memref_slice %arg5[%dma_start3A_348] : memref<16400xi32, #tpu.memory_space<vmem>> -> memref<16384xi32, #tpu.memory_space<vmem>>
      tpu.enqueue_dma source(%arg3 : memref<16384xi32, #tpu.memory_space<hbm>>) target(%dma_start3A_349 : memref<16384xi32, #tpu.memory_space<vmem>>) target_semaphore(%run_scoped3A : memref<!tpu.dma_semaphore, #tpu.memory_space<semaphore_mem>>)
      %dma_wait3A_350 = arith.constant 0 : i32
      %dma_wait3A_351 = tpu.memref_slice %arg5[%dma_wait3A_350] : memref<16400xi32, #tpu.memory_space<vmem>> -> memref<16384xi32, #tpu.memory_space<vmem>>
      %dma_wait3A_352 = arith.constant 0 : i32
      %dma_wait3A_353 = tpu.memref_slice %arg5[%dma_wait3A_352] : memref<16400xi32, #tpu.memory_space<vmem>> -> memref<16384xi32, #tpu.memory_space<vmem>>
      tpu.wait_dma2 semaphore(%run_scoped3A : memref<!tpu.dma_semaphore, #tpu.memory_space<semaphore_mem>>) src(%arg3 : memref<16384xi32, #tpu.memory_space<hbm>>) dst(%dma_wait3A_353 : memref<16384xi32, #tpu.memory_space<vmem>>)
      tpu.yield
    }) : () -> ()
    %swap3A = arith.constant 0 : i32
    %swap3A_8 = arith.constant 0 : i32
    %swap3A_9 = arith.index_cast %swap3A_8 : i32 to index
    %swap3A_10 = memref.load %arg15[%swap3A_9] : memref<8xi32, #tpu.memory_space<smem>>
    memref.store %swap3A, %arg15[%swap3A_9] : memref<8xi32, #tpu.memory_space<smem>>
    %scan3A = arith.constant 0 : i32
    %scan3A_11 = arith.constant 0 : i32
    %scan3A_12 = arith.constant 256 : i32
    %scan3A_13 = arith.addi %scan3A_11, %scan3A_12 : i32
    %scan3A_14 = arith.constant 1 : i32
    %scan3A_15 = scf.for %scan3A_346 = %scan3A_11 to %scan3A_13 step %scan3A_14 iter_args(%scan3A_347 = %scan3A) -> (i32)  : i32 {
      %get3A_348 = arith.constant 0 : i32
      %get3A_349 = arith.index_cast %get3A_348 : i32 to index
      %get3A_350 = memref.load %arg15[%get3A_349] : memref<8xi32, #tpu.memory_space<smem>>
      %mul3A_351 = arith.constant 64 : i32
      %mul3A_352 = arith.muli %scan3A_346, %mul3A_351 : i32
      %add3A_353 = arith.constant 0 : i32
      %add3A_354 = arith.addi %mul3A_352, %add3A_353 : i32
      %get3A_355 = arith.index_cast %add3A_354 : i32 to index
      %get3A_356 = tpu.vector_load %arg5[%get3A_355] {strides = array<i32>} : memref<16400xi32, #tpu.memory_space<vmem>>, vector<16xi32>,
      %shift_right_logical3A = arith.constant 7 : i32
      %shift_right_logical3A_357 = vector.broadcast %shift_right_logical3A : i32 to vector<16xi32>
      %shift_right_logical3A_358 = arith.shrui %get3A_356, %shift_right_logical3A_357 : vector<16xi32>
      %ge3A = vector.broadcast %add3A_4 : i32 to vector<16xi32>
      %ge3A_359 = arith.cmpi sge, %shift_right_logical3A_358, %ge3A : vector<16xi32>
      %add3A_360 = arith.addi %add3A_4, %select_n3A : i32
      %lt3A_361 = vector.broadcast %add3A_360 : i32 to vector<16xi32>
      %lt3A_362 = arith.cmpi slt, %shift_right_logical3A_358, %lt3A_361 : vector<16xi32>
      %and3A = arith.andi %ge3A_359, %lt3A_362 : vector<16xi1>
      %jit3A_363 = arith.constant 1 : i32
      %jit3A_364 = arith.constant 0 : i32
      %broadcast_in_dim3A_365 = vector.broadcast %jit3A_363 : i32 to vector<16xi32>
      %broadcast_in_dim3A_366 = vector.broadcast %jit3A_364 : i32 to vector<16xi32>
      %select_n3A_367 = arith.select %and3A, %broadcast_in_dim3A_365, %broadcast_in_dim3A_366 : vector<16xi1>, vector<16xi32>
      %broadcast_in_dim3A_368 = arith.constant true
      %broadcast_in_dim3A_369 = vector.broadcast %broadcast_in_dim3A_368 : i1 to vector<16xi1>
      %masked_cumsum3A = tpu.scan <sum>, %select_n3A_367 masked %broadcast_in_dim3A_369 : vector<16xi32>, vector<16xi1> -> vector<16xi32>
      %sub3A = arith.constant 1 : i32
      %sub3A_370 = vector.broadcast %sub3A : i32 to vector<16xi32>
      %sub3A_371 = arith.subi %masked_cumsum3A, %sub3A_370 : vector<16xi32>
      %add3A_372 = vector.broadcast %get3A_350 : i32 to vector<16xi32>
      %add3A_373 = arith.addi %sub3A_371, %add3A_372 : vector<16xi32>
      %add3A_374 = vector.broadcast %add3A_354 : i32 to vector<16xi32>
      %add3A_375 = arith.addi %iota3A, %add3A_374 : vector<16xi32>
      tpu.vector_store_idx %arg6[%add3A_373], %add3A_375 masked %and3A : memref<16400xi32, #tpu.memory_space<vmem>>[vector<16xi32>], vector<16xi32>, vector<16xi1>
      %all_reduce_population_count3A = tpu.all_reduce %and3A {dim = 0 : i64, kind = #tpu.reduction_kind<sum>} : vector<16xi1> -> vector<16xi32>
      %slice3A_376 = vector.extract_strided_slice %all_reduce_population_count3A {offsets = [0], sizes = [1], strides = [1]} : vector<16xi32> to vector<1xi32>
      %squeeze3A_377 = vector.extract %slice3A_376[0] : i32 from vector<1xi32>
      %add3A_378 = arith.addi %get3A_350, %squeeze3A_377 : i32
      %mul3A_379 = arith.constant 64 : i32
      %mul3A_380 = arith.muli %scan3A_346, %mul3A_379 : i32
      %add3A_381 = arith.constant 16 : i32
      %add3A_382 = arith.addi %mul3A_380, %add3A_381 : i32
      %get3A_383 = arith.index_cast %add3A_382 : i32 to index
      %get3A_384 = tpu.vector_load %arg5[%get3A_383] {strides = array<i32>} : memref<16400xi32, #tpu.memory_space<vmem>>, vector<16xi32>,
      %shift_right_logical3A_385 = arith.constant 7 : i32
      %shift_right_logical3A_386 = vector.broadcast %shift_right_logical3A_385 : i32 to vector<16xi32>
      %shift_right_logical3A_387 = arith.shrui %get3A_384, %shift_right_logical3A_386 : vector<16xi32>
      %ge3A_388 = vector.broadcast %add3A_4 : i32 to vector<16xi32>
      %ge3A_389 = arith.cmpi sge, %shift_right_logical3A_387, %ge3A_388 : vector<16xi32>
      %add3A_390 = arith.addi %add3A_4, %select_n3A : i32
      %lt3A_391 = vector.broadcast %add3A_390 : i32 to vector<16xi32>
      %lt3A_392 = arith.cmpi slt, %shift_right_logical3A_387, %lt3A_391 : vector<16xi32>
      %and3A_393 = arith.andi %ge3A_389, %lt3A_392 : vector<16xi1>
      %jit3A_394 = arith.constant 1 : i32
      %jit3A_395 = arith.constant 0 : i32
      %broadcast_in_dim3A_396 = vector.broadcast %jit3A_394 : i32 to vector<16xi32>
      %broadcast_in_dim3A_397 = vector.broadcast %jit3A_395 : i32 to vector<16xi32>
      %select_n3A_398 = arith.select %and3A_393, %broadcast_in_dim3A_396, %broadcast_in_dim3A_397 : vector<16xi1>, vector<16xi32>
      %broadcast_in_dim3A_399 = arith.constant true
      %broadcast_in_dim3A_400 = vector.broadcast %broadcast_in_dim3A_399 : i1 to vector<16xi1>
      %masked_cumsum3A_401 = tpu.scan <sum>, %select_n3A_398 masked %broadcast_in_dim3A_400 : vector<16xi32>, vector<16xi1> -> vector<16xi32>
      %sub3A_402 = arith.constant 1 : i32
      %sub3A_403 = vector.broadcast %sub3A_402 : i32 to vector<16xi32>
      %sub3A_404 = arith.subi %masked_cumsum3A_401, %sub3A_403 : vector<16xi32>
      %add3A_405 = vector.broadcast %add3A_378 : i32 to vector<16xi32>
      %add3A_406 = arith.addi %sub3A_404, %add3A_405 : vector<16xi32>
      %add3A_407 = vector.broadcast %add3A_382 : i32 to vector<16xi32>
      %add3A_408 = arith.addi %iota3A, %add3A_407 : vector<16xi32>
      tpu.vector_store_idx %arg6[%add3A_406], %add3A_408 masked %and3A_393 : memref<16400xi32, #tpu.memory_space<vmem>>[vector<16xi32>], vector<16xi32>, vector<16xi1>
      %all_reduce_population_count3A_409 = tpu.all_reduce %and3A_393 {dim = 0 : i64, kind = #tpu.reduction_kind<sum>} : vector<16xi1> -> vector<16xi32>
      %slice3A_410 = vector.extract_strided_slice %all_reduce_population_count3A_409 {offsets = [0], sizes = [1], strides = [1]} : vector<16xi32> to vector<1xi32>
      %squeeze3A_411 = vector.extract %slice3A_410[0] : i32 from vector<1xi32>
      %add3A_412 = arith.addi %add3A_378, %squeeze3A_411 : i32
      %mul3A_413 = arith.constant 64 : i32
      %mul3A_414 = arith.muli %scan3A_346, %mul3A_413 : i32
      %add3A_415 = arith.constant 32 : i32
      %add3A_416 = arith.addi %mul3A_414, %add3A_415 : i32
      %get3A_417 = arith.index_cast %add3A_416 : i32 to index
      %get3A_418 = tpu.vector_load %arg5[%get3A_417] {strides = array<i32>} : memref<16400xi32, #tpu.memory_space<vmem>>, vector<16xi32>,
      %shift_right_logical3A_419 = arith.constant 7 : i32
      %shift_right_logical3A_420 = vector.broadcast %shift_right_logical3A_419 : i32 to vector<16xi32>
      %shift_right_logical3A_421 = arith.shrui %get3A_418, %shift_right_logical3A_420 : vector<16xi32>
      %ge3A_422 = vector.broadcast %add3A_4 : i32 to vector<16xi32>
      %ge3A_423 = arith.cmpi sge, %shift_right_logical3A_421, %ge3A_422 : vector<16xi32>
      %add3A_424 = arith.addi %add3A_4, %select_n3A : i32
      %lt3A_425 = vector.broadcast %add3A_424 : i32 to vector<16xi32>
      %lt3A_426 = arith.cmpi slt, %shift_right_logical3A_421, %lt3A_425 : vector<16xi32>
      %and3A_427 = arith.andi %ge3A_423, %lt3A_426 : vector<16xi1>
      %jit3A_428 = arith.constant 1 : i32
      %jit3A_429 = arith.constant 0 : i32
      %broadcast_in_dim3A_430 = vector.broadcast %jit3A_428 : i32 to vector<16xi32>
      %broadcast_in_dim3A_431 = vector.broadcast %jit3A_429 : i32 to vector<16xi32>
      %select_n3A_432 = arith.select %and3A_427, %broadcast_in_dim3A_430, %broadcast_in_dim3A_431 : vector<16xi1>, vector<16xi32>
      %broadcast_in_dim3A_433 = arith.constant true
      %broadcast_in_dim3A_434 = vector.broadcast %broadcast_in_dim3A_433 : i1 to vector<16xi1>
      %masked_cumsum3A_435 = tpu.scan <sum>, %select_n3A_432 masked %broadcast_in_dim3A_434 : vector<16xi32>, vector<16xi1> -> vector<16xi32>
      %sub3A_436 = arith.constant 1 : i32
      %sub3A_437 = vector.broadcast %sub3A_436 : i32 to vector<16xi32>
      %sub3A_438 = arith.subi %masked_cumsum3A_435, %sub3A_437 : vector<16xi32>
      %add3A_439 = vector.broadcast %add3A_412 : i32 to vector<16xi32>
      %add3A_440 = arith.addi %sub3A_438, %add3A_439 : vector<16xi32>
      %add3A_441 = vector.broadcast %add3A_416 : i32 to vector<16xi32>
      %add3A_442 = arith.addi %iota3A, %add3A_441 : vector<16xi32>
      tpu.vector_store_idx %arg6[%add3A_440], %add3A_442 masked %and3A_427 : memref<16400xi32, #tpu.memory_space<vmem>>[vector<16xi32>], vector<16xi32>, vector<16xi1>
      %all_reduce_population_count3A_443 = tpu.all_reduce %and3A_427 {dim = 0 : i64, kind = #tpu.reduction_kind<sum>} : vector<16xi1> -> vector<16xi32>
      %slice3A_444 = vector.extract_strided_slice %all_reduce_population_count3A_443 {offsets = [0], sizes = [1], strides = [1]} : vector<16xi32> to vector<1xi32>
      %squeeze3A_445 = vector.extract %slice3A_444[0] : i32 from vector<1xi32>
      %add3A_446 = arith.addi %add3A_412, %squeeze3A_445 : i32
      %mul3A_447 = arith.constant 64 : i32
      %mul3A_448 = arith.muli %scan3A_346, %mul3A_447 : i32
      %add3A_449 = arith.constant 48 : i32
      %add3A_450 = arith.addi %mul3A_448, %add3A_449 : i32
      %get3A_451 = arith.index_cast %add3A_450 : i32 to index
      %get3A_452 = tpu.vector_load %arg5[%get3A_451] {strides = array<i32>} : memref<16400xi32, #tpu.memory_space<vmem>>, vector<16xi32>,
      %shift_right_logical3A_453 = arith.constant 7 : i32
      %shift_right_logical3A_454 = vector.broadcast %shift_right_logical3A_453 : i32 to vector<16xi32>
      %shift_right_logical3A_455 = arith.shrui %get3A_452, %shift_right_logical3A_454 : vector<16xi32>
      %ge3A_456 = vector.broadcast %add3A_4 : i32 to vector<16xi32>
      %ge3A_457 = arith.cmpi sge, %shift_right_logical3A_455, %ge3A_456 : vector<16xi32>
      %add3A_458 = arith.addi %add3A_4, %select_n3A : i32
      %lt3A_459 = vector.broadcast %add3A_458 : i32 to vector<16xi32>
      %lt3A_460 = arith.cmpi slt, %shift_right_logical3A_455, %lt3A_459 : vector<16xi32>
      %and3A_461 = arith.andi %ge3A_457, %lt3A_460 : vector<16xi1>
      %jit3A_462 = arith.constant 1 : i32
      %jit3A_463 = arith.constant 0 : i32
      %broadcast_in_dim3A_464 = vector.broadcast %jit3A_462 : i32 to vector<16xi32>
      %broadcast_in_dim3A_465 = vector.broadcast %jit3A_463 : i32 to vector<16xi32>
      %select_n3A_466 = arith.select %and3A_461, %broadcast_in_dim3A_464, %broadcast_in_dim3A_465 : vector<16xi1>, vector<16xi32>
      %broadcast_in_dim3A_467 = arith.constant true
      %broadcast_in_dim3A_468 = vector.broadcast %broadcast_in_dim3A_467 : i1 to vector<16xi1>
      %masked_cumsum3A_469 = tpu.scan <sum>, %select_n3A_466 masked %broadcast_in_dim3A_468 : vector<16xi32>, vector<16xi1> -> vector<16xi32>
      %sub3A_470 = arith.constant 1 : i32
      %sub3A_471 = vector.broadcast %sub3A_470 : i32 to vector<16xi32>
      %sub3A_472 = arith.subi %masked_cumsum3A_469, %sub3A_471 : vector<16xi32>
      %add3A_473 = vector.broadcast %add3A_446 : i32 to vector<16xi32>
      %add3A_474 = arith.addi %sub3A_472, %add3A_473 : vector<16xi32>
      %add3A_475 = vector.broadcast %add3A_450 : i32 to vector<16xi32>
      %add3A_476 = arith.addi %iota3A, %add3A_475 : vector<16xi32>
      tpu.vector_store_idx %arg6[%add3A_474], %add3A_476 masked %and3A_461 : memref<16400xi32, #tpu.memory_space<vmem>>[vector<16xi32>], vector<16xi32>, vector<16xi1>
      %all_reduce_population_count3A_477 = tpu.all_reduce %and3A_461 {dim = 0 : i64, kind = #tpu.reduction_kind<sum>} : vector<16xi1> -> vector<16xi32>
      %slice3A_478 = vector.extract_strided_slice %all_reduce_population_count3A_477 {offsets = [0], sizes = [1], strides = [1]} : vector<16xi32> to vector<1xi32>
      %squeeze3A_479 = vector.extract %slice3A_478[0] : i32 from vector<1xi32>
      %add3A_480 = arith.addi %add3A_446, %squeeze3A_479 : i32
      %swap3A_481 = arith.constant 0 : i32
      %swap3A_482 = arith.index_cast %swap3A_481 : i32 to index
      %swap3A_483 = memref.load %arg15[%swap3A_482] : memref<8xi32, #tpu.memory_space<smem>>
      memref.store %add3A_480, %arg15[%swap3A_482] : memref<8xi32, #tpu.memory_space<smem>>
      %scan3A_484 = arith.constant 0 : i32
      scf.yield %scan3A_484 : i32
    }
    %scan3A_16 = arith.constant 256 : i32
    %get3A = arith.constant 0 : i32
    %get3A_17 = arith.index_cast %get3A : i32 to index
    %get3A_18 = memref.load %arg15[%get3A_17] : memref<8xi32, #tpu.memory_space<smem>>
    %scan3A_19 = arith.constant 0 : i32
    %scan3A_20 = arith.constant 0 : i32
    %scan3A_21 = arith.constant 18 : i32
    %scan3A_22 = arith.addi %scan3A_20, %scan3A_21 : i32
    %scan3A_23 = arith.constant 1 : i32
    %scan3A_24 = scf.for %scan3A_346 = %scan3A_20 to %scan3A_22 step %scan3A_23 iter_args(%scan3A_347 = %scan3A_19) -> (i32)  : i32 {
      %mul3A_348 = arith.constant 16 : i32
      %mul3A_349 = arith.muli %scan3A_346, %mul3A_348 : i32
      %swap3A_350 = arith.index_cast %mul3A_349 : i32 to index
      %swap3A_351 = tpu.vector_load %arg8[%swap3A_350] {strides = array<i32>} : memref<288xi32, #tpu.memory_space<vmem>>, vector<16xi32>,
      tpu.vector_store %arg8[%swap3A_350], %broadcast_in_dim3A_7 {strides = array<i32>} : memref<288xi32, #tpu.memory_space<vmem>>, vector<16xi32>,
      %scan3A_352 = arith.constant 0 : i32
      scf.yield %scan3A_352 : i32
    }
    %scan3A_25 = arith.constant 18 : i32
    %while3A = arith.constant 0 : i32
    %while3A_26 = arith.constant 0 : i32
    %while3A_27 = arith.subi %get3A_18, %while3A : i32
    %while3A_28 = arith.addi %while3A, %while3A_27 : i32
    %while3A_29 = arith.constant 1 : i32
    %while3A_30 = arith.divsi %while3A_27, %while3A_29 : i32
    %while3A_31 = arith.muli %while3A_30, %while3A_29 : i32
    %while3A_32 = arith.addi %while3A, %while3A_31 : i32
    %while3A_33 = arith.constant 1 : i32
    %while3A_34 = scf.for %while3A_346 = %while3A to %while3A_32 step %while3A_33 iter_args(%while3A_347 = %while3A_26) -> (i32)  : i32 {
      %get3A_348 = arith.index_cast %while3A_346 : i32 to index
      %get3A_349 = tpu.vector_load %arg6[%get3A_348] {strides = array<i32>} : memref<16400xi32, #tpu.memory_space<vmem>>, vector<16xi32>,
      %slice3A_350 = vector.extract_strided_slice %get3A_349 {offsets = [0], sizes = [1], strides = [1]} : vector<16xi32> to vector<1xi32>
      %squeeze3A_351 = vector.extract %slice3A_350[0] : i32 from vector<1xi32>
      %get3A_352 = arith.index_cast %squeeze3A_351 : i32 to index
      %get3A_353 = tpu.vector_load %arg5[%get3A_352] {strides = array<i32>} : memref<16400xi32, #tpu.memory_space<vmem>>, vector<16xi32>,
      %slice3A_354 = vector.extract_strided_slice %get3A_353 {offsets = [0], sizes = [1], strides = [1]} : vector<16xi32> to vector<1xi32>
      %squeeze3A_355 = vector.extract %slice3A_354[0] : i32 from vector<1xi32>
      %shift_right_logical3A = arith.constant 7 : i32
      %shift_right_logical3A_356 = arith.shrui %squeeze3A_355, %shift_right_logical3A : i32
      %sub3A = arith.subi %shift_right_logical3A_356, %add3A_4 : i32
      %get3A_357 = arith.index_cast %sub3A : i32 to index
      %get3A_358 = tpu.vector_load %arg8[%get3A_357] {strides = array<i32>} : memref<288xi32, #tpu.memory_space<vmem>>, vector<16xi32>,
      %eq3A = arith.constant 0 : i32
      %eq3A_359 = vector.broadcast %eq3A : i32 to vector<16xi32>
      %eq3A_360 = arith.cmpi eq, %iota3A, %eq3A_359 : vector<16xi32>
      %add3A_361 = arith.constant 1 : i32
      %add3A_362 = vector.broadcast %add3A_361 : i32 to vector<16xi32>
      %add3A_363 = arith.addi %get3A_358, %add3A_362 : vector<16xi32>
      %select_n3A_364 = arith.select %eq3A_360, %add3A_363, %get3A_358 : vector<16xi1>, vector<16xi32>
      %swap3A_365 = arith.index_cast %sub3A : i32 to index
      %swap3A_366 = tpu.vector_load %arg8[%swap3A_365] {strides = array<i32>} : memref<288xi32, #tpu.memory_space<vmem>>, vector<16xi32>,
      tpu.vector_store %arg8[%swap3A_365], %select_n3A_364 {strides = array<i32>} : memref<288xi32, #tpu.memory_space<vmem>>, vector<16xi32>,
      %while3A_367 = arith.constant 0 : i32
      scf.yield %while3A_367 : i32
    }
    %while3A_35 = arith.constant 1 : i32
    %while3A_36 = scf.for %while3A_346 = %while3A_32 to %while3A_28 step %while3A_35 iter_args(%while3A_347 = %while3A_34) -> (i32)  : i32 {
      %get3A_348 = arith.index_cast %while3A_346 : i32 to index
      %get3A_349 = tpu.vector_load %arg6[%get3A_348] {strides = array<i32>} : memref<16400xi32, #tpu.memory_space<vmem>>, vector<16xi32>,
      %slice3A_350 = vector.extract_strided_slice %get3A_349 {offsets = [0], sizes = [1], strides = [1]} : vector<16xi32> to vector<1xi32>
      %squeeze3A_351 = vector.extract %slice3A_350[0] : i32 from vector<1xi32>
      %get3A_352 = arith.index_cast %squeeze3A_351 : i32 to index
      %get3A_353 = tpu.vector_load %arg5[%get3A_352] {strides = array<i32>} : memref<16400xi32, #tpu.memory_space<vmem>>, vector<16xi32>,
      %slice3A_354 = vector.extract_strided_slice %get3A_353 {offsets = [0], sizes = [1], strides = [1]} : vector<16xi32> to vector<1xi32>
      %squeeze3A_355 = vector.extract %slice3A_354[0] : i32 from vector<1xi32>
      %shift_right_logical3A = arith.constant 7 : i32
      %shift_right_logical3A_356 = arith.shrui %squeeze3A_355, %shift_right_logical3A : i32
      %sub3A = arith.subi %shift_right_logical3A_356, %add3A_4 : i32
      %get3A_357 = arith.index_cast %sub3A : i32 to index
      %get3A_358 = tpu.vector_load %arg8[%get3A_357] {strides = array<i32>} : memref<288xi32, #tpu.memory_space<vmem>>, vector<16xi32>,
      %eq3A = arith.constant 0 : i32
      %eq3A_359 = vector.broadcast %eq3A : i32 to vector<16xi32>
      %eq3A_360 = arith.cmpi eq, %iota3A, %eq3A_359 : vector<16xi32>
      %add3A_361 = arith.constant 1 : i32
      %add3A_362 = vector.broadcast %add3A_361 : i32 to vector<16xi32>
      %add3A_363 = arith.addi %get3A_358, %add3A_362 : vector<16xi32>
      %select_n3A_364 = arith.select %eq3A_360, %add3A_363, %get3A_358 : vector<16xi1>, vector<16xi32>
      %swap3A_365 = arith.index_cast %sub3A : i32 to index
      %swap3A_366 = tpu.vector_load %arg8[%swap3A_365] {strides = array<i32>} : memref<288xi32, #tpu.memory_space<vmem>>, vector<16xi32>,
      tpu.vector_store %arg8[%swap3A_365], %select_n3A_364 {strides = array<i32>} : memref<288xi32, #tpu.memory_space<vmem>>, vector<16xi32>,
      %while3A_367 = arith.constant 0 : i32
      scf.yield %while3A_367 : i32
    }
    %swap3A_37 = arith.constant 0 : i32
    %swap3A_38 = arith.constant 1 : i32
    %swap3A_39 = arith.index_cast %swap3A_38 : i32 to index
    %swap3A_40 = memref.load %arg15[%swap3A_39] : memref<8xi32, #tpu.memory_space<smem>>
    memref.store %swap3A_37, %arg15[%swap3A_39] : memref<8xi32, #tpu.memory_space<smem>>
    %scan3A_41 = arith.constant 0 : i32
    %scan3A_42 = arith.constant 0 : i32
    %scan3A_43 = arith.constant 18 : i32
    %scan3A_44 = arith.addi %scan3A_42, %scan3A_43 : i32
    %scan3A_45 = arith.constant 1 : i32
    %scan3A_46 = scf.for %scan3A_346 = %scan3A_42 to %scan3A_44 step %scan3A_45 iter_args(%scan3A_347 = %scan3A_41) -> (i32)  : i32 {
      %mul3A_348 = arith.constant 16 : i32
      %mul3A_349 = arith.muli %scan3A_346, %mul3A_348 : i32
      %get3A_350 = arith.index_cast %mul3A_349 : i32 to index
      %get3A_351 = tpu.vector_load %arg8[%get3A_350] {strides = array<i32>} : memref<288xi32, #tpu.memory_space<vmem>>, vector<16xi32>,
      %broadcast_in_dim3A_352 = arith.constant true
      %broadcast_in_dim3A_353 = vector.broadcast %broadcast_in_dim3A_352 : i1 to vector<16xi1>
      %masked_cumsum3A = tpu.scan <sum>, %get3A_351 masked %broadcast_in_dim3A_353 : vector<16xi32>, vector<16xi1> -> vector<16xi32>
      %get3A_354 = arith.constant 1 : i32
      %get3A_355 = arith.index_cast %get3A_354 : i32 to index
      %get3A_356 = memref.load %arg15[%get3A_355] : memref<8xi32, #tpu.memory_space<smem>>
      %add3A_357 = vector.broadcast %get3A_356 : i32 to vector<16xi32>
      %add3A_358 = arith.addi %add3A_357, %masked_cumsum3A : vector<16xi32>
      %sub3A = arith.subi %add3A_358, %get3A_351 : vector<16xi32>
      %mul3A_359 = arith.constant 16 : i32
      %mul3A_360 = arith.muli %scan3A_346, %mul3A_359 : i32
      %swap3A_361 = arith.index_cast %mul3A_360 : i32 to index
      %swap3A_362 = tpu.vector_load %arg9[%swap3A_361] {strides = array<i32>} : memref<288xi32, #tpu.memory_space<vmem>>, vector<16xi32>,
      tpu.vector_store %arg9[%swap3A_361], %sub3A {strides = array<i32>} : memref<288xi32, #tpu.memory_space<vmem>>, vector<16xi32>,
      %add3A_363 = vector.broadcast %get3A_356 : i32 to vector<16xi32>
      %add3A_364 = arith.addi %add3A_363, %masked_cumsum3A : vector<16xi32>
      %sub3A_365 = arith.subi %add3A_364, %get3A_351 : vector<16xi32>
      %mul3A_366 = arith.constant 16 : i32
      %mul3A_367 = arith.muli %scan3A_346, %mul3A_366 : i32
      %swap3A_368 = arith.index_cast %mul3A_367 : i32 to index
      %swap3A_369 = tpu.vector_load %arg10[%swap3A_368] {strides = array<i32>} : memref<288xi32, #tpu.memory_space<vmem>>, vector<16xi32>,
      tpu.vector_store %arg10[%swap3A_368], %sub3A_365 {strides = array<i32>} : memref<288xi32, #tpu.memory_space<vmem>>, vector<16xi32>,
      %slice3A_370 = vector.extract_strided_slice %masked_cumsum3A {offsets = [15], sizes = [1], strides = [1]} : vector<16xi32> to vector<1xi32>
      %squeeze3A_371 = vector.extract %slice3A_370[0] : i32 from vector<1xi32>
      %add3A_372 = arith.addi %get3A_356, %squeeze3A_371 : i32
      %swap3A_373 = arith.constant 1 : i32
      %swap3A_374 = arith.index_cast %swap3A_373 : i32 to index
      %swap3A_375 = memref.load %arg15[%swap3A_374] : memref<8xi32, #tpu.memory_space<smem>>
      memref.store %add3A_372, %arg15[%swap3A_374] : memref<8xi32, #tpu.memory_space<smem>>
      %scan3A_376 = arith.constant 0 : i32
      scf.yield %scan3A_376 : i32
    }
    %scan3A_47 = arith.constant 18 : i32
    %while3A_48 = arith.constant 0 : i32
    %while3A_49 = arith.constant 0 : i32
    %while3A_50 = arith.subi %get3A_18, %while3A_48 : i32
    %while3A_51 = arith.addi %while3A_48, %while3A_50 : i32
    %while3A_52 = arith.constant 1 : i32
    %while3A_53 = arith.divsi %while3A_50, %while3A_52 : i32
    %while3A_54 = arith.muli %while3A_53, %while3A_52 : i32
    %while3A_55 = arith.addi %while3A_48, %while3A_54 : i32
    %while3A_56 = arith.constant 1 : i32
    %while3A_57 = scf.for %while3A_346 = %while3A_48 to %while3A_55 step %while3A_56 iter_args(%while3A_347 = %while3A_49) -> (i32)  : i32 {
      %get3A_348 = arith.index_cast %while3A_346 : i32 to index
      %get3A_349 = tpu.vector_load %arg6[%get3A_348] {strides = array<i32>} : memref<16400xi32, #tpu.memory_space<vmem>>, vector<16xi32>,
      %slice3A_350 = vector.extract_strided_slice %get3A_349 {offsets = [0], sizes = [1], strides = [1]} : vector<16xi32> to vector<1xi32>
      %squeeze3A_351 = vector.extract %slice3A_350[0] : i32 from vector<1xi32>
      %get3A_352 = arith.index_cast %squeeze3A_351 : i32 to index
      %get3A_353 = tpu.vector_load %arg5[%get3A_352] {strides = array<i32>} : memref<16400xi32, #tpu.memory_space<vmem>>, vector<16xi32>,
      %slice3A_354 = vector.extract_strided_slice %get3A_353 {offsets = [0], sizes = [1], strides = [1]} : vector<16xi32> to vector<1xi32>
      %squeeze3A_355 = vector.extract %slice3A_354[0] : i32 from vector<1xi32>
      %shift_right_logical3A = arith.constant 7 : i32
      %shift_right_logical3A_356 = arith.shrui %squeeze3A_355, %shift_right_logical3A : i32
      %sub3A = arith.subi %shift_right_logical3A_356, %add3A_4 : i32
      %get3A_357 = arith.index_cast %sub3A : i32 to index
      %get3A_358 = tpu.vector_load %arg10[%get3A_357] {strides = array<i32>} : memref<288xi32, #tpu.memory_space<vmem>>, vector<16xi32>,
      %slice3A_359 = vector.extract_strided_slice %get3A_358 {offsets = [0], sizes = [1], strides = [1]} : vector<16xi32> to vector<1xi32>
      %squeeze3A_360 = vector.extract %slice3A_359[0] : i32 from vector<1xi32>
      %get3A_361 = arith.index_cast %squeeze3A_360 : i32 to index
      %get3A_362 = tpu.vector_load %arg7[%get3A_361] {strides = array<i32>} : memref<16400xi32, #tpu.memory_space<vmem>>, vector<16xi32>,
      %eq3A = arith.constant 0 : i32
      %eq3A_363 = vector.broadcast %eq3A : i32 to vector<16xi32>
      %eq3A_364 = arith.cmpi eq, %iota3A, %eq3A_363 : vector<16xi32>
      %broadcast_in_dim3A_365 = vector.broadcast %squeeze3A_351 : i32 to vector<16xi32>
      %select_n3A_366 = arith.select %eq3A_364, %broadcast_in_dim3A_365, %get3A_362 : vector<16xi1>, vector<16xi32>
      %swap3A_367 = arith.index_cast %squeeze3A_360 : i32 to index
      %swap3A_368 = tpu.vector_load %arg7[%swap3A_367] {strides = array<i32>} : memref<16400xi32, #tpu.memory_space<vmem>>, vector<16xi32>,
      tpu.vector_store %arg7[%swap3A_367], %select_n3A_366 {strides = array<i32>} : memref<16400xi32, #tpu.memory_space<vmem>>, vector<16xi32>,
      %get3A_369 = arith.index_cast %sub3A : i32 to index
      %get3A_370 = tpu.vector_load %arg10[%get3A_369] {strides = array<i32>} : memref<288xi32, #tpu.memory_space<vmem>>, vector<16xi32>,
      %eq3A_371 = arith.constant 0 : i32
      %eq3A_372 = vector.broadcast %eq3A_371 : i32 to vector<16xi32>
      %eq3A_373 = arith.cmpi eq, %iota3A, %eq3A_372 : vector<16xi32>
      %add3A_374 = arith.constant 1 : i32
      %add3A_375 = vector.broadcast %add3A_374 : i32 to vector<16xi32>
      %add3A_376 = arith.addi %get3A_370, %add3A_375 : vector<16xi32>
      %select_n3A_377 = arith.select %eq3A_373, %add3A_376, %get3A_370 : vector<16xi1>, vector<16xi32>
      %swap3A_378 = arith.index_cast %sub3A : i32 to index
      %swap3A_379 = tpu.vector_load %arg10[%swap3A_378] {strides = array<i32>} : memref<288xi32, #tpu.memory_space<vmem>>, vector<16xi32>,
      tpu.vector_store %arg10[%swap3A_378], %select_n3A_377 {strides = array<i32>} : memref<288xi32, #tpu.memory_space<vmem>>, vector<16xi32>,
      %while3A_380 = arith.constant 0 : i32
      scf.yield %while3A_380 : i32
    }
    %while3A_58 = arith.constant 1 : i32
    %while3A_59 = scf.for %while3A_346 = %while3A_55 to %while3A_51 step %while3A_58 iter_args(%while3A_347 = %while3A_57) -> (i32)  : i32 {
      %get3A_348 = arith.index_cast %while3A_346 : i32 to index
      %get3A_349 = tpu.vector_load %arg6[%get3A_348] {strides = array<i32>} : memref<16400xi32, #tpu.memory_space<vmem>>, vector<16xi32>,
      %slice3A_350 = vector.extract_strided_slice %get3A_349 {offsets = [0], sizes = [1], strides = [1]} : vector<16xi32> to vector<1xi32>
      %squeeze3A_351 = vector.extract %slice3A_350[0] : i32 from vector<1xi32>
      %get3A_352 = arith.index_cast %squeeze3A_351 : i32 to index
      %get3A_353 = tpu.vector_load %arg5[%get3A_352] {strides = array<i32>} : memref<16400xi32, #tpu.memory_space<vmem>>, vector<16xi32>,
      %slice3A_354 = vector.extract_strided_slice %get3A_353 {offsets = [0], sizes = [1], strides = [1]} : vector<16xi32> to vector<1xi32>
      %squeeze3A_355 = vector.extract %slice3A_354[0] : i32 from vector<1xi32>
      %shift_right_logical3A = arith.constant 7 : i32
      %shift_right_logical3A_356 = arith.shrui %squeeze3A_355, %shift_right_logical3A : i32
      %sub3A = arith.subi %shift_right_logical3A_356, %add3A_4 : i32
      %get3A_357 = arith.index_cast %sub3A : i32 to index
      %get3A_358 = tpu.vector_load %arg10[%get3A_357] {strides = array<i32>} : memref<288xi32, #tpu.memory_space<vmem>>, vector<16xi32>,
      %slice3A_359 = vector.extract_strided_slice %get3A_358 {offsets = [0], sizes = [1], strides = [1]} : vector<16xi32> to vector<1xi32>
      %squeeze3A_360 = vector.extract %slice3A_359[0] : i32 from vector<1xi32>
      %get3A_361 = arith.index_cast %squeeze3A_360 : i32 to index
      %get3A_362 = tpu.vector_load %arg7[%get3A_361] {strides = array<i32>} : memref<16400xi32, #tpu.memory_space<vmem>>, vector<16xi32>,
      %eq3A = arith.constant 0 : i32
      %eq3A_363 = vector.broadcast %eq3A : i32 to vector<16xi32>
      %eq3A_364 = arith.cmpi eq, %iota3A, %eq3A_363 : vector<16xi32>
      %broadcast_in_dim3A_365 = vector.broadcast %squeeze3A_351 : i32 to vector<16xi32>
      %select_n3A_366 = arith.select %eq3A_364, %broadcast_in_dim3A_365, %get3A_362 : vector<16xi1>, vector<16xi32>
      %swap3A_367 = arith.index_cast %squeeze3A_360 : i32 to index
      %swap3A_368 = tpu.vector_load %arg7[%swap3A_367] {strides = array<i32>} : memref<16400xi32, #tpu.memory_space<vmem>>, vector<16xi32>,
      tpu.vector_store %arg7[%swap3A_367], %select_n3A_366 {strides = array<i32>} : memref<16400xi32, #tpu.memory_space<vmem>>, vector<16xi32>,
      %get3A_369 = arith.index_cast %sub3A : i32 to index
      %get3A_370 = tpu.vector_load %arg10[%get3A_369] {strides = array<i32>} : memref<288xi32, #tpu.memory_space<vmem>>, vector<16xi32>,
      %eq3A_371 = arith.constant 0 : i32
      %eq3A_372 = vector.broadcast %eq3A_371 : i32 to vector<16xi32>
      %eq3A_373 = arith.cmpi eq, %iota3A, %eq3A_372 : vector<16xi32>
      %add3A_374 = arith.constant 1 : i32
      %add3A_375 = vector.broadcast %add3A_374 : i32 to vector<16xi32>
      %add3A_376 = arith.addi %get3A_370, %add3A_375 : vector<16xi32>
      %select_n3A_377 = arith.select %eq3A_373, %add3A_376, %get3A_370 : vector<16xi1>, vector<16xi32>
      %swap3A_378 = arith.index_cast %sub3A : i32 to index
      %swap3A_379 = tpu.vector_load %arg10[%swap3A_378] {strides = array<i32>} : memref<288xi32, #tpu.memory_space<vmem>>, vector<16xi32>,
      tpu.vector_store %arg10[%swap3A_378], %select_n3A_377 {strides = array<i32>} : memref<288xi32, #tpu.memory_space<vmem>>, vector<16xi32>,
      %while3A_380 = arith.constant 0 : i32
      scf.yield %while3A_380 : i32
    }
    %scan3A_60 = arith.constant 0 : i32
    %scan3A_61 = arith.constant 0 : i32
    %scan3A_62 = arith.constant 18 : i32
    %scan3A_63 = arith.addi %scan3A_61, %scan3A_62 : i32
    %scan3A_64 = arith.constant 1 : i32
    %scan3A_65 = scf.for %scan3A_346 = %scan3A_61 to %scan3A_63 step %scan3A_64 iter_args(%scan3A_347 = %scan3A_60) -> (i32)  : i32 {
      %mul3A_348 = arith.constant 16 : i32
      %mul3A_349 = arith.muli %scan3A_346, %mul3A_348 : i32
      %swap3A_350 = arith.index_cast %mul3A_349 : i32 to index
      %swap3A_351 = tpu.vector_load %arg11[%swap3A_350] {strides = array<i32>} : memref<288xi32, #tpu.memory_space<vmem>>, vector<16xi32>,
      tpu.vector_store %arg11[%swap3A_350], %broadcast_in_dim3A_7 {strides = array<i32>} : memref<288xi32, #tpu.memory_space<vmem>>, vector<16xi32>,
      %scan3A_352 = arith.constant 0 : i32
      scf.yield %scan3A_352 : i32
    }
    %scan3A_66 = arith.constant 18 : i32
    %swap3A_67 = arith.constant 0 : i32
    %swap3A_68 = arith.constant 2 : i32
    %swap3A_69 = arith.index_cast %swap3A_68 : i32 to index
    %swap3A_70 = memref.load %arg15[%swap3A_69] : memref<8xi32, #tpu.memory_space<smem>>
    memref.store %swap3A_67, %arg15[%swap3A_69] : memref<8xi32, #tpu.memory_space<smem>>
    %scan3A_71 = arith.constant 0 : i32
    %scan3A_72 = arith.constant 0 : i32
    %scan3A_73 = arith.constant 16 : i32
    %scan3A_74 = arith.addi %scan3A_72, %scan3A_73 : i32
    %scan3A_75 = arith.constant 1 : i32
    %scan3A_76 = scf.for %scan3A_346 = %scan3A_72 to %scan3A_74 step %scan3A_75 iter_args(%scan3A_347 = %scan3A_71) -> (i32)  : i32 {
      %mul3A_348 = arith.constant 16 : i32
      %mul3A_349 = arith.muli %scan3A_346, %mul3A_348 : i32
      %add3A_350 = vector.broadcast %mul3A_349 : i32 to vector<16xi32>
      %add3A_351 = arith.addi %iota3A, %add3A_350 : vector<16xi32>
      %mul3A_352 = arith.constant 16 : i32
      %mul3A_353 = arith.muli %scan3A_346, %mul3A_352 : i32
      %get3A_354 = arith.index_cast %mul3A_353 : i32 to index
      %get3A_355 = tpu.vector_load %arg8[%get3A_354] {strides = array<i32>} : memref<288xi32, #tpu.memory_space<vmem>>, vector<16xi32>,
      %gt3A = arith.constant 0 : i32
      %gt3A_356 = vector.broadcast %gt3A : i32 to vector<16xi32>
      %gt3A_357 = arith.cmpi sgt, %get3A_355, %gt3A_356 : vector<16xi32>
      %lt3A_358 = vector.broadcast %select_n3A : i32 to vector<16xi32>
      %lt3A_359 = arith.cmpi slt, %add3A_351, %lt3A_358 : vector<16xi32>
      %and3A = arith.andi %gt3A_357, %lt3A_359 : vector<16xi1>
      %get3A_360 = arith.constant 2 : i32
      %get3A_361 = arith.index_cast %get3A_360 : i32 to index
      %get3A_362 = memref.load %arg15[%get3A_361] : memref<8xi32, #tpu.memory_space<smem>>
      %jit3A_363 = arith.constant 1 : i32
      %jit3A_364 = arith.constant 0 : i32
      %broadcast_in_dim3A_365 = vector.broadcast %jit3A_363 : i32 to vector<16xi32>
      %broadcast_in_dim3A_366 = vector.broadcast %jit3A_364 : i32 to vector<16xi32>
      %select_n3A_367 = arith.select %and3A, %broadcast_in_dim3A_365, %broadcast_in_dim3A_366 : vector<16xi1>, vector<16xi32>
      %broadcast_in_dim3A_368 = arith.constant true
      %broadcast_in_dim3A_369 = vector.broadcast %broadcast_in_dim3A_368 : i1 to vector<16xi1>
      %masked_cumsum3A = tpu.scan <sum>, %select_n3A_367 masked %broadcast_in_dim3A_369 : vector<16xi32>, vector<16xi1> -> vector<16xi32>
      %sub3A = arith.constant 1 : i32
      %sub3A_370 = vector.broadcast %sub3A : i32 to vector<16xi32>
      %sub3A_371 = arith.subi %masked_cumsum3A, %sub3A_370 : vector<16xi32>
      %add3A_372 = vector.broadcast %get3A_362 : i32 to vector<16xi32>
      %add3A_373 = arith.addi %sub3A_371, %add3A_372 : vector<16xi32>
      tpu.vector_store_idx %arg11[%add3A_373], %add3A_351 masked %and3A : memref<288xi32, #tpu.memory_space<vmem>>[vector<16xi32>], vector<16xi32>, vector<16xi1>
      %all_reduce_population_count3A = tpu.all_reduce %and3A {dim = 0 : i64, kind = #tpu.reduction_kind<sum>} : vector<16xi1> -> vector<16xi32>
      %slice3A_374 = vector.extract_strided_slice %all_reduce_population_count3A {offsets = [0], sizes = [1], strides = [1]} : vector<16xi32> to vector<1xi32>
      %squeeze3A_375 = vector.extract %slice3A_374[0] : i32 from vector<1xi32>
      %add3A_376 = arith.addi %get3A_362, %squeeze3A_375 : i32
      %swap3A_377 = arith.constant 2 : i32
      %swap3A_378 = arith.index_cast %swap3A_377 : i32 to index
      %swap3A_379 = memref.load %arg15[%swap3A_378] : memref<8xi32, #tpu.memory_space<smem>>
      memref.store %add3A_376, %arg15[%swap3A_378] : memref<8xi32, #tpu.memory_space<smem>>
      %scan3A_380 = arith.constant 0 : i32
      scf.yield %scan3A_380 : i32
    }
    %scan3A_77 = arith.constant 16 : i32
    %get3A_78 = arith.constant 2 : i32
    %get3A_79 = arith.index_cast %get3A_78 : i32 to index
    %get3A_80 = memref.load %arg15[%get3A_79] : memref<8xi32, #tpu.memory_space<smem>>
    %swap3A_81 = arith.constant 0 : i32
    %swap3A_82 = arith.constant 3 : i32
    %swap3A_83 = arith.index_cast %swap3A_82 : i32 to index
    %swap3A_84 = memref.load %arg15[%swap3A_83] : memref<8xi32, #tpu.memory_space<smem>>
    memref.store %swap3A_81, %arg15[%swap3A_83] : memref<8xi32, #tpu.memory_space<smem>>
    %min3A_85 = arith.constant 0 : i32
    %min3A_86 = arith.constant 271 : i32
    %min3A_87 = arith.minsi %min3A_85, %min3A_86 : i32
    %get3A_88 = arith.index_cast %min3A_87 : i32 to index
    %get3A_89 = tpu.vector_load %arg11[%get3A_88] {strides = array<i32>} : memref<288xi32, #tpu.memory_space<vmem>>, vector<16xi32>,
    %slice3A = vector.extract_strided_slice %get3A_89 {offsets = [0], sizes = [1], strides = [1]} : vector<16xi32> to vector<1xi32>
    %squeeze3A = vector.extract %slice3A[0] : i32 from vector<1xi32>
    %add3A_90 = arith.addi %add3A_4, %squeeze3A : i32
    %mul3A_91 = arith.constant 128 : i32
    %mul3A_92 = arith.muli %add3A_90, %mul3A_91 : i32
    %dma_start3A = arith.constant 0 : i32
    %dma_start3A_93 = arith.constant 0 : i32
    %dma_start3A_94 = arith.constant 0 : i32
    %dma_start3A_95 = tpu.memref_slice %arg12[%dma_start3A, %dma_start3A_93, %dma_start3A_94] : memref<6x64x128xf32, #tpu.memory_space<vmem>> -> memref<1x64x128xf32, #tpu.memory_space<vmem>>
    %dma_start3A_96 = tpu.memref_squeeze %dma_start3A_95 : memref<1x64x128xf32, #tpu.memory_space<vmem>> -> memref<64x128xf32, #tpu.memory_space<vmem>>
    %dma_start3A_97 = arith.constant 0 : i32
    %dma_start3A_98 = tpu.memref_slice %arg2[%dma_start3A_97, %mul3A_92] : memref<64x1000000xf32, #tpu.memory_space<hbm>> -> memref<64x128xf32, #tpu.memory_space<hbm>>
    %dma_start3A_99 = arith.constant 0 : i32
    %dma_start3A_100 = arith.constant 0 : i32
    %dma_start3A_101 = tpu.memref_slice %arg12[%dma_start3A, %dma_start3A_99, %dma_start3A_100] : memref<6x64x128xf32, #tpu.memory_space<vmem>> -> memref<1x64x128xf32, #tpu.memory_space<vmem>>
    %dma_start3A_102 = tpu.memref_squeeze %dma_start3A_101 : memref<1x64x128xf32, #tpu.memory_space<vmem>> -> memref<64x128xf32, #tpu.memory_space<vmem>>
    %dma_start3A_103 = arith.constant 0 : i32
    %dma_start3A_104 = tpu.memref_slice %arg2[%dma_start3A_103, %mul3A_92] : memref<64x1000000xf32, #tpu.memory_space<hbm>> -> memref<64x128xf32, #tpu.memory_space<hbm>>
    tpu.enqueue_dma source(%dma_start3A_104 : memref<64x128xf32, #tpu.memory_space<hbm>>) target(%dma_start3A_102 : memref<64x128xf32, #tpu.memory_space<vmem>>) target_semaphore(%arg16 : memref<!tpu.dma_semaphore, #tpu.memory_space<semaphore_mem>>)
    %min3A_105 = arith.constant 1 : i32
    %min3A_106 = arith.constant 271 : i32
    %min3A_107 = arith.minsi %min3A_105, %min3A_106 : i32
    %get3A_108 = arith.index_cast %min3A_107 : i32 to index
    %get3A_109 = tpu.vector_load %arg11[%get3A_108] {strides = array<i32>} : memref<288xi32, #tpu.memory_space<vmem>>, vector<16xi32>,
    %slice3A_110 = vector.extract_strided_slice %get3A_109 {offsets = [0], sizes = [1], strides = [1]} : vector<16xi32> to vector<1xi32>
    %squeeze3A_111 = vector.extract %slice3A_110[0] : i32 from vector<1xi32>
    %add3A_112 = arith.addi %add3A_4, %squeeze3A_111 : i32
    %mul3A_113 = arith.constant 128 : i32
    %mul3A_114 = arith.muli %add3A_112, %mul3A_113 : i32
    %dma_start3A_115 = arith.constant 1 : i32
    %dma_start3A_116 = arith.constant 0 : i32
    %dma_start3A_117 = arith.constant 0 : i32
    %dma_start3A_118 = tpu.memref_slice %arg12[%dma_start3A_115, %dma_start3A_116, %dma_start3A_117] : memref<6x64x128xf32, #tpu.memory_space<vmem>> -> memref<1x64x128xf32, #tpu.memory_space<vmem>>
    %dma_start3A_119 = tpu.memref_squeeze %dma_start3A_118 : memref<1x64x128xf32, #tpu.memory_space<vmem>> -> memref<64x128xf32, #tpu.memory_space<vmem>>
    %dma_start3A_120 = arith.constant 0 : i32
    %dma_start3A_121 = tpu.memref_slice %arg2[%dma_start3A_120, %mul3A_114] : memref<64x1000000xf32, #tpu.memory_space<hbm>> -> memref<64x128xf32, #tpu.memory_space<hbm>>
    %dma_start3A_122 = arith.constant 0 : i32
    %dma_start3A_123 = arith.constant 0 : i32
    %dma_start3A_124 = tpu.memref_slice %arg12[%dma_start3A_115, %dma_start3A_122, %dma_start3A_123] : memref<6x64x128xf32, #tpu.memory_space<vmem>> -> memref<1x64x128xf32, #tpu.memory_space<vmem>>
    %dma_start3A_125 = tpu.memref_squeeze %dma_start3A_124 : memref<1x64x128xf32, #tpu.memory_space<vmem>> -> memref<64x128xf32, #tpu.memory_space<vmem>>
    %dma_start3A_126 = arith.constant 0 : i32
    %dma_start3A_127 = tpu.memref_slice %arg2[%dma_start3A_126, %mul3A_114] : memref<64x1000000xf32, #tpu.memory_space<hbm>> -> memref<64x128xf32, #tpu.memory_space<hbm>>
    tpu.enqueue_dma source(%dma_start3A_127 : memref<64x128xf32, #tpu.memory_space<hbm>>) target(%dma_start3A_125 : memref<64x128xf32, #tpu.memory_space<vmem>>) target_semaphore(%arg17 : memref<!tpu.dma_semaphore, #tpu.memory_space<semaphore_mem>>)
    %min3A_128 = arith.constant 2 : i32
    %min3A_129 = arith.constant 271 : i32
    %min3A_130 = arith.minsi %min3A_128, %min3A_129 : i32
    %get3A_131 = arith.index_cast %min3A_130 : i32 to index
    %get3A_132 = tpu.vector_load %arg11[%get3A_131] {strides = array<i32>} : memref<288xi32, #tpu.memory_space<vmem>>, vector<16xi32>,
    %slice3A_133 = vector.extract_strided_slice %get3A_132 {offsets = [0], sizes = [1], strides = [1]} : vector<16xi32> to vector<1xi32>
    %squeeze3A_134 = vector.extract %slice3A_133[0] : i32 from vector<1xi32>
    %add3A_135 = arith.addi %add3A_4, %squeeze3A_134 : i32
    %mul3A_136 = arith.constant 128 : i32
    %mul3A_137 = arith.muli %add3A_135, %mul3A_136 : i32
    %dma_start3A_138 = arith.constant 2 : i32
    %dma_start3A_139 = arith.constant 0 : i32
    %dma_start3A_140 = arith.constant 0 : i32
    %dma_start3A_141 = tpu.memref_slice %arg12[%dma_start3A_138, %dma_start3A_139, %dma_start3A_140] : memref<6x64x128xf32, #tpu.memory_space<vmem>> -> memref<1x64x128xf32, #tpu.memory_space<vmem>>
    %dma_start3A_142 = tpu.memref_squeeze %dma_start3A_141 : memref<1x64x128xf32, #tpu.memory_space<vmem>> -> memref<64x128xf32, #tpu.memory_space<vmem>>
    %dma_start3A_143 = arith.constant 0 : i32
    %dma_start3A_144 = tpu.memref_slice %arg2[%dma_start3A_143, %mul3A_137] : memref<64x1000000xf32, #tpu.memory_space<hbm>> -> memref<64x128xf32, #tpu.memory_space<hbm>>
    %dma_start3A_145 = arith.constant 0 : i32
    %dma_start3A_146 = arith.constant 0 : i32
    %dma_start3A_147 = tpu.memref_slice %arg12[%dma_start3A_138, %dma_start3A_145, %dma_start3A_146] : memref<6x64x128xf32, #tpu.memory_space<vmem>> -> memref<1x64x128xf32, #tpu.memory_space<vmem>>
    %dma_start3A_148 = tpu.memref_squeeze %dma_start3A_147 : memref<1x64x128xf32, #tpu.memory_space<vmem>> -> memref<64x128xf32, #tpu.memory_space<vmem>>
    %dma_start3A_149 = arith.constant 0 : i32
    %dma_start3A_150 = tpu.memref_slice %arg2[%dma_start3A_149, %mul3A_137] : memref<64x1000000xf32, #tpu.memory_space<hbm>> -> memref<64x128xf32, #tpu.memory_space<hbm>>
    tpu.enqueue_dma source(%dma_start3A_150 : memref<64x128xf32, #tpu.memory_space<hbm>>) target(%dma_start3A_148 : memref<64x128xf32, #tpu.memory_space<vmem>>) target_semaphore(%arg18 : memref<!tpu.dma_semaphore, #tpu.memory_space<semaphore_mem>>)
    %min3A_151 = arith.constant 3 : i32
    %min3A_152 = arith.constant 271 : i32
    %min3A_153 = arith.minsi %min3A_151, %min3A_152 : i32
    %get3A_154 = arith.index_cast %min3A_153 : i32 to index
    %get3A_155 = tpu.vector_load %arg11[%get3A_154] {strides = array<i32>} : memref<288xi32, #tpu.memory_space<vmem>>, vector<16xi32>,
    %slice3A_156 = vector.extract_strided_slice %get3A_155 {offsets = [0], sizes = [1], strides = [1]} : vector<16xi32> to vector<1xi32>
    %squeeze3A_157 = vector.extract %slice3A_156[0] : i32 from vector<1xi32>
    %add3A_158 = arith.addi %add3A_4, %squeeze3A_157 : i32
    %mul3A_159 = arith.constant 128 : i32
    %mul3A_160 = arith.muli %add3A_158, %mul3A_159 : i32
    %dma_start3A_161 = arith.constant 3 : i32
    %dma_start3A_162 = arith.constant 0 : i32
    %dma_start3A_163 = arith.constant 0 : i32
    %dma_start3A_164 = tpu.memref_slice %arg12[%dma_start3A_161, %dma_start3A_162, %dma_start3A_163] : memref<6x64x128xf32, #tpu.memory_space<vmem>> -> memref<1x64x128xf32, #tpu.memory_space<vmem>>
    %dma_start3A_165 = tpu.memref_squeeze %dma_start3A_164 : memref<1x64x128xf32, #tpu.memory_space<vmem>> -> memref<64x128xf32, #tpu.memory_space<vmem>>
    %dma_start3A_166 = arith.constant 0 : i32
    %dma_start3A_167 = tpu.memref_slice %arg2[%dma_start3A_166, %mul3A_160] : memref<64x1000000xf32, #tpu.memory_space<hbm>> -> memref<64x128xf32, #tpu.memory_space<hbm>>
    %dma_start3A_168 = arith.constant 0 : i32
    %dma_start3A_169 = arith.constant 0 : i32
    %dma_start3A_170 = tpu.memref_slice %arg12[%dma_start3A_161, %dma_start3A_168, %dma_start3A_169] : memref<6x64x128xf32, #tpu.memory_space<vmem>> -> memref<1x64x128xf32, #tpu.memory_space<vmem>>
    %dma_start3A_171 = tpu.memref_squeeze %dma_start3A_170 : memref<1x64x128xf32, #tpu.memory_space<vmem>> -> memref<64x128xf32, #tpu.memory_space<vmem>>
    %dma_start3A_172 = arith.constant 0 : i32
    %dma_start3A_173 = tpu.memref_slice %arg2[%dma_start3A_172, %mul3A_160] : memref<64x1000000xf32, #tpu.memory_space<hbm>> -> memref<64x128xf32, #tpu.memory_space<hbm>>
    tpu.enqueue_dma source(%dma_start3A_173 : memref<64x128xf32, #tpu.memory_space<hbm>>) target(%dma_start3A_171 : memref<64x128xf32, #tpu.memory_space<vmem>>) target_semaphore(%arg19 : memref<!tpu.dma_semaphore, #tpu.memory_space<semaphore_mem>>)
    %min3A_174 = arith.constant 4 : i32
    %min3A_175 = arith.constant 271 : i32
    %min3A_176 = arith.minsi %min3A_174, %min3A_175 : i32
    %get3A_177 = arith.index_cast %min3A_176 : i32 to index
    %get3A_178 = tpu.vector_load %arg11[%get3A_177] {strides = array<i32>} : memref<288xi32, #tpu.memory_space<vmem>>, vector<16xi32>,
    %slice3A_179 = vector.extract_strided_slice %get3A_178 {offsets = [0], sizes = [1], strides = [1]} : vector<16xi32> to vector<1xi32>
    %squeeze3A_180 = vector.extract %slice3A_179[0] : i32 from vector<1xi32>
    %add3A_181 = arith.addi %add3A_4, %squeeze3A_180 : i32
    %mul3A_182 = arith.constant 128 : i32
    %mul3A_183 = arith.muli %add3A_181, %mul3A_182 : i32
    %dma_start3A_184 = arith.constant 4 : i32
    %dma_start3A_185 = arith.constant 0 : i32
    %dma_start3A_186 = arith.constant 0 : i32
    %dma_start3A_187 = tpu.memref_slice %arg12[%dma_start3A_184, %dma_start3A_185, %dma_start3A_186] : memref<6x64x128xf32, #tpu.memory_space<vmem>> -> memref<1x64x128xf32, #tpu.memory_space<vmem>>
    %dma_start3A_188 = tpu.memref_squeeze %dma_start3A_187 : memref<1x64x128xf32, #tpu.memory_space<vmem>> -> memref<64x128xf32, #tpu.memory_space<vmem>>
    %dma_start3A_189 = arith.constant 0 : i32
    %dma_start3A_190 = tpu.memref_slice %arg2[%dma_start3A_189, %mul3A_183] : memref<64x1000000xf32, #tpu.memory_space<hbm>> -> memref<64x128xf32, #tpu.memory_space<hbm>>
    %dma_start3A_191 = arith.constant 0 : i32
    %dma_start3A_192 = arith.constant 0 : i32
    %dma_start3A_193 = tpu.memref_slice %arg12[%dma_start3A_184, %dma_start3A_191, %dma_start3A_192] : memref<6x64x128xf32, #tpu.memory_space<vmem>> -> memref<1x64x128xf32, #tpu.memory_space<vmem>>
    %dma_start3A_194 = tpu.memref_squeeze %dma_start3A_193 : memref<1x64x128xf32, #tpu.memory_space<vmem>> -> memref<64x128xf32, #tpu.memory_space<vmem>>
    %dma_start3A_195 = arith.constant 0 : i32
    %dma_start3A_196 = tpu.memref_slice %arg2[%dma_start3A_195, %mul3A_183] : memref<64x1000000xf32, #tpu.memory_space<hbm>> -> memref<64x128xf32, #tpu.memory_space<hbm>>
    tpu.enqueue_dma source(%dma_start3A_196 : memref<64x128xf32, #tpu.memory_space<hbm>>) target(%dma_start3A_194 : memref<64x128xf32, #tpu.memory_space<vmem>>) target_semaphore(%arg20 : memref<!tpu.dma_semaphore, #tpu.memory_space<semaphore_mem>>)
    %min3A_197 = arith.constant 5 : i32
    %min3A_198 = arith.constant 271 : i32
    %min3A_199 = arith.minsi %min3A_197, %min3A_198 : i32
    %get3A_200 = arith.index_cast %min3A_199 : i32 to index
    %get3A_201 = tpu.vector_load %arg11[%get3A_200] {strides = array<i32>} : memref<288xi32, #tpu.memory_space<vmem>>, vector<16xi32>,
    %slice3A_202 = vector.extract_strided_slice %get3A_201 {offsets = [0], sizes = [1], strides = [1]} : vector<16xi32> to vector<1xi32>
    %squeeze3A_203 = vector.extract %slice3A_202[0] : i32 from vector<1xi32>
    %add3A_204 = arith.addi %add3A_4, %squeeze3A_203 : i32
    %mul3A_205 = arith.constant 128 : i32
    %mul3A_206 = arith.muli %add3A_204, %mul3A_205 : i32
    %dma_start3A_207 = arith.constant 5 : i32
    %dma_start3A_208 = arith.constant 0 : i32
    %dma_start3A_209 = arith.constant 0 : i32
    %dma_start3A_210 = tpu.memref_slice %arg12[%dma_start3A_207, %dma_start3A_208, %dma_start3A_209] : memref<6x64x128xf32, #tpu.memory_space<vmem>> -> memref<1x64x128xf32, #tpu.memory_space<vmem>>
    %dma_start3A_211 = tpu.memref_squeeze %dma_start3A_210 : memref<1x64x128xf32, #tpu.memory_space<vmem>> -> memref<64x128xf32, #tpu.memory_space<vmem>>
    %dma_start3A_212 = arith.constant 0 : i32
    %dma_start3A_213 = tpu.memref_slice %arg2[%dma_start3A_212, %mul3A_206] : memref<64x1000000xf32, #tpu.memory_space<hbm>> -> memref<64x128xf32, #tpu.memory_space<hbm>>
    %dma_start3A_214 = arith.constant 0 : i32
    %dma_start3A_215 = arith.constant 0 : i32
    %dma_start3A_216 = tpu.memref_slice %arg12[%dma_start3A_207, %dma_start3A_214, %dma_start3A_215] : memref<6x64x128xf32, #tpu.memory_space<vmem>> -> memref<1x64x128xf32, #tpu.memory_space<vmem>>
    %dma_start3A_217 = tpu.memref_squeeze %dma_start3A_216 : memref<1x64x128xf32, #tpu.memory_space<vmem>> -> memref<64x128xf32, #tpu.memory_space<vmem>>
    %dma_start3A_218 = arith.constant 0 : i32
    %dma_start3A_219 = tpu.memref_slice %arg2[%dma_start3A_218, %mul3A_206] : memref<64x1000000xf32, #tpu.memory_space<hbm>> -> memref<64x128xf32, #tpu.memory_space<hbm>>
    tpu.enqueue_dma source(%dma_start3A_219 : memref<64x128xf32, #tpu.memory_space<hbm>>) target(%dma_start3A_217 : memref<64x128xf32, #tpu.memory_space<vmem>>) target_semaphore(%arg21 : memref<!tpu.dma_semaphore, #tpu.memory_space<semaphore_mem>>)
    %div3A = arith.constant 6 : i32
    %div3A_220 = arith.divsi %get3A_80, %div3A : i32
    %add3A_221 = arith.constant 1 : i32
    %add3A_222 = arith.addi %div3A_220, %add3A_221 : i32
    %while3A_223 = arith.constant 0 : i32
    %while3A_224 = arith.constant 0 : i32
    %while3A_225 = arith.subi %add3A_222, %while3A_223 : i32
    %while3A_226 = arith.addi %while3A_223, %while3A_225 : i32
    %while3A_227 = arith.constant 1 : i32
    %while3A_228 = arith.divsi %while3A_225, %while3A_227 : i32
    %while3A_229 = arith.muli %while3A_228, %while3A_227 : i32
    %while3A_230 = arith.addi %while3A_223, %while3A_229 : i32
    %while3A_231 = arith.constant 1 : i32
    %while3A_232 = scf.for %while3A_346 = %while3A_223 to %while3A_230 step %while3A_231 iter_args(%while3A_347 = %while3A_224) -> (i32)  : i32 {
      %mul3A_348 = arith.constant 6 : i32
      %mul3A_349 = arith.muli %while3A_346, %mul3A_348 : i32
      %add3A_350 = arith.constant 0 : i32
      %add3A_351 = arith.addi %mul3A_349, %add3A_350 : i32
      %dma_wait3A_352 = arith.constant 0 : i32
      %dma_wait3A_353 = arith.constant 0 : i32
      %dma_wait3A_354 = arith.constant 0 : i32
      %dma_wait3A_355 = tpu.memref_slice %arg12[%dma_wait3A_352, %dma_wait3A_353, %dma_wait3A_354] : memref<6x64x128xf32, #tpu.memory_space<vmem>> -> memref<1x64x128xf32, #tpu.memory_space<vmem>>
      %dma_wait3A_356 = tpu.memref_squeeze %dma_wait3A_355 : memref<1x64x128xf32, #tpu.memory_space<vmem>> -> memref<64x128xf32, #tpu.memory_space<vmem>>
      %dma_wait3A_357 = arith.constant 0 : i32
      %dma_wait3A_358 = arith.constant 0 : i32
      %dma_wait3A_359 = tpu.memref_slice %arg2[%dma_wait3A_357, %dma_wait3A_358] : memref<64x1000000xf32, #tpu.memory_space<hbm>> -> memref<64x128xf32, #tpu.memory_space<hbm>>
      %dma_wait3A_360 = arith.constant 0 : i32
      %dma_wait3A_361 = arith.constant 0 : i32
      %dma_wait3A_362 = tpu.memref_slice %arg12[%dma_wait3A_352, %dma_wait3A_360, %dma_wait3A_361] : memref<6x64x128xf32, #tpu.memory_space<vmem>> -> memref<1x64x128xf32, #tpu.memory_space<vmem>>
      %dma_wait3A_363 = tpu.memref_squeeze %dma_wait3A_362 : memref<1x64x128xf32, #tpu.memory_space<vmem>> -> memref<64x128xf32, #tpu.memory_space<vmem>>
      %dma_wait3A_364 = arith.constant 0 : i32
      %dma_wait3A_365 = arith.constant 0 : i32
      %dma_wait3A_366 = tpu.memref_slice %arg2[%dma_wait3A_364, %dma_wait3A_365] : memref<64x1000000xf32, #tpu.memory_space<hbm>> -> memref<64x128xf32, #tpu.memory_space<hbm>>
      tpu.wait_dma2 semaphore(%arg16 : memref<!tpu.dma_semaphore, #tpu.memory_space<semaphore_mem>>) src(%dma_wait3A_366 : memref<64x128xf32, #tpu.memory_space<hbm>>) dst(%dma_wait3A_363 : memref<64x128xf32, #tpu.memory_space<vmem>>)
      %min3A_367 = arith.constant 271 : i32
      %min3A_368 = arith.minsi %add3A_351, %min3A_367 : i32
      %get3A_369 = arith.index_cast %min3A_368 : i32 to index
      %get3A_370 = tpu.vector_load %arg11[%get3A_369] {strides = array<i32>} : memref<288xi32, #tpu.memory_space<vmem>>, vector<16xi32>,
      %slice3A_371 = vector.extract_strided_slice %get3A_370 {offsets = [0], sizes = [1], strides = [1]} : vector<16xi32> to vector<1xi32>
      %squeeze3A_372 = vector.extract %slice3A_371[0] : i32 from vector<1xi32>
      %get3A_373 = arith.index_cast %squeeze3A_372 : i32 to index
      %get3A_374 = tpu.vector_load %arg9[%get3A_373] {strides = array<i32>} : memref<288xi32, #tpu.memory_space<vmem>>, vector<16xi32>,
      %slice3A_375 = vector.extract_strided_slice %get3A_374 {offsets = [0], sizes = [1], strides = [1]} : vector<16xi32> to vector<1xi32>
      %squeeze3A_376 = vector.extract %slice3A_375[0] : i32 from vector<1xi32>
      %get3A_377 = arith.index_cast %squeeze3A_372 : i32 to index
      %get3A_378 = tpu.vector_load %arg8[%get3A_377] {strides = array<i32>} : memref<288xi32, #tpu.memory_space<vmem>>, vector<16xi32>,
      %slice3A_379 = vector.extract_strided_slice %get3A_378 {offsets = [0], sizes = [1], strides = [1]} : vector<16xi32> to vector<1xi32>
      %squeeze3A_380 = vector.extract %slice3A_379[0] : i32 from vector<1xi32>
      %add3A_381 = arith.addi %squeeze3A_376, %squeeze3A_380 : i32
      %while3A_382 = arith.constant 0 : i32
      %while3A_383 = arith.constant 0 : i32
      %while3A_384 = arith.subi %add3A_381, %squeeze3A_376 : i32
      %while3A_385 = arith.addi %squeeze3A_376, %while3A_384 : i32
      %while3A_386 = arith.constant 1 : i32
      %while3A_387 = arith.divsi %while3A_384, %while3A_386 : i32
      %while3A_388 = arith.muli %while3A_387, %while3A_386 : i32
      %while3A_389 = arith.addi %squeeze3A_376, %while3A_388 : i32
      %while3A_390 = arith.constant 1 : i32
      %while3A_391 = scf.for %while3A_769 = %squeeze3A_376 to %while3A_389 step %while3A_390 iter_args(%while3A_770 = %while3A_383) -> (i32)  : i32 {
        %get3A_771 = arith.index_cast %while3A_769 : i32 to index
        %get3A_772 = tpu.vector_load %arg7[%get3A_771] {strides = array<i32>} : memref<16400xi32, #tpu.memory_space<vmem>>, vector<16xi32>,
        %slice3A_773 = vector.extract_strided_slice %get3A_772 {offsets = [0], sizes = [1], strides = [1]} : vector<16xi32> to vector<1xi32>
        %squeeze3A_774 = vector.extract %slice3A_773[0] : i32 from vector<1xi32>
        %get3A_775 = arith.index_cast %squeeze3A_774 : i32 to index
        %get3A_776 = tpu.vector_load %arg5[%get3A_775] {strides = array<i32>} : memref<16400xi32, #tpu.memory_space<vmem>>, vector<16xi32>,
        %slice3A_777 = vector.extract_strided_slice %get3A_776 {offsets = [0], sizes = [1], strides = [1]} : vector<16xi32> to vector<1xi32>
        %squeeze3A_778 = vector.extract %slice3A_777[0] : i32 from vector<1xi32>
        %and3A = arith.constant 127 : i32
        %and3A_779 = arith.andi %squeeze3A_778, %and3A : i32
        %get3A_780 = arith.constant 3 : i32
        %get3A_781 = arith.index_cast %get3A_780 : i32 to index
        %get3A_782 = memref.load %arg15[%get3A_781] : memref<8xi32, #tpu.memory_space<smem>>
        %add3A_783 = arith.constant 0 : i32
        %add3A_784 = vector.broadcast %add3A_783 : i32 to vector<16xi32>
        %add3A_785 = arith.addi %iota3A, %add3A_784 : vector<16xi32>
        %broadcast_in_dim3A_786 = vector.broadcast %and3A_779 : i32 to vector<16xi32>
        %gather3A = arith.constant 0 : i32
        %gather3A_787 = arith.constant 0 : i32
        %gather3A_788 = tpu.memref_slice %arg12[%while3A_382, %gather3A, %gather3A_787] : memref<6x64x128xf32, #tpu.memory_space<vmem>> -> memref<1x64x128xf32, #tpu.memory_space<vmem>>
        %gather3A_789 = tpu.memref_squeeze %gather3A_788 : memref<1x64x128xf32, #tpu.memory_space<vmem>> -> memref<64x128xf32, #tpu.memory_space<vmem>>
        %gather3A_790 = tpu.vector_load_idx %gather3A_789[%add3A_785, %broadcast_in_dim3A_786] : memref<64x128xf32, #tpu.memory_space<vmem>>[vector<16xi32>, vector<16xi32>], vector<16xf32>,
        %swap3A_791 = arith.index_cast %get3A_782 : i32 to index
        %swap3A_792 = arith.constant 0 : index
        %swap3A_793 = tpu.vector_load %arg13[%swap3A_791, %swap3A_792] {strides = array<i32>} : memref<16x128xf32, #tpu.memory_space<vmem>>, vector<16xf32>,
        tpu.vector_store %arg13[%swap3A_791, %swap3A_792], %gather3A_790 {strides = array<i32>} : memref<16x128xf32, #tpu.memory_space<vmem>>, vector<16xf32>,
        %add3A_794 = arith.constant 16 : i32
        %add3A_795 = vector.broadcast %add3A_794 : i32 to vector<16xi32>
        %add3A_796 = arith.addi %iota3A, %add3A_795 : vector<16xi32>
        %broadcast_in_dim3A_797 = vector.broadcast %and3A_779 : i32 to vector<16xi32>
        %gather3A_798 = arith.constant 0 : i32
        %gather3A_799 = arith.constant 0 : i32
        %gather3A_800 = tpu.memref_slice %arg12[%while3A_382, %gather3A_798, %gather3A_799] : memref<6x64x128xf32, #tpu.memory_space<vmem>> -> memref<1x64x128xf32, #tpu.memory_space<vmem>>
        %gather3A_801 = tpu.memref_squeeze %gather3A_800 : memref<1x64x128xf32, #tpu.memory_space<vmem>> -> memref<64x128xf32, #tpu.memory_space<vmem>>
        %gather3A_802 = tpu.vector_load_idx %gather3A_801[%add3A_796, %broadcast_in_dim3A_797] : memref<64x128xf32, #tpu.memory_space<vmem>>[vector<16xi32>, vector<16xi32>], vector<16xf32>,
        %swap3A_803 = arith.index_cast %get3A_782 : i32 to index
        %swap3A_804 = arith.constant 16 : index
        %swap3A_805 = tpu.vector_load %arg13[%swap3A_803, %swap3A_804] {strides = array<i32>} : memref<16x128xf32, #tpu.memory_space<vmem>>, vector<16xf32>,
        tpu.vector_store %arg13[%swap3A_803, %swap3A_804], %gather3A_802 {strides = array<i32>} : memref<16x128xf32, #tpu.memory_space<vmem>>, vector<16xf32>,
        %add3A_806 = arith.constant 32 : i32
        %add3A_807 = vector.broadcast %add3A_806 : i32 to vector<16xi32>
        %add3A_808 = arith.addi %iota3A, %add3A_807 : vector<16xi32>
        %broadcast_in_dim3A_809 = vector.broadcast %and3A_779 : i32 to vector<16xi32>
        %gather3A_810 = arith.constant 0 : i32
        %gather3A_811 = arith.constant 0 : i32
        %gather3A_812 = tpu.memref_slice %arg12[%while3A_382, %gather3A_810, %gather3A_811] : memref<6x64x128xf32, #tpu.memory_space<vmem>> -> memref<1x64x128xf32, #tpu.memory_space<vmem>>
        %gather3A_813 = tpu.memref_squeeze %gather3A_812 : memref<1x64x128xf32, #tpu.memory_space<vmem>> -> memref<64x128xf32, #tpu.memory_space<vmem>>
        %gather3A_814 = tpu.vector_load_idx %gather3A_813[%add3A_808, %broadcast_in_dim3A_809] : memref<64x128xf32, #tpu.memory_space<vmem>>[vector<16xi32>, vector<16xi32>], vector<16xf32>,
        %swap3A_815 = arith.index_cast %get3A_782 : i32 to index
        %swap3A_816 = arith.constant 32 : index
        %swap3A_817 = tpu.vector_load %arg13[%swap3A_815, %swap3A_816] {strides = array<i32>} : memref<16x128xf32, #tpu.memory_space<vmem>>, vector<16xf32>,
        tpu.vector_store %arg13[%swap3A_815, %swap3A_816], %gather3A_814 {strides = array<i32>} : memref<16x128xf32, #tpu.memory_space<vmem>>, vector<16xf32>,
        %add3A_818 = arith.constant 48 : i32
        %add3A_819 = vector.broadcast %add3A_818 : i32 to vector<16xi32>
        %add3A_820 = arith.addi %iota3A, %add3A_819 : vector<16xi32>
        %broadcast_in_dim3A_821 = vector.broadcast %and3A_779 : i32 to vector<16xi32>
        %gather3A_822 = arith.constant 0 : i32
        %gather3A_823 = arith.constant 0 : i32
        %gather3A_824 = tpu.memref_slice %arg12[%while3A_382, %gather3A_822, %gather3A_823] : memref<6x64x128xf32, #tpu.memory_space<vmem>> -> memref<1x64x128xf32, #tpu.memory_space<vmem>>
        %gather3A_825 = tpu.memref_squeeze %gather3A_824 : memref<1x64x128xf32, #tpu.memory_space<vmem>> -> memref<64x128xf32, #tpu.memory_space<vmem>>
        %gather3A_826 = tpu.vector_load_idx %gather3A_825[%add3A_820, %broadcast_in_dim3A_821] : memref<64x128xf32, #tpu.memory_space<vmem>>[vector<16xi32>, vector<16xi32>], vector<16xf32>,
        %swap3A_827 = arith.index_cast %get3A_782 : i32 to index
        %swap3A_828 = arith.constant 48 : index
        %swap3A_829 = tpu.vector_load %arg13[%swap3A_827, %swap3A_828] {strides = array<i32>} : memref<16x128xf32, #tpu.memory_space<vmem>>, vector<16xf32>,
        tpu.vector_store %arg13[%swap3A_827, %swap3A_828], %gather3A_826 {strides = array<i32>} : memref<16x128xf32, #tpu.memory_space<vmem>>, vector<16xf32>,
        %eq3A = vector.broadcast %get3A_782 : i32 to vector<16xi32>
        %eq3A_830 = arith.cmpi eq, %iota3A, %eq3A : vector<16xi32>
        %broadcast_in_dim3A_831 = vector.broadcast %squeeze3A_774 : i32 to vector<16xi32>
        %get3A_832 = arith.constant 0 : index
        %get3A_833 = tpu.vector_load %arg14[%get3A_832] {strides = array<i32>} : memref<16xi32, #tpu.memory_space<vmem>>, vector<16xi32>,
        %select_n3A_834 = arith.select %eq3A_830, %broadcast_in_dim3A_831, %get3A_833 : vector<16xi1>, vector<16xi32>
        %swap3A_835 = arith.constant 0 : index
        %swap3A_836 = tpu.vector_load %arg14[%swap3A_835] {strides = array<i32>} : memref<16xi32, #tpu.memory_space<vmem>>, vector<16xi32>,
        tpu.vector_store %arg14[%swap3A_835], %select_n3A_834 {strides = array<i32>} : memref<16xi32, #tpu.memory_space<vmem>>, vector<16xi32>,
        %add3A_837 = arith.constant 1 : i32
        %add3A_838 = arith.addi %get3A_782, %add3A_837 : i32
        %eq3A_839 = arith.constant 16 : i32
        %eq3A_840 = arith.cmpi eq, %add3A_838, %eq3A_839 : i32
        %convert_element_type3A = arith.extui %eq3A_840 : i1 to i32
        %cond3A = arith.constant 0 : i32
        %cond3A_841 = arith.cmpi ne, %convert_element_type3A, %cond3A : i32
        scf.if %cond3A_841 {
          %dma_start3A_850 = arith.constant 0 : i32
          %dma_start3A_851 = arith.constant 0 : i32
          %dma_start3A_852 = tpu.memref_slice %arg4[%dma_start3A_850, %dma_start3A_851] : memref<16896x128xf32, #tpu.memory_space<hbm>> -> memref<16896x128xf32, #tpu.memory_space<hbm>>
          tpu.enqueue_indirect_dma source(%arg13 : memref<16x128xf32, #tpu.memory_space<vmem>>) target(%dma_start3A_852 : memref<16896x128xf32, #tpu.memory_space<hbm>>) offsets(%arg14 : memref<16xi32, #tpu.memory_space<vmem>>) semaphore(%arg22 : memref<!tpu.dma_semaphore, #tpu.memory_space<semaphore_mem>>)
          %dma_wait3A_853 = arith.constant 0 : i32
          %dma_wait3A_854 = arith.constant 0 : i32
          %dma_wait3A_855 = tpu.memref_slice %arg4[%dma_wait3A_853, %dma_wait3A_854] : memref<16896x128xf32, #tpu.memory_space<hbm>> -> memref<16896x128xf32, #tpu.memory_space<hbm>>
          tpu.wait_indirect_dma semaphore(%arg22 : memref<!tpu.dma_semaphore, #tpu.memory_space<semaphore_mem>>) src(%arg13 : memref<16x128xf32, #tpu.memory_space<vmem>>) dst(%dma_wait3A_855 : memref<16896x128xf32, #tpu.memory_space<hbm>>)
        } else {
        }
        %eq3A_842 = arith.constant 16 : i32
        %eq3A_843 = arith.cmpi eq, %add3A_838, %eq3A_842 : i32
        %jit3A_844 = arith.constant 0 : i32
        %select_n3A_845 = arith.select %eq3A_843, %jit3A_844, %add3A_838 : i32
        %swap3A_846 = arith.constant 3 : i32
        %swap3A_847 = arith.index_cast %swap3A_846 : i32 to index
        %swap3A_848 = memref.load %arg15[%swap3A_847] : memref<8xi32, #tpu.memory_space<smem>>
        memref.store %select_n3A_845, %arg15[%swap3A_847] : memref<8xi32, #tpu.memory_space<smem>>
        %while3A_849 = arith.constant 0 : i32
        scf.yield %while3A_849 : i32
      }
      %while3A_392 = arith.constant 1 : i32
      %while3A_393 = scf.for %while3A_769 = %while3A_389 to %while3A_385 step %while3A_392 iter_args(%while3A_770 = %while3A_391) -> (i32)  : i32 {
        %get3A_771 = arith.index_cast %while3A_769 : i32 to index
        %get3A_772 = tpu.vector_load %arg7[%get3A_771] {strides = array<i32>} : memref<16400xi32, #tpu.memory_space<vmem>>, vector<16xi32>,
        %slice3A_773 = vector.extract_strided_slice %get3A_772 {offsets = [0], sizes = [1], strides = [1]} : vector<16xi32> to vector<1xi32>
        %squeeze3A_774 = vector.extract %slice3A_773[0] : i32 from vector<1xi32>
        %get3A_775 = arith.index_cast %squeeze3A_774 : i32 to index
        %get3A_776 = tpu.vector_load %arg5[%get3A_775] {strides = array<i32>} : memref<16400xi32, #tpu.memory_space<vmem>>, vector<16xi32>,
        %slice3A_777 = vector.extract_strided_slice %get3A_776 {offsets = [0], sizes = [1], strides = [1]} : vector<16xi32> to vector<1xi32>
        %squeeze3A_778 = vector.extract %slice3A_777[0] : i32 from vector<1xi32>
        %and3A = arith.constant 127 : i32
        %and3A_779 = arith.andi %squeeze3A_778, %and3A : i32
        %get3A_780 = arith.constant 3 : i32
        %get3A_781 = arith.index_cast %get3A_780 : i32 to index
        %get3A_782 = memref.load %arg15[%get3A_781] : memref<8xi32, #tpu.memory_space<smem>>
        %add3A_783 = arith.constant 0 : i32
        %add3A_784 = vector.broadcast %add3A_783 : i32 to vector<16xi32>
        %add3A_785 = arith.addi %iota3A, %add3A_784 : vector<16xi32>
        %broadcast_in_dim3A_786 = vector.broadcast %and3A_779 : i32 to vector<16xi32>
        %gather3A = arith.constant 0 : i32
        %gather3A_787 = arith.constant 0 : i32
        %gather3A_788 = tpu.memref_slice %arg12[%while3A_382, %gather3A, %gather3A_787] : memref<6x64x128xf32, #tpu.memory_space<vmem>> -> memref<1x64x128xf32, #tpu.memory_space<vmem>>
        %gather3A_789 = tpu.memref_squeeze %gather3A_788 : memref<1x64x128xf32, #tpu.memory_space<vmem>> -> memref<64x128xf32, #tpu.memory_space<vmem>>
        %gather3A_790 = tpu.vector_load_idx %gather3A_789[%add3A_785, %broadcast_in_dim3A_786] : memref<64x128xf32, #tpu.memory_space<vmem>>[vector<16xi32>, vector<16xi32>], vector<16xf32>,
        %swap3A_791 = arith.index_cast %get3A_782 : i32 to index
        %swap3A_792 = arith.constant 0 : index
        %swap3A_793 = tpu.vector_load %arg13[%swap3A_791, %swap3A_792] {strides = array<i32>} : memref<16x128xf32, #tpu.memory_space<vmem>>, vector<16xf32>,
        tpu.vector_store %arg13[%swap3A_791, %swap3A_792], %gather3A_790 {strides = array<i32>} : memref<16x128xf32, #tpu.memory_space<vmem>>, vector<16xf32>,
        %add3A_794 = arith.constant 16 : i32
        %add3A_795 = vector.broadcast %add3A_794 : i32 to vector<16xi32>
        %add3A_796 = arith.addi %iota3A, %add3A_795 : vector<16xi32>
        %broadcast_in_dim3A_797 = vector.broadcast %and3A_779 : i32 to vector<16xi32>
        %gather3A_798 = arith.constant 0 : i32
        %gather3A_799 = arith.constant 0 : i32
        %gather3A_800 = tpu.memref_slice %arg12[%while3A_382, %gather3A_798, %gather3A_799] : memref<6x64x128xf32, #tpu.memory_space<vmem>> -> memref<1x64x128xf32, #tpu.memory_space<vmem>>
        %gather3A_801 = tpu.memref_squeeze %gather3A_800 : memref<1x64x128xf32, #tpu.memory_space<vmem>> -> memref<64x128xf32, #tpu.memory_space<vmem>>
        %gather3A_802 = tpu.vector_load_idx %gather3A_801[%add3A_796, %broadcast_in_dim3A_797] : memref<64x128xf32, #tpu.memory_space<vmem>>[vector<16xi32>, vector<16xi32>], vector<16xf32>,
        %swap3A_803 = arith.index_cast %get3A_782 : i32 to index
        %swap3A_804 = arith.constant 16 : index
        %swap3A_805 = tpu.vector_load %arg13[%swap3A_803, %swap3A_804] {strides = array<i32>} : memref<16x128xf32, #tpu.memory_space<vmem>>, vector<16xf32>,
        tpu.vector_store %arg13[%swap3A_803, %swap3A_804], %gather3A_802 {strides = array<i32>} : memref<16x128xf32, #tpu.memory_space<vmem>>, vector<16xf32>,
        %add3A_806 = arith.constant 32 : i32
        %add3A_807 = vector.broadcast %add3A_806 : i32 to vector<16xi32>
        %add3A_808 = arith.addi %iota3A, %add3A_807 : vector<16xi32>
        %broadcast_in_dim3A_809 = vector.broadcast %and3A_779 : i32 to vector<16xi32>
        %gather3A_810 = arith.constant 0 : i32
        %gather3A_811 = arith.constant 0 : i32
        %gather3A_812 = tpu.memref_slice %arg12[%while3A_382, %gather3A_810, %gather3A_811] : memref<6x64x128xf32, #tpu.memory_space<vmem>> -> memref<1x64x128xf32, #tpu.memory_space<vmem>>
        %gather3A_813 = tpu.memref_squeeze %gather3A_812 : memref<1x64x128xf32, #tpu.memory_space<vmem>> -> memref<64x128xf32, #tpu.memory_space<vmem>>
        %gather3A_814 = tpu.vector_load_idx %gather3A_813[%add3A_808, %broadcast_in_dim3A_809] : memref<64x128xf32, #tpu.memory_space<vmem>>[vector<16xi32>, vector<16xi32>], vector<16xf32>,
        %swap3A_815 = arith.index_cast %get3A_782 : i32 to index
        %swap3A_816 = arith.constant 32 : index
        %swap3A_817 = tpu.vector_load %arg13[%swap3A_815, %swap3A_816] {strides = array<i32>} : memref<16x128xf32, #tpu.memory_space<vmem>>, vector<16xf32>,
        tpu.vector_store %arg13[%swap3A_815, %swap3A_816], %gather3A_814 {strides = array<i32>} : memref<16x128xf32, #tpu.memory_space<vmem>>, vector<16xf32>,
        %add3A_818 = arith.constant 48 : i32
        %add3A_819 = vector.broadcast %add3A_818 : i32 to vector<16xi32>
        %add3A_820 = arith.addi %iota3A, %add3A_819 : vector<16xi32>
        %broadcast_in_dim3A_821 = vector.broadcast %and3A_779 : i32 to vector<16xi32>
        %gather3A_822 = arith.constant 0 : i32
        %gather3A_823 = arith.constant 0 : i32
        %gather3A_824 = tpu.memref_slice %arg12[%while3A_382, %gather3A_822, %gather3A_823] : memref<6x64x128xf32, #tpu.memory_space<vmem>> -> memref<1x64x128xf32, #tpu.memory_space<vmem>>
        %gather3A_825 = tpu.memref_squeeze %gather3A_824 : memref<1x64x128xf32, #tpu.memory_space<vmem>> -> memref<64x128xf32, #tpu.memory_space<vmem>>
        %gather3A_826 = tpu.vector_load_idx %gather3A_825[%add3A_820, %broadcast_in_dim3A_821] : memref<64x128xf32, #tpu.memory_space<vmem>>[vector<16xi32>, vector<16xi32>], vector<16xf32>,
        %swap3A_827 = arith.index_cast %get3A_782 : i32 to index
        %swap3A_828 = arith.constant 48 : index
        %swap3A_829 = tpu.vector_load %arg13[%swap3A_827, %swap3A_828] {strides = array<i32>} : memref<16x128xf32, #tpu.memory_space<vmem>>, vector<16xf32>,
        tpu.vector_store %arg13[%swap3A_827, %swap3A_828], %gather3A_826 {strides = array<i32>} : memref<16x128xf32, #tpu.memory_space<vmem>>, vector<16xf32>,
        %eq3A = vector.broadcast %get3A_782 : i32 to vector<16xi32>
        %eq3A_830 = arith.cmpi eq, %iota3A, %eq3A : vector<16xi32>
        %broadcast_in_dim3A_831 = vector.broadcast %squeeze3A_774 : i32 to vector<16xi32>
        %get3A_832 = arith.constant 0 : index
        %get3A_833 = tpu.vector_load %arg14[%get3A_832] {strides = array<i32>} : memref<16xi32, #tpu.memory_space<vmem>>, vector<16xi32>,
        %select_n3A_834 = arith.select %eq3A_830, %broadcast_in_dim3A_831, %get3A_833 : vector<16xi1>, vector<16xi32>
        %swap3A_835 = arith.constant 0 : index
        %swap3A_836 = tpu.vector_load %arg14[%swap3A_835] {strides = array<i32>} : memref<16xi32, #tpu.memory_space<vmem>>, vector<16xi32>,
        tpu.vector_store %arg14[%swap3A_835], %select_n3A_834 {strides = array<i32>} : memref<16xi32, #tpu.memory_space<vmem>>, vector<16xi32>,
        %add3A_837 = arith.constant 1 : i32
        %add3A_838 = arith.addi %get3A_782, %add3A_837 : i32
        %eq3A_839 = arith.constant 16 : i32
        %eq3A_840 = arith.cmpi eq, %add3A_838, %eq3A_839 : i32
        %convert_element_type3A = arith.extui %eq3A_840 : i1 to i32
        %cond3A = arith.constant 0 : i32
        %cond3A_841 = arith.cmpi ne, %convert_element_type3A, %cond3A : i32
        scf.if %cond3A_841 {
          %dma_start3A_850 = arith.constant 0 : i32
          %dma_start3A_851 = arith.constant 0 : i32
          %dma_start3A_852 = tpu.memref_slice %arg4[%dma_start3A_850, %dma_start3A_851] : memref<16896x128xf32, #tpu.memory_space<hbm>> -> memref<16896x128xf32, #tpu.memory_space<hbm>>
          tpu.enqueue_indirect_dma source(%arg13 : memref<16x128xf32, #tpu.memory_space<vmem>>) target(%dma_start3A_852 : memref<16896x128xf32, #tpu.memory_space<hbm>>) offsets(%arg14 : memref<16xi32, #tpu.memory_space<vmem>>) semaphore(%arg22 : memref<!tpu.dma_semaphore, #tpu.memory_space<semaphore_mem>>)
          %dma_wait3A_853 = arith.constant 0 : i32
          %dma_wait3A_854 = arith.constant 0 : i32
          %dma_wait3A_855 = tpu.memref_slice %arg4[%dma_wait3A_853, %dma_wait3A_854] : memref<16896x128xf32, #tpu.memory_space<hbm>> -> memref<16896x128xf32, #tpu.memory_space<hbm>>
          tpu.wait_indirect_dma semaphore(%arg22 : memref<!tpu.dma_semaphore, #tpu.memory_space<semaphore_mem>>) src(%arg13 : memref<16x128xf32, #tpu.memory_space<vmem>>) dst(%dma_wait3A_855 : memref<16896x128xf32, #tpu.memory_space<hbm>>)
        } else {
        }
        %eq3A_842 = arith.constant 16 : i32
        %eq3A_843 = arith.cmpi eq, %add3A_838, %eq3A_842 : i32
        %jit3A_844 = arith.constant 0 : i32
        %select_n3A_845 = arith.select %eq3A_843, %jit3A_844, %add3A_838 : i32
        %swap3A_846 = arith.constant 3 : i32
        %swap3A_847 = arith.index_cast %swap3A_846 : i32 to index
        %swap3A_848 = memref.load %arg15[%swap3A_847] : memref<8xi32, #tpu.memory_space<smem>>
        memref.store %select_n3A_845, %arg15[%swap3A_847] : memref<8xi32, #tpu.memory_space<smem>>
        %while3A_849 = arith.constant 0 : i32
        scf.yield %while3A_849 : i32
      }
      %add3A_394 = arith.constant 6 : i32
      %add3A_395 = arith.addi %add3A_351, %add3A_394 : i32
      %min3A_396 = arith.constant 271 : i32
      %min3A_397 = arith.minsi %add3A_395, %min3A_396 : i32
      %get3A_398 = arith.index_cast %min3A_397 : i32 to index
      %get3A_399 = tpu.vector_load %arg11[%get3A_398] {strides = array<i32>} : memref<288xi32, #tpu.memory_space<vmem>>, vector<16xi32>,
      %slice3A_400 = vector.extract_strided_slice %get3A_399 {offsets = [0], sizes = [1], strides = [1]} : vector<16xi32> to vector<1xi32>
      %squeeze3A_401 = vector.extract %slice3A_400[0] : i32 from vector<1xi32>
      %add3A_402 = arith.addi %add3A_4, %squeeze3A_401 : i32
      %mul3A_403 = arith.constant 128 : i32
      %mul3A_404 = arith.muli %add3A_402, %mul3A_403 : i32
      %dma_start3A_405 = arith.constant 0 : i32
      %dma_start3A_406 = arith.constant 0 : i32
      %dma_start3A_407 = arith.constant 0 : i32
      %dma_start3A_408 = tpu.memref_slice %arg12[%dma_start3A_405, %dma_start3A_406, %dma_start3A_407] : memref<6x64x128xf32, #tpu.memory_space<vmem>> -> memref<1x64x128xf32, #tpu.memory_space<vmem>>
      %dma_start3A_409 = tpu.memref_squeeze %dma_start3A_408 : memref<1x64x128xf32, #tpu.memory_space<vmem>> -> memref<64x128xf32, #tpu.memory_space<vmem>>
      %dma_start3A_410 = arith.constant 0 : i32
      %dma_start3A_411 = tpu.memref_slice %arg2[%dma_start3A_410, %mul3A_404] : memref<64x1000000xf32, #tpu.memory_space<hbm>> -> memref<64x128xf32, #tpu.memory_space<hbm>>
      %dma_start3A_412 = arith.constant 0 : i32
      %dma_start3A_413 = arith.constant 0 : i32
      %dma_start3A_414 = tpu.memref_slice %arg12[%dma_start3A_405, %dma_start3A_412, %dma_start3A_413] : memref<6x64x128xf32, #tpu.memory_space<vmem>> -> memref<1x64x128xf32, #tpu.memory_space<vmem>>
      %dma_start3A_415 = tpu.memref_squeeze %dma_start3A_414 : memref<1x64x128xf32, #tpu.memory_space<vmem>> -> memref<64x128xf32, #tpu.memory_space<vmem>>
      %dma_start3A_416 = arith.constant 0 : i32
      %dma_start3A_417 = tpu.memref_slice %arg2[%dma_start3A_416, %mul3A_404] : memref<64x1000000xf32, #tpu.memory_space<hbm>> -> memref<64x128xf32, #tpu.memory_space<hbm>>
      tpu.enqueue_dma source(%dma_start3A_417 : memref<64x128xf32, #tpu.memory_space<hbm>>) target(%dma_start3A_415 : memref<64x128xf32, #tpu.memory_space<vmem>>) target_semaphore(%arg16 : memref<!tpu.dma_semaphore, #tpu.memory_space<semaphore_mem>>)
      %mul3A_418 = arith.constant 6 : i32
      %mul3A_419 = arith.muli %while3A_346, %mul3A_418 : i32
      %add3A_420 = arith.constant 1 : i32
      %add3A_421 = arith.addi %mul3A_419, %add3A_420 : i32
      %dma_wait3A_422 = arith.constant 1 : i32
      %dma_wait3A_423 = arith.constant 0 : i32
      %dma_wait3A_424 = arith.constant 0 : i32
      %dma_wait3A_425 = tpu.memref_slice %arg12[%dma_wait3A_422, %dma_wait3A_423, %dma_wait3A_424] : memref<6x64x128xf32, #tpu.memory_space<vmem>> -> memref<1x64x128xf32, #tpu.memory_space<vmem>>
      %dma_wait3A_426 = tpu.memref_squeeze %dma_wait3A_425 : memref<1x64x128xf32, #tpu.memory_space<vmem>> -> memref<64x128xf32, #tpu.memory_space<vmem>>
      %dma_wait3A_427 = arith.constant 0 : i32
      %dma_wait3A_428 = arith.constant 0 : i32
      %dma_wait3A_429 = tpu.memref_slice %arg2[%dma_wait3A_427, %dma_wait3A_428] : memref<64x1000000xf32, #tpu.memory_space<hbm>> -> memref<64x128xf32, #tpu.memory_space<hbm>>
      %dma_wait3A_430 = arith.constant 0 : i32
      %dma_wait3A_431 = arith.constant 0 : i32
      %dma_wait3A_432 = tpu.memref_slice %arg12[%dma_wait3A_422, %dma_wait3A_430, %dma_wait3A_431] : memref<6x64x128xf32, #tpu.memory_space<vmem>> -> memref<1x64x128xf32, #tpu.memory_space<vmem>>
      %dma_wait3A_433 = tpu.memref_squeeze %dma_wait3A_432 : memref<1x64x128xf32, #tpu.memory_space<vmem>> -> memref<64x128xf32, #tpu.memory_space<vmem>>
      %dma_wait3A_434 = arith.constant 0 : i32
      %dma_wait3A_435 = arith.constant 0 : i32
      %dma_wait3A_436 = tpu.memref_slice %arg2[%dma_wait3A_434, %dma_wait3A_435] : memref<64x1000000xf32, #tpu.memory_space<hbm>> -> memref<64x128xf32, #tpu.memory_space<hbm>>
      tpu.wait_dma2 semaphore(%arg17 : memref<!tpu.dma_semaphore, #tpu.memory_space<semaphore_mem>>) src(%dma_wait3A_436 : memref<64x128xf32, #tpu.memory_space<hbm>>) dst(%dma_wait3A_433 : memref<64x128xf32, #tpu.memory_space<vmem>>)
      %min3A_437 = arith.constant 271 : i32
      %min3A_438 = arith.minsi %add3A_421, %min3A_437 : i32
      %get3A_439 = arith.index_cast %min3A_438 : i32 to index
      %get3A_440 = tpu.vector_load %arg11[%get3A_439] {strides = array<i32>} : memref<288xi32, #tpu.memory_space<vmem>>, vector<16xi32>,
      %slice3A_441 = vector.extract_strided_slice %get3A_440 {offsets = [0], sizes = [1], strides = [1]} : vector<16xi32> to vector<1xi32>
      %squeeze3A_442 = vector.extract %slice3A_441[0] : i32 from vector<1xi32>
      %get3A_443 = arith.index_cast %squeeze3A_442 : i32 to index
      %get3A_444 = tpu.vector_load %arg9[%get3A_443] {strides = array<i32>} : memref<288xi32, #tpu.memory_space<vmem>>, vector<16xi32>,
      %slice3A_445 = vector.extract_strided_slice %get3A_444 {offsets = [0], sizes = [1], strides = [1]} : vector<16xi32> to vector<1xi32>
      %squeeze3A_446 = vector.extract %slice3A_445[0] : i32 from vector<1xi32>
      %get3A_447 = arith.index_cast %squeeze3A_442 : i32 to index
      %get3A_448 = tpu.vector_load %arg8[%get3A_447] {strides = array<i32>} : memref<288xi32, #tpu.memory_space<vmem>>, vector<16xi32>,
      %slice3A_449 = vector.extract_strided_slice %get3A_448 {offsets = [0], sizes = [1], strides = [1]} : vector<16xi32> to vector<1xi32>
      %squeeze3A_450 = vector.extract %slice3A_449[0] : i32 from vector<1xi32>
      %add3A_451 = arith.addi %squeeze3A_446, %squeeze3A_450 : i32
      %while3A_452 = arith.constant 1 : i32
      %while3A_453 = arith.constant 0 : i32
      %while3A_454 = arith.subi %add3A_451, %squeeze3A_446 : i32
      %while3A_455 = arith.addi %squeeze3A_446, %while3A_454 : i32
      %while3A_456 = arith.constant 1 : i32
      %while3A_457 = arith.divsi %while3A_454, %while3A_456 : i32
      %while3A_458 = arith.muli %while3A_457, %while3A_456 : i32
      %while3A_459 = arith.addi %squeeze3A_446, %while3A_458 : i32
      %while3A_460 = arith.constant 1 : i32
      %while3A_461 = scf.for %while3A_769 = %squeeze3A_446 to %while3A_459 step %while3A_460 iter_args(%while3A_770 = %while3A_453) -> (i32)  : i32 {
        %get3A_771 = arith.index_cast %while3A_769 : i32 to index
        %get3A_772 = tpu.vector_load %arg7[%get3A_771] {strides = array<i32>} : memref<16400xi32, #tpu.memory_space<vmem>>, vector<16xi32>,
        %slice3A_773 = vector.extract_strided_slice %get3A_772 {offsets = [0], sizes = [1], strides = [1]} : vector<16xi32> to vector<1xi32>
        %squeeze3A_774 = vector.extract %slice3A_773[0] : i32 from vector<1xi32>
        %get3A_775 = arith.index_cast %squeeze3A_774 : i32 to index
        %get3A_776 = tpu.vector_load %arg5[%get3A_775] {strides = array<i32>} : memref<16400xi32, #tpu.memory_space<vmem>>, vector<16xi32>,
        %slice3A_777 = vector.extract_strided_slice %get3A_776 {offsets = [0], sizes = [1], strides = [1]} : vector<16xi32> to vector<1xi32>
        %squeeze3A_778 = vector.extract %slice3A_777[0] : i32 from vector<1xi32>
        %and3A = arith.constant 127 : i32
        %and3A_779 = arith.andi %squeeze3A_778, %and3A : i32
        %get3A_780 = arith.constant 3 : i32
        %get3A_781 = arith.index_cast %get3A_780 : i32 to index
        %get3A_782 = memref.load %arg15[%get3A_781] : memref<8xi32, #tpu.memory_space<smem>>
        %add3A_783 = arith.constant 0 : i32
        %add3A_784 = vector.broadcast %add3A_783 : i32 to vector<16xi32>
        %add3A_785 = arith.addi %iota3A, %add3A_784 : vector<16xi32>
        %broadcast_in_dim3A_786 = vector.broadcast %and3A_779 : i32 to vector<16xi32>
        %gather3A = arith.constant 0 : i32
        %gather3A_787 = arith.constant 0 : i32
        %gather3A_788 = tpu.memref_slice %arg12[%while3A_452, %gather3A, %gather3A_787] : memref<6x64x128xf32, #tpu.memory_space<vmem>> -> memref<1x64x128xf32, #tpu.memory_space<vmem>>
        %gather3A_789 = tpu.memref_squeeze %gather3A_788 : memref<1x64x128xf32, #tpu.memory_space<vmem>> -> memref<64x128xf32, #tpu.memory_space<vmem>>
        %gather3A_790 = tpu.vector_load_idx %gather3A_789[%add3A_785, %broadcast_in_dim3A_786] : memref<64x128xf32, #tpu.memory_space<vmem>>[vector<16xi32>, vector<16xi32>], vector<16xf32>,
        %swap3A_791 = arith.index_cast %get3A_782 : i32 to index
        %swap3A_792 = arith.constant 0 : index
        %swap3A_793 = tpu.vector_load %arg13[%swap3A_791, %swap3A_792] {strides = array<i32>} : memref<16x128xf32, #tpu.memory_space<vmem>>, vector<16xf32>,
        tpu.vector_store %arg13[%swap3A_791, %swap3A_792], %gather3A_790 {strides = array<i32>} : memref<16x128xf32, #tpu.memory_space<vmem>>, vector<16xf32>,
        %add3A_794 = arith.constant 16 : i32
        %add3A_795 = vector.broadcast %add3A_794 : i32 to vector<16xi32>
        %add3A_796 = arith.addi %iota3A, %add3A_795 : vector<16xi32>
        %broadcast_in_dim3A_797 = vector.broadcast %and3A_779 : i32 to vector<16xi32>
        %gather3A_798 = arith.constant 0 : i32
        %gather3A_799 = arith.constant 0 : i32
        %gather3A_800 = tpu.memref_slice %arg12[%while3A_452, %gather3A_798, %gather3A_799] : memref<6x64x128xf32, #tpu.memory_space<vmem>> -> memref<1x64x128xf32, #tpu.memory_space<vmem>>
        %gather3A_801 = tpu.memref_squeeze %gather3A_800 : memref<1x64x128xf32, #tpu.memory_space<vmem>> -> memref<64x128xf32, #tpu.memory_space<vmem>>
        %gather3A_802 = tpu.vector_load_idx %gather3A_801[%add3A_796, %broadcast_in_dim3A_797] : memref<64x128xf32, #tpu.memory_space<vmem>>[vector<16xi32>, vector<16xi32>], vector<16xf32>,
        %swap3A_803 = arith.index_cast %get3A_782 : i32 to index
        %swap3A_804 = arith.constant 16 : index
        %swap3A_805 = tpu.vector_load %arg13[%swap3A_803, %swap3A_804] {strides = array<i32>} : memref<16x128xf32, #tpu.memory_space<vmem>>, vector<16xf32>,
        tpu.vector_store %arg13[%swap3A_803, %swap3A_804], %gather3A_802 {strides = array<i32>} : memref<16x128xf32, #tpu.memory_space<vmem>>, vector<16xf32>,
        %add3A_806 = arith.constant 32 : i32
        %add3A_807 = vector.broadcast %add3A_806 : i32 to vector<16xi32>
        %add3A_808 = arith.addi %iota3A, %add3A_807 : vector<16xi32>
        %broadcast_in_dim3A_809 = vector.broadcast %and3A_779 : i32 to vector<16xi32>
        %gather3A_810 = arith.constant 0 : i32
        %gather3A_811 = arith.constant 0 : i32
        %gather3A_812 = tpu.memref_slice %arg12[%while3A_452, %gather3A_810, %gather3A_811] : memref<6x64x128xf32, #tpu.memory_space<vmem>> -> memref<1x64x128xf32, #tpu.memory_space<vmem>>
        %gather3A_813 = tpu.memref_squeeze %gather3A_812 : memref<1x64x128xf32, #tpu.memory_space<vmem>> -> memref<64x128xf32, #tpu.memory_space<vmem>>
        %gather3A_814 = tpu.vector_load_idx %gather3A_813[%add3A_808, %broadcast_in_dim3A_809] : memref<64x128xf32, #tpu.memory_space<vmem>>[vector<16xi32>, vector<16xi32>], vector<16xf32>,
        %swap3A_815 = arith.index_cast %get3A_782 : i32 to index
        %swap3A_816 = arith.constant 32 : index
        %swap3A_817 = tpu.vector_load %arg13[%swap3A_815, %swap3A_816] {strides = array<i32>} : memref<16x128xf32, #tpu.memory_space<vmem>>, vector<16xf32>,
        tpu.vector_store %arg13[%swap3A_815, %swap3A_816], %gather3A_814 {strides = array<i32>} : memref<16x128xf32, #tpu.memory_space<vmem>>, vector<16xf32>,
        %add3A_818 = arith.constant 48 : i32
        %add3A_819 = vector.broadcast %add3A_818 : i32 to vector<16xi32>
        %add3A_820 = arith.addi %iota3A, %add3A_819 : vector<16xi32>
        %broadcast_in_dim3A_821 = vector.broadcast %and3A_779 : i32 to vector<16xi32>
        %gather3A_822 = arith.constant 0 : i32
        %gather3A_823 = arith.constant 0 : i32
        %gather3A_824 = tpu.memref_slice %arg12[%while3A_452, %gather3A_822, %gather3A_823] : memref<6x64x128xf32, #tpu.memory_space<vmem>> -> memref<1x64x128xf32, #tpu.memory_space<vmem>>
        %gather3A_825 = tpu.memref_squeeze %gather3A_824 : memref<1x64x128xf32, #tpu.memory_space<vmem>> -> memref<64x128xf32, #tpu.memory_space<vmem>>
        %gather3A_826 = tpu.vector_load_idx %gather3A_825[%add3A_820, %broadcast_in_dim3A_821] : memref<64x128xf32, #tpu.memory_space<vmem>>[vector<16xi32>, vector<16xi32>], vector<16xf32>,
        %swap3A_827 = arith.index_cast %get3A_782 : i32 to index
        %swap3A_828 = arith.constant 48 : index
        %swap3A_829 = tpu.vector_load %arg13[%swap3A_827, %swap3A_828] {strides = array<i32>} : memref<16x128xf32, #tpu.memory_space<vmem>>, vector<16xf32>,
        tpu.vector_store %arg13[%swap3A_827, %swap3A_828], %gather3A_826 {strides = array<i32>} : memref<16x128xf32, #tpu.memory_space<vmem>>, vector<16xf32>,
        %eq3A = vector.broadcast %get3A_782 : i32 to vector<16xi32>
        %eq3A_830 = arith.cmpi eq, %iota3A, %eq3A : vector<16xi32>
        %broadcast_in_dim3A_831 = vector.broadcast %squeeze3A_774 : i32 to vector<16xi32>
        %get3A_832 = arith.constant 0 : index
        %get3A_833 = tpu.vector_load %arg14[%get3A_832] {strides = array<i32>} : memref<16xi32, #tpu.memory_space<vmem>>, vector<16xi32>,
        %select_n3A_834 = arith.select %eq3A_830, %broadcast_in_dim3A_831, %get3A_833 : vector<16xi1>, vector<16xi32>
        %swap3A_835 = arith.constant 0 : index
        %swap3A_836 = tpu.vector_load %arg14[%swap3A_835] {strides = array<i32>} : memref<16xi32, #tpu.memory_space<vmem>>, vector<16xi32>,
        tpu.vector_store %arg14[%swap3A_835], %select_n3A_834 {strides = array<i32>} : memref<16xi32, #tpu.memory_space<vmem>>, vector<16xi32>,
        %add3A_837 = arith.constant 1 : i32
        %add3A_838 = arith.addi %get3A_782, %add3A_837 : i32
        %eq3A_839 = arith.constant 16 : i32
        %eq3A_840 = arith.cmpi eq, %add3A_838, %eq3A_839 : i32
        %convert_element_type3A = arith.extui %eq3A_840 : i1 to i32
        %cond3A = arith.constant 0 : i32
        %cond3A_841 = arith.cmpi ne, %convert_element_type3A, %cond3A : i32
        scf.if %cond3A_841 {
          %dma_start3A_850 = arith.constant 0 : i32
          %dma_start3A_851 = arith.constant 0 : i32
          %dma_start3A_852 = tpu.memref_slice %arg4[%dma_start3A_850, %dma_start3A_851] : memref<16896x128xf32, #tpu.memory_space<hbm>> -> memref<16896x128xf32, #tpu.memory_space<hbm>>
          tpu.enqueue_indirect_dma source(%arg13 : memref<16x128xf32, #tpu.memory_space<vmem>>) target(%dma_start3A_852 : memref<16896x128xf32, #tpu.memory_space<hbm>>) offsets(%arg14 : memref<16xi32, #tpu.memory_space<vmem>>) semaphore(%arg22 : memref<!tpu.dma_semaphore, #tpu.memory_space<semaphore_mem>>)
          %dma_wait3A_853 = arith.constant 0 : i32
          %dma_wait3A_854 = arith.constant 0 : i32
          %dma_wait3A_855 = tpu.memref_slice %arg4[%dma_wait3A_853, %dma_wait3A_854] : memref<16896x128xf32, #tpu.memory_space<hbm>> -> memref<16896x128xf32, #tpu.memory_space<hbm>>
          tpu.wait_indirect_dma semaphore(%arg22 : memref<!tpu.dma_semaphore, #tpu.memory_space<semaphore_mem>>) src(%arg13 : memref<16x128xf32, #tpu.memory_space<vmem>>) dst(%dma_wait3A_855 : memref<16896x128xf32, #tpu.memory_space<hbm>>)
        } else {
        }
        %eq3A_842 = arith.constant 16 : i32
        %eq3A_843 = arith.cmpi eq, %add3A_838, %eq3A_842 : i32
        %jit3A_844 = arith.constant 0 : i32
        %select_n3A_845 = arith.select %eq3A_843, %jit3A_844, %add3A_838 : i32
        %swap3A_846 = arith.constant 3 : i32
        %swap3A_847 = arith.index_cast %swap3A_846 : i32 to index
        %swap3A_848 = memref.load %arg15[%swap3A_847] : memref<8xi32, #tpu.memory_space<smem>>
        memref.store %select_n3A_845, %arg15[%swap3A_847] : memref<8xi32, #tpu.memory_space<smem>>
        %while3A_849 = arith.constant 0 : i32
        scf.yield %while3A_849 : i32
      }
      %while3A_462 = arith.constant 1 : i32
      %while3A_463 = scf.for %while3A_769 = %while3A_459 to %while3A_455 step %while3A_462 iter_args(%while3A_770 = %while3A_461) -> (i32)  : i32 {
        %get3A_771 = arith.index_cast %while3A_769 : i32 to index
        %get3A_772 = tpu.vector_load %arg7[%get3A_771] {strides = array<i32>} : memref<16400xi32, #tpu.memory_space<vmem>>, vector<16xi32>,
        %slice3A_773 = vector.extract_strided_slice %get3A_772 {offsets = [0], sizes = [1], strides = [1]} : vector<16xi32> to vector<1xi32>
        %squeeze3A_774 = vector.extract %slice3A_773[0] : i32 from vector<1xi32>
        %get3A_775 = arith.index_cast %squeeze3A_774 : i32 to index
        %get3A_776 = tpu.vector_load %arg5[%get3A_775] {strides = array<i32>} : memref<16400xi32, #tpu.memory_space<vmem>>, vector<16xi32>,
        %slice3A_777 = vector.extract_strided_slice %get3A_776 {offsets = [0], sizes = [1], strides = [1]} : vector<16xi32> to vector<1xi32>
        %squeeze3A_778 = vector.extract %slice3A_777[0] : i32 from vector<1xi32>
        %and3A = arith.constant 127 : i32
        %and3A_779 = arith.andi %squeeze3A_778, %and3A : i32
        %get3A_780 = arith.constant 3 : i32
        %get3A_781 = arith.index_cast %get3A_780 : i32 to index
        %get3A_782 = memref.load %arg15[%get3A_781] : memref<8xi32, #tpu.memory_space<smem>>
        %add3A_783 = arith.constant 0 : i32
        %add3A_784 = vector.broadcast %add3A_783 : i32 to vector<16xi32>
        %add3A_785 = arith.addi %iota3A, %add3A_784 : vector<16xi32>
        %broadcast_in_dim3A_786 = vector.broadcast %and3A_779 : i32 to vector<16xi32>
        %gather3A = arith.constant 0 : i32
        %gather3A_787 = arith.constant 0 : i32
        %gather3A_788 = tpu.memref_slice %arg12[%while3A_452, %gather3A, %gather3A_787] : memref<6x64x128xf32, #tpu.memory_space<vmem>> -> memref<1x64x128xf32, #tpu.memory_space<vmem>>
        %gather3A_789 = tpu.memref_squeeze %gather3A_788 : memref<1x64x128xf32, #tpu.memory_space<vmem>> -> memref<64x128xf32, #tpu.memory_space<vmem>>
        %gather3A_790 = tpu.vector_load_idx %gather3A_789[%add3A_785, %broadcast_in_dim3A_786] : memref<64x128xf32, #tpu.memory_space<vmem>>[vector<16xi32>, vector<16xi32>], vector<16xf32>,
        %swap3A_791 = arith.index_cast %get3A_782 : i32 to index
        %swap3A_792 = arith.constant 0 : index
        %swap3A_793 = tpu.vector_load %arg13[%swap3A_791, %swap3A_792] {strides = array<i32>} : memref<16x128xf32, #tpu.memory_space<vmem>>, vector<16xf32>,
        tpu.vector_store %arg13[%swap3A_791, %swap3A_792], %gather3A_790 {strides = array<i32>} : memref<16x128xf32, #tpu.memory_space<vmem>>, vector<16xf32>,
        %add3A_794 = arith.constant 16 : i32
        %add3A_795 = vector.broadcast %add3A_794 : i32 to vector<16xi32>
        %add3A_796 = arith.addi %iota3A, %add3A_795 : vector<16xi32>
        %broadcast_in_dim3A_797 = vector.broadcast %and3A_779 : i32 to vector<16xi32>
        %gather3A_798 = arith.constant 0 : i32
        %gather3A_799 = arith.constant 0 : i32
        %gather3A_800 = tpu.memref_slice %arg12[%while3A_452, %gather3A_798, %gather3A_799] : memref<6x64x128xf32, #tpu.memory_space<vmem>> -> memref<1x64x128xf32, #tpu.memory_space<vmem>>
        %gather3A_801 = tpu.memref_squeeze %gather3A_800 : memref<1x64x128xf32, #tpu.memory_space<vmem>> -> memref<64x128xf32, #tpu.memory_space<vmem>>
        %gather3A_802 = tpu.vector_load_idx %gather3A_801[%add3A_796, %broadcast_in_dim3A_797] : memref<64x128xf32, #tpu.memory_space<vmem>>[vector<16xi32>, vector<16xi32>], vector<16xf32>,
        %swap3A_803 = arith.index_cast %get3A_782 : i32 to index
        %swap3A_804 = arith.constant 16 : index
        %swap3A_805 = tpu.vector_load %arg13[%swap3A_803, %swap3A_804] {strides = array<i32>} : memref<16x128xf32, #tpu.memory_space<vmem>>, vector<16xf32>,
        tpu.vector_store %arg13[%swap3A_803, %swap3A_804], %gather3A_802 {strides = array<i32>} : memref<16x128xf32, #tpu.memory_space<vmem>>, vector<16xf32>,
        %add3A_806 = arith.constant 32 : i32
        %add3A_807 = vector.broadcast %add3A_806 : i32 to vector<16xi32>
        %add3A_808 = arith.addi %iota3A, %add3A_807 : vector<16xi32>
        %broadcast_in_dim3A_809 = vector.broadcast %and3A_779 : i32 to vector<16xi32>
        %gather3A_810 = arith.constant 0 : i32
        %gather3A_811 = arith.constant 0 : i32
        %gather3A_812 = tpu.memref_slice %arg12[%while3A_452, %gather3A_810, %gather3A_811] : memref<6x64x128xf32, #tpu.memory_space<vmem>> -> memref<1x64x128xf32, #tpu.memory_space<vmem>>
        %gather3A_813 = tpu.memref_squeeze %gather3A_812 : memref<1x64x128xf32, #tpu.memory_space<vmem>> -> memref<64x128xf32, #tpu.memory_space<vmem>>
        %gather3A_814 = tpu.vector_load_idx %gather3A_813[%add3A_808, %broadcast_in_dim3A_809] : memref<64x128xf32, #tpu.memory_space<vmem>>[vector<16xi32>, vector<16xi32>], vector<16xf32>,
        %swap3A_815 = arith.index_cast %get3A_782 : i32 to index
        %swap3A_816 = arith.constant 32 : index
        %swap3A_817 = tpu.vector_load %arg13[%swap3A_815, %swap3A_816] {strides = array<i32>} : memref<16x128xf32, #tpu.memory_space<vmem>>, vector<16xf32>,
        tpu.vector_store %arg13[%swap3A_815, %swap3A_816], %gather3A_814 {strides = array<i32>} : memref<16x128xf32, #tpu.memory_space<vmem>>, vector<16xf32>,
        %add3A_818 = arith.constant 48 : i32
        %add3A_819 = vector.broadcast %add3A_818 : i32 to vector<16xi32>
        %add3A_820 = arith.addi %iota3A, %add3A_819 : vector<16xi32>
        %broadcast_in_dim3A_821 = vector.broadcast %and3A_779 : i32 to vector<16xi32>
        %gather3A_822 = arith.constant 0 : i32
        %gather3A_823 = arith.constant 0 : i32
        %gather3A_824 = tpu.memref_slice %arg12[%while3A_452, %gather3A_822, %gather3A_823] : memref<6x64x128xf32, #tpu.memory_space<vmem>> -> memref<1x64x128xf32, #tpu.memory_space<vmem>>
        %gather3A_825 = tpu.memref_squeeze %gather3A_824 : memref<1x64x128xf32, #tpu.memory_space<vmem>> -> memref<64x128xf32, #tpu.memory_space<vmem>>
        %gather3A_826 = tpu.vector_load_idx %gather3A_825[%add3A_820, %broadcast_in_dim3A_821] : memref<64x128xf32, #tpu.memory_space<vmem>>[vector<16xi32>, vector<16xi32>], vector<16xf32>,
        %swap3A_827 = arith.index_cast %get3A_782 : i32 to index
        %swap3A_828 = arith.constant 48 : index
        %swap3A_829 = tpu.vector_load %arg13[%swap3A_827, %swap3A_828] {strides = array<i32>} : memref<16x128xf32, #tpu.memory_space<vmem>>, vector<16xf32>,
        tpu.vector_store %arg13[%swap3A_827, %swap3A_828], %gather3A_826 {strides = array<i32>} : memref<16x128xf32, #tpu.memory_space<vmem>>, vector<16xf32>,
        %eq3A = vector.broadcast %get3A_782 : i32 to vector<16xi32>
        %eq3A_830 = arith.cmpi eq, %iota3A, %eq3A : vector<16xi32>
        %broadcast_in_dim3A_831 = vector.broadcast %squeeze3A_774 : i32 to vector<16xi32>
        %get3A_832 = arith.constant 0 : index
        %get3A_833 = tpu.vector_load %arg14[%get3A_832] {strides = array<i32>} : memref<16xi32, #tpu.memory_space<vmem>>, vector<16xi32>,
        %select_n3A_834 = arith.select %eq3A_830, %broadcast_in_dim3A_831, %get3A_833 : vector<16xi1>, vector<16xi32>
        %swap3A_835 = arith.constant 0 : index
        %swap3A_836 = tpu.vector_load %arg14[%swap3A_835] {strides = array<i32>} : memref<16xi32, #tpu.memory_space<vmem>>, vector<16xi32>,
        tpu.vector_store %arg14[%swap3A_835], %select_n3A_834 {strides = array<i32>} : memref<16xi32, #tpu.memory_space<vmem>>, vector<16xi32>,
        %add3A_837 = arith.constant 1 : i32
        %add3A_838 = arith.addi %get3A_782, %add3A_837 : i32
        %eq3A_839 = arith.constant 16 : i32
        %eq3A_840 = arith.cmpi eq, %add3A_838, %eq3A_839 : i32
        %convert_element_type3A = arith.extui %eq3A_840 : i1 to i32
        %cond3A = arith.constant 0 : i32
        %cond3A_841 = arith.cmpi ne, %convert_element_type3A, %cond3A : i32
        scf.if %cond3A_841 {
          %dma_start3A_850 = arith.constant 0 : i32
          %dma_start3A_851 = arith.constant 0 : i32
          %dma_start3A_852 = tpu.memref_slice %arg4[%dma_start3A_850, %dma_start3A_851] : memref<16896x128xf32, #tpu.memory_space<hbm>> -> memref<16896x128xf32, #tpu.memory_space<hbm>>
          tpu.enqueue_indirect_dma source(%arg13 : memref<16x128xf32, #tpu.memory_space<vmem>>) target(%dma_start3A_852 : memref<16896x128xf32, #tpu.memory_space<hbm>>) offsets(%arg14 : memref<16xi32, #tpu.memory_space<vmem>>) semaphore(%arg22 : memref<!tpu.dma_semaphore, #tpu.memory_space<semaphore_mem>>)
          %dma_wait3A_853 = arith.constant 0 : i32
          %dma_wait3A_854 = arith.constant 0 : i32
          %dma_wait3A_855 = tpu.memref_slice %arg4[%dma_wait3A_853, %dma_wait3A_854] : memref<16896x128xf32, #tpu.memory_space<hbm>> -> memref<16896x128xf32, #tpu.memory_space<hbm>>
          tpu.wait_indirect_dma semaphore(%arg22 : memref<!tpu.dma_semaphore, #tpu.memory_space<semaphore_mem>>) src(%arg13 : memref<16x128xf32, #tpu.memory_space<vmem>>) dst(%dma_wait3A_855 : memref<16896x128xf32, #tpu.memory_space<hbm>>)
        } else {
        }
        %eq3A_842 = arith.constant 16 : i32
        %eq3A_843 = arith.cmpi eq, %add3A_838, %eq3A_842 : i32
        %jit3A_844 = arith.constant 0 : i32
        %select_n3A_845 = arith.select %eq3A_843, %jit3A_844, %add3A_838 : i32
        %swap3A_846 = arith.constant 3 : i32
        %swap3A_847 = arith.index_cast %swap3A_846 : i32 to index
        %swap3A_848 = memref.load %arg15[%swap3A_847] : memref<8xi32, #tpu.memory_space<smem>>
        memref.store %select_n3A_845, %arg15[%swap3A_847] : memref<8xi32, #tpu.memory_space<smem>>
        %while3A_849 = arith.constant 0 : i32
        scf.yield %while3A_849 : i32
      }
      %add3A_464 = arith.constant 6 : i32
      %add3A_465 = arith.addi %add3A_421, %add3A_464 : i32
      %min3A_466 = arith.constant 271 : i32
      %min3A_467 = arith.minsi %add3A_465, %min3A_466 : i32
      %get3A_468 = arith.index_cast %min3A_467 : i32 to index
      %get3A_469 = tpu.vector_load %arg11[%get3A_468] {strides = array<i32>} : memref<288xi32, #tpu.memory_space<vmem>>, vector<16xi32>,
      %slice3A_470 = vector.extract_strided_slice %get3A_469 {offsets = [0], sizes = [1], strides = [1]} : vector<16xi32> to vector<1xi32>
      %squeeze3A_471 = vector.extract %slice3A_470[0] : i32 from vector<1xi32>
      %add3A_472 = arith.addi %add3A_4, %squeeze3A_471 : i32
      %mul3A_473 = arith.constant 128 : i32
      %mul3A_474 = arith.muli %add3A_472, %mul3A_473 : i32
      %dma_start3A_475 = arith.constant 1 : i32
      %dma_start3A_476 = arith.constant 0 : i32
      %dma_start3A_477 = arith.constant 0 : i32
      %dma_start3A_478 = tpu.memref_slice %arg12[%dma_start3A_475, %dma_start3A_476, %dma_start3A_477] : memref<6x64x128xf32, #tpu.memory_space<vmem>> -> memref<1x64x128xf32, #tpu.memory_space<vmem>>
      %dma_start3A_479 = tpu.memref_squeeze %dma_start3A_478 : memref<1x64x128xf32, #tpu.memory_space<vmem>> -> memref<64x128xf32, #tpu.memory_space<vmem>>
      %dma_start3A_480 = arith.constant 0 : i32
      %dma_start3A_481 = tpu.memref_slice %arg2[%dma_start3A_480, %mul3A_474] : memref<64x1000000xf32, #tpu.memory_space<hbm>> -> memref<64x128xf32, #tpu.memory_space<hbm>>
      %dma_start3A_482 = arith.constant 0 : i32
      %dma_start3A_483 = arith.constant 0 : i32
      %dma_start3A_484 = tpu.memref_slice %arg12[%dma_start3A_475, %dma_start3A_482, %dma_start3A_483] : memref<6x64x128xf32, #tpu.memory_space<vmem>> -> memref<1x64x128xf32, #tpu.memory_space<vmem>>
      %dma_start3A_485 = tpu.memref_squeeze %dma_start3A_484 : memref<1x64x128xf32, #tpu.memory_space<vmem>> -> memref<64x128xf32, #tpu.memory_space<vmem>>
      %dma_start3A_486 = arith.constant 0 : i32
      %dma_start3A_487 = tpu.memref_slice %arg2[%dma_start3A_486, %mul3A_474] : memref<64x1000000xf32, #tpu.memory_space<hbm>> -> memref<64x128xf32, #tpu.memory_space<hbm>>
      tpu.enqueue_dma source(%dma_start3A_487 : memref<64x128xf32, #tpu.memory_space<hbm>>) target(%dma_start3A_485 : memref<64x128xf32, #tpu.memory_space<vmem>>) target_semaphore(%arg17 : memref<!tpu.dma_semaphore, #tpu.memory_space<semaphore_mem>>)
      %mul3A_488 = arith.constant 6 : i32
      %mul3A_489 = arith.muli %while3A_346, %mul3A_488 : i32
      %add3A_490 = arith.constant 2 : i32
      %add3A_491 = arith.addi %mul3A_489, %add3A_490 : i32
      %dma_wait3A_492 = arith.constant 2 : i32
      %dma_wait3A_493 = arith.constant 0 : i32
      %dma_wait3A_494 = arith.constant 0 : i32
      %dma_wait3A_495 = tpu.memref_slice %arg12[%dma_wait3A_492, %dma_wait3A_493, %dma_wait3A_494] : memref<6x64x128xf32, #tpu.memory_space<vmem>> -> memref<1x64x128xf32, #tpu.memory_space<vmem>>
      %dma_wait3A_496 = tpu.memref_squeeze %dma_wait3A_495 : memref<1x64x128xf32, #tpu.memory_space<vmem>> -> memref<64x128xf32, #tpu.memory_space<vmem>>
      %dma_wait3A_497 = arith.constant 0 : i32
      %dma_wait3A_498 = arith.constant 0 : i32
      %dma_wait3A_499 = tpu.memref_slice %arg2[%dma_wait3A_497, %dma_wait3A_498] : memref<64x1000000xf32, #tpu.memory_space<hbm>> -> memref<64x128xf32, #tpu.memory_space<hbm>>
      %dma_wait3A_500 = arith.constant 0 : i32
      %dma_wait3A_501 = arith.constant 0 : i32
      %dma_wait3A_502 = tpu.memref_slice %arg12[%dma_wait3A_492, %dma_wait3A_500, %dma_wait3A_501] : memref<6x64x128xf32, #tpu.memory_space<vmem>> -> memref<1x64x128xf32, #tpu.memory_space<vmem>>
      %dma_wait3A_503 = tpu.memref_squeeze %dma_wait3A_502 : memref<1x64x128xf32, #tpu.memory_space<vmem>> -> memref<64x128xf32, #tpu.memory_space<vmem>>
      %dma_wait3A_504 = arith.constant 0 : i32
      %dma_wait3A_505 = arith.constant 0 : i32
      %dma_wait3A_506 = tpu.memref_slice %arg2[%dma_wait3A_504, %dma_wait3A_505] : memref<64x1000000xf32, #tpu.memory_space<hbm>> -> memref<64x128xf32, #tpu.memory_space<hbm>>
      tpu.wait_dma2 semaphore(%arg18 : memref<!tpu.dma_semaphore, #tpu.memory_space<semaphore_mem>>) src(%dma_wait3A_506 : memref<64x128xf32, #tpu.memory_space<hbm>>) dst(%dma_wait3A_503 : memref<64x128xf32, #tpu.memory_space<vmem>>)
      %min3A_507 = arith.constant 271 : i32
      %min3A_508 = arith.minsi %add3A_491, %min3A_507 : i32
      %get3A_509 = arith.index_cast %min3A_508 : i32 to index
      %get3A_510 = tpu.vector_load %arg11[%get3A_509] {strides = array<i32>} : memref<288xi32, #tpu.memory_space<vmem>>, vector<16xi32>,
      %slice3A_511 = vector.extract_strided_slice %get3A_510 {offsets = [0], sizes = [1], strides = [1]} : vector<16xi32> to vector<1xi32>
      %squeeze3A_512 = vector.extract %slice3A_511[0] : i32 from vector<1xi32>
      %get3A_513 = arith.index_cast %squeeze3A_512 : i32 to index
      %get3A_514 = tpu.vector_load %arg9[%get3A_513] {strides = array<i32>} : memref<288xi32, #tpu.memory_space<vmem>>, vector<16xi32>,
      %slice3A_515 = vector.extract_strided_slice %get3A_514 {offsets = [0], sizes = [1], strides = [1]} : vector<16xi32> to vector<1xi32>
      %squeeze3A_516 = vector.extract %slice3A_515[0] : i32 from vector<1xi32>
      %get3A_517 = arith.index_cast %squeeze3A_512 : i32 to index
      %get3A_518 = tpu.vector_load %arg8[%get3A_517] {strides = array<i32>} : memref<288xi32, #tpu.memory_space<vmem>>, vector<16xi32>,
      %slice3A_519 = vector.extract_strided_slice %get3A_518 {offsets = [0], sizes = [1], strides = [1]} : vector<16xi32> to vector<1xi32>
      %squeeze3A_520 = vector.extract %slice3A_519[0] : i32 from vector<1xi32>
      %add3A_521 = arith.addi %squeeze3A_516, %squeeze3A_520 : i32
      %while3A_522 = arith.constant 2 : i32
      %while3A_523 = arith.constant 0 : i32
      %while3A_524 = arith.subi %add3A_521, %squeeze3A_516 : i32
      %while3A_525 = arith.addi %squeeze3A_516, %while3A_524 : i32
      %while3A_526 = arith.constant 1 : i32
      %while3A_527 = arith.divsi %while3A_524, %while3A_526 : i32
      %while3A_528 = arith.muli %while3A_527, %while3A_526 : i32
      %while3A_529 = arith.addi %squeeze3A_516, %while3A_528 : i32
      %while3A_530 = arith.constant 1 : i32
      %while3A_531 = scf.for %while3A_769 = %squeeze3A_516 to %while3A_529 step %while3A_530 iter_args(%while3A_770 = %while3A_523) -> (i32)  : i32 {
        %get3A_771 = arith.index_cast %while3A_769 : i32 to index
        %get3A_772 = tpu.vector_load %arg7[%get3A_771] {strides = array<i32>} : memref<16400xi32, #tpu.memory_space<vmem>>, vector<16xi32>,
        %slice3A_773 = vector.extract_strided_slice %get3A_772 {offsets = [0], sizes = [1], strides = [1]} : vector<16xi32> to vector<1xi32>
        %squeeze3A_774 = vector.extract %slice3A_773[0] : i32 from vector<1xi32>
        %get3A_775 = arith.index_cast %squeeze3A_774 : i32 to index
        %get3A_776 = tpu.vector_load %arg5[%get3A_775] {strides = array<i32>} : memref<16400xi32, #tpu.memory_space<vmem>>, vector<16xi32>,
        %slice3A_777 = vector.extract_strided_slice %get3A_776 {offsets = [0], sizes = [1], strides = [1]} : vector<16xi32> to vector<1xi32>
        %squeeze3A_778 = vector.extract %slice3A_777[0] : i32 from vector<1xi32>
        %and3A = arith.constant 127 : i32
        %and3A_779 = arith.andi %squeeze3A_778, %and3A : i32
        %get3A_780 = arith.constant 3 : i32
        %get3A_781 = arith.index_cast %get3A_780 : i32 to index
        %get3A_782 = memref.load %arg15[%get3A_781] : memref<8xi32, #tpu.memory_space<smem>>
        %add3A_783 = arith.constant 0 : i32
        %add3A_784 = vector.broadcast %add3A_783 : i32 to vector<16xi32>
        %add3A_785 = arith.addi %iota3A, %add3A_784 : vector<16xi32>
        %broadcast_in_dim3A_786 = vector.broadcast %and3A_779 : i32 to vector<16xi32>
        %gather3A = arith.constant 0 : i32
        %gather3A_787 = arith.constant 0 : i32
        %gather3A_788 = tpu.memref_slice %arg12[%while3A_522, %gather3A, %gather3A_787] : memref<6x64x128xf32, #tpu.memory_space<vmem>> -> memref<1x64x128xf32, #tpu.memory_space<vmem>>
        %gather3A_789 = tpu.memref_squeeze %gather3A_788 : memref<1x64x128xf32, #tpu.memory_space<vmem>> -> memref<64x128xf32, #tpu.memory_space<vmem>>
        %gather3A_790 = tpu.vector_load_idx %gather3A_789[%add3A_785, %broadcast_in_dim3A_786] : memref<64x128xf32, #tpu.memory_space<vmem>>[vector<16xi32>, vector<16xi32>], vector<16xf32>,
        %swap3A_791 = arith.index_cast %get3A_782 : i32 to index
        %swap3A_792 = arith.constant 0 : index
        %swap3A_793 = tpu.vector_load %arg13[%swap3A_791, %swap3A_792] {strides = array<i32>} : memref<16x128xf32, #tpu.memory_space<vmem>>, vector<16xf32>,
        tpu.vector_store %arg13[%swap3A_791, %swap3A_792], %gather3A_790 {strides = array<i32>} : memref<16x128xf32, #tpu.memory_space<vmem>>, vector<16xf32>,
        %add3A_794 = arith.constant 16 : i32
        %add3A_795 = vector.broadcast %add3A_794 : i32 to vector<16xi32>
        %add3A_796 = arith.addi %iota3A, %add3A_795 : vector<16xi32>
        %broadcast_in_dim3A_797 = vector.broadcast %and3A_779 : i32 to vector<16xi32>
        %gather3A_798 = arith.constant 0 : i32
        %gather3A_799 = arith.constant 0 : i32
        %gather3A_800 = tpu.memref_slice %arg12[%while3A_522, %gather3A_798, %gather3A_799] : memref<6x64x128xf32, #tpu.memory_space<vmem>> -> memref<1x64x128xf32, #tpu.memory_space<vmem>>
        %gather3A_801 = tpu.memref_squeeze %gather3A_800 : memref<1x64x128xf32, #tpu.memory_space<vmem>> -> memref<64x128xf32, #tpu.memory_space<vmem>>
        %gather3A_802 = tpu.vector_load_idx %gather3A_801[%add3A_796, %broadcast_in_dim3A_797] : memref<64x128xf32, #tpu.memory_space<vmem>>[vector<16xi32>, vector<16xi32>], vector<16xf32>,
        %swap3A_803 = arith.index_cast %get3A_782 : i32 to index
        %swap3A_804 = arith.constant 16 : index
        %swap3A_805 = tpu.vector_load %arg13[%swap3A_803, %swap3A_804] {strides = array<i32>} : memref<16x128xf32, #tpu.memory_space<vmem>>, vector<16xf32>,
        tpu.vector_store %arg13[%swap3A_803, %swap3A_804], %gather3A_802 {strides = array<i32>} : memref<16x128xf32, #tpu.memory_space<vmem>>, vector<16xf32>,
        %add3A_806 = arith.constant 32 : i32
        %add3A_807 = vector.broadcast %add3A_806 : i32 to vector<16xi32>
        %add3A_808 = arith.addi %iota3A, %add3A_807 : vector<16xi32>
        %broadcast_in_dim3A_809 = vector.broadcast %and3A_779 : i32 to vector<16xi32>
        %gather3A_810 = arith.constant 0 : i32
        %gather3A_811 = arith.constant 0 : i32
        %gather3A_812 = tpu.memref_slice %arg12[%while3A_522, %gather3A_810, %gather3A_811] : memref<6x64x128xf32, #tpu.memory_space<vmem>> -> memref<1x64x128xf32, #tpu.memory_space<vmem>>
        %gather3A_813 = tpu.memref_squeeze %gather3A_812 : memref<1x64x128xf32, #tpu.memory_space<vmem>> -> memref<64x128xf32, #tpu.memory_space<vmem>>
        %gather3A_814 = tpu.vector_load_idx %gather3A_813[%add3A_808, %broadcast_in_dim3A_809] : memref<64x128xf32, #tpu.memory_space<vmem>>[vector<16xi32>, vector<16xi32>], vector<16xf32>,
        %swap3A_815 = arith.index_cast %get3A_782 : i32 to index
        %swap3A_816 = arith.constant 32 : index
        %swap3A_817 = tpu.vector_load %arg13[%swap3A_815, %swap3A_816] {strides = array<i32>} : memref<16x128xf32, #tpu.memory_space<vmem>>, vector<16xf32>,
        tpu.vector_store %arg13[%swap3A_815, %swap3A_816], %gather3A_814 {strides = array<i32>} : memref<16x128xf32, #tpu.memory_space<vmem>>, vector<16xf32>,
        %add3A_818 = arith.constant 48 : i32
        %add3A_819 = vector.broadcast %add3A_818 : i32 to vector<16xi32>
        %add3A_820 = arith.addi %iota3A, %add3A_819 : vector<16xi32>
        %broadcast_in_dim3A_821 = vector.broadcast %and3A_779 : i32 to vector<16xi32>
        %gather3A_822 = arith.constant 0 : i32
        %gather3A_823 = arith.constant 0 : i32
        %gather3A_824 = tpu.memref_slice %arg12[%while3A_522, %gather3A_822, %gather3A_823] : memref<6x64x128xf32, #tpu.memory_space<vmem>> -> memref<1x64x128xf32, #tpu.memory_space<vmem>>
        %gather3A_825 = tpu.memref_squeeze %gather3A_824 : memref<1x64x128xf32, #tpu.memory_space<vmem>> -> memref<64x128xf32, #tpu.memory_space<vmem>>
        %gather3A_826 = tpu.vector_load_idx %gather3A_825[%add3A_820, %broadcast_in_dim3A_821] : memref<64x128xf32, #tpu.memory_space<vmem>>[vector<16xi32>, vector<16xi32>], vector<16xf32>,
        %swap3A_827 = arith.index_cast %get3A_782 : i32 to index
        %swap3A_828 = arith.constant 48 : index
        %swap3A_829 = tpu.vector_load %arg13[%swap3A_827, %swap3A_828] {strides = array<i32>} : memref<16x128xf32, #tpu.memory_space<vmem>>, vector<16xf32>,
        tpu.vector_store %arg13[%swap3A_827, %swap3A_828], %gather3A_826 {strides = array<i32>} : memref<16x128xf32, #tpu.memory_space<vmem>>, vector<16xf32>,
        %eq3A = vector.broadcast %get3A_782 : i32 to vector<16xi32>
        %eq3A_830 = arith.cmpi eq, %iota3A, %eq3A : vector<16xi32>
        %broadcast_in_dim3A_831 = vector.broadcast %squeeze3A_774 : i32 to vector<16xi32>
        %get3A_832 = arith.constant 0 : index
        %get3A_833 = tpu.vector_load %arg14[%get3A_832] {strides = array<i32>} : memref<16xi32, #tpu.memory_space<vmem>>, vector<16xi32>,
        %select_n3A_834 = arith.select %eq3A_830, %broadcast_in_dim3A_831, %get3A_833 : vector<16xi1>, vector<16xi32>
        %swap3A_835 = arith.constant 0 : index
        %swap3A_836 = tpu.vector_load %arg14[%swap3A_835] {strides = array<i32>} : memref<16xi32, #tpu.memory_space<vmem>>, vector<16xi32>,
        tpu.vector_store %arg14[%swap3A_835], %select_n3A_834 {strides = array<i32>} : memref<16xi32, #tpu.memory_space<vmem>>, vector<16xi32>,
        %add3A_837 = arith.constant 1 : i32
        %add3A_838 = arith.addi %get3A_782, %add3A_837 : i32
        %eq3A_839 = arith.constant 16 : i32
        %eq3A_840 = arith.cmpi eq, %add3A_838, %eq3A_839 : i32
        %convert_element_type3A = arith.extui %eq3A_840 : i1 to i32
        %cond3A = arith.constant 0 : i32
        %cond3A_841 = arith.cmpi ne, %convert_element_type3A, %cond3A : i32
        scf.if %cond3A_841 {
          %dma_start3A_850 = arith.constant 0 : i32
          %dma_start3A_851 = arith.constant 0 : i32
          %dma_start3A_852 = tpu.memref_slice %arg4[%dma_start3A_850, %dma_start3A_851] : memref<16896x128xf32, #tpu.memory_space<hbm>> -> memref<16896x128xf32, #tpu.memory_space<hbm>>
          tpu.enqueue_indirect_dma source(%arg13 : memref<16x128xf32, #tpu.memory_space<vmem>>) target(%dma_start3A_852 : memref<16896x128xf32, #tpu.memory_space<hbm>>) offsets(%arg14 : memref<16xi32, #tpu.memory_space<vmem>>) semaphore(%arg22 : memref<!tpu.dma_semaphore, #tpu.memory_space<semaphore_mem>>)
          %dma_wait3A_853 = arith.constant 0 : i32
          %dma_wait3A_854 = arith.constant 0 : i32
          %dma_wait3A_855 = tpu.memref_slice %arg4[%dma_wait3A_853, %dma_wait3A_854] : memref<16896x128xf32, #tpu.memory_space<hbm>> -> memref<16896x128xf32, #tpu.memory_space<hbm>>
          tpu.wait_indirect_dma semaphore(%arg22 : memref<!tpu.dma_semaphore, #tpu.memory_space<semaphore_mem>>) src(%arg13 : memref<16x128xf32, #tpu.memory_space<vmem>>) dst(%dma_wait3A_855 : memref<16896x128xf32, #tpu.memory_space<hbm>>)
        } else {
        }
        %eq3A_842 = arith.constant 16 : i32
        %eq3A_843 = arith.cmpi eq, %add3A_838, %eq3A_842 : i32
        %jit3A_844 = arith.constant 0 : i32
        %select_n3A_845 = arith.select %eq3A_843, %jit3A_844, %add3A_838 : i32
        %swap3A_846 = arith.constant 3 : i32
        %swap3A_847 = arith.index_cast %swap3A_846 : i32 to index
        %swap3A_848 = memref.load %arg15[%swap3A_847] : memref<8xi32, #tpu.memory_space<smem>>
        memref.store %select_n3A_845, %arg15[%swap3A_847] : memref<8xi32, #tpu.memory_space<smem>>
        %while3A_849 = arith.constant 0 : i32
        scf.yield %while3A_849 : i32
      }
      %while3A_532 = arith.constant 1 : i32
      %while3A_533 = scf.for %while3A_769 = %while3A_529 to %while3A_525 step %while3A_532 iter_args(%while3A_770 = %while3A_531) -> (i32)  : i32 {
        %get3A_771 = arith.index_cast %while3A_769 : i32 to index
        %get3A_772 = tpu.vector_load %arg7[%get3A_771] {strides = array<i32>} : memref<16400xi32, #tpu.memory_space<vmem>>, vector<16xi32>,
        %slice3A_773 = vector.extract_strided_slice %get3A_772 {offsets = [0], sizes = [1], strides = [1]} : vector<16xi32> to vector<1xi32>
        %squeeze3A_774 = vector.extract %slice3A_773[0] : i32 from vector<1xi32>
        %get3A_775 = arith.index_cast %squeeze3A_774 : i32 to index
        %get3A_776 = tpu.vector_load %arg5[%get3A_775] {strides = array<i32>} : memref<16400xi32, #tpu.memory_space<vmem>>, vector<16xi32>,
        %slice3A_777 = vector.extract_strided_slice %get3A_776 {offsets = [0], sizes = [1], strides = [1]} : vector<16xi32> to vector<1xi32>
        %squeeze3A_778 = vector.extract %slice3A_777[0] : i32 from vector<1xi32>
        %and3A = arith.constant 127 : i32
        %and3A_779 = arith.andi %squeeze3A_778, %and3A : i32
        %get3A_780 = arith.constant 3 : i32
        %get3A_781 = arith.index_cast %get3A_780 : i32 to index
        %get3A_782 = memref.load %arg15[%get3A_781] : memref<8xi32, #tpu.memory_space<smem>>
        %add3A_783 = arith.constant 0 : i32
        %add3A_784 = vector.broadcast %add3A_783 : i32 to vector<16xi32>
        %add3A_785 = arith.addi %iota3A, %add3A_784 : vector<16xi32>
        %broadcast_in_dim3A_786 = vector.broadcast %and3A_779 : i32 to vector<16xi32>
        %gather3A = arith.constant 0 : i32
        %gather3A_787 = arith.constant 0 : i32
        %gather3A_788 = tpu.memref_slice %arg12[%while3A_522, %gather3A, %gather3A_787] : memref<6x64x128xf32, #tpu.memory_space<vmem>> -> memref<1x64x128xf32, #tpu.memory_space<vmem>>
        %gather3A_789 = tpu.memref_squeeze %gather3A_788 : memref<1x64x128xf32, #tpu.memory_space<vmem>> -> memref<64x128xf32, #tpu.memory_space<vmem>>
        %gather3A_790 = tpu.vector_load_idx %gather3A_789[%add3A_785, %broadcast_in_dim3A_786] : memref<64x128xf32, #tpu.memory_space<vmem>>[vector<16xi32>, vector<16xi32>], vector<16xf32>,
        %swap3A_791 = arith.index_cast %get3A_782 : i32 to index
        %swap3A_792 = arith.constant 0 : index
        %swap3A_793 = tpu.vector_load %arg13[%swap3A_791, %swap3A_792] {strides = array<i32>} : memref<16x128xf32, #tpu.memory_space<vmem>>, vector<16xf32>,
        tpu.vector_store %arg13[%swap3A_791, %swap3A_792], %gather3A_790 {strides = array<i32>} : memref<16x128xf32, #tpu.memory_space<vmem>>, vector<16xf32>,
        %add3A_794 = arith.constant 16 : i32
        %add3A_795 = vector.broadcast %add3A_794 : i32 to vector<16xi32>
        %add3A_796 = arith.addi %iota3A, %add3A_795 : vector<16xi32>
        %broadcast_in_dim3A_797 = vector.broadcast %and3A_779 : i32 to vector<16xi32>
        %gather3A_798 = arith.constant 0 : i32
        %gather3A_799 = arith.constant 0 : i32
        %gather3A_800 = tpu.memref_slice %arg12[%while3A_522, %gather3A_798, %gather3A_799] : memref<6x64x128xf32, #tpu.memory_space<vmem>> -> memref<1x64x128xf32, #tpu.memory_space<vmem>>
        %gather3A_801 = tpu.memref_squeeze %gather3A_800 : memref<1x64x128xf32, #tpu.memory_space<vmem>> -> memref<64x128xf32, #tpu.memory_space<vmem>>
        %gather3A_802 = tpu.vector_load_idx %gather3A_801[%add3A_796, %broadcast_in_dim3A_797] : memref<64x128xf32, #tpu.memory_space<vmem>>[vector<16xi32>, vector<16xi32>], vector<16xf32>,
        %swap3A_803 = arith.index_cast %get3A_782 : i32 to index
        %swap3A_804 = arith.constant 16 : index
        %swap3A_805 = tpu.vector_load %arg13[%swap3A_803, %swap3A_804] {strides = array<i32>} : memref<16x128xf32, #tpu.memory_space<vmem>>, vector<16xf32>,
        tpu.vector_store %arg13[%swap3A_803, %swap3A_804], %gather3A_802 {strides = array<i32>} : memref<16x128xf32, #tpu.memory_space<vmem>>, vector<16xf32>,
        %add3A_806 = arith.constant 32 : i32
        %add3A_807 = vector.broadcast %add3A_806 : i32 to vector<16xi32>
        %add3A_808 = arith.addi %iota3A, %add3A_807 : vector<16xi32>
        %broadcast_in_dim3A_809 = vector.broadcast %and3A_779 : i32 to vector<16xi32>
        %gather3A_810 = arith.constant 0 : i32
        %gather3A_811 = arith.constant 0 : i32
        %gather3A_812 = tpu.memref_slice %arg12[%while3A_522, %gather3A_810, %gather3A_811] : memref<6x64x128xf32, #tpu.memory_space<vmem>> -> memref<1x64x128xf32, #tpu.memory_space<vmem>>
        %gather3A_813 = tpu.memref_squeeze %gather3A_812 : memref<1x64x128xf32, #tpu.memory_space<vmem>> -> memref<64x128xf32, #tpu.memory_space<vmem>>
        %gather3A_814 = tpu.vector_load_idx %gather3A_813[%add3A_808, %broadcast_in_dim3A_809] : memref<64x128xf32, #tpu.memory_space<vmem>>[vector<16xi32>, vector<16xi32>], vector<16xf32>,
        %swap3A_815 = arith.index_cast %get3A_782 : i32 to index
        %swap3A_816 = arith.constant 32 : index
        %swap3A_817 = tpu.vector_load %arg13[%swap3A_815, %swap3A_816] {strides = array<i32>} : memref<16x128xf32, #tpu.memory_space<vmem>>, vector<16xf32>,
        tpu.vector_store %arg13[%swap3A_815, %swap3A_816], %gather3A_814 {strides = array<i32>} : memref<16x128xf32, #tpu.memory_space<vmem>>, vector<16xf32>,
        %add3A_818 = arith.constant 48 : i32
        %add3A_819 = vector.broadcast %add3A_818 : i32 to vector<16xi32>
        %add3A_820 = arith.addi %iota3A, %add3A_819 : vector<16xi32>
        %broadcast_in_dim3A_821 = vector.broadcast %and3A_779 : i32 to vector<16xi32>
        %gather3A_822 = arith.constant 0 : i32
        %gather3A_823 = arith.constant 0 : i32
        %gather3A_824 = tpu.memref_slice %arg12[%while3A_522, %gather3A_822, %gather3A_823] : memref<6x64x128xf32, #tpu.memory_space<vmem>> -> memref<1x64x128xf32, #tpu.memory_space<vmem>>
        %gather3A_825 = tpu.memref_squeeze %gather3A_824 : memref<1x64x128xf32, #tpu.memory_space<vmem>> -> memref<64x128xf32, #tpu.memory_space<vmem>>
        %gather3A_826 = tpu.vector_load_idx %gather3A_825[%add3A_820, %broadcast_in_dim3A_821] : memref<64x128xf32, #tpu.memory_space<vmem>>[vector<16xi32>, vector<16xi32>], vector<16xf32>,
        %swap3A_827 = arith.index_cast %get3A_782 : i32 to index
        %swap3A_828 = arith.constant 48 : index
        %swap3A_829 = tpu.vector_load %arg13[%swap3A_827, %swap3A_828] {strides = array<i32>} : memref<16x128xf32, #tpu.memory_space<vmem>>, vector<16xf32>,
        tpu.vector_store %arg13[%swap3A_827, %swap3A_828], %gather3A_826 {strides = array<i32>} : memref<16x128xf32, #tpu.memory_space<vmem>>, vector<16xf32>,
        %eq3A = vector.broadcast %get3A_782 : i32 to vector<16xi32>
        %eq3A_830 = arith.cmpi eq, %iota3A, %eq3A : vector<16xi32>
        %broadcast_in_dim3A_831 = vector.broadcast %squeeze3A_774 : i32 to vector<16xi32>
        %get3A_832 = arith.constant 0 : index
        %get3A_833 = tpu.vector_load %arg14[%get3A_832] {strides = array<i32>} : memref<16xi32, #tpu.memory_space<vmem>>, vector<16xi32>,
        %select_n3A_834 = arith.select %eq3A_830, %broadcast_in_dim3A_831, %get3A_833 : vector<16xi1>, vector<16xi32>
        %swap3A_835 = arith.constant 0 : index
        %swap3A_836 = tpu.vector_load %arg14[%swap3A_835] {strides = array<i32>} : memref<16xi32, #tpu.memory_space<vmem>>, vector<16xi32>,
        tpu.vector_store %arg14[%swap3A_835], %select_n3A_834 {strides = array<i32>} : memref<16xi32, #tpu.memory_space<vmem>>, vector<16xi32>,
        %add3A_837 = arith.constant 1 : i32
        %add3A_838 = arith.addi %get3A_782, %add3A_837 : i32
        %eq3A_839 = arith.constant 16 : i32
        %eq3A_840 = arith.cmpi eq, %add3A_838, %eq3A_839 : i32
        %convert_element_type3A = arith.extui %eq3A_840 : i1 to i32
        %cond3A = arith.constant 0 : i32
        %cond3A_841 = arith.cmpi ne, %convert_element_type3A, %cond3A : i32
        scf.if %cond3A_841 {
          %dma_start3A_850 = arith.constant 0 : i32
          %dma_start3A_851 = arith.constant 0 : i32
          %dma_start3A_852 = tpu.memref_slice %arg4[%dma_start3A_850, %dma_start3A_851] : memref<16896x128xf32, #tpu.memory_space<hbm>> -> memref<16896x128xf32, #tpu.memory_space<hbm>>
          tpu.enqueue_indirect_dma source(%arg13 : memref<16x128xf32, #tpu.memory_space<vmem>>) target(%dma_start3A_852 : memref<16896x128xf32, #tpu.memory_space<hbm>>) offsets(%arg14 : memref<16xi32, #tpu.memory_space<vmem>>) semaphore(%arg22 : memref<!tpu.dma_semaphore, #tpu.memory_space<semaphore_mem>>)
          %dma_wait3A_853 = arith.constant 0 : i32
          %dma_wait3A_854 = arith.constant 0 : i32
          %dma_wait3A_855 = tpu.memref_slice %arg4[%dma_wait3A_853, %dma_wait3A_854] : memref<16896x128xf32, #tpu.memory_space<hbm>> -> memref<16896x128xf32, #tpu.memory_space<hbm>>
          tpu.wait_indirect_dma semaphore(%arg22 : memref<!tpu.dma_semaphore, #tpu.memory_space<semaphore_mem>>) src(%arg13 : memref<16x128xf32, #tpu.memory_space<vmem>>) dst(%dma_wait3A_855 : memref<16896x128xf32, #tpu.memory_space<hbm>>)
        } else {
        }
        %eq3A_842 = arith.constant 16 : i32
        %eq3A_843 = arith.cmpi eq, %add3A_838, %eq3A_842 : i32
        %jit3A_844 = arith.constant 0 : i32
        %select_n3A_845 = arith.select %eq3A_843, %jit3A_844, %add3A_838 : i32
        %swap3A_846 = arith.constant 3 : i32
        %swap3A_847 = arith.index_cast %swap3A_846 : i32 to index
        %swap3A_848 = memref.load %arg15[%swap3A_847] : memref<8xi32, #tpu.memory_space<smem>>
        memref.store %select_n3A_845, %arg15[%swap3A_847] : memref<8xi32, #tpu.memory_space<smem>>
        %while3A_849 = arith.constant 0 : i32
        scf.yield %while3A_849 : i32
      }
      %add3A_534 = arith.constant 6 : i32
      %add3A_535 = arith.addi %add3A_491, %add3A_534 : i32
      %min3A_536 = arith.constant 271 : i32
      %min3A_537 = arith.minsi %add3A_535, %min3A_536 : i32
      %get3A_538 = arith.index_cast %min3A_537 : i32 to index
      %get3A_539 = tpu.vector_load %arg11[%get3A_538] {strides = array<i32>} : memref<288xi32, #tpu.memory_space<vmem>>, vector<16xi32>,
      %slice3A_540 = vector.extract_strided_slice %get3A_539 {offsets = [0], sizes = [1], strides = [1]} : vector<16xi32> to vector<1xi32>
      %squeeze3A_541 = vector.extract %slice3A_540[0] : i32 from vector<1xi32>
      %add3A_542 = arith.addi %add3A_4, %squeeze3A_541 : i32
      %mul3A_543 = arith.constant 128 : i32
      %mul3A_544 = arith.muli %add3A_542, %mul3A_543 : i32
      %dma_start3A_545 = arith.constant 2 : i32
      %dma_start3A_546 = arith.constant 0 : i32
      %dma_start3A_547 = arith.constant 0 : i32
      %dma_start3A_548 = tpu.memref_slice %arg12[%dma_start3A_545, %dma_start3A_546, %dma_start3A_547] : memref<6x64x128xf32, #tpu.memory_space<vmem>> -> memref<1x64x128xf32, #tpu.memory_space<vmem>>
      %dma_start3A_549 = tpu.memref_squeeze %dma_start3A_548 : memref<1x64x128xf32, #tpu.memory_space<vmem>> -> memref<64x128xf32, #tpu.memory_space<vmem>>
      %dma_start3A_550 = arith.constant 0 : i32
      %dma_start3A_551 = tpu.memref_slice %arg2[%dma_start3A_550, %mul3A_544] : memref<64x1000000xf32, #tpu.memory_space<hbm>> -> memref<64x128xf32, #tpu.memory_space<hbm>>
      %dma_start3A_552 = arith.constant 0 : i32
      %dma_start3A_553 = arith.constant 0 : i32
      %dma_start3A_554 = tpu.memref_slice %arg12[%dma_start3A_545, %dma_start3A_552, %dma_start3A_553] : memref<6x64x128xf32, #tpu.memory_space<vmem>> -> memref<1x64x128xf32, #tpu.memory_space<vmem>>
      %dma_start3A_555 = tpu.memref_squeeze %dma_start3A_554 : memref<1x64x128xf32, #tpu.memory_space<vmem>> -> memref<64x128xf32, #tpu.memory_space<vmem>>
      %dma_start3A_556 = arith.constant 0 : i32
      %dma_start3A_557 = tpu.memref_slice %arg2[%dma_start3A_556, %mul3A_544] : memref<64x1000000xf32, #tpu.memory_space<hbm>> -> memref<64x128xf32, #tpu.memory_space<hbm>>
      tpu.enqueue_dma source(%dma_start3A_557 : memref<64x128xf32, #tpu.memory_space<hbm>>) target(%dma_start3A_555 : memref<64x128xf32, #tpu.memory_space<vmem>>) target_semaphore(%arg18 : memref<!tpu.dma_semaphore, #tpu.memory_space<semaphore_mem>>)
      %mul3A_558 = arith.constant 6 : i32
      %mul3A_559 = arith.muli %while3A_346, %mul3A_558 : i32
      %add3A_560 = arith.constant 3 : i32
      %add3A_561 = arith.addi %mul3A_559, %add3A_560 : i32
      %dma_wait3A_562 = arith.constant 3 : i32
      %dma_wait3A_563 = arith.constant 0 : i32
      %dma_wait3A_564 = arith.constant 0 : i32
      %dma_wait3A_565 = tpu.memref_slice %arg12[%dma_wait3A_562, %dma_wait3A_563, %dma_wait3A_564] : memref<6x64x128xf32, #tpu.memory_space<vmem>> -> memref<1x64x128xf32, #tpu.memory_space<vmem>>
      %dma_wait3A_566 = tpu.memref_squeeze %dma_wait3A_565 : memref<1x64x128xf32, #tpu.memory_space<vmem>> -> memref<64x128xf32, #tpu.memory_space<vmem>>
      %dma_wait3A_567 = arith.constant 0 : i32
      %dma_wait3A_568 = arith.constant 0 : i32
      %dma_wait3A_569 = tpu.memref_slice %arg2[%dma_wait3A_567, %dma_wait3A_568] : memref<64x1000000xf32, #tpu.memory_space<hbm>> -> memref<64x128xf32, #tpu.memory_space<hbm>>
      %dma_wait3A_570 = arith.constant 0 : i32
      %dma_wait3A_571 = arith.constant 0 : i32
      %dma_wait3A_572 = tpu.memref_slice %arg12[%dma_wait3A_562, %dma_wait3A_570, %dma_wait3A_571] : memref<6x64x128xf32, #tpu.memory_space<vmem>> -> memref<1x64x128xf32, #tpu.memory_space<vmem>>
      %dma_wait3A_573 = tpu.memref_squeeze %dma_wait3A_572 : memref<1x64x128xf32, #tpu.memory_space<vmem>> -> memref<64x128xf32, #tpu.memory_space<vmem>>
      %dma_wait3A_574 = arith.constant 0 : i32
      %dma_wait3A_575 = arith.constant 0 : i32
      %dma_wait3A_576 = tpu.memref_slice %arg2[%dma_wait3A_574, %dma_wait3A_575] : memref<64x1000000xf32, #tpu.memory_space<hbm>> -> memref<64x128xf32, #tpu.memory_space<hbm>>
      tpu.wait_dma2 semaphore(%arg19 : memref<!tpu.dma_semaphore, #tpu.memory_space<semaphore_mem>>) src(%dma_wait3A_576 : memref<64x128xf32, #tpu.memory_space<hbm>>) dst(%dma_wait3A_573 : memref<64x128xf32, #tpu.memory_space<vmem>>)
      %min3A_577 = arith.constant 271 : i32
      %min3A_578 = arith.minsi %add3A_561, %min3A_577 : i32
      %get3A_579 = arith.index_cast %min3A_578 : i32 to index
      %get3A_580 = tpu.vector_load %arg11[%get3A_579] {strides = array<i32>} : memref<288xi32, #tpu.memory_space<vmem>>, vector<16xi32>,
      %slice3A_581 = vector.extract_strided_slice %get3A_580 {offsets = [0], sizes = [1], strides = [1]} : vector<16xi32> to vector<1xi32>
      %squeeze3A_582 = vector.extract %slice3A_581[0] : i32 from vector<1xi32>
      %get3A_583 = arith.index_cast %squeeze3A_582 : i32 to index
      %get3A_584 = tpu.vector_load %arg9[%get3A_583] {strides = array<i32>} : memref<288xi32, #tpu.memory_space<vmem>>, vector<16xi32>,
      %slice3A_585 = vector.extract_strided_slice %get3A_584 {offsets = [0], sizes = [1], strides = [1]} : vector<16xi32> to vector<1xi32>
      %squeeze3A_586 = vector.extract %slice3A_585[0] : i32 from vector<1xi32>
      %get3A_587 = arith.index_cast %squeeze3A_582 : i32 to index
      %get3A_588 = tpu.vector_load %arg8[%get3A_587] {strides = array<i32>} : memref<288xi32, #tpu.memory_space<vmem>>, vector<16xi32>,
      %slice3A_589 = vector.extract_strided_slice %get3A_588 {offsets = [0], sizes = [1], strides = [1]} : vector<16xi32> to vector<1xi32>
      %squeeze3A_590 = vector.extract %slice3A_589[0] : i32 from vector<1xi32>
      %add3A_591 = arith.addi %squeeze3A_586, %squeeze3A_590 : i32
      %while3A_592 = arith.constant 3 : i32
      %while3A_593 = arith.constant 0 : i32
      %while3A_594 = arith.subi %add3A_591, %squeeze3A_586 : i32
      %while3A_595 = arith.addi %squeeze3A_586, %while3A_594 : i32
      %while3A_596 = arith.constant 1 : i32
      %while3A_597 = arith.divsi %while3A_594, %while3A_596 : i32
      %while3A_598 = arith.muli %while3A_597, %while3A_596 : i32
      %while3A_599 = arith.addi %squeeze3A_586, %while3A_598 : i32
      %while3A_600 = arith.constant 1 : i32
      %while3A_601 = scf.for %while3A_769 = %squeeze3A_586 to %while3A_599 step %while3A_600 iter_args(%while3A_770 = %while3A_593) -> (i32)  : i32 {
        %get3A_771 = arith.index_cast %while3A_769 : i32 to index
        %get3A_772 = tpu.vector_load %arg7[%get3A_771] {strides = array<i32>} : memref<16400xi32, #tpu.memory_space<vmem>>, vector<16xi32>,
        %slice3A_773 = vector.extract_strided_slice %get3A_772 {offsets = [0], sizes = [1], strides = [1]} : vector<16xi32> to vector<1xi32>
        %squeeze3A_774 = vector.extract %slice3A_773[0] : i32 from vector<1xi32>
        %get3A_775 = arith.index_cast %squeeze3A_774 : i32 to index
        %get3A_776 = tpu.vector_load %arg5[%get3A_775] {strides = array<i32>} : memref<16400xi32, #tpu.memory_space<vmem>>, vector<16xi32>,
        %slice3A_777 = vector.extract_strided_slice %get3A_776 {offsets = [0], sizes = [1], strides = [1]} : vector<16xi32> to vector<1xi32>
        %squeeze3A_778 = vector.extract %slice3A_777[0] : i32 from vector<1xi32>
        %and3A = arith.constant 127 : i32
        %and3A_779 = arith.andi %squeeze3A_778, %and3A : i32
        %get3A_780 = arith.constant 3 : i32
        %get3A_781 = arith.index_cast %get3A_780 : i32 to index
        %get3A_782 = memref.load %arg15[%get3A_781] : memref<8xi32, #tpu.memory_space<smem>>
        %add3A_783 = arith.constant 0 : i32
        %add3A_784 = vector.broadcast %add3A_783 : i32 to vector<16xi32>
        %add3A_785 = arith.addi %iota3A, %add3A_784 : vector<16xi32>
        %broadcast_in_dim3A_786 = vector.broadcast %and3A_779 : i32 to vector<16xi32>
        %gather3A = arith.constant 0 : i32
        %gather3A_787 = arith.constant 0 : i32
        %gather3A_788 = tpu.memref_slice %arg12[%while3A_592, %gather3A, %gather3A_787] : memref<6x64x128xf32, #tpu.memory_space<vmem>> -> memref<1x64x128xf32, #tpu.memory_space<vmem>>
        %gather3A_789 = tpu.memref_squeeze %gather3A_788 : memref<1x64x128xf32, #tpu.memory_space<vmem>> -> memref<64x128xf32, #tpu.memory_space<vmem>>
        %gather3A_790 = tpu.vector_load_idx %gather3A_789[%add3A_785, %broadcast_in_dim3A_786] : memref<64x128xf32, #tpu.memory_space<vmem>>[vector<16xi32>, vector<16xi32>], vector<16xf32>,
        %swap3A_791 = arith.index_cast %get3A_782 : i32 to index
        %swap3A_792 = arith.constant 0 : index
        %swap3A_793 = tpu.vector_load %arg13[%swap3A_791, %swap3A_792] {strides = array<i32>} : memref<16x128xf32, #tpu.memory_space<vmem>>, vector<16xf32>,
        tpu.vector_store %arg13[%swap3A_791, %swap3A_792], %gather3A_790 {strides = array<i32>} : memref<16x128xf32, #tpu.memory_space<vmem>>, vector<16xf32>,
        %add3A_794 = arith.constant 16 : i32
        %add3A_795 = vector.broadcast %add3A_794 : i32 to vector<16xi32>
        %add3A_796 = arith.addi %iota3A, %add3A_795 : vector<16xi32>
        %broadcast_in_dim3A_797 = vector.broadcast %and3A_779 : i32 to vector<16xi32>
        %gather3A_798 = arith.constant 0 : i32
        %gather3A_799 = arith.constant 0 : i32
        %gather3A_800 = tpu.memref_slice %arg12[%while3A_592, %gather3A_798, %gather3A_799] : memref<6x64x128xf32, #tpu.memory_space<vmem>> -> memref<1x64x128xf32, #tpu.memory_space<vmem>>
        %gather3A_801 = tpu.memref_squeeze %gather3A_800 : memref<1x64x128xf32, #tpu.memory_space<vmem>> -> memref<64x128xf32, #tpu.memory_space<vmem>>
        %gather3A_802 = tpu.vector_load_idx %gather3A_801[%add3A_796, %broadcast_in_dim3A_797] : memref<64x128xf32, #tpu.memory_space<vmem>>[vector<16xi32>, vector<16xi32>], vector<16xf32>,
        %swap3A_803 = arith.index_cast %get3A_782 : i32 to index
        %swap3A_804 = arith.constant 16 : index
        %swap3A_805 = tpu.vector_load %arg13[%swap3A_803, %swap3A_804] {strides = array<i32>} : memref<16x128xf32, #tpu.memory_space<vmem>>, vector<16xf32>,
        tpu.vector_store %arg13[%swap3A_803, %swap3A_804], %gather3A_802 {strides = array<i32>} : memref<16x128xf32, #tpu.memory_space<vmem>>, vector<16xf32>,
        %add3A_806 = arith.constant 32 : i32
        %add3A_807 = vector.broadcast %add3A_806 : i32 to vector<16xi32>
        %add3A_808 = arith.addi %iota3A, %add3A_807 : vector<16xi32>
        %broadcast_in_dim3A_809 = vector.broadcast %and3A_779 : i32 to vector<16xi32>
        %gather3A_810 = arith.constant 0 : i32
        %gather3A_811 = arith.constant 0 : i32
        %gather3A_812 = tpu.memref_slice %arg12[%while3A_592, %gather3A_810, %gather3A_811] : memref<6x64x128xf32, #tpu.memory_space<vmem>> -> memref<1x64x128xf32, #tpu.memory_space<vmem>>
        %gather3A_813 = tpu.memref_squeeze %gather3A_812 : memref<1x64x128xf32, #tpu.memory_space<vmem>> -> memref<64x128xf32, #tpu.memory_space<vmem>>
        %gather3A_814 = tpu.vector_load_idx %gather3A_813[%add3A_808, %broadcast_in_dim3A_809] : memref<64x128xf32, #tpu.memory_space<vmem>>[vector<16xi32>, vector<16xi32>], vector<16xf32>,
        %swap3A_815 = arith.index_cast %get3A_782 : i32 to index
        %swap3A_816 = arith.constant 32 : index
        %swap3A_817 = tpu.vector_load %arg13[%swap3A_815, %swap3A_816] {strides = array<i32>} : memref<16x128xf32, #tpu.memory_space<vmem>>, vector<16xf32>,
        tpu.vector_store %arg13[%swap3A_815, %swap3A_816], %gather3A_814 {strides = array<i32>} : memref<16x128xf32, #tpu.memory_space<vmem>>, vector<16xf32>,
        %add3A_818 = arith.constant 48 : i32
        %add3A_819 = vector.broadcast %add3A_818 : i32 to vector<16xi32>
        %add3A_820 = arith.addi %iota3A, %add3A_819 : vector<16xi32>
        %broadcast_in_dim3A_821 = vector.broadcast %and3A_779 : i32 to vector<16xi32>
        %gather3A_822 = arith.constant 0 : i32
        %gather3A_823 = arith.constant 0 : i32
        %gather3A_824 = tpu.memref_slice %arg12[%while3A_592, %gather3A_822, %gather3A_823] : memref<6x64x128xf32, #tpu.memory_space<vmem>> -> memref<1x64x128xf32, #tpu.memory_space<vmem>>
        %gather3A_825 = tpu.memref_squeeze %gather3A_824 : memref<1x64x128xf32, #tpu.memory_space<vmem>> -> memref<64x128xf32, #tpu.memory_space<vmem>>
        %gather3A_826 = tpu.vector_load_idx %gather3A_825[%add3A_820, %broadcast_in_dim3A_821] : memref<64x128xf32, #tpu.memory_space<vmem>>[vector<16xi32>, vector<16xi32>], vector<16xf32>,
        %swap3A_827 = arith.index_cast %get3A_782 : i32 to index
        %swap3A_828 = arith.constant 48 : index
        %swap3A_829 = tpu.vector_load %arg13[%swap3A_827, %swap3A_828] {strides = array<i32>} : memref<16x128xf32, #tpu.memory_space<vmem>>, vector<16xf32>,
        tpu.vector_store %arg13[%swap3A_827, %swap3A_828], %gather3A_826 {strides = array<i32>} : memref<16x128xf32, #tpu.memory_space<vmem>>, vector<16xf32>,
        %eq3A = vector.broadcast %get3A_782 : i32 to vector<16xi32>
        %eq3A_830 = arith.cmpi eq, %iota3A, %eq3A : vector<16xi32>
        %broadcast_in_dim3A_831 = vector.broadcast %squeeze3A_774 : i32 to vector<16xi32>
        %get3A_832 = arith.constant 0 : index
        %get3A_833 = tpu.vector_load %arg14[%get3A_832] {strides = array<i32>} : memref<16xi32, #tpu.memory_space<vmem>>, vector<16xi32>,
        %select_n3A_834 = arith.select %eq3A_830, %broadcast_in_dim3A_831, %get3A_833 : vector<16xi1>, vector<16xi32>
        %swap3A_835 = arith.constant 0 : index
        %swap3A_836 = tpu.vector_load %arg14[%swap3A_835] {strides = array<i32>} : memref<16xi32, #tpu.memory_space<vmem>>, vector<16xi32>,
        tpu.vector_store %arg14[%swap3A_835], %select_n3A_834 {strides = array<i32>} : memref<16xi32, #tpu.memory_space<vmem>>, vector<16xi32>,
        %add3A_837 = arith.constant 1 : i32
        %add3A_838 = arith.addi %get3A_782, %add3A_837 : i32
        %eq3A_839 = arith.constant 16 : i32
        %eq3A_840 = arith.cmpi eq, %add3A_838, %eq3A_839 : i32
        %convert_element_type3A = arith.extui %eq3A_840 : i1 to i32
        %cond3A = arith.constant 0 : i32
        %cond3A_841 = arith.cmpi ne, %convert_element_type3A, %cond3A : i32
        scf.if %cond3A_841 {
          %dma_start3A_850 = arith.constant 0 : i32
          %dma_start3A_851 = arith.constant 0 : i32
          %dma_start3A_852 = tpu.memref_slice %arg4[%dma_start3A_850, %dma_start3A_851] : memref<16896x128xf32, #tpu.memory_space<hbm>> -> memref<16896x128xf32, #tpu.memory_space<hbm>>
          tpu.enqueue_indirect_dma source(%arg13 : memref<16x128xf32, #tpu.memory_space<vmem>>) target(%dma_start3A_852 : memref<16896x128xf32, #tpu.memory_space<hbm>>) offsets(%arg14 : memref<16xi32, #tpu.memory_space<vmem>>) semaphore(%arg22 : memref<!tpu.dma_semaphore, #tpu.memory_space<semaphore_mem>>)
          %dma_wait3A_853 = arith.constant 0 : i32
          %dma_wait3A_854 = arith.constant 0 : i32
          %dma_wait3A_855 = tpu.memref_slice %arg4[%dma_wait3A_853, %dma_wait3A_854] : memref<16896x128xf32, #tpu.memory_space<hbm>> -> memref<16896x128xf32, #tpu.memory_space<hbm>>
          tpu.wait_indirect_dma semaphore(%arg22 : memref<!tpu.dma_semaphore, #tpu.memory_space<semaphore_mem>>) src(%arg13 : memref<16x128xf32, #tpu.memory_space<vmem>>) dst(%dma_wait3A_855 : memref<16896x128xf32, #tpu.memory_space<hbm>>)
        } else {
        }
        %eq3A_842 = arith.constant 16 : i32
        %eq3A_843 = arith.cmpi eq, %add3A_838, %eq3A_842 : i32
        %jit3A_844 = arith.constant 0 : i32
        %select_n3A_845 = arith.select %eq3A_843, %jit3A_844, %add3A_838 : i32
        %swap3A_846 = arith.constant 3 : i32
        %swap3A_847 = arith.index_cast %swap3A_846 : i32 to index
        %swap3A_848 = memref.load %arg15[%swap3A_847] : memref<8xi32, #tpu.memory_space<smem>>
        memref.store %select_n3A_845, %arg15[%swap3A_847] : memref<8xi32, #tpu.memory_space<smem>>
        %while3A_849 = arith.constant 0 : i32
        scf.yield %while3A_849 : i32
      }
      %while3A_602 = arith.constant 1 : i32
      %while3A_603 = scf.for %while3A_769 = %while3A_599 to %while3A_595 step %while3A_602 iter_args(%while3A_770 = %while3A_601) -> (i32)  : i32 {
        %get3A_771 = arith.index_cast %while3A_769 : i32 to index
        %get3A_772 = tpu.vector_load %arg7[%get3A_771] {strides = array<i32>} : memref<16400xi32, #tpu.memory_space<vmem>>, vector<16xi32>,
        %slice3A_773 = vector.extract_strided_slice %get3A_772 {offsets = [0], sizes = [1], strides = [1]} : vector<16xi32> to vector<1xi32>
        %squeeze3A_774 = vector.extract %slice3A_773[0] : i32 from vector<1xi32>
        %get3A_775 = arith.index_cast %squeeze3A_774 : i32 to index
        %get3A_776 = tpu.vector_load %arg5[%get3A_775] {strides = array<i32>} : memref<16400xi32, #tpu.memory_space<vmem>>, vector<16xi32>,
        %slice3A_777 = vector.extract_strided_slice %get3A_776 {offsets = [0], sizes = [1], strides = [1]} : vector<16xi32> to vector<1xi32>
        %squeeze3A_778 = vector.extract %slice3A_777[0] : i32 from vector<1xi32>
        %and3A = arith.constant 127 : i32
        %and3A_779 = arith.andi %squeeze3A_778, %and3A : i32
        %get3A_780 = arith.constant 3 : i32
        %get3A_781 = arith.index_cast %get3A_780 : i32 to index
        %get3A_782 = memref.load %arg15[%get3A_781] : memref<8xi32, #tpu.memory_space<smem>>
        %add3A_783 = arith.constant 0 : i32
        %add3A_784 = vector.broadcast %add3A_783 : i32 to vector<16xi32>
        %add3A_785 = arith.addi %iota3A, %add3A_784 : vector<16xi32>
        %broadcast_in_dim3A_786 = vector.broadcast %and3A_779 : i32 to vector<16xi32>
        %gather3A = arith.constant 0 : i32
        %gather3A_787 = arith.constant 0 : i32
        %gather3A_788 = tpu.memref_slice %arg12[%while3A_592, %gather3A, %gather3A_787] : memref<6x64x128xf32, #tpu.memory_space<vmem>> -> memref<1x64x128xf32, #tpu.memory_space<vmem>>
        %gather3A_789 = tpu.memref_squeeze %gather3A_788 : memref<1x64x128xf32, #tpu.memory_space<vmem>> -> memref<64x128xf32, #tpu.memory_space<vmem>>
        %gather3A_790 = tpu.vector_load_idx %gather3A_789[%add3A_785, %broadcast_in_dim3A_786] : memref<64x128xf32, #tpu.memory_space<vmem>>[vector<16xi32>, vector<16xi32>], vector<16xf32>,
        %swap3A_791 = arith.index_cast %get3A_782 : i32 to index
        %swap3A_792 = arith.constant 0 : index
        %swap3A_793 = tpu.vector_load %arg13[%swap3A_791, %swap3A_792] {strides = array<i32>} : memref<16x128xf32, #tpu.memory_space<vmem>>, vector<16xf32>,
        tpu.vector_store %arg13[%swap3A_791, %swap3A_792], %gather3A_790 {strides = array<i32>} : memref<16x128xf32, #tpu.memory_space<vmem>>, vector<16xf32>,
        %add3A_794 = arith.constant 16 : i32
        %add3A_795 = vector.broadcast %add3A_794 : i32 to vector<16xi32>
        %add3A_796 = arith.addi %iota3A, %add3A_795 : vector<16xi32>
        %broadcast_in_dim3A_797 = vector.broadcast %and3A_779 : i32 to vector<16xi32>
        %gather3A_798 = arith.constant 0 : i32
        %gather3A_799 = arith.constant 0 : i32
        %gather3A_800 = tpu.memref_slice %arg12[%while3A_592, %gather3A_798, %gather3A_799] : memref<6x64x128xf32, #tpu.memory_space<vmem>> -> memref<1x64x128xf32, #tpu.memory_space<vmem>>
        %gather3A_801 = tpu.memref_squeeze %gather3A_800 : memref<1x64x128xf32, #tpu.memory_space<vmem>> -> memref<64x128xf32, #tpu.memory_space<vmem>>
        %gather3A_802 = tpu.vector_load_idx %gather3A_801[%add3A_796, %broadcast_in_dim3A_797] : memref<64x128xf32, #tpu.memory_space<vmem>>[vector<16xi32>, vector<16xi32>], vector<16xf32>,
        %swap3A_803 = arith.index_cast %get3A_782 : i32 to index
        %swap3A_804 = arith.constant 16 : index
        %swap3A_805 = tpu.vector_load %arg13[%swap3A_803, %swap3A_804] {strides = array<i32>} : memref<16x128xf32, #tpu.memory_space<vmem>>, vector<16xf32>,
        tpu.vector_store %arg13[%swap3A_803, %swap3A_804], %gather3A_802 {strides = array<i32>} : memref<16x128xf32, #tpu.memory_space<vmem>>, vector<16xf32>,
        %add3A_806 = arith.constant 32 : i32
        %add3A_807 = vector.broadcast %add3A_806 : i32 to vector<16xi32>
        %add3A_808 = arith.addi %iota3A, %add3A_807 : vector<16xi32>
        %broadcast_in_dim3A_809 = vector.broadcast %and3A_779 : i32 to vector<16xi32>
        %gather3A_810 = arith.constant 0 : i32
        %gather3A_811 = arith.constant 0 : i32
        %gather3A_812 = tpu.memref_slice %arg12[%while3A_592, %gather3A_810, %gather3A_811] : memref<6x64x128xf32, #tpu.memory_space<vmem>> -> memref<1x64x128xf32, #tpu.memory_space<vmem>>
        %gather3A_813 = tpu.memref_squeeze %gather3A_812 : memref<1x64x128xf32, #tpu.memory_space<vmem>> -> memref<64x128xf32, #tpu.memory_space<vmem>>
        %gather3A_814 = tpu.vector_load_idx %gather3A_813[%add3A_808, %broadcast_in_dim3A_809] : memref<64x128xf32, #tpu.memory_space<vmem>>[vector<16xi32>, vector<16xi32>], vector<16xf32>,
        %swap3A_815 = arith.index_cast %get3A_782 : i32 to index
        %swap3A_816 = arith.constant 32 : index
        %swap3A_817 = tpu.vector_load %arg13[%swap3A_815, %swap3A_816] {strides = array<i32>} : memref<16x128xf32, #tpu.memory_space<vmem>>, vector<16xf32>,
        tpu.vector_store %arg13[%swap3A_815, %swap3A_816], %gather3A_814 {strides = array<i32>} : memref<16x128xf32, #tpu.memory_space<vmem>>, vector<16xf32>,
        %add3A_818 = arith.constant 48 : i32
        %add3A_819 = vector.broadcast %add3A_818 : i32 to vector<16xi32>
        %add3A_820 = arith.addi %iota3A, %add3A_819 : vector<16xi32>
        %broadcast_in_dim3A_821 = vector.broadcast %and3A_779 : i32 to vector<16xi32>
        %gather3A_822 = arith.constant 0 : i32
        %gather3A_823 = arith.constant 0 : i32
        %gather3A_824 = tpu.memref_slice %arg12[%while3A_592, %gather3A_822, %gather3A_823] : memref<6x64x128xf32, #tpu.memory_space<vmem>> -> memref<1x64x128xf32, #tpu.memory_space<vmem>>
        %gather3A_825 = tpu.memref_squeeze %gather3A_824 : memref<1x64x128xf32, #tpu.memory_space<vmem>> -> memref<64x128xf32, #tpu.memory_space<vmem>>
        %gather3A_826 = tpu.vector_load_idx %gather3A_825[%add3A_820, %broadcast_in_dim3A_821] : memref<64x128xf32, #tpu.memory_space<vmem>>[vector<16xi32>, vector<16xi32>], vector<16xf32>,
        %swap3A_827 = arith.index_cast %get3A_782 : i32 to index
        %swap3A_828 = arith.constant 48 : index
        %swap3A_829 = tpu.vector_load %arg13[%swap3A_827, %swap3A_828] {strides = array<i32>} : memref<16x128xf32, #tpu.memory_space<vmem>>, vector<16xf32>,
        tpu.vector_store %arg13[%swap3A_827, %swap3A_828], %gather3A_826 {strides = array<i32>} : memref<16x128xf32, #tpu.memory_space<vmem>>, vector<16xf32>,
        %eq3A = vector.broadcast %get3A_782 : i32 to vector<16xi32>
        %eq3A_830 = arith.cmpi eq, %iota3A, %eq3A : vector<16xi32>
        %broadcast_in_dim3A_831 = vector.broadcast %squeeze3A_774 : i32 to vector<16xi32>
        %get3A_832 = arith.constant 0 : index
        %get3A_833 = tpu.vector_load %arg14[%get3A_832] {strides = array<i32>} : memref<16xi32, #tpu.memory_space<vmem>>, vector<16xi32>,
        %select_n3A_834 = arith.select %eq3A_830, %broadcast_in_dim3A_831, %get3A_833 : vector<16xi1>, vector<16xi32>
        %swap3A_835 = arith.constant 0 : index
        %swap3A_836 = tpu.vector_load %arg14[%swap3A_835] {strides = array<i32>} : memref<16xi32, #tpu.memory_space<vmem>>, vector<16xi32>,
        tpu.vector_store %arg14[%swap3A_835], %select_n3A_834 {strides = array<i32>} : memref<16xi32, #tpu.memory_space<vmem>>, vector<16xi32>,
        %add3A_837 = arith.constant 1 : i32
        %add3A_838 = arith.addi %get3A_782, %add3A_837 : i32
        %eq3A_839 = arith.constant 16 : i32
        %eq3A_840 = arith.cmpi eq, %add3A_838, %eq3A_839 : i32
        %convert_element_type3A = arith.extui %eq3A_840 : i1 to i32
        %cond3A = arith.constant 0 : i32
        %cond3A_841 = arith.cmpi ne, %convert_element_type3A, %cond3A : i32
        scf.if %cond3A_841 {
          %dma_start3A_850 = arith.constant 0 : i32
          %dma_start3A_851 = arith.constant 0 : i32
          %dma_start3A_852 = tpu.memref_slice %arg4[%dma_start3A_850, %dma_start3A_851] : memref<16896x128xf32, #tpu.memory_space<hbm>> -> memref<16896x128xf32, #tpu.memory_space<hbm>>
          tpu.enqueue_indirect_dma source(%arg13 : memref<16x128xf32, #tpu.memory_space<vmem>>) target(%dma_start3A_852 : memref<16896x128xf32, #tpu.memory_space<hbm>>) offsets(%arg14 : memref<16xi32, #tpu.memory_space<vmem>>) semaphore(%arg22 : memref<!tpu.dma_semaphore, #tpu.memory_space<semaphore_mem>>)
          %dma_wait3A_853 = arith.constant 0 : i32
          %dma_wait3A_854 = arith.constant 0 : i32
          %dma_wait3A_855 = tpu.memref_slice %arg4[%dma_wait3A_853, %dma_wait3A_854] : memref<16896x128xf32, #tpu.memory_space<hbm>> -> memref<16896x128xf32, #tpu.memory_space<hbm>>
          tpu.wait_indirect_dma semaphore(%arg22 : memref<!tpu.dma_semaphore, #tpu.memory_space<semaphore_mem>>) src(%arg13 : memref<16x128xf32, #tpu.memory_space<vmem>>) dst(%dma_wait3A_855 : memref<16896x128xf32, #tpu.memory_space<hbm>>)
        } else {
        }
        %eq3A_842 = arith.constant 16 : i32
        %eq3A_843 = arith.cmpi eq, %add3A_838, %eq3A_842 : i32
        %jit3A_844 = arith.constant 0 : i32
        %select_n3A_845 = arith.select %eq3A_843, %jit3A_844, %add3A_838 : i32
        %swap3A_846 = arith.constant 3 : i32
        %swap3A_847 = arith.index_cast %swap3A_846 : i32 to index
        %swap3A_848 = memref.load %arg15[%swap3A_847] : memref<8xi32, #tpu.memory_space<smem>>
        memref.store %select_n3A_845, %arg15[%swap3A_847] : memref<8xi32, #tpu.memory_space<smem>>
        %while3A_849 = arith.constant 0 : i32
        scf.yield %while3A_849 : i32
      }
      %add3A_604 = arith.constant 6 : i32
      %add3A_605 = arith.addi %add3A_561, %add3A_604 : i32
      %min3A_606 = arith.constant 271 : i32
      %min3A_607 = arith.minsi %add3A_605, %min3A_606 : i32
      %get3A_608 = arith.index_cast %min3A_607 : i32 to index
      %get3A_609 = tpu.vector_load %arg11[%get3A_608] {strides = array<i32>} : memref<288xi32, #tpu.memory_space<vmem>>, vector<16xi32>,
      %slice3A_610 = vector.extract_strided_slice %get3A_609 {offsets = [0], sizes = [1], strides = [1]} : vector<16xi32> to vector<1xi32>
      %squeeze3A_611 = vector.extract %slice3A_610[0] : i32 from vector<1xi32>
      %add3A_612 = arith.addi %add3A_4, %squeeze3A_611 : i32
      %mul3A_613 = arith.constant 128 : i32
      %mul3A_614 = arith.muli %add3A_612, %mul3A_613 : i32
      %dma_start3A_615 = arith.constant 3 : i32
      %dma_start3A_616 = arith.constant 0 : i32
      %dma_start3A_617 = arith.constant 0 : i32
      %dma_start3A_618 = tpu.memref_slice %arg12[%dma_start3A_615, %dma_start3A_616, %dma_start3A_617] : memref<6x64x128xf32, #tpu.memory_space<vmem>> -> memref<1x64x128xf32, #tpu.memory_space<vmem>>
      %dma_start3A_619 = tpu.memref_squeeze %dma_start3A_618 : memref<1x64x128xf32, #tpu.memory_space<vmem>> -> memref<64x128xf32, #tpu.memory_space<vmem>>
      %dma_start3A_620 = arith.constant 0 : i32
      %dma_start3A_621 = tpu.memref_slice %arg2[%dma_start3A_620, %mul3A_614] : memref<64x1000000xf32, #tpu.memory_space<hbm>> -> memref<64x128xf32, #tpu.memory_space<hbm>>
      %dma_start3A_622 = arith.constant 0 : i32
      %dma_start3A_623 = arith.constant 0 : i32
      %dma_start3A_624 = tpu.memref_slice %arg12[%dma_start3A_615, %dma_start3A_622, %dma_start3A_623] : memref<6x64x128xf32, #tpu.memory_space<vmem>> -> memref<1x64x128xf32, #tpu.memory_space<vmem>>
      %dma_start3A_625 = tpu.memref_squeeze %dma_start3A_624 : memref<1x64x128xf32, #tpu.memory_space<vmem>> -> memref<64x128xf32, #tpu.memory_space<vmem>>
      %dma_start3A_626 = arith.constant 0 : i32
      %dma_start3A_627 = tpu.memref_slice %arg2[%dma_start3A_626, %mul3A_614] : memref<64x1000000xf32, #tpu.memory_space<hbm>> -> memref<64x128xf32, #tpu.memory_space<hbm>>
      tpu.enqueue_dma source(%dma_start3A_627 : memref<64x128xf32, #tpu.memory_space<hbm>>) target(%dma_start3A_625 : memref<64x128xf32, #tpu.memory_space<vmem>>) target_semaphore(%arg19 : memref<!tpu.dma_semaphore, #tpu.memory_space<semaphore_mem>>)
      %mul3A_628 = arith.constant 6 : i32
      %mul3A_629 = arith.muli %while3A_346, %mul3A_628 : i32
      %add3A_630 = arith.constant 4 : i32
      %add3A_631 = arith.addi %mul3A_629, %add3A_630 : i32
      %dma_wait3A_632 = arith.constant 4 : i32
      %dma_wait3A_633 = arith.constant 0 : i32
      %dma_wait3A_634 = arith.constant 0 : i32
      %dma_wait3A_635 = tpu.memref_slice %arg12[%dma_wait3A_632, %dma_wait3A_633, %dma_wait3A_634] : memref<6x64x128xf32, #tpu.memory_space<vmem>> -> memref<1x64x128xf32, #tpu.memory_space<vmem>>
      %dma_wait3A_636 = tpu.memref_squeeze %dma_wait3A_635 : memref<1x64x128xf32, #tpu.memory_space<vmem>> -> memref<64x128xf32, #tpu.memory_space<vmem>>
      %dma_wait3A_637 = arith.constant 0 : i32
      %dma_wait3A_638 = arith.constant 0 : i32
      %dma_wait3A_639 = tpu.memref_slice %arg2[%dma_wait3A_637, %dma_wait3A_638] : memref<64x1000000xf32, #tpu.memory_space<hbm>> -> memref<64x128xf32, #tpu.memory_space<hbm>>
      %dma_wait3A_640 = arith.constant 0 : i32
      %dma_wait3A_641 = arith.constant 0 : i32
      %dma_wait3A_642 = tpu.memref_slice %arg12[%dma_wait3A_632, %dma_wait3A_640, %dma_wait3A_641] : memref<6x64x128xf32, #tpu.memory_space<vmem>> -> memref<1x64x128xf32, #tpu.memory_space<vmem>>
      %dma_wait3A_643 = tpu.memref_squeeze %dma_wait3A_642 : memref<1x64x128xf32, #tpu.memory_space<vmem>> -> memref<64x128xf32, #tpu.memory_space<vmem>>
      %dma_wait3A_644 = arith.constant 0 : i32
      %dma_wait3A_645 = arith.constant 0 : i32
      %dma_wait3A_646 = tpu.memref_slice %arg2[%dma_wait3A_644, %dma_wait3A_645] : memref<64x1000000xf32, #tpu.memory_space<hbm>> -> memref<64x128xf32, #tpu.memory_space<hbm>>
      tpu.wait_dma2 semaphore(%arg20 : memref<!tpu.dma_semaphore, #tpu.memory_space<semaphore_mem>>) src(%dma_wait3A_646 : memref<64x128xf32, #tpu.memory_space<hbm>>) dst(%dma_wait3A_643 : memref<64x128xf32, #tpu.memory_space<vmem>>)
      %min3A_647 = arith.constant 271 : i32
      %min3A_648 = arith.minsi %add3A_631, %min3A_647 : i32
      %get3A_649 = arith.index_cast %min3A_648 : i32 to index
      %get3A_650 = tpu.vector_load %arg11[%get3A_649] {strides = array<i32>} : memref<288xi32, #tpu.memory_space<vmem>>, vector<16xi32>,
      %slice3A_651 = vector.extract_strided_slice %get3A_650 {offsets = [0], sizes = [1], strides = [1]} : vector<16xi32> to vector<1xi32>
      %squeeze3A_652 = vector.extract %slice3A_651[0] : i32 from vector<1xi32>
      %get3A_653 = arith.index_cast %squeeze3A_652 : i32 to index
      %get3A_654 = tpu.vector_load %arg9[%get3A_653] {strides = array<i32>} : memref<288xi32, #tpu.memory_space<vmem>>, vector<16xi32>,
      %slice3A_655 = vector.extract_strided_slice %get3A_654 {offsets = [0], sizes = [1], strides = [1]} : vector<16xi32> to vector<1xi32>
      %squeeze3A_656 = vector.extract %slice3A_655[0] : i32 from vector<1xi32>
      %get3A_657 = arith.index_cast %squeeze3A_652 : i32 to index
      %get3A_658 = tpu.vector_load %arg8[%get3A_657] {strides = array<i32>} : memref<288xi32, #tpu.memory_space<vmem>>, vector<16xi32>,
      %slice3A_659 = vector.extract_strided_slice %get3A_658 {offsets = [0], sizes = [1], strides = [1]} : vector<16xi32> to vector<1xi32>
      %squeeze3A_660 = vector.extract %slice3A_659[0] : i32 from vector<1xi32>
      %add3A_661 = arith.addi %squeeze3A_656, %squeeze3A_660 : i32
      %while3A_662 = arith.constant 4 : i32
      %while3A_663 = arith.constant 0 : i32
      %while3A_664 = arith.subi %add3A_661, %squeeze3A_656 : i32
      %while3A_665 = arith.addi %squeeze3A_656, %while3A_664 : i32
      %while3A_666 = arith.constant 1 : i32
      %while3A_667 = arith.divsi %while3A_664, %while3A_666 : i32
      %while3A_668 = arith.muli %while3A_667, %while3A_666 : i32
      %while3A_669 = arith.addi %squeeze3A_656, %while3A_668 : i32
      %while3A_670 = arith.constant 1 : i32
      %while3A_671 = scf.for %while3A_769 = %squeeze3A_656 to %while3A_669 step %while3A_670 iter_args(%while3A_770 = %while3A_663) -> (i32)  : i32 {
        %get3A_771 = arith.index_cast %while3A_769 : i32 to index
        %get3A_772 = tpu.vector_load %arg7[%get3A_771] {strides = array<i32>} : memref<16400xi32, #tpu.memory_space<vmem>>, vector<16xi32>,
        %slice3A_773 = vector.extract_strided_slice %get3A_772 {offsets = [0], sizes = [1], strides = [1]} : vector<16xi32> to vector<1xi32>
        %squeeze3A_774 = vector.extract %slice3A_773[0] : i32 from vector<1xi32>
        %get3A_775 = arith.index_cast %squeeze3A_774 : i32 to index
        %get3A_776 = tpu.vector_load %arg5[%get3A_775] {strides = array<i32>} : memref<16400xi32, #tpu.memory_space<vmem>>, vector<16xi32>,
        %slice3A_777 = vector.extract_strided_slice %get3A_776 {offsets = [0], sizes = [1], strides = [1]} : vector<16xi32> to vector<1xi32>
        %squeeze3A_778 = vector.extract %slice3A_777[0] : i32 from vector<1xi32>
        %and3A = arith.constant 127 : i32
        %and3A_779 = arith.andi %squeeze3A_778, %and3A : i32
        %get3A_780 = arith.constant 3 : i32
        %get3A_781 = arith.index_cast %get3A_780 : i32 to index
        %get3A_782 = memref.load %arg15[%get3A_781] : memref<8xi32, #tpu.memory_space<smem>>
        %add3A_783 = arith.constant 0 : i32
        %add3A_784 = vector.broadcast %add3A_783 : i32 to vector<16xi32>
        %add3A_785 = arith.addi %iota3A, %add3A_784 : vector<16xi32>
        %broadcast_in_dim3A_786 = vector.broadcast %and3A_779 : i32 to vector<16xi32>
        %gather3A = arith.constant 0 : i32
        %gather3A_787 = arith.constant 0 : i32
        %gather3A_788 = tpu.memref_slice %arg12[%while3A_662, %gather3A, %gather3A_787] : memref<6x64x128xf32, #tpu.memory_space<vmem>> -> memref<1x64x128xf32, #tpu.memory_space<vmem>>
        %gather3A_789 = tpu.memref_squeeze %gather3A_788 : memref<1x64x128xf32, #tpu.memory_space<vmem>> -> memref<64x128xf32, #tpu.memory_space<vmem>>
        %gather3A_790 = tpu.vector_load_idx %gather3A_789[%add3A_785, %broadcast_in_dim3A_786] : memref<64x128xf32, #tpu.memory_space<vmem>>[vector<16xi32>, vector<16xi32>], vector<16xf32>,
        %swap3A_791 = arith.index_cast %get3A_782 : i32 to index
        %swap3A_792 = arith.constant 0 : index
        %swap3A_793 = tpu.vector_load %arg13[%swap3A_791, %swap3A_792] {strides = array<i32>} : memref<16x128xf32, #tpu.memory_space<vmem>>, vector<16xf32>,
        tpu.vector_store %arg13[%swap3A_791, %swap3A_792], %gather3A_790 {strides = array<i32>} : memref<16x128xf32, #tpu.memory_space<vmem>>, vector<16xf32>,
        %add3A_794 = arith.constant 16 : i32
        %add3A_795 = vector.broadcast %add3A_794 : i32 to vector<16xi32>
        %add3A_796 = arith.addi %iota3A, %add3A_795 : vector<16xi32>
        %broadcast_in_dim3A_797 = vector.broadcast %and3A_779 : i32 to vector<16xi32>
        %gather3A_798 = arith.constant 0 : i32
        %gather3A_799 = arith.constant 0 : i32
        %gather3A_800 = tpu.memref_slice %arg12[%while3A_662, %gather3A_798, %gather3A_799] : memref<6x64x128xf32, #tpu.memory_space<vmem>> -> memref<1x64x128xf32, #tpu.memory_space<vmem>>
        %gather3A_801 = tpu.memref_squeeze %gather3A_800 : memref<1x64x128xf32, #tpu.memory_space<vmem>> -> memref<64x128xf32, #tpu.memory_space<vmem>>
        %gather3A_802 = tpu.vector_load_idx %gather3A_801[%add3A_796, %broadcast_in_dim3A_797] : memref<64x128xf32, #tpu.memory_space<vmem>>[vector<16xi32>, vector<16xi32>], vector<16xf32>,
        %swap3A_803 = arith.index_cast %get3A_782 : i32 to index
        %swap3A_804 = arith.constant 16 : index
        %swap3A_805 = tpu.vector_load %arg13[%swap3A_803, %swap3A_804] {strides = array<i32>} : memref<16x128xf32, #tpu.memory_space<vmem>>, vector<16xf32>,
        tpu.vector_store %arg13[%swap3A_803, %swap3A_804], %gather3A_802 {strides = array<i32>} : memref<16x128xf32, #tpu.memory_space<vmem>>, vector<16xf32>,
        %add3A_806 = arith.constant 32 : i32
        %add3A_807 = vector.broadcast %add3A_806 : i32 to vector<16xi32>
        %add3A_808 = arith.addi %iota3A, %add3A_807 : vector<16xi32>
        %broadcast_in_dim3A_809 = vector.broadcast %and3A_779 : i32 to vector<16xi32>
        %gather3A_810 = arith.constant 0 : i32
        %gather3A_811 = arith.constant 0 : i32
        %gather3A_812 = tpu.memref_slice %arg12[%while3A_662, %gather3A_810, %gather3A_811] : memref<6x64x128xf32, #tpu.memory_space<vmem>> -> memref<1x64x128xf32, #tpu.memory_space<vmem>>
        %gather3A_813 = tpu.memref_squeeze %gather3A_812 : memref<1x64x128xf32, #tpu.memory_space<vmem>> -> memref<64x128xf32, #tpu.memory_space<vmem>>
        %gather3A_814 = tpu.vector_load_idx %gather3A_813[%add3A_808, %broadcast_in_dim3A_809] : memref<64x128xf32, #tpu.memory_space<vmem>>[vector<16xi32>, vector<16xi32>], vector<16xf32>,
        %swap3A_815 = arith.index_cast %get3A_782 : i32 to index
        %swap3A_816 = arith.constant 32 : index
        %swap3A_817 = tpu.vector_load %arg13[%swap3A_815, %swap3A_816] {strides = array<i32>} : memref<16x128xf32, #tpu.memory_space<vmem>>, vector<16xf32>,
        tpu.vector_store %arg13[%swap3A_815, %swap3A_816], %gather3A_814 {strides = array<i32>} : memref<16x128xf32, #tpu.memory_space<vmem>>, vector<16xf32>,
        %add3A_818 = arith.constant 48 : i32
        %add3A_819 = vector.broadcast %add3A_818 : i32 to vector<16xi32>
        %add3A_820 = arith.addi %iota3A, %add3A_819 : vector<16xi32>
        %broadcast_in_dim3A_821 = vector.broadcast %and3A_779 : i32 to vector<16xi32>
        %gather3A_822 = arith.constant 0 : i32
        %gather3A_823 = arith.constant 0 : i32
        %gather3A_824 = tpu.memref_slice %arg12[%while3A_662, %gather3A_822, %gather3A_823] : memref<6x64x128xf32, #tpu.memory_space<vmem>> -> memref<1x64x128xf32, #tpu.memory_space<vmem>>
        %gather3A_825 = tpu.memref_squeeze %gather3A_824 : memref<1x64x128xf32, #tpu.memory_space<vmem>> -> memref<64x128xf32, #tpu.memory_space<vmem>>
        %gather3A_826 = tpu.vector_load_idx %gather3A_825[%add3A_820, %broadcast_in_dim3A_821] : memref<64x128xf32, #tpu.memory_space<vmem>>[vector<16xi32>, vector<16xi32>], vector<16xf32>,
        %swap3A_827 = arith.index_cast %get3A_782 : i32 to index
        %swap3A_828 = arith.constant 48 : index
        %swap3A_829 = tpu.vector_load %arg13[%swap3A_827, %swap3A_828] {strides = array<i32>} : memref<16x128xf32, #tpu.memory_space<vmem>>, vector<16xf32>,
        tpu.vector_store %arg13[%swap3A_827, %swap3A_828], %gather3A_826 {strides = array<i32>} : memref<16x128xf32, #tpu.memory_space<vmem>>, vector<16xf32>,
        %eq3A = vector.broadcast %get3A_782 : i32 to vector<16xi32>
        %eq3A_830 = arith.cmpi eq, %iota3A, %eq3A : vector<16xi32>
        %broadcast_in_dim3A_831 = vector.broadcast %squeeze3A_774 : i32 to vector<16xi32>
        %get3A_832 = arith.constant 0 : index
        %get3A_833 = tpu.vector_load %arg14[%get3A_832] {strides = array<i32>} : memref<16xi32, #tpu.memory_space<vmem>>, vector<16xi32>,
        %select_n3A_834 = arith.select %eq3A_830, %broadcast_in_dim3A_831, %get3A_833 : vector<16xi1>, vector<16xi32>
        %swap3A_835 = arith.constant 0 : index
        %swap3A_836 = tpu.vector_load %arg14[%swap3A_835] {strides = array<i32>} : memref<16xi32, #tpu.memory_space<vmem>>, vector<16xi32>,
        tpu.vector_store %arg14[%swap3A_835], %select_n3A_834 {strides = array<i32>} : memref<16xi32, #tpu.memory_space<vmem>>, vector<16xi32>,
        %add3A_837 = arith.constant 1 : i32
        %add3A_838 = arith.addi %get3A_782, %add3A_837 : i32
        %eq3A_839 = arith.constant 16 : i32
        %eq3A_840 = arith.cmpi eq, %add3A_838, %eq3A_839 : i32
        %convert_element_type3A = arith.extui %eq3A_840 : i1 to i32
        %cond3A = arith.constant 0 : i32
        %cond3A_841 = arith.cmpi ne, %convert_element_type3A, %cond3A : i32
        scf.if %cond3A_841 {
          %dma_start3A_850 = arith.constant 0 : i32
          %dma_start3A_851 = arith.constant 0 : i32
          %dma_start3A_852 = tpu.memref_slice %arg4[%dma_start3A_850, %dma_start3A_851] : memref<16896x128xf32, #tpu.memory_space<hbm>> -> memref<16896x128xf32, #tpu.memory_space<hbm>>
          tpu.enqueue_indirect_dma source(%arg13 : memref<16x128xf32, #tpu.memory_space<vmem>>) target(%dma_start3A_852 : memref<16896x128xf32, #tpu.memory_space<hbm>>) offsets(%arg14 : memref<16xi32, #tpu.memory_space<vmem>>) semaphore(%arg22 : memref<!tpu.dma_semaphore, #tpu.memory_space<semaphore_mem>>)
          %dma_wait3A_853 = arith.constant 0 : i32
          %dma_wait3A_854 = arith.constant 0 : i32
          %dma_wait3A_855 = tpu.memref_slice %arg4[%dma_wait3A_853, %dma_wait3A_854] : memref<16896x128xf32, #tpu.memory_space<hbm>> -> memref<16896x128xf32, #tpu.memory_space<hbm>>
          tpu.wait_indirect_dma semaphore(%arg22 : memref<!tpu.dma_semaphore, #tpu.memory_space<semaphore_mem>>) src(%arg13 : memref<16x128xf32, #tpu.memory_space<vmem>>) dst(%dma_wait3A_855 : memref<16896x128xf32, #tpu.memory_space<hbm>>)
        } else {
        }
        %eq3A_842 = arith.constant 16 : i32
        %eq3A_843 = arith.cmpi eq, %add3A_838, %eq3A_842 : i32
        %jit3A_844 = arith.constant 0 : i32
        %select_n3A_845 = arith.select %eq3A_843, %jit3A_844, %add3A_838 : i32
        %swap3A_846 = arith.constant 3 : i32
        %swap3A_847 = arith.index_cast %swap3A_846 : i32 to index
        %swap3A_848 = memref.load %arg15[%swap3A_847] : memref<8xi32, #tpu.memory_space<smem>>
        memref.store %select_n3A_845, %arg15[%swap3A_847] : memref<8xi32, #tpu.memory_space<smem>>
        %while3A_849 = arith.constant 0 : i32
        scf.yield %while3A_849 : i32
      }
      %while3A_672 = arith.constant 1 : i32
      %while3A_673 = scf.for %while3A_769 = %while3A_669 to %while3A_665 step %while3A_672 iter_args(%while3A_770 = %while3A_671) -> (i32)  : i32 {
        %get3A_771 = arith.index_cast %while3A_769 : i32 to index
        %get3A_772 = tpu.vector_load %arg7[%get3A_771] {strides = array<i32>} : memref<16400xi32, #tpu.memory_space<vmem>>, vector<16xi32>,
        %slice3A_773 = vector.extract_strided_slice %get3A_772 {offsets = [0], sizes = [1], strides = [1]} : vector<16xi32> to vector<1xi32>
        %squeeze3A_774 = vector.extract %slice3A_773[0] : i32 from vector<1xi32>
        %get3A_775 = arith.index_cast %squeeze3A_774 : i32 to index
        %get3A_776 = tpu.vector_load %arg5[%get3A_775] {strides = array<i32>} : memref<16400xi32, #tpu.memory_space<vmem>>, vector<16xi32>,
        %slice3A_777 = vector.extract_strided_slice %get3A_776 {offsets = [0], sizes = [1], strides = [1]} : vector<16xi32> to vector<1xi32>
        %squeeze3A_778 = vector.extract %slice3A_777[0] : i32 from vector<1xi32>
        %and3A = arith.constant 127 : i32
        %and3A_779 = arith.andi %squeeze3A_778, %and3A : i32
        %get3A_780 = arith.constant 3 : i32
        %get3A_781 = arith.index_cast %get3A_780 : i32 to index
        %get3A_782 = memref.load %arg15[%get3A_781] : memref<8xi32, #tpu.memory_space<smem>>
        %add3A_783 = arith.constant 0 : i32
        %add3A_784 = vector.broadcast %add3A_783 : i32 to vector<16xi32>
        %add3A_785 = arith.addi %iota3A, %add3A_784 : vector<16xi32>
        %broadcast_in_dim3A_786 = vector.broadcast %and3A_779 : i32 to vector<16xi32>
        %gather3A = arith.constant 0 : i32
        %gather3A_787 = arith.constant 0 : i32
        %gather3A_788 = tpu.memref_slice %arg12[%while3A_662, %gather3A, %gather3A_787] : memref<6x64x128xf32, #tpu.memory_space<vmem>> -> memref<1x64x128xf32, #tpu.memory_space<vmem>>
        %gather3A_789 = tpu.memref_squeeze %gather3A_788 : memref<1x64x128xf32, #tpu.memory_space<vmem>> -> memref<64x128xf32, #tpu.memory_space<vmem>>
        %gather3A_790 = tpu.vector_load_idx %gather3A_789[%add3A_785, %broadcast_in_dim3A_786] : memref<64x128xf32, #tpu.memory_space<vmem>>[vector<16xi32>, vector<16xi32>], vector<16xf32>,
        %swap3A_791 = arith.index_cast %get3A_782 : i32 to index
        %swap3A_792 = arith.constant 0 : index
        %swap3A_793 = tpu.vector_load %arg13[%swap3A_791, %swap3A_792] {strides = array<i32>} : memref<16x128xf32, #tpu.memory_space<vmem>>, vector<16xf32>,
        tpu.vector_store %arg13[%swap3A_791, %swap3A_792], %gather3A_790 {strides = array<i32>} : memref<16x128xf32, #tpu.memory_space<vmem>>, vector<16xf32>,
        %add3A_794 = arith.constant 16 : i32
        %add3A_795 = vector.broadcast %add3A_794 : i32 to vector<16xi32>
        %add3A_796 = arith.addi %iota3A, %add3A_795 : vector<16xi32>
        %broadcast_in_dim3A_797 = vector.broadcast %and3A_779 : i32 to vector<16xi32>
        %gather3A_798 = arith.constant 0 : i32
        %gather3A_799 = arith.constant 0 : i32
        %gather3A_800 = tpu.memref_slice %arg12[%while3A_662, %gather3A_798, %gather3A_799] : memref<6x64x128xf32, #tpu.memory_space<vmem>> -> memref<1x64x128xf32, #tpu.memory_space<vmem>>
        %gather3A_801 = tpu.memref_squeeze %gather3A_800 : memref<1x64x128xf32, #tpu.memory_space<vmem>> -> memref<64x128xf32, #tpu.memory_space<vmem>>
        %gather3A_802 = tpu.vector_load_idx %gather3A_801[%add3A_796, %broadcast_in_dim3A_797] : memref<64x128xf32, #tpu.memory_space<vmem>>[vector<16xi32>, vector<16xi32>], vector<16xf32>,
        %swap3A_803 = arith.index_cast %get3A_782 : i32 to index
        %swap3A_804 = arith.constant 16 : index
        %swap3A_805 = tpu.vector_load %arg13[%swap3A_803, %swap3A_804] {strides = array<i32>} : memref<16x128xf32, #tpu.memory_space<vmem>>, vector<16xf32>,
        tpu.vector_store %arg13[%swap3A_803, %swap3A_804], %gather3A_802 {strides = array<i32>} : memref<16x128xf32, #tpu.memory_space<vmem>>, vector<16xf32>,
        %add3A_806 = arith.constant 32 : i32
        %add3A_807 = vector.broadcast %add3A_806 : i32 to vector<16xi32>
        %add3A_808 = arith.addi %iota3A, %add3A_807 : vector<16xi32>
        %broadcast_in_dim3A_809 = vector.broadcast %and3A_779 : i32 to vector<16xi32>
        %gather3A_810 = arith.constant 0 : i32
        %gather3A_811 = arith.constant 0 : i32
        %gather3A_812 = tpu.memref_slice %arg12[%while3A_662, %gather3A_810, %gather3A_811] : memref<6x64x128xf32, #tpu.memory_space<vmem>> -> memref<1x64x128xf32, #tpu.memory_space<vmem>>
        %gather3A_813 = tpu.memref_squeeze %gather3A_812 : memref<1x64x128xf32, #tpu.memory_space<vmem>> -> memref<64x128xf32, #tpu.memory_space<vmem>>
        %gather3A_814 = tpu.vector_load_idx %gather3A_813[%add3A_808, %broadcast_in_dim3A_809] : memref<64x128xf32, #tpu.memory_space<vmem>>[vector<16xi32>, vector<16xi32>], vector<16xf32>,
        %swap3A_815 = arith.index_cast %get3A_782 : i32 to index
        %swap3A_816 = arith.constant 32 : index
        %swap3A_817 = tpu.vector_load %arg13[%swap3A_815, %swap3A_816] {strides = array<i32>} : memref<16x128xf32, #tpu.memory_space<vmem>>, vector<16xf32>,
        tpu.vector_store %arg13[%swap3A_815, %swap3A_816], %gather3A_814 {strides = array<i32>} : memref<16x128xf32, #tpu.memory_space<vmem>>, vector<16xf32>,
        %add3A_818 = arith.constant 48 : i32
        %add3A_819 = vector.broadcast %add3A_818 : i32 to vector<16xi32>
        %add3A_820 = arith.addi %iota3A, %add3A_819 : vector<16xi32>
        %broadcast_in_dim3A_821 = vector.broadcast %and3A_779 : i32 to vector<16xi32>
        %gather3A_822 = arith.constant 0 : i32
        %gather3A_823 = arith.constant 0 : i32
        %gather3A_824 = tpu.memref_slice %arg12[%while3A_662, %gather3A_822, %gather3A_823] : memref<6x64x128xf32, #tpu.memory_space<vmem>> -> memref<1x64x128xf32, #tpu.memory_space<vmem>>
        %gather3A_825 = tpu.memref_squeeze %gather3A_824 : memref<1x64x128xf32, #tpu.memory_space<vmem>> -> memref<64x128xf32, #tpu.memory_space<vmem>>
        %gather3A_826 = tpu.vector_load_idx %gather3A_825[%add3A_820, %broadcast_in_dim3A_821] : memref<64x128xf32, #tpu.memory_space<vmem>>[vector<16xi32>, vector<16xi32>], vector<16xf32>,
        %swap3A_827 = arith.index_cast %get3A_782 : i32 to index
        %swap3A_828 = arith.constant 48 : index
        %swap3A_829 = tpu.vector_load %arg13[%swap3A_827, %swap3A_828] {strides = array<i32>} : memref<16x128xf32, #tpu.memory_space<vmem>>, vector<16xf32>,
        tpu.vector_store %arg13[%swap3A_827, %swap3A_828], %gather3A_826 {strides = array<i32>} : memref<16x128xf32, #tpu.memory_space<vmem>>, vector<16xf32>,
        %eq3A = vector.broadcast %get3A_782 : i32 to vector<16xi32>
        %eq3A_830 = arith.cmpi eq, %iota3A, %eq3A : vector<16xi32>
        %broadcast_in_dim3A_831 = vector.broadcast %squeeze3A_774 : i32 to vector<16xi32>
        %get3A_832 = arith.constant 0 : index
        %get3A_833 = tpu.vector_load %arg14[%get3A_832] {strides = array<i32>} : memref<16xi32, #tpu.memory_space<vmem>>, vector<16xi32>,
        %select_n3A_834 = arith.select %eq3A_830, %broadcast_in_dim3A_831, %get3A_833 : vector<16xi1>, vector<16xi32>
        %swap3A_835 = arith.constant 0 : index
        %swap3A_836 = tpu.vector_load %arg14[%swap3A_835] {strides = array<i32>} : memref<16xi32, #tpu.memory_space<vmem>>, vector<16xi32>,
        tpu.vector_store %arg14[%swap3A_835], %select_n3A_834 {strides = array<i32>} : memref<16xi32, #tpu.memory_space<vmem>>, vector<16xi32>,
        %add3A_837 = arith.constant 1 : i32
        %add3A_838 = arith.addi %get3A_782, %add3A_837 : i32
        %eq3A_839 = arith.constant 16 : i32
        %eq3A_840 = arith.cmpi eq, %add3A_838, %eq3A_839 : i32
        %convert_element_type3A = arith.extui %eq3A_840 : i1 to i32
        %cond3A = arith.constant 0 : i32
        %cond3A_841 = arith.cmpi ne, %convert_element_type3A, %cond3A : i32
        scf.if %cond3A_841 {
          %dma_start3A_850 = arith.constant 0 : i32
          %dma_start3A_851 = arith.constant 0 : i32
          %dma_start3A_852 = tpu.memref_slice %arg4[%dma_start3A_850, %dma_start3A_851] : memref<16896x128xf32, #tpu.memory_space<hbm>> -> memref<16896x128xf32, #tpu.memory_space<hbm>>
          tpu.enqueue_indirect_dma source(%arg13 : memref<16x128xf32, #tpu.memory_space<vmem>>) target(%dma_start3A_852 : memref<16896x128xf32, #tpu.memory_space<hbm>>) offsets(%arg14 : memref<16xi32, #tpu.memory_space<vmem>>) semaphore(%arg22 : memref<!tpu.dma_semaphore, #tpu.memory_space<semaphore_mem>>)
          %dma_wait3A_853 = arith.constant 0 : i32
          %dma_wait3A_854 = arith.constant 0 : i32
          %dma_wait3A_855 = tpu.memref_slice %arg4[%dma_wait3A_853, %dma_wait3A_854] : memref<16896x128xf32, #tpu.memory_space<hbm>> -> memref<16896x128xf32, #tpu.memory_space<hbm>>
          tpu.wait_indirect_dma semaphore(%arg22 : memref<!tpu.dma_semaphore, #tpu.memory_space<semaphore_mem>>) src(%arg13 : memref<16x128xf32, #tpu.memory_space<vmem>>) dst(%dma_wait3A_855 : memref<16896x128xf32, #tpu.memory_space<hbm>>)
        } else {
        }
        %eq3A_842 = arith.constant 16 : i32
        %eq3A_843 = arith.cmpi eq, %add3A_838, %eq3A_842 : i32
        %jit3A_844 = arith.constant 0 : i32
        %select_n3A_845 = arith.select %eq3A_843, %jit3A_844, %add3A_838 : i32
        %swap3A_846 = arith.constant 3 : i32
        %swap3A_847 = arith.index_cast %swap3A_846 : i32 to index
        %swap3A_848 = memref.load %arg15[%swap3A_847] : memref<8xi32, #tpu.memory_space<smem>>
        memref.store %select_n3A_845, %arg15[%swap3A_847] : memref<8xi32, #tpu.memory_space<smem>>
        %while3A_849 = arith.constant 0 : i32
        scf.yield %while3A_849 : i32
      }
      %add3A_674 = arith.constant 6 : i32
      %add3A_675 = arith.addi %add3A_631, %add3A_674 : i32
      %min3A_676 = arith.constant 271 : i32
      %min3A_677 = arith.minsi %add3A_675, %min3A_676 : i32
      %get3A_678 = arith.index_cast %min3A_677 : i32 to index
      %get3A_679 = tpu.vector_load %arg11[%get3A_678] {strides = array<i32>} : memref<288xi32, #tpu.memory_space<vmem>>, vector<16xi32>,
      %slice3A_680 = vector.extract_strided_slice %get3A_679 {offsets = [0], sizes = [1], strides = [1]} : vector<16xi32> to vector<1xi32>
      %squeeze3A_681 = vector.extract %slice3A_680[0] : i32 from vector<1xi32>
      %add3A_682 = arith.addi %add3A_4, %squeeze3A_681 : i32
      %mul3A_683 = arith.constant 128 : i32
      %mul3A_684 = arith.muli %add3A_682, %mul3A_683 : i32
      %dma_start3A_685 = arith.constant 4 : i32
      %dma_start3A_686 = arith.constant 0 : i32
      %dma_start3A_687 = arith.constant 0 : i32
      %dma_start3A_688 = tpu.memref_slice %arg12[%dma_start3A_685, %dma_start3A_686, %dma_start3A_687] : memref<6x64x128xf32, #tpu.memory_space<vmem>> -> memref<1x64x128xf32, #tpu.memory_space<vmem>>
      %dma_start3A_689 = tpu.memref_squeeze %dma_start3A_688 : memref<1x64x128xf32, #tpu.memory_space<vmem>> -> memref<64x128xf32, #tpu.memory_space<vmem>>
      %dma_start3A_690 = arith.constant 0 : i32
      %dma_start3A_691 = tpu.memref_slice %arg2[%dma_start3A_690, %mul3A_684] : memref<64x1000000xf32, #tpu.memory_space<hbm>> -> memref<64x128xf32, #tpu.memory_space<hbm>>
      %dma_start3A_692 = arith.constant 0 : i32
      %dma_start3A_693 = arith.constant 0 : i32
      %dma_start3A_694 = tpu.memref_slice %arg12[%dma_start3A_685, %dma_start3A_692, %dma_start3A_693] : memref<6x64x128xf32, #tpu.memory_space<vmem>> -> memref<1x64x128xf32, #tpu.memory_space<vmem>>
      %dma_start3A_695 = tpu.memref_squeeze %dma_start3A_694 : memref<1x64x128xf32, #tpu.memory_space<vmem>> -> memref<64x128xf32, #tpu.memory_space<vmem>>
      %dma_start3A_696 = arith.constant 0 : i32
      %dma_start3A_697 = tpu.memref_slice %arg2[%dma_start3A_696, %mul3A_684] : memref<64x1000000xf32, #tpu.memory_space<hbm>> -> memref<64x128xf32, #tpu.memory_space<hbm>>
      tpu.enqueue_dma source(%dma_start3A_697 : memref<64x128xf32, #tpu.memory_space<hbm>>) target(%dma_start3A_695 : memref<64x128xf32, #tpu.memory_space<vmem>>) target_semaphore(%arg20 : memref<!tpu.dma_semaphore, #tpu.memory_space<semaphore_mem>>)
      %mul3A_698 = arith.constant 6 : i32
      %mul3A_699 = arith.muli %while3A_346, %mul3A_698 : i32
      %add3A_700 = arith.constant 5 : i32
      %add3A_701 = arith.addi %mul3A_699, %add3A_700 : i32
      %dma_wait3A_702 = arith.constant 5 : i32
      %dma_wait3A_703 = arith.constant 0 : i32
      %dma_wait3A_704 = arith.constant 0 : i32
      %dma_wait3A_705 = tpu.memref_slice %arg12[%dma_wait3A_702, %dma_wait3A_703, %dma_wait3A_704] : memref<6x64x128xf32, #tpu.memory_space<vmem>> -> memref<1x64x128xf32, #tpu.memory_space<vmem>>
      %dma_wait3A_706 = tpu.memref_squeeze %dma_wait3A_705 : memref<1x64x128xf32, #tpu.memory_space<vmem>> -> memref<64x128xf32, #tpu.memory_space<vmem>>
      %dma_wait3A_707 = arith.constant 0 : i32
      %dma_wait3A_708 = arith.constant 0 : i32
      %dma_wait3A_709 = tpu.memref_slice %arg2[%dma_wait3A_707, %dma_wait3A_708] : memref<64x1000000xf32, #tpu.memory_space<hbm>> -> memref<64x128xf32, #tpu.memory_space<hbm>>
      %dma_wait3A_710 = arith.constant 0 : i32
      %dma_wait3A_711 = arith.constant 0 : i32
      %dma_wait3A_712 = tpu.memref_slice %arg12[%dma_wait3A_702, %dma_wait3A_710, %dma_wait3A_711] : memref<6x64x128xf32, #tpu.memory_space<vmem>> -> memref<1x64x128xf32, #tpu.memory_space<vmem>>
      %dma_wait3A_713 = tpu.memref_squeeze %dma_wait3A_712 : memref<1x64x128xf32, #tpu.memory_space<vmem>> -> memref<64x128xf32, #tpu.memory_space<vmem>>
      %dma_wait3A_714 = arith.constant 0 : i32
      %dma_wait3A_715 = arith.constant 0 : i32
      %dma_wait3A_716 = tpu.memref_slice %arg2[%dma_wait3A_714, %dma_wait3A_715] : memref<64x1000000xf32, #tpu.memory_space<hbm>> -> memref<64x128xf32, #tpu.memory_space<hbm>>
      tpu.wait_dma2 semaphore(%arg21 : memref<!tpu.dma_semaphore, #tpu.memory_space<semaphore_mem>>) src(%dma_wait3A_716 : memref<64x128xf32, #tpu.memory_space<hbm>>) dst(%dma_wait3A_713 : memref<64x128xf32, #tpu.memory_space<vmem>>)
      %min3A_717 = arith.constant 271 : i32
      %min3A_718 = arith.minsi %add3A_701, %min3A_717 : i32
      %get3A_719 = arith.index_cast %min3A_718 : i32 to index
      %get3A_720 = tpu.vector_load %arg11[%get3A_719] {strides = array<i32>} : memref<288xi32, #tpu.memory_space<vmem>>, vector<16xi32>,
      %slice3A_721 = vector.extract_strided_slice %get3A_720 {offsets = [0], sizes = [1], strides = [1]} : vector<16xi32> to vector<1xi32>
      %squeeze3A_722 = vector.extract %slice3A_721[0] : i32 from vector<1xi32>
      %get3A_723 = arith.index_cast %squeeze3A_722 : i32 to index
      %get3A_724 = tpu.vector_load %arg9[%get3A_723] {strides = array<i32>} : memref<288xi32, #tpu.memory_space<vmem>>, vector<16xi32>,
      %slice3A_725 = vector.extract_strided_slice %get3A_724 {offsets = [0], sizes = [1], strides = [1]} : vector<16xi32> to vector<1xi32>
      %squeeze3A_726 = vector.extract %slice3A_725[0] : i32 from vector<1xi32>
      %get3A_727 = arith.index_cast %squeeze3A_722 : i32 to index
      %get3A_728 = tpu.vector_load %arg8[%get3A_727] {strides = array<i32>} : memref<288xi32, #tpu.memory_space<vmem>>, vector<16xi32>,
      %slice3A_729 = vector.extract_strided_slice %get3A_728 {offsets = [0], sizes = [1], strides = [1]} : vector<16xi32> to vector<1xi32>
      %squeeze3A_730 = vector.extract %slice3A_729[0] : i32 from vector<1xi32>
      %add3A_731 = arith.addi %squeeze3A_726, %squeeze3A_730 : i32
      %while3A_732 = arith.constant 5 : i32
      %while3A_733 = arith.constant 0 : i32
      %while3A_734 = arith.subi %add3A_731, %squeeze3A_726 : i32
      %while3A_735 = arith.addi %squeeze3A_726, %while3A_734 : i32
      %while3A_736 = arith.constant 1 : i32
      %while3A_737 = arith.divsi %while3A_734, %while3A_736 : i32
      %while3A_738 = arith.muli %while3A_737, %while3A_736 : i32
      %while3A_739 = arith.addi %squeeze3A_726, %while3A_738 : i32
      %while3A_740 = arith.constant 1 : i32
      %while3A_741 = scf.for %while3A_769 = %squeeze3A_726 to %while3A_739 step %while3A_740 iter_args(%while3A_770 = %while3A_733) -> (i32)  : i32 {
        %get3A_771 = arith.index_cast %while3A_769 : i32 to index
        %get3A_772 = tpu.vector_load %arg7[%get3A_771] {strides = array<i32>} : memref<16400xi32, #tpu.memory_space<vmem>>, vector<16xi32>,
        %slice3A_773 = vector.extract_strided_slice %get3A_772 {offsets = [0], sizes = [1], strides = [1]} : vector<16xi32> to vector<1xi32>
        %squeeze3A_774 = vector.extract %slice3A_773[0] : i32 from vector<1xi32>
        %get3A_775 = arith.index_cast %squeeze3A_774 : i32 to index
        %get3A_776 = tpu.vector_load %arg5[%get3A_775] {strides = array<i32>} : memref<16400xi32, #tpu.memory_space<vmem>>, vector<16xi32>,
        %slice3A_777 = vector.extract_strided_slice %get3A_776 {offsets = [0], sizes = [1], strides = [1]} : vector<16xi32> to vector<1xi32>
        %squeeze3A_778 = vector.extract %slice3A_777[0] : i32 from vector<1xi32>
        %and3A = arith.constant 127 : i32
        %and3A_779 = arith.andi %squeeze3A_778, %and3A : i32
        %get3A_780 = arith.constant 3 : i32
        %get3A_781 = arith.index_cast %get3A_780 : i32 to index
        %get3A_782 = memref.load %arg15[%get3A_781] : memref<8xi32, #tpu.memory_space<smem>>
        %add3A_783 = arith.constant 0 : i32
        %add3A_784 = vector.broadcast %add3A_783 : i32 to vector<16xi32>
        %add3A_785 = arith.addi %iota3A, %add3A_784 : vector<16xi32>
        %broadcast_in_dim3A_786 = vector.broadcast %and3A_779 : i32 to vector<16xi32>
        %gather3A = arith.constant 0 : i32
        %gather3A_787 = arith.constant 0 : i32
        %gather3A_788 = tpu.memref_slice %arg12[%while3A_732, %gather3A, %gather3A_787] : memref<6x64x128xf32, #tpu.memory_space<vmem>> -> memref<1x64x128xf32, #tpu.memory_space<vmem>>
        %gather3A_789 = tpu.memref_squeeze %gather3A_788 : memref<1x64x128xf32, #tpu.memory_space<vmem>> -> memref<64x128xf32, #tpu.memory_space<vmem>>
        %gather3A_790 = tpu.vector_load_idx %gather3A_789[%add3A_785, %broadcast_in_dim3A_786] : memref<64x128xf32, #tpu.memory_space<vmem>>[vector<16xi32>, vector<16xi32>], vector<16xf32>,
        %swap3A_791 = arith.index_cast %get3A_782 : i32 to index
        %swap3A_792 = arith.constant 0 : index
        %swap3A_793 = tpu.vector_load %arg13[%swap3A_791, %swap3A_792] {strides = array<i32>} : memref<16x128xf32, #tpu.memory_space<vmem>>, vector<16xf32>,
        tpu.vector_store %arg13[%swap3A_791, %swap3A_792], %gather3A_790 {strides = array<i32>} : memref<16x128xf32, #tpu.memory_space<vmem>>, vector<16xf32>,
        %add3A_794 = arith.constant 16 : i32
        %add3A_795 = vector.broadcast %add3A_794 : i32 to vector<16xi32>
        %add3A_796 = arith.addi %iota3A, %add3A_795 : vector<16xi32>
        %broadcast_in_dim3A_797 = vector.broadcast %and3A_779 : i32 to vector<16xi32>
        %gather3A_798 = arith.constant 0 : i32
        %gather3A_799 = arith.constant 0 : i32
        %gather3A_800 = tpu.memref_slice %arg12[%while3A_732, %gather3A_798, %gather3A_799] : memref<6x64x128xf32, #tpu.memory_space<vmem>> -> memref<1x64x128xf32, #tpu.memory_space<vmem>>
        %gather3A_801 = tpu.memref_squeeze %gather3A_800 : memref<1x64x128xf32, #tpu.memory_space<vmem>> -> memref<64x128xf32, #tpu.memory_space<vmem>>
        %gather3A_802 = tpu.vector_load_idx %gather3A_801[%add3A_796, %broadcast_in_dim3A_797] : memref<64x128xf32, #tpu.memory_space<vmem>>[vector<16xi32>, vector<16xi32>], vector<16xf32>,
        %swap3A_803 = arith.index_cast %get3A_782 : i32 to index
        %swap3A_804 = arith.constant 16 : index
        %swap3A_805 = tpu.vector_load %arg13[%swap3A_803, %swap3A_804] {strides = array<i32>} : memref<16x128xf32, #tpu.memory_space<vmem>>, vector<16xf32>,
        tpu.vector_store %arg13[%swap3A_803, %swap3A_804], %gather3A_802 {strides = array<i32>} : memref<16x128xf32, #tpu.memory_space<vmem>>, vector<16xf32>,
        %add3A_806 = arith.constant 32 : i32
        %add3A_807 = vector.broadcast %add3A_806 : i32 to vector<16xi32>
        %add3A_808 = arith.addi %iota3A, %add3A_807 : vector<16xi32>
        %broadcast_in_dim3A_809 = vector.broadcast %and3A_779 : i32 to vector<16xi32>
        %gather3A_810 = arith.constant 0 : i32
        %gather3A_811 = arith.constant 0 : i32
        %gather3A_812 = tpu.memref_slice %arg12[%while3A_732, %gather3A_810, %gather3A_811] : memref<6x64x128xf32, #tpu.memory_space<vmem>> -> memref<1x64x128xf32, #tpu.memory_space<vmem>>
        %gather3A_813 = tpu.memref_squeeze %gather3A_812 : memref<1x64x128xf32, #tpu.memory_space<vmem>> -> memref<64x128xf32, #tpu.memory_space<vmem>>
        %gather3A_814 = tpu.vector_load_idx %gather3A_813[%add3A_808, %broadcast_in_dim3A_809] : memref<64x128xf32, #tpu.memory_space<vmem>>[vector<16xi32>, vector<16xi32>], vector<16xf32>,
        %swap3A_815 = arith.index_cast %get3A_782 : i32 to index
        %swap3A_816 = arith.constant 32 : index
        %swap3A_817 = tpu.vector_load %arg13[%swap3A_815, %swap3A_816] {strides = array<i32>} : memref<16x128xf32, #tpu.memory_space<vmem>>, vector<16xf32>,
        tpu.vector_store %arg13[%swap3A_815, %swap3A_816], %gather3A_814 {strides = array<i32>} : memref<16x128xf32, #tpu.memory_space<vmem>>, vector<16xf32>,
        %add3A_818 = arith.constant 48 : i32
        %add3A_819 = vector.broadcast %add3A_818 : i32 to vector<16xi32>
        %add3A_820 = arith.addi %iota3A, %add3A_819 : vector<16xi32>
        %broadcast_in_dim3A_821 = vector.broadcast %and3A_779 : i32 to vector<16xi32>
        %gather3A_822 = arith.constant 0 : i32
        %gather3A_823 = arith.constant 0 : i32
        %gather3A_824 = tpu.memref_slice %arg12[%while3A_732, %gather3A_822, %gather3A_823] : memref<6x64x128xf32, #tpu.memory_space<vmem>> -> memref<1x64x128xf32, #tpu.memory_space<vmem>>
        %gather3A_825 = tpu.memref_squeeze %gather3A_824 : memref<1x64x128xf32, #tpu.memory_space<vmem>> -> memref<64x128xf32, #tpu.memory_space<vmem>>
        %gather3A_826 = tpu.vector_load_idx %gather3A_825[%add3A_820, %broadcast_in_dim3A_821] : memref<64x128xf32, #tpu.memory_space<vmem>>[vector<16xi32>, vector<16xi32>], vector<16xf32>,
        %swap3A_827 = arith.index_cast %get3A_782 : i32 to index
        %swap3A_828 = arith.constant 48 : index
        %swap3A_829 = tpu.vector_load %arg13[%swap3A_827, %swap3A_828] {strides = array<i32>} : memref<16x128xf32, #tpu.memory_space<vmem>>, vector<16xf32>,
        tpu.vector_store %arg13[%swap3A_827, %swap3A_828], %gather3A_826 {strides = array<i32>} : memref<16x128xf32, #tpu.memory_space<vmem>>, vector<16xf32>,
        %eq3A = vector.broadcast %get3A_782 : i32 to vector<16xi32>
        %eq3A_830 = arith.cmpi eq, %iota3A, %eq3A : vector<16xi32>
        %broadcast_in_dim3A_831 = vector.broadcast %squeeze3A_774 : i32 to vector<16xi32>
        %get3A_832 = arith.constant 0 : index
        %get3A_833 = tpu.vector_load %arg14[%get3A_832] {strides = array<i32>} : memref<16xi32, #tpu.memory_space<vmem>>, vector<16xi32>,
        %select_n3A_834 = arith.select %eq3A_830, %broadcast_in_dim3A_831, %get3A_833 : vector<16xi1>, vector<16xi32>
        %swap3A_835 = arith.constant 0 : index
        %swap3A_836 = tpu.vector_load %arg14[%swap3A_835] {strides = array<i32>} : memref<16xi32, #tpu.memory_space<vmem>>, vector<16xi32>,
        tpu.vector_store %arg14[%swap3A_835], %select_n3A_834 {strides = array<i32>} : memref<16xi32, #tpu.memory_space<vmem>>, vector<16xi32>,
        %add3A_837 = arith.constant 1 : i32
        %add3A_838 = arith.addi %get3A_782, %add3A_837 : i32
        %eq3A_839 = arith.constant 16 : i32
        %eq3A_840 = arith.cmpi eq, %add3A_838, %eq3A_839 : i32
        %convert_element_type3A = arith.extui %eq3A_840 : i1 to i32
        %cond3A = arith.constant 0 : i32
        %cond3A_841 = arith.cmpi ne, %convert_element_type3A, %cond3A : i32
        scf.if %cond3A_841 {
          %dma_start3A_850 = arith.constant 0 : i32
          %dma_start3A_851 = arith.constant 0 : i32
          %dma_start3A_852 = tpu.memref_slice %arg4[%dma_start3A_850, %dma_start3A_851] : memref<16896x128xf32, #tpu.memory_space<hbm>> -> memref<16896x128xf32, #tpu.memory_space<hbm>>
          tpu.enqueue_indirect_dma source(%arg13 : memref<16x128xf32, #tpu.memory_space<vmem>>) target(%dma_start3A_852 : memref<16896x128xf32, #tpu.memory_space<hbm>>) offsets(%arg14 : memref<16xi32, #tpu.memory_space<vmem>>) semaphore(%arg22 : memref<!tpu.dma_semaphore, #tpu.memory_space<semaphore_mem>>)
          %dma_wait3A_853 = arith.constant 0 : i32
          %dma_wait3A_854 = arith.constant 0 : i32
          %dma_wait3A_855 = tpu.memref_slice %arg4[%dma_wait3A_853, %dma_wait3A_854] : memref<16896x128xf32, #tpu.memory_space<hbm>> -> memref<16896x128xf32, #tpu.memory_space<hbm>>
          tpu.wait_indirect_dma semaphore(%arg22 : memref<!tpu.dma_semaphore, #tpu.memory_space<semaphore_mem>>) src(%arg13 : memref<16x128xf32, #tpu.memory_space<vmem>>) dst(%dma_wait3A_855 : memref<16896x128xf32, #tpu.memory_space<hbm>>)
        } else {
        }
        %eq3A_842 = arith.constant 16 : i32
        %eq3A_843 = arith.cmpi eq, %add3A_838, %eq3A_842 : i32
        %jit3A_844 = arith.constant 0 : i32
        %select_n3A_845 = arith.select %eq3A_843, %jit3A_844, %add3A_838 : i32
        %swap3A_846 = arith.constant 3 : i32
        %swap3A_847 = arith.index_cast %swap3A_846 : i32 to index
        %swap3A_848 = memref.load %arg15[%swap3A_847] : memref<8xi32, #tpu.memory_space<smem>>
        memref.store %select_n3A_845, %arg15[%swap3A_847] : memref<8xi32, #tpu.memory_space<smem>>
        %while3A_849 = arith.constant 0 : i32
        scf.yield %while3A_849 : i32
      }
      %while3A_742 = arith.constant 1 : i32
      %while3A_743 = scf.for %while3A_769 = %while3A_739 to %while3A_735 step %while3A_742 iter_args(%while3A_770 = %while3A_741) -> (i32)  : i32 {
        %get3A_771 = arith.index_cast %while3A_769 : i32 to index
        %get3A_772 = tpu.vector_load %arg7[%get3A_771] {strides = array<i32>} : memref<16400xi32, #tpu.memory_space<vmem>>, vector<16xi32>,
        %slice3A_773 = vector.extract_strided_slice %get3A_772 {offsets = [0], sizes = [1], strides = [1]} : vector<16xi32> to vector<1xi32>
        %squeeze3A_774 = vector.extract %slice3A_773[0] : i32 from vector<1xi32>
        %get3A_775 = arith.index_cast %squeeze3A_774 : i32 to index
        %get3A_776 = tpu.vector_load %arg5[%get3A_775] {strides = array<i32>} : memref<16400xi32, #tpu.memory_space<vmem>>, vector<16xi32>,
        %slice3A_777 = vector.extract_strided_slice %get3A_776 {offsets = [0], sizes = [1], strides = [1]} : vector<16xi32> to vector<1xi32>
        %squeeze3A_778 = vector.extract %slice3A_777[0] : i32 from vector<1xi32>
        %and3A = arith.constant 127 : i32
        %and3A_779 = arith.andi %squeeze3A_778, %and3A : i32
        %get3A_780 = arith.constant 3 : i32
        %get3A_781 = arith.index_cast %get3A_780 : i32 to index
        %get3A_782 = memref.load %arg15[%get3A_781] : memref<8xi32, #tpu.memory_space<smem>>
        %add3A_783 = arith.constant 0 : i32
        %add3A_784 = vector.broadcast %add3A_783 : i32 to vector<16xi32>
        %add3A_785 = arith.addi %iota3A, %add3A_784 : vector<16xi32>
        %broadcast_in_dim3A_786 = vector.broadcast %and3A_779 : i32 to vector<16xi32>
        %gather3A = arith.constant 0 : i32
        %gather3A_787 = arith.constant 0 : i32
        %gather3A_788 = tpu.memref_slice %arg12[%while3A_732, %gather3A, %gather3A_787] : memref<6x64x128xf32, #tpu.memory_space<vmem>> -> memref<1x64x128xf32, #tpu.memory_space<vmem>>
        %gather3A_789 = tpu.memref_squeeze %gather3A_788 : memref<1x64x128xf32, #tpu.memory_space<vmem>> -> memref<64x128xf32, #tpu.memory_space<vmem>>
        %gather3A_790 = tpu.vector_load_idx %gather3A_789[%add3A_785, %broadcast_in_dim3A_786] : memref<64x128xf32, #tpu.memory_space<vmem>>[vector<16xi32>, vector<16xi32>], vector<16xf32>,
        %swap3A_791 = arith.index_cast %get3A_782 : i32 to index
        %swap3A_792 = arith.constant 0 : index
        %swap3A_793 = tpu.vector_load %arg13[%swap3A_791, %swap3A_792] {strides = array<i32>} : memref<16x128xf32, #tpu.memory_space<vmem>>, vector<16xf32>,
        tpu.vector_store %arg13[%swap3A_791, %swap3A_792], %gather3A_790 {strides = array<i32>} : memref<16x128xf32, #tpu.memory_space<vmem>>, vector<16xf32>,
        %add3A_794 = arith.constant 16 : i32
        %add3A_795 = vector.broadcast %add3A_794 : i32 to vector<16xi32>
        %add3A_796 = arith.addi %iota3A, %add3A_795 : vector<16xi32>
        %broadcast_in_dim3A_797 = vector.broadcast %and3A_779 : i32 to vector<16xi32>
        %gather3A_798 = arith.constant 0 : i32
        %gather3A_799 = arith.constant 0 : i32
        %gather3A_800 = tpu.memref_slice %arg12[%while3A_732, %gather3A_798, %gather3A_799] : memref<6x64x128xf32, #tpu.memory_space<vmem>> -> memref<1x64x128xf32, #tpu.memory_space<vmem>>
        %gather3A_801 = tpu.memref_squeeze %gather3A_800 : memref<1x64x128xf32, #tpu.memory_space<vmem>> -> memref<64x128xf32, #tpu.memory_space<vmem>>
        %gather3A_802 = tpu.vector_load_idx %gather3A_801[%add3A_796, %broadcast_in_dim3A_797] : memref<64x128xf32, #tpu.memory_space<vmem>>[vector<16xi32>, vector<16xi32>], vector<16xf32>,
        %swap3A_803 = arith.index_cast %get3A_782 : i32 to index
        %swap3A_804 = arith.constant 16 : index
        %swap3A_805 = tpu.vector_load %arg13[%swap3A_803, %swap3A_804] {strides = array<i32>} : memref<16x128xf32, #tpu.memory_space<vmem>>, vector<16xf32>,
        tpu.vector_store %arg13[%swap3A_803, %swap3A_804], %gather3A_802 {strides = array<i32>} : memref<16x128xf32, #tpu.memory_space<vmem>>, vector<16xf32>,
        %add3A_806 = arith.constant 32 : i32
        %add3A_807 = vector.broadcast %add3A_806 : i32 to vector<16xi32>
        %add3A_808 = arith.addi %iota3A, %add3A_807 : vector<16xi32>
        %broadcast_in_dim3A_809 = vector.broadcast %and3A_779 : i32 to vector<16xi32>
        %gather3A_810 = arith.constant 0 : i32
        %gather3A_811 = arith.constant 0 : i32
        %gather3A_812 = tpu.memref_slice %arg12[%while3A_732, %gather3A_810, %gather3A_811] : memref<6x64x128xf32, #tpu.memory_space<vmem>> -> memref<1x64x128xf32, #tpu.memory_space<vmem>>
        %gather3A_813 = tpu.memref_squeeze %gather3A_812 : memref<1x64x128xf32, #tpu.memory_space<vmem>> -> memref<64x128xf32, #tpu.memory_space<vmem>>
        %gather3A_814 = tpu.vector_load_idx %gather3A_813[%add3A_808, %broadcast_in_dim3A_809] : memref<64x128xf32, #tpu.memory_space<vmem>>[vector<16xi32>, vector<16xi32>], vector<16xf32>,
        %swap3A_815 = arith.index_cast %get3A_782 : i32 to index
        %swap3A_816 = arith.constant 32 : index
        %swap3A_817 = tpu.vector_load %arg13[%swap3A_815, %swap3A_816] {strides = array<i32>} : memref<16x128xf32, #tpu.memory_space<vmem>>, vector<16xf32>,
        tpu.vector_store %arg13[%swap3A_815, %swap3A_816], %gather3A_814 {strides = array<i32>} : memref<16x128xf32, #tpu.memory_space<vmem>>, vector<16xf32>,
        %add3A_818 = arith.constant 48 : i32
        %add3A_819 = vector.broadcast %add3A_818 : i32 to vector<16xi32>
        %add3A_820 = arith.addi %iota3A, %add3A_819 : vector<16xi32>
        %broadcast_in_dim3A_821 = vector.broadcast %and3A_779 : i32 to vector<16xi32>
        %gather3A_822 = arith.constant 0 : i32
        %gather3A_823 = arith.constant 0 : i32
        %gather3A_824 = tpu.memref_slice %arg12[%while3A_732, %gather3A_822, %gather3A_823] : memref<6x64x128xf32, #tpu.memory_space<vmem>> -> memref<1x64x128xf32, #tpu.memory_space<vmem>>
        %gather3A_825 = tpu.memref_squeeze %gather3A_824 : memref<1x64x128xf32, #tpu.memory_space<vmem>> -> memref<64x128xf32, #tpu.memory_space<vmem>>
        %gather3A_826 = tpu.vector_load_idx %gather3A_825[%add3A_820, %broadcast_in_dim3A_821] : memref<64x128xf32, #tpu.memory_space<vmem>>[vector<16xi32>, vector<16xi32>], vector<16xf32>,
        %swap3A_827 = arith.index_cast %get3A_782 : i32 to index
        %swap3A_828 = arith.constant 48 : index
        %swap3A_829 = tpu.vector_load %arg13[%swap3A_827, %swap3A_828] {strides = array<i32>} : memref<16x128xf32, #tpu.memory_space<vmem>>, vector<16xf32>,
        tpu.vector_store %arg13[%swap3A_827, %swap3A_828], %gather3A_826 {strides = array<i32>} : memref<16x128xf32, #tpu.memory_space<vmem>>, vector<16xf32>,
        %eq3A = vector.broadcast %get3A_782 : i32 to vector<16xi32>
        %eq3A_830 = arith.cmpi eq, %iota3A, %eq3A : vector<16xi32>
        %broadcast_in_dim3A_831 = vector.broadcast %squeeze3A_774 : i32 to vector<16xi32>
        %get3A_832 = arith.constant 0 : index
        %get3A_833 = tpu.vector_load %arg14[%get3A_832] {strides = array<i32>} : memref<16xi32, #tpu.memory_space<vmem>>, vector<16xi32>,
        %select_n3A_834 = arith.select %eq3A_830, %broadcast_in_dim3A_831, %get3A_833 : vector<16xi1>, vector<16xi32>
        %swap3A_835 = arith.constant 0 : index
        %swap3A_836 = tpu.vector_load %arg14[%swap3A_835] {strides = array<i32>} : memref<16xi32, #tpu.memory_space<vmem>>, vector<16xi32>,
        tpu.vector_store %arg14[%swap3A_835], %select_n3A_834 {strides = array<i32>} : memref<16xi32, #tpu.memory_space<vmem>>, vector<16xi32>,
        %add3A_837 = arith.constant 1 : i32
        %add3A_838 = arith.addi %get3A_782, %add3A_837 : i32
        %eq3A_839 = arith.constant 16 : i32
        %eq3A_840 = arith.cmpi eq, %add3A_838, %eq3A_839 : i32
        %convert_element_type3A = arith.extui %eq3A_840 : i1 to i32
        %cond3A = arith.constant 0 : i32
        %cond3A_841 = arith.cmpi ne, %convert_element_type3A, %cond3A : i32
        scf.if %cond3A_841 {
          %dma_start3A_850 = arith.constant 0 : i32
          %dma_start3A_851 = arith.constant 0 : i32
          %dma_start3A_852 = tpu.memref_slice %arg4[%dma_start3A_850, %dma_start3A_851] : memref<16896x128xf32, #tpu.memory_space<hbm>> -> memref<16896x128xf32, #tpu.memory_space<hbm>>
          tpu.enqueue_indirect_dma source(%arg13 : memref<16x128xf32, #tpu.memory_space<vmem>>) target(%dma_start3A_852 : memref<16896x128xf32, #tpu.memory_space<hbm>>) offsets(%arg14 : memref<16xi32, #tpu.memory_space<vmem>>) semaphore(%arg22 : memref<!tpu.dma_semaphore, #tpu.memory_space<semaphore_mem>>)
          %dma_wait3A_853 = arith.constant 0 : i32
          %dma_wait3A_854 = arith.constant 0 : i32
          %dma_wait3A_855 = tpu.memref_slice %arg4[%dma_wait3A_853, %dma_wait3A_854] : memref<16896x128xf32, #tpu.memory_space<hbm>> -> memref<16896x128xf32, #tpu.memory_space<hbm>>
          tpu.wait_indirect_dma semaphore(%arg22 : memref<!tpu.dma_semaphore, #tpu.memory_space<semaphore_mem>>) src(%arg13 : memref<16x128xf32, #tpu.memory_space<vmem>>) dst(%dma_wait3A_855 : memref<16896x128xf32, #tpu.memory_space<hbm>>)
        } else {
        }
        %eq3A_842 = arith.constant 16 : i32
        %eq3A_843 = arith.cmpi eq, %add3A_838, %eq3A_842 : i32
        %jit3A_844 = arith.constant 0 : i32
        %select_n3A_845 = arith.select %eq3A_843, %jit3A_844, %add3A_838 : i32
        %swap3A_846 = arith.constant 3 : i32
        %swap3A_847 = arith.index_cast %swap3A_846 : i32 to index
        %swap3A_848 = memref.load %arg15[%swap3A_847] : memref<8xi32, #tpu.memory_space<smem>>
        memref.store %select_n3A_845, %arg15[%swap3A_847] : memref<8xi32, #tpu.memory_space<smem>>
        %while3A_849 = arith.constant 0 : i32
        scf.yield %while3A_849 : i32
      }
      %add3A_744 = arith.constant 6 : i32
      %add3A_745 = arith.addi %add3A_701, %add3A_744 : i32
      %min3A_746 = arith.constant 271 : i32
      %min3A_747 = arith.minsi %add3A_745, %min3A_746 : i32
      %get3A_748 = arith.index_cast %min3A_747 : i32 to index
      %get3A_749 = tpu.vector_load %arg11[%get3A_748] {strides = array<i32>} : memref<288xi32, #tpu.memory_space<vmem>>, vector<16xi32>,
      %slice3A_750 = vector.extract_strided_slice %get3A_749 {offsets = [0], sizes = [1], strides = [1]} : vector<16xi32> to vector<1xi32>
      %squeeze3A_751 = vector.extract %slice3A_750[0] : i32 from vector<1xi32>
      %add3A_752 = arith.addi %add3A_4, %squeeze3A_751 : i32
      %mul3A_753 = arith.constant 128 : i32
      %mul3A_754 = arith.muli %add3A_752, %mul3A_753 : i32
      %dma_start3A_755 = arith.constant 5 : i32
      %dma_start3A_756 = arith.constant 0 : i32
      %dma_start3A_757 = arith.constant 0 : i32
      %dma_start3A_758 = tpu.memref_slice %arg12[%dma_start3A_755, %dma_start3A_756, %dma_start3A_757] : memref<6x64x128xf32, #tpu.memory_space<vmem>> -> memref<1x64x128xf32, #tpu.memory_space<vmem>>
      %dma_start3A_759 = tpu.memref_squeeze %dma_start3A_758 : memref<1x64x128xf32, #tpu.memory_space<vmem>> -> memref<64x128xf32, #tpu.memory_space<vmem>>
      %dma_start3A_760 = arith.constant 0 : i32
      %dma_start3A_761 = tpu.memref_slice %arg2[%dma_start3A_760, %mul3A_754] : memref<64x1000000xf32, #tpu.memory_space<hbm>> -> memref<64x128xf32, #tpu.memory_space<hbm>>
      %dma_start3A_762 = arith.constant 0 : i32
      %dma_start3A_763 = arith.constant 0 : i32
      %dma_start3A_764 = tpu.memref_slice %arg12[%dma_start3A_755, %dma_start3A_762, %dma_start3A_763] : memref<6x64x128xf32, #tpu.memory_space<vmem>> -> memref<1x64x128xf32, #tpu.memory_space<vmem>>
      %dma_start3A_765 = tpu.memref_squeeze %dma_start3A_764 : memref<1x64x128xf32, #tpu.memory_space<vmem>> -> memref<64x128xf32, #tpu.memory_space<vmem>>
      %dma_start3A_766 = arith.constant 0 : i32
      %dma_start3A_767 = tpu.memref_slice %arg2[%dma_start3A_766, %mul3A_754] : memref<64x1000000xf32, #tpu.memory_space<hbm>> -> memref<64x128xf32, #tpu.memory_space<hbm>>
      tpu.enqueue_dma source(%dma_start3A_767 : memref<64x128xf32, #tpu.memory_space<hbm>>) target(%dma_start3A_765 : memref<64x128xf32, #tpu.memory_space<vmem>>) target_semaphore(%arg21 : memref<!tpu.dma_semaphore, #tpu.memory_space<semaphore_mem>>)
      %while3A_768 = arith.constant 0 : i32
      scf.yield %while3A_768 : i32
    }
    %while3A_233 = arith.constant 1 : i32
    %while3A_234 = scf.for %while3A_346 = %while3A_230 to %while3A_226 step %while3A_233 iter_args(%while3A_347 = %while3A_232) -> (i32)  : i32 {
      %mul3A_348 = arith.constant 6 : i32
      %mul3A_349 = arith.muli %while3A_346, %mul3A_348 : i32
      %add3A_350 = arith.constant 0 : i32
      %add3A_351 = arith.addi %mul3A_349, %add3A_350 : i32
      %dma_wait3A_352 = arith.constant 0 : i32
      %dma_wait3A_353 = arith.constant 0 : i32
      %dma_wait3A_354 = arith.constant 0 : i32
      %dma_wait3A_355 = tpu.memref_slice %arg12[%dma_wait3A_352, %dma_wait3A_353, %dma_wait3A_354] : memref<6x64x128xf32, #tpu.memory_space<vmem>> -> memref<1x64x128xf32, #tpu.memory_space<vmem>>
      %dma_wait3A_356 = tpu.memref_squeeze %dma_wait3A_355 : memref<1x64x128xf32, #tpu.memory_space<vmem>> -> memref<64x128xf32, #tpu.memory_space<vmem>>
      %dma_wait3A_357 = arith.constant 0 : i32
      %dma_wait3A_358 = arith.constant 0 : i32
      %dma_wait3A_359 = tpu.memref_slice %arg2[%dma_wait3A_357, %dma_wait3A_358] : memref<64x1000000xf32, #tpu.memory_space<hbm>> -> memref<64x128xf32, #tpu.memory_space<hbm>>
      %dma_wait3A_360 = arith.constant 0 : i32
      %dma_wait3A_361 = arith.constant 0 : i32
      %dma_wait3A_362 = tpu.memref_slice %arg12[%dma_wait3A_352, %dma_wait3A_360, %dma_wait3A_361] : memref<6x64x128xf32, #tpu.memory_space<vmem>> -> memref<1x64x128xf32, #tpu.memory_space<vmem>>
      %dma_wait3A_363 = tpu.memref_squeeze %dma_wait3A_362 : memref<1x64x128xf32, #tpu.memory_space<vmem>> -> memref<64x128xf32, #tpu.memory_space<vmem>>
      %dma_wait3A_364 = arith.constant 0 : i32
      %dma_wait3A_365 = arith.constant 0 : i32
      %dma_wait3A_366 = tpu.memref_slice %arg2[%dma_wait3A_364, %dma_wait3A_365] : memref<64x1000000xf32, #tpu.memory_space<hbm>> -> memref<64x128xf32, #tpu.memory_space<hbm>>
      tpu.wait_dma2 semaphore(%arg16 : memref<!tpu.dma_semaphore, #tpu.memory_space<semaphore_mem>>) src(%dma_wait3A_366 : memref<64x128xf32, #tpu.memory_space<hbm>>) dst(%dma_wait3A_363 : memref<64x128xf32, #tpu.memory_space<vmem>>)
      %min3A_367 = arith.constant 271 : i32
      %min3A_368 = arith.minsi %add3A_351, %min3A_367 : i32
      %get3A_369 = arith.index_cast %min3A_368 : i32 to index
      %get3A_370 = tpu.vector_load %arg11[%get3A_369] {strides = array<i32>} : memref<288xi32, #tpu.memory_space<vmem>>, vector<16xi32>,
      %slice3A_371 = vector.extract_strided_slice %get3A_370 {offsets = [0], sizes = [1], strides = [1]} : vector<16xi32> to vector<1xi32>
      %squeeze3A_372 = vector.extract %slice3A_371[0] : i32 from vector<1xi32>
      %get3A_373 = arith.index_cast %squeeze3A_372 : i32 to index
      %get3A_374 = tpu.vector_load %arg9[%get3A_373] {strides = array<i32>} : memref<288xi32, #tpu.memory_space<vmem>>, vector<16xi32>,
      %slice3A_375 = vector.extract_strided_slice %get3A_374 {offsets = [0], sizes = [1], strides = [1]} : vector<16xi32> to vector<1xi32>
      %squeeze3A_376 = vector.extract %slice3A_375[0] : i32 from vector<1xi32>
      %get3A_377 = arith.index_cast %squeeze3A_372 : i32 to index
      %get3A_378 = tpu.vector_load %arg8[%get3A_377] {strides = array<i32>} : memref<288xi32, #tpu.memory_space<vmem>>, vector<16xi32>,
      %slice3A_379 = vector.extract_strided_slice %get3A_378 {offsets = [0], sizes = [1], strides = [1]} : vector<16xi32> to vector<1xi32>
      %squeeze3A_380 = vector.extract %slice3A_379[0] : i32 from vector<1xi32>
      %add3A_381 = arith.addi %squeeze3A_376, %squeeze3A_380 : i32
      %while3A_382 = arith.constant 0 : i32
      %while3A_383 = arith.constant 0 : i32
      %while3A_384 = arith.subi %add3A_381, %squeeze3A_376 : i32
      %while3A_385 = arith.addi %squeeze3A_376, %while3A_384 : i32
      %while3A_386 = arith.constant 1 : i32
      %while3A_387 = arith.divsi %while3A_384, %while3A_386 : i32
      %while3A_388 = arith.muli %while3A_387, %while3A_386 : i32
      %while3A_389 = arith.addi %squeeze3A_376, %while3A_388 : i32
      %while3A_390 = arith.constant 1 : i32
      %while3A_391 = scf.for %while3A_769 = %squeeze3A_376 to %while3A_389 step %while3A_390 iter_args(%while3A_770 = %while3A_383) -> (i32)  : i32 {
        %get3A_771 = arith.index_cast %while3A_769 : i32 to index
        %get3A_772 = tpu.vector_load %arg7[%get3A_771] {strides = array<i32>} : memref<16400xi32, #tpu.memory_space<vmem>>, vector<16xi32>,
        %slice3A_773 = vector.extract_strided_slice %get3A_772 {offsets = [0], sizes = [1], strides = [1]} : vector<16xi32> to vector<1xi32>
        %squeeze3A_774 = vector.extract %slice3A_773[0] : i32 from vector<1xi32>
        %get3A_775 = arith.index_cast %squeeze3A_774 : i32 to index
        %get3A_776 = tpu.vector_load %arg5[%get3A_775] {strides = array<i32>} : memref<16400xi32, #tpu.memory_space<vmem>>, vector<16xi32>,
        %slice3A_777 = vector.extract_strided_slice %get3A_776 {offsets = [0], sizes = [1], strides = [1]} : vector<16xi32> to vector<1xi32>
        %squeeze3A_778 = vector.extract %slice3A_777[0] : i32 from vector<1xi32>
        %and3A = arith.constant 127 : i32
        %and3A_779 = arith.andi %squeeze3A_778, %and3A : i32
        %get3A_780 = arith.constant 3 : i32
        %get3A_781 = arith.index_cast %get3A_780 : i32 to index
        %get3A_782 = memref.load %arg15[%get3A_781] : memref<8xi32, #tpu.memory_space<smem>>
        %add3A_783 = arith.constant 0 : i32
        %add3A_784 = vector.broadcast %add3A_783 : i32 to vector<16xi32>
        %add3A_785 = arith.addi %iota3A, %add3A_784 : vector<16xi32>
        %broadcast_in_dim3A_786 = vector.broadcast %and3A_779 : i32 to vector<16xi32>
        %gather3A = arith.constant 0 : i32
        %gather3A_787 = arith.constant 0 : i32
        %gather3A_788 = tpu.memref_slice %arg12[%while3A_382, %gather3A, %gather3A_787] : memref<6x64x128xf32, #tpu.memory_space<vmem>> -> memref<1x64x128xf32, #tpu.memory_space<vmem>>
        %gather3A_789 = tpu.memref_squeeze %gather3A_788 : memref<1x64x128xf32, #tpu.memory_space<vmem>> -> memref<64x128xf32, #tpu.memory_space<vmem>>
        %gather3A_790 = tpu.vector_load_idx %gather3A_789[%add3A_785, %broadcast_in_dim3A_786] : memref<64x128xf32, #tpu.memory_space<vmem>>[vector<16xi32>, vector<16xi32>], vector<16xf32>,
        %swap3A_791 = arith.index_cast %get3A_782 : i32 to index
        %swap3A_792 = arith.constant 0 : index
        %swap3A_793 = tpu.vector_load %arg13[%swap3A_791, %swap3A_792] {strides = array<i32>} : memref<16x128xf32, #tpu.memory_space<vmem>>, vector<16xf32>,
        tpu.vector_store %arg13[%swap3A_791, %swap3A_792], %gather3A_790 {strides = array<i32>} : memref<16x128xf32, #tpu.memory_space<vmem>>, vector<16xf32>,
        %add3A_794 = arith.constant 16 : i32
        %add3A_795 = vector.broadcast %add3A_794 : i32 to vector<16xi32>
        %add3A_796 = arith.addi %iota3A, %add3A_795 : vector<16xi32>
        %broadcast_in_dim3A_797 = vector.broadcast %and3A_779 : i32 to vector<16xi32>
        %gather3A_798 = arith.constant 0 : i32
        %gather3A_799 = arith.constant 0 : i32
        %gather3A_800 = tpu.memref_slice %arg12[%while3A_382, %gather3A_798, %gather3A_799] : memref<6x64x128xf32, #tpu.memory_space<vmem>> -> memref<1x64x128xf32, #tpu.memory_space<vmem>>
        %gather3A_801 = tpu.memref_squeeze %gather3A_800 : memref<1x64x128xf32, #tpu.memory_space<vmem>> -> memref<64x128xf32, #tpu.memory_space<vmem>>
        %gather3A_802 = tpu.vector_load_idx %gather3A_801[%add3A_796, %broadcast_in_dim3A_797] : memref<64x128xf32, #tpu.memory_space<vmem>>[vector<16xi32>, vector<16xi32>], vector<16xf32>,
        %swap3A_803 = arith.index_cast %get3A_782 : i32 to index
        %swap3A_804 = arith.constant 16 : index
        %swap3A_805 = tpu.vector_load %arg13[%swap3A_803, %swap3A_804] {strides = array<i32>} : memref<16x128xf32, #tpu.memory_space<vmem>>, vector<16xf32>,
        tpu.vector_store %arg13[%swap3A_803, %swap3A_804], %gather3A_802 {strides = array<i32>} : memref<16x128xf32, #tpu.memory_space<vmem>>, vector<16xf32>,
        %add3A_806 = arith.constant 32 : i32
        %add3A_807 = vector.broadcast %add3A_806 : i32 to vector<16xi32>
        %add3A_808 = arith.addi %iota3A, %add3A_807 : vector<16xi32>
        %broadcast_in_dim3A_809 = vector.broadcast %and3A_779 : i32 to vector<16xi32>
        %gather3A_810 = arith.constant 0 : i32
        %gather3A_811 = arith.constant 0 : i32
        %gather3A_812 = tpu.memref_slice %arg12[%while3A_382, %gather3A_810, %gather3A_811] : memref<6x64x128xf32, #tpu.memory_space<vmem>> -> memref<1x64x128xf32, #tpu.memory_space<vmem>>
        %gather3A_813 = tpu.memref_squeeze %gather3A_812 : memref<1x64x128xf32, #tpu.memory_space<vmem>> -> memref<64x128xf32, #tpu.memory_space<vmem>>
        %gather3A_814 = tpu.vector_load_idx %gather3A_813[%add3A_808, %broadcast_in_dim3A_809] : memref<64x128xf32, #tpu.memory_space<vmem>>[vector<16xi32>, vector<16xi32>], vector<16xf32>,
        %swap3A_815 = arith.index_cast %get3A_782 : i32 to index
        %swap3A_816 = arith.constant 32 : index
        %swap3A_817 = tpu.vector_load %arg13[%swap3A_815, %swap3A_816] {strides = array<i32>} : memref<16x128xf32, #tpu.memory_space<vmem>>, vector<16xf32>,
        tpu.vector_store %arg13[%swap3A_815, %swap3A_816], %gather3A_814 {strides = array<i32>} : memref<16x128xf32, #tpu.memory_space<vmem>>, vector<16xf32>,
        %add3A_818 = arith.constant 48 : i32
        %add3A_819 = vector.broadcast %add3A_818 : i32 to vector<16xi32>
        %add3A_820 = arith.addi %iota3A, %add3A_819 : vector<16xi32>
        %broadcast_in_dim3A_821 = vector.broadcast %and3A_779 : i32 to vector<16xi32>
        %gather3A_822 = arith.constant 0 : i32
        %gather3A_823 = arith.constant 0 : i32
        %gather3A_824 = tpu.memref_slice %arg12[%while3A_382, %gather3A_822, %gather3A_823] : memref<6x64x128xf32, #tpu.memory_space<vmem>> -> memref<1x64x128xf32, #tpu.memory_space<vmem>>
        %gather3A_825 = tpu.memref_squeeze %gather3A_824 : memref<1x64x128xf32, #tpu.memory_space<vmem>> -> memref<64x128xf32, #tpu.memory_space<vmem>>
        %gather3A_826 = tpu.vector_load_idx %gather3A_825[%add3A_820, %broadcast_in_dim3A_821] : memref<64x128xf32, #tpu.memory_space<vmem>>[vector<16xi32>, vector<16xi32>], vector<16xf32>,
        %swap3A_827 = arith.index_cast %get3A_782 : i32 to index
        %swap3A_828 = arith.constant 48 : index
        %swap3A_829 = tpu.vector_load %arg13[%swap3A_827, %swap3A_828] {strides = array<i32>} : memref<16x128xf32, #tpu.memory_space<vmem>>, vector<16xf32>,
        tpu.vector_store %arg13[%swap3A_827, %swap3A_828], %gather3A_826 {strides = array<i32>} : memref<16x128xf32, #tpu.memory_space<vmem>>, vector<16xf32>,
        %eq3A = vector.broadcast %get3A_782 : i32 to vector<16xi32>
        %eq3A_830 = arith.cmpi eq, %iota3A, %eq3A : vector<16xi32>
        %broadcast_in_dim3A_831 = vector.broadcast %squeeze3A_774 : i32 to vector<16xi32>
        %get3A_832 = arith.constant 0 : index
        %get3A_833 = tpu.vector_load %arg14[%get3A_832] {strides = array<i32>} : memref<16xi32, #tpu.memory_space<vmem>>, vector<16xi32>,
        %select_n3A_834 = arith.select %eq3A_830, %broadcast_in_dim3A_831, %get3A_833 : vector<16xi1>, vector<16xi32>
        %swap3A_835 = arith.constant 0 : index
        %swap3A_836 = tpu.vector_load %arg14[%swap3A_835] {strides = array<i32>} : memref<16xi32, #tpu.memory_space<vmem>>, vector<16xi32>,
        tpu.vector_store %arg14[%swap3A_835], %select_n3A_834 {strides = array<i32>} : memref<16xi32, #tpu.memory_space<vmem>>, vector<16xi32>,
        %add3A_837 = arith.constant 1 : i32
        %add3A_838 = arith.addi %get3A_782, %add3A_837 : i32
        %eq3A_839 = arith.constant 16 : i32
        %eq3A_840 = arith.cmpi eq, %add3A_838, %eq3A_839 : i32
        %convert_element_type3A = arith.extui %eq3A_840 : i1 to i32
        %cond3A = arith.constant 0 : i32
        %cond3A_841 = arith.cmpi ne, %convert_element_type3A, %cond3A : i32
        scf.if %cond3A_841 {
          %dma_start3A_850 = arith.constant 0 : i32
          %dma_start3A_851 = arith.constant 0 : i32
          %dma_start3A_852 = tpu.memref_slice %arg4[%dma_start3A_850, %dma_start3A_851] : memref<16896x128xf32, #tpu.memory_space<hbm>> -> memref<16896x128xf32, #tpu.memory_space<hbm>>
          tpu.enqueue_indirect_dma source(%arg13 : memref<16x128xf32, #tpu.memory_space<vmem>>) target(%dma_start3A_852 : memref<16896x128xf32, #tpu.memory_space<hbm>>) offsets(%arg14 : memref<16xi32, #tpu.memory_space<vmem>>) semaphore(%arg22 : memref<!tpu.dma_semaphore, #tpu.memory_space<semaphore_mem>>)
          %dma_wait3A_853 = arith.constant 0 : i32
          %dma_wait3A_854 = arith.constant 0 : i32
          %dma_wait3A_855 = tpu.memref_slice %arg4[%dma_wait3A_853, %dma_wait3A_854] : memref<16896x128xf32, #tpu.memory_space<hbm>> -> memref<16896x128xf32, #tpu.memory_space<hbm>>
          tpu.wait_indirect_dma semaphore(%arg22 : memref<!tpu.dma_semaphore, #tpu.memory_space<semaphore_mem>>) src(%arg13 : memref<16x128xf32, #tpu.memory_space<vmem>>) dst(%dma_wait3A_855 : memref<16896x128xf32, #tpu.memory_space<hbm>>)
        } else {
        }
        %eq3A_842 = arith.constant 16 : i32
        %eq3A_843 = arith.cmpi eq, %add3A_838, %eq3A_842 : i32
        %jit3A_844 = arith.constant 0 : i32
        %select_n3A_845 = arith.select %eq3A_843, %jit3A_844, %add3A_838 : i32
        %swap3A_846 = arith.constant 3 : i32
        %swap3A_847 = arith.index_cast %swap3A_846 : i32 to index
        %swap3A_848 = memref.load %arg15[%swap3A_847] : memref<8xi32, #tpu.memory_space<smem>>
        memref.store %select_n3A_845, %arg15[%swap3A_847] : memref<8xi32, #tpu.memory_space<smem>>
        %while3A_849 = arith.constant 0 : i32
        scf.yield %while3A_849 : i32
      }
      %while3A_392 = arith.constant 1 : i32
      %while3A_393 = scf.for %while3A_769 = %while3A_389 to %while3A_385 step %while3A_392 iter_args(%while3A_770 = %while3A_391) -> (i32)  : i32 {
        %get3A_771 = arith.index_cast %while3A_769 : i32 to index
        %get3A_772 = tpu.vector_load %arg7[%get3A_771] {strides = array<i32>} : memref<16400xi32, #tpu.memory_space<vmem>>, vector<16xi32>,
        %slice3A_773 = vector.extract_strided_slice %get3A_772 {offsets = [0], sizes = [1], strides = [1]} : vector<16xi32> to vector<1xi32>
        %squeeze3A_774 = vector.extract %slice3A_773[0] : i32 from vector<1xi32>
        %get3A_775 = arith.index_cast %squeeze3A_774 : i32 to index
        %get3A_776 = tpu.vector_load %arg5[%get3A_775] {strides = array<i32>} : memref<16400xi32, #tpu.memory_space<vmem>>, vector<16xi32>,
        %slice3A_777 = vector.extract_strided_slice %get3A_776 {offsets = [0], sizes = [1], strides = [1]} : vector<16xi32> to vector<1xi32>
        %squeeze3A_778 = vector.extract %slice3A_777[0] : i32 from vector<1xi32>
        %and3A = arith.constant 127 : i32
        %and3A_779 = arith.andi %squeeze3A_778, %and3A : i32
        %get3A_780 = arith.constant 3 : i32
        %get3A_781 = arith.index_cast %get3A_780 : i32 to index
        %get3A_782 = memref.load %arg15[%get3A_781] : memref<8xi32, #tpu.memory_space<smem>>
        %add3A_783 = arith.constant 0 : i32
        %add3A_784 = vector.broadcast %add3A_783 : i32 to vector<16xi32>
        %add3A_785 = arith.addi %iota3A, %add3A_784 : vector<16xi32>
        %broadcast_in_dim3A_786 = vector.broadcast %and3A_779 : i32 to vector<16xi32>
        %gather3A = arith.constant 0 : i32
        %gather3A_787 = arith.constant 0 : i32
        %gather3A_788 = tpu.memref_slice %arg12[%while3A_382, %gather3A, %gather3A_787] : memref<6x64x128xf32, #tpu.memory_space<vmem>> -> memref<1x64x128xf32, #tpu.memory_space<vmem>>
        %gather3A_789 = tpu.memref_squeeze %gather3A_788 : memref<1x64x128xf32, #tpu.memory_space<vmem>> -> memref<64x128xf32, #tpu.memory_space<vmem>>
        %gather3A_790 = tpu.vector_load_idx %gather3A_789[%add3A_785, %broadcast_in_dim3A_786] : memref<64x128xf32, #tpu.memory_space<vmem>>[vector<16xi32>, vector<16xi32>], vector<16xf32>,
        %swap3A_791 = arith.index_cast %get3A_782 : i32 to index
        %swap3A_792 = arith.constant 0 : index
        %swap3A_793 = tpu.vector_load %arg13[%swap3A_791, %swap3A_792] {strides = array<i32>} : memref<16x128xf32, #tpu.memory_space<vmem>>, vector<16xf32>,
        tpu.vector_store %arg13[%swap3A_791, %swap3A_792], %gather3A_790 {strides = array<i32>} : memref<16x128xf32, #tpu.memory_space<vmem>>, vector<16xf32>,
        %add3A_794 = arith.constant 16 : i32
        %add3A_795 = vector.broadcast %add3A_794 : i32 to vector<16xi32>
        %add3A_796 = arith.addi %iota3A, %add3A_795 : vector<16xi32>
        %broadcast_in_dim3A_797 = vector.broadcast %and3A_779 : i32 to vector<16xi32>
        %gather3A_798 = arith.constant 0 : i32
        %gather3A_799 = arith.constant 0 : i32
        %gather3A_800 = tpu.memref_slice %arg12[%while3A_382, %gather3A_798, %gather3A_799] : memref<6x64x128xf32, #tpu.memory_space<vmem>> -> memref<1x64x128xf32, #tpu.memory_space<vmem>>
        %gather3A_801 = tpu.memref_squeeze %gather3A_800 : memref<1x64x128xf32, #tpu.memory_space<vmem>> -> memref<64x128xf32, #tpu.memory_space<vmem>>
        %gather3A_802 = tpu.vector_load_idx %gather3A_801[%add3A_796, %broadcast_in_dim3A_797] : memref<64x128xf32, #tpu.memory_space<vmem>>[vector<16xi32>, vector<16xi32>], vector<16xf32>,
        %swap3A_803 = arith.index_cast %get3A_782 : i32 to index
        %swap3A_804 = arith.constant 16 : index
        %swap3A_805 = tpu.vector_load %arg13[%swap3A_803, %swap3A_804] {strides = array<i32>} : memref<16x128xf32, #tpu.memory_space<vmem>>, vector<16xf32>,
        tpu.vector_store %arg13[%swap3A_803, %swap3A_804], %gather3A_802 {strides = array<i32>} : memref<16x128xf32, #tpu.memory_space<vmem>>, vector<16xf32>,
        %add3A_806 = arith.constant 32 : i32
        %add3A_807 = vector.broadcast %add3A_806 : i32 to vector<16xi32>
        %add3A_808 = arith.addi %iota3A, %add3A_807 : vector<16xi32>
        %broadcast_in_dim3A_809 = vector.broadcast %and3A_779 : i32 to vector<16xi32>
        %gather3A_810 = arith.constant 0 : i32
        %gather3A_811 = arith.constant 0 : i32
        %gather3A_812 = tpu.memref_slice %arg12[%while3A_382, %gather3A_810, %gather3A_811] : memref<6x64x128xf32, #tpu.memory_space<vmem>> -> memref<1x64x128xf32, #tpu.memory_space<vmem>>
        %gather3A_813 = tpu.memref_squeeze %gather3A_812 : memref<1x64x128xf32, #tpu.memory_space<vmem>> -> memref<64x128xf32, #tpu.memory_space<vmem>>
        %gather3A_814 = tpu.vector_load_idx %gather3A_813[%add3A_808, %broadcast_in_dim3A_809] : memref<64x128xf32, #tpu.memory_space<vmem>>[vector<16xi32>, vector<16xi32>], vector<16xf32>,
        %swap3A_815 = arith.index_cast %get3A_782 : i32 to index
        %swap3A_816 = arith.constant 32 : index
        %swap3A_817 = tpu.vector_load %arg13[%swap3A_815, %swap3A_816] {strides = array<i32>} : memref<16x128xf32, #tpu.memory_space<vmem>>, vector<16xf32>,
        tpu.vector_store %arg13[%swap3A_815, %swap3A_816], %gather3A_814 {strides = array<i32>} : memref<16x128xf32, #tpu.memory_space<vmem>>, vector<16xf32>,
        %add3A_818 = arith.constant 48 : i32
        %add3A_819 = vector.broadcast %add3A_818 : i32 to vector<16xi32>
        %add3A_820 = arith.addi %iota3A, %add3A_819 : vector<16xi32>
        %broadcast_in_dim3A_821 = vector.broadcast %and3A_779 : i32 to vector<16xi32>
        %gather3A_822 = arith.constant 0 : i32
        %gather3A_823 = arith.constant 0 : i32
        %gather3A_824 = tpu.memref_slice %arg12[%while3A_382, %gather3A_822, %gather3A_823] : memref<6x64x128xf32, #tpu.memory_space<vmem>> -> memref<1x64x128xf32, #tpu.memory_space<vmem>>
        %gather3A_825 = tpu.memref_squeeze %gather3A_824 : memref<1x64x128xf32, #tpu.memory_space<vmem>> -> memref<64x128xf32, #tpu.memory_space<vmem>>
        %gather3A_826 = tpu.vector_load_idx %gather3A_825[%add3A_820, %broadcast_in_dim3A_821] : memref<64x128xf32, #tpu.memory_space<vmem>>[vector<16xi32>, vector<16xi32>], vector<16xf32>,
        %swap3A_827 = arith.index_cast %get3A_782 : i32 to index
        %swap3A_828 = arith.constant 48 : index
        %swap3A_829 = tpu.vector_load %arg13[%swap3A_827, %swap3A_828] {strides = array<i32>} : memref<16x128xf32, #tpu.memory_space<vmem>>, vector<16xf32>,
        tpu.vector_store %arg13[%swap3A_827, %swap3A_828], %gather3A_826 {strides = array<i32>} : memref<16x128xf32, #tpu.memory_space<vmem>>, vector<16xf32>,
        %eq3A = vector.broadcast %get3A_782 : i32 to vector<16xi32>
        %eq3A_830 = arith.cmpi eq, %iota3A, %eq3A : vector<16xi32>
        %broadcast_in_dim3A_831 = vector.broadcast %squeeze3A_774 : i32 to vector<16xi32>
        %get3A_832 = arith.constant 0 : index
        %get3A_833 = tpu.vector_load %arg14[%get3A_832] {strides = array<i32>} : memref<16xi32, #tpu.memory_space<vmem>>, vector<16xi32>,
        %select_n3A_834 = arith.select %eq3A_830, %broadcast_in_dim3A_831, %get3A_833 : vector<16xi1>, vector<16xi32>
        %swap3A_835 = arith.constant 0 : index
        %swap3A_836 = tpu.vector_load %arg14[%swap3A_835] {strides = array<i32>} : memref<16xi32, #tpu.memory_space<vmem>>, vector<16xi32>,
        tpu.vector_store %arg14[%swap3A_835], %select_n3A_834 {strides = array<i32>} : memref<16xi32, #tpu.memory_space<vmem>>, vector<16xi32>,
        %add3A_837 = arith.constant 1 : i32
        %add3A_838 = arith.addi %get3A_782, %add3A_837 : i32
        %eq3A_839 = arith.constant 16 : i32
        %eq3A_840 = arith.cmpi eq, %add3A_838, %eq3A_839 : i32
        %convert_element_type3A = arith.extui %eq3A_840 : i1 to i32
        %cond3A = arith.constant 0 : i32
        %cond3A_841 = arith.cmpi ne, %convert_element_type3A, %cond3A : i32
        scf.if %cond3A_841 {
          %dma_start3A_850 = arith.constant 0 : i32
          %dma_start3A_851 = arith.constant 0 : i32
          %dma_start3A_852 = tpu.memref_slice %arg4[%dma_start3A_850, %dma_start3A_851] : memref<16896x128xf32, #tpu.memory_space<hbm>> -> memref<16896x128xf32, #tpu.memory_space<hbm>>
          tpu.enqueue_indirect_dma source(%arg13 : memref<16x128xf32, #tpu.memory_space<vmem>>) target(%dma_start3A_852 : memref<16896x128xf32, #tpu.memory_space<hbm>>) offsets(%arg14 : memref<16xi32, #tpu.memory_space<vmem>>) semaphore(%arg22 : memref<!tpu.dma_semaphore, #tpu.memory_space<semaphore_mem>>)
          %dma_wait3A_853 = arith.constant 0 : i32
          %dma_wait3A_854 = arith.constant 0 : i32
          %dma_wait3A_855 = tpu.memref_slice %arg4[%dma_wait3A_853, %dma_wait3A_854] : memref<16896x128xf32, #tpu.memory_space<hbm>> -> memref<16896x128xf32, #tpu.memory_space<hbm>>
          tpu.wait_indirect_dma semaphore(%arg22 : memref<!tpu.dma_semaphore, #tpu.memory_space<semaphore_mem>>) src(%arg13 : memref<16x128xf32, #tpu.memory_space<vmem>>) dst(%dma_wait3A_855 : memref<16896x128xf32, #tpu.memory_space<hbm>>)
        } else {
        }
        %eq3A_842 = arith.constant 16 : i32
        %eq3A_843 = arith.cmpi eq, %add3A_838, %eq3A_842 : i32
        %jit3A_844 = arith.constant 0 : i32
        %select_n3A_845 = arith.select %eq3A_843, %jit3A_844, %add3A_838 : i32
        %swap3A_846 = arith.constant 3 : i32
        %swap3A_847 = arith.index_cast %swap3A_846 : i32 to index
        %swap3A_848 = memref.load %arg15[%swap3A_847] : memref<8xi32, #tpu.memory_space<smem>>
        memref.store %select_n3A_845, %arg15[%swap3A_847] : memref<8xi32, #tpu.memory_space<smem>>
        %while3A_849 = arith.constant 0 : i32
        scf.yield %while3A_849 : i32
      }
      %add3A_394 = arith.constant 6 : i32
      %add3A_395 = arith.addi %add3A_351, %add3A_394 : i32
      %min3A_396 = arith.constant 271 : i32
      %min3A_397 = arith.minsi %add3A_395, %min3A_396 : i32
      %get3A_398 = arith.index_cast %min3A_397 : i32 to index
      %get3A_399 = tpu.vector_load %arg11[%get3A_398] {strides = array<i32>} : memref<288xi32, #tpu.memory_space<vmem>>, vector<16xi32>,
      %slice3A_400 = vector.extract_strided_slice %get3A_399 {offsets = [0], sizes = [1], strides = [1]} : vector<16xi32> to vector<1xi32>
      %squeeze3A_401 = vector.extract %slice3A_400[0] : i32 from vector<1xi32>
      %add3A_402 = arith.addi %add3A_4, %squeeze3A_401 : i32
      %mul3A_403 = arith.constant 128 : i32
      %mul3A_404 = arith.muli %add3A_402, %mul3A_403 : i32
      %dma_start3A_405 = arith.constant 0 : i32
      %dma_start3A_406 = arith.constant 0 : i32
      %dma_start3A_407 = arith.constant 0 : i32
      %dma_start3A_408 = tpu.memref_slice %arg12[%dma_start3A_405, %dma_start3A_406, %dma_start3A_407] : memref<6x64x128xf32, #tpu.memory_space<vmem>> -> memref<1x64x128xf32, #tpu.memory_space<vmem>>
      %dma_start3A_409 = tpu.memref_squeeze %dma_start3A_408 : memref<1x64x128xf32, #tpu.memory_space<vmem>> -> memref<64x128xf32, #tpu.memory_space<vmem>>
      %dma_start3A_410 = arith.constant 0 : i32
      %dma_start3A_411 = tpu.memref_slice %arg2[%dma_start3A_410, %mul3A_404] : memref<64x1000000xf32, #tpu.memory_space<hbm>> -> memref<64x128xf32, #tpu.memory_space<hbm>>
      %dma_start3A_412 = arith.constant 0 : i32
      %dma_start3A_413 = arith.constant 0 : i32
      %dma_start3A_414 = tpu.memref_slice %arg12[%dma_start3A_405, %dma_start3A_412, %dma_start3A_413] : memref<6x64x128xf32, #tpu.memory_space<vmem>> -> memref<1x64x128xf32, #tpu.memory_space<vmem>>
      %dma_start3A_415 = tpu.memref_squeeze %dma_start3A_414 : memref<1x64x128xf32, #tpu.memory_space<vmem>> -> memref<64x128xf32, #tpu.memory_space<vmem>>
      %dma_start3A_416 = arith.constant 0 : i32
      %dma_start3A_417 = tpu.memref_slice %arg2[%dma_start3A_416, %mul3A_404] : memref<64x1000000xf32, #tpu.memory_space<hbm>> -> memref<64x128xf32, #tpu.memory_space<hbm>>
      tpu.enqueue_dma source(%dma_start3A_417 : memref<64x128xf32, #tpu.memory_space<hbm>>) target(%dma_start3A_415 : memref<64x128xf32, #tpu.memory_space<vmem>>) target_semaphore(%arg16 : memref<!tpu.dma_semaphore, #tpu.memory_space<semaphore_mem>>)
      %mul3A_418 = arith.constant 6 : i32
      %mul3A_419 = arith.muli %while3A_346, %mul3A_418 : i32
      %add3A_420 = arith.constant 1 : i32
      %add3A_421 = arith.addi %mul3A_419, %add3A_420 : i32
      %dma_wait3A_422 = arith.constant 1 : i32
      %dma_wait3A_423 = arith.constant 0 : i32
      %dma_wait3A_424 = arith.constant 0 : i32
      %dma_wait3A_425 = tpu.memref_slice %arg12[%dma_wait3A_422, %dma_wait3A_423, %dma_wait3A_424] : memref<6x64x128xf32, #tpu.memory_space<vmem>> -> memref<1x64x128xf32, #tpu.memory_space<vmem>>
      %dma_wait3A_426 = tpu.memref_squeeze %dma_wait3A_425 : memref<1x64x128xf32, #tpu.memory_space<vmem>> -> memref<64x128xf32, #tpu.memory_space<vmem>>
      %dma_wait3A_427 = arith.constant 0 : i32
      %dma_wait3A_428 = arith.constant 0 : i32
      %dma_wait3A_429 = tpu.memref_slice %arg2[%dma_wait3A_427, %dma_wait3A_428] : memref<64x1000000xf32, #tpu.memory_space<hbm>> -> memref<64x128xf32, #tpu.memory_space<hbm>>
      %dma_wait3A_430 = arith.constant 0 : i32
      %dma_wait3A_431 = arith.constant 0 : i32
      %dma_wait3A_432 = tpu.memref_slice %arg12[%dma_wait3A_422, %dma_wait3A_430, %dma_wait3A_431] : memref<6x64x128xf32, #tpu.memory_space<vmem>> -> memref<1x64x128xf32, #tpu.memory_space<vmem>>
      %dma_wait3A_433 = tpu.memref_squeeze %dma_wait3A_432 : memref<1x64x128xf32, #tpu.memory_space<vmem>> -> memref<64x128xf32, #tpu.memory_space<vmem>>
      %dma_wait3A_434 = arith.constant 0 : i32
      %dma_wait3A_435 = arith.constant 0 : i32
      %dma_wait3A_436 = tpu.memref_slice %arg2[%dma_wait3A_434, %dma_wait3A_435] : memref<64x1000000xf32, #tpu.memory_space<hbm>> -> memref<64x128xf32, #tpu.memory_space<hbm>>
      tpu.wait_dma2 semaphore(%arg17 : memref<!tpu.dma_semaphore, #tpu.memory_space<semaphore_mem>>) src(%dma_wait3A_436 : memref<64x128xf32, #tpu.memory_space<hbm>>) dst(%dma_wait3A_433 : memref<64x128xf32, #tpu.memory_space<vmem>>)
      %min3A_437 = arith.constant 271 : i32
      %min3A_438 = arith.minsi %add3A_421, %min3A_437 : i32
      %get3A_439 = arith.index_cast %min3A_438 : i32 to index
      %get3A_440 = tpu.vector_load %arg11[%get3A_439] {strides = array<i32>} : memref<288xi32, #tpu.memory_space<vmem>>, vector<16xi32>,
      %slice3A_441 = vector.extract_strided_slice %get3A_440 {offsets = [0], sizes = [1], strides = [1]} : vector<16xi32> to vector<1xi32>
      %squeeze3A_442 = vector.extract %slice3A_441[0] : i32 from vector<1xi32>
      %get3A_443 = arith.index_cast %squeeze3A_442 : i32 to index
      %get3A_444 = tpu.vector_load %arg9[%get3A_443] {strides = array<i32>} : memref<288xi32, #tpu.memory_space<vmem>>, vector<16xi32>,
      %slice3A_445 = vector.extract_strided_slice %get3A_444 {offsets = [0], sizes = [1], strides = [1]} : vector<16xi32> to vector<1xi32>
      %squeeze3A_446 = vector.extract %slice3A_445[0] : i32 from vector<1xi32>
      %get3A_447 = arith.index_cast %squeeze3A_442 : i32 to index
      %get3A_448 = tpu.vector_load %arg8[%get3A_447] {strides = array<i32>} : memref<288xi32, #tpu.memory_space<vmem>>, vector<16xi32>,
      %slice3A_449 = vector.extract_strided_slice %get3A_448 {offsets = [0], sizes = [1], strides = [1]} : vector<16xi32> to vector<1xi32>
      %squeeze3A_450 = vector.extract %slice3A_449[0] : i32 from vector<1xi32>
      %add3A_451 = arith.addi %squeeze3A_446, %squeeze3A_450 : i32
      %while3A_452 = arith.constant 1 : i32
      %while3A_453 = arith.constant 0 : i32
      %while3A_454 = arith.subi %add3A_451, %squeeze3A_446 : i32
      %while3A_455 = arith.addi %squeeze3A_446, %while3A_454 : i32
      %while3A_456 = arith.constant 1 : i32
      %while3A_457 = arith.divsi %while3A_454, %while3A_456 : i32
      %while3A_458 = arith.muli %while3A_457, %while3A_456 : i32
      %while3A_459 = arith.addi %squeeze3A_446, %while3A_458 : i32
      %while3A_460 = arith.constant 1 : i32
      %while3A_461 = scf.for %while3A_769 = %squeeze3A_446 to %while3A_459 step %while3A_460 iter_args(%while3A_770 = %while3A_453) -> (i32)  : i32 {
        %get3A_771 = arith.index_cast %while3A_769 : i32 to index
        %get3A_772 = tpu.vector_load %arg7[%get3A_771] {strides = array<i32>} : memref<16400xi32, #tpu.memory_space<vmem>>, vector<16xi32>,
        %slice3A_773 = vector.extract_strided_slice %get3A_772 {offsets = [0], sizes = [1], strides = [1]} : vector<16xi32> to vector<1xi32>
        %squeeze3A_774 = vector.extract %slice3A_773[0] : i32 from vector<1xi32>
        %get3A_775 = arith.index_cast %squeeze3A_774 : i32 to index
        %get3A_776 = tpu.vector_load %arg5[%get3A_775] {strides = array<i32>} : memref<16400xi32, #tpu.memory_space<vmem>>, vector<16xi32>,
        %slice3A_777 = vector.extract_strided_slice %get3A_776 {offsets = [0], sizes = [1], strides = [1]} : vector<16xi32> to vector<1xi32>
        %squeeze3A_778 = vector.extract %slice3A_777[0] : i32 from vector<1xi32>
        %and3A = arith.constant 127 : i32
        %and3A_779 = arith.andi %squeeze3A_778, %and3A : i32
        %get3A_780 = arith.constant 3 : i32
        %get3A_781 = arith.index_cast %get3A_780 : i32 to index
        %get3A_782 = memref.load %arg15[%get3A_781] : memref<8xi32, #tpu.memory_space<smem>>
        %add3A_783 = arith.constant 0 : i32
        %add3A_784 = vector.broadcast %add3A_783 : i32 to vector<16xi32>
        %add3A_785 = arith.addi %iota3A, %add3A_784 : vector<16xi32>
        %broadcast_in_dim3A_786 = vector.broadcast %and3A_779 : i32 to vector<16xi32>
        %gather3A = arith.constant 0 : i32
        %gather3A_787 = arith.constant 0 : i32
        %gather3A_788 = tpu.memref_slice %arg12[%while3A_452, %gather3A, %gather3A_787] : memref<6x64x128xf32, #tpu.memory_space<vmem>> -> memref<1x64x128xf32, #tpu.memory_space<vmem>>
        %gather3A_789 = tpu.memref_squeeze %gather3A_788 : memref<1x64x128xf32, #tpu.memory_space<vmem>> -> memref<64x128xf32, #tpu.memory_space<vmem>>
        %gather3A_790 = tpu.vector_load_idx %gather3A_789[%add3A_785, %broadcast_in_dim3A_786] : memref<64x128xf32, #tpu.memory_space<vmem>>[vector<16xi32>, vector<16xi32>], vector<16xf32>,
        %swap3A_791 = arith.index_cast %get3A_782 : i32 to index
        %swap3A_792 = arith.constant 0 : index
        %swap3A_793 = tpu.vector_load %arg13[%swap3A_791, %swap3A_792] {strides = array<i32>} : memref<16x128xf32, #tpu.memory_space<vmem>>, vector<16xf32>,
        tpu.vector_store %arg13[%swap3A_791, %swap3A_792], %gather3A_790 {strides = array<i32>} : memref<16x128xf32, #tpu.memory_space<vmem>>, vector<16xf32>,
        %add3A_794 = arith.constant 16 : i32
        %add3A_795 = vector.broadcast %add3A_794 : i32 to vector<16xi32>
        %add3A_796 = arith.addi %iota3A, %add3A_795 : vector<16xi32>
        %broadcast_in_dim3A_797 = vector.broadcast %and3A_779 : i32 to vector<16xi32>
        %gather3A_798 = arith.constant 0 : i32
        %gather3A_799 = arith.constant 0 : i32
        %gather3A_800 = tpu.memref_slice %arg12[%while3A_452, %gather3A_798, %gather3A_799] : memref<6x64x128xf32, #tpu.memory_space<vmem>> -> memref<1x64x128xf32, #tpu.memory_space<vmem>>
        %gather3A_801 = tpu.memref_squeeze %gather3A_800 : memref<1x64x128xf32, #tpu.memory_space<vmem>> -> memref<64x128xf32, #tpu.memory_space<vmem>>
        %gather3A_802 = tpu.vector_load_idx %gather3A_801[%add3A_796, %broadcast_in_dim3A_797] : memref<64x128xf32, #tpu.memory_space<vmem>>[vector<16xi32>, vector<16xi32>], vector<16xf32>,
        %swap3A_803 = arith.index_cast %get3A_782 : i32 to index
        %swap3A_804 = arith.constant 16 : index
        %swap3A_805 = tpu.vector_load %arg13[%swap3A_803, %swap3A_804] {strides = array<i32>} : memref<16x128xf32, #tpu.memory_space<vmem>>, vector<16xf32>,
        tpu.vector_store %arg13[%swap3A_803, %swap3A_804], %gather3A_802 {strides = array<i32>} : memref<16x128xf32, #tpu.memory_space<vmem>>, vector<16xf32>,
        %add3A_806 = arith.constant 32 : i32
        %add3A_807 = vector.broadcast %add3A_806 : i32 to vector<16xi32>
        %add3A_808 = arith.addi %iota3A, %add3A_807 : vector<16xi32>
        %broadcast_in_dim3A_809 = vector.broadcast %and3A_779 : i32 to vector<16xi32>
        %gather3A_810 = arith.constant 0 : i32
        %gather3A_811 = arith.constant 0 : i32
        %gather3A_812 = tpu.memref_slice %arg12[%while3A_452, %gather3A_810, %gather3A_811] : memref<6x64x128xf32, #tpu.memory_space<vmem>> -> memref<1x64x128xf32, #tpu.memory_space<vmem>>
        %gather3A_813 = tpu.memref_squeeze %gather3A_812 : memref<1x64x128xf32, #tpu.memory_space<vmem>> -> memref<64x128xf32, #tpu.memory_space<vmem>>
        %gather3A_814 = tpu.vector_load_idx %gather3A_813[%add3A_808, %broadcast_in_dim3A_809] : memref<64x128xf32, #tpu.memory_space<vmem>>[vector<16xi32>, vector<16xi32>], vector<16xf32>,
        %swap3A_815 = arith.index_cast %get3A_782 : i32 to index
        %swap3A_816 = arith.constant 32 : index
        %swap3A_817 = tpu.vector_load %arg13[%swap3A_815, %swap3A_816] {strides = array<i32>} : memref<16x128xf32, #tpu.memory_space<vmem>>, vector<16xf32>,
        tpu.vector_store %arg13[%swap3A_815, %swap3A_816], %gather3A_814 {strides = array<i32>} : memref<16x128xf32, #tpu.memory_space<vmem>>, vector<16xf32>,
        %add3A_818 = arith.constant 48 : i32
        %add3A_819 = vector.broadcast %add3A_818 : i32 to vector<16xi32>
        %add3A_820 = arith.addi %iota3A, %add3A_819 : vector<16xi32>
        %broadcast_in_dim3A_821 = vector.broadcast %and3A_779 : i32 to vector<16xi32>
        %gather3A_822 = arith.constant 0 : i32
        %gather3A_823 = arith.constant 0 : i32
        %gather3A_824 = tpu.memref_slice %arg12[%while3A_452, %gather3A_822, %gather3A_823] : memref<6x64x128xf32, #tpu.memory_space<vmem>> -> memref<1x64x128xf32, #tpu.memory_space<vmem>>
        %gather3A_825 = tpu.memref_squeeze %gather3A_824 : memref<1x64x128xf32, #tpu.memory_space<vmem>> -> memref<64x128xf32, #tpu.memory_space<vmem>>
        %gather3A_826 = tpu.vector_load_idx %gather3A_825[%add3A_820, %broadcast_in_dim3A_821] : memref<64x128xf32, #tpu.memory_space<vmem>>[vector<16xi32>, vector<16xi32>], vector<16xf32>,
        %swap3A_827 = arith.index_cast %get3A_782 : i32 to index
        %swap3A_828 = arith.constant 48 : index
        %swap3A_829 = tpu.vector_load %arg13[%swap3A_827, %swap3A_828] {strides = array<i32>} : memref<16x128xf32, #tpu.memory_space<vmem>>, vector<16xf32>,
        tpu.vector_store %arg13[%swap3A_827, %swap3A_828], %gather3A_826 {strides = array<i32>} : memref<16x128xf32, #tpu.memory_space<vmem>>, vector<16xf32>,
        %eq3A = vector.broadcast %get3A_782 : i32 to vector<16xi32>
        %eq3A_830 = arith.cmpi eq, %iota3A, %eq3A : vector<16xi32>
        %broadcast_in_dim3A_831 = vector.broadcast %squeeze3A_774 : i32 to vector<16xi32>
        %get3A_832 = arith.constant 0 : index
        %get3A_833 = tpu.vector_load %arg14[%get3A_832] {strides = array<i32>} : memref<16xi32, #tpu.memory_space<vmem>>, vector<16xi32>,
        %select_n3A_834 = arith.select %eq3A_830, %broadcast_in_dim3A_831, %get3A_833 : vector<16xi1>, vector<16xi32>
        %swap3A_835 = arith.constant 0 : index
        %swap3A_836 = tpu.vector_load %arg14[%swap3A_835] {strides = array<i32>} : memref<16xi32, #tpu.memory_space<vmem>>, vector<16xi32>,
        tpu.vector_store %arg14[%swap3A_835], %select_n3A_834 {strides = array<i32>} : memref<16xi32, #tpu.memory_space<vmem>>, vector<16xi32>,
        %add3A_837 = arith.constant 1 : i32
        %add3A_838 = arith.addi %get3A_782, %add3A_837 : i32
        %eq3A_839 = arith.constant 16 : i32
        %eq3A_840 = arith.cmpi eq, %add3A_838, %eq3A_839 : i32
        %convert_element_type3A = arith.extui %eq3A_840 : i1 to i32
        %cond3A = arith.constant 0 : i32
        %cond3A_841 = arith.cmpi ne, %convert_element_type3A, %cond3A : i32
        scf.if %cond3A_841 {
          %dma_start3A_850 = arith.constant 0 : i32
          %dma_start3A_851 = arith.constant 0 : i32
          %dma_start3A_852 = tpu.memref_slice %arg4[%dma_start3A_850, %dma_start3A_851] : memref<16896x128xf32, #tpu.memory_space<hbm>> -> memref<16896x128xf32, #tpu.memory_space<hbm>>
          tpu.enqueue_indirect_dma source(%arg13 : memref<16x128xf32, #tpu.memory_space<vmem>>) target(%dma_start3A_852 : memref<16896x128xf32, #tpu.memory_space<hbm>>) offsets(%arg14 : memref<16xi32, #tpu.memory_space<vmem>>) semaphore(%arg22 : memref<!tpu.dma_semaphore, #tpu.memory_space<semaphore_mem>>)
          %dma_wait3A_853 = arith.constant 0 : i32
          %dma_wait3A_854 = arith.constant 0 : i32
          %dma_wait3A_855 = tpu.memref_slice %arg4[%dma_wait3A_853, %dma_wait3A_854] : memref<16896x128xf32, #tpu.memory_space<hbm>> -> memref<16896x128xf32, #tpu.memory_space<hbm>>
          tpu.wait_indirect_dma semaphore(%arg22 : memref<!tpu.dma_semaphore, #tpu.memory_space<semaphore_mem>>) src(%arg13 : memref<16x128xf32, #tpu.memory_space<vmem>>) dst(%dma_wait3A_855 : memref<16896x128xf32, #tpu.memory_space<hbm>>)
        } else {
        }
        %eq3A_842 = arith.constant 16 : i32
        %eq3A_843 = arith.cmpi eq, %add3A_838, %eq3A_842 : i32
        %jit3A_844 = arith.constant 0 : i32
        %select_n3A_845 = arith.select %eq3A_843, %jit3A_844, %add3A_838 : i32
        %swap3A_846 = arith.constant 3 : i32
        %swap3A_847 = arith.index_cast %swap3A_846 : i32 to index
        %swap3A_848 = memref.load %arg15[%swap3A_847] : memref<8xi32, #tpu.memory_space<smem>>
        memref.store %select_n3A_845, %arg15[%swap3A_847] : memref<8xi32, #tpu.memory_space<smem>>
        %while3A_849 = arith.constant 0 : i32
        scf.yield %while3A_849 : i32
      }
      %while3A_462 = arith.constant 1 : i32
      %while3A_463 = scf.for %while3A_769 = %while3A_459 to %while3A_455 step %while3A_462 iter_args(%while3A_770 = %while3A_461) -> (i32)  : i32 {
        %get3A_771 = arith.index_cast %while3A_769 : i32 to index
        %get3A_772 = tpu.vector_load %arg7[%get3A_771] {strides = array<i32>} : memref<16400xi32, #tpu.memory_space<vmem>>, vector<16xi32>,
        %slice3A_773 = vector.extract_strided_slice %get3A_772 {offsets = [0], sizes = [1], strides = [1]} : vector<16xi32> to vector<1xi32>
        %squeeze3A_774 = vector.extract %slice3A_773[0] : i32 from vector<1xi32>
        %get3A_775 = arith.index_cast %squeeze3A_774 : i32 to index
        %get3A_776 = tpu.vector_load %arg5[%get3A_775] {strides = array<i32>} : memref<16400xi32, #tpu.memory_space<vmem>>, vector<16xi32>,
        %slice3A_777 = vector.extract_strided_slice %get3A_776 {offsets = [0], sizes = [1], strides = [1]} : vector<16xi32> to vector<1xi32>
        %squeeze3A_778 = vector.extract %slice3A_777[0] : i32 from vector<1xi32>
        %and3A = arith.constant 127 : i32
        %and3A_779 = arith.andi %squeeze3A_778, %and3A : i32
        %get3A_780 = arith.constant 3 : i32
        %get3A_781 = arith.index_cast %get3A_780 : i32 to index
        %get3A_782 = memref.load %arg15[%get3A_781] : memref<8xi32, #tpu.memory_space<smem>>
        %add3A_783 = arith.constant 0 : i32
        %add3A_784 = vector.broadcast %add3A_783 : i32 to vector<16xi32>
        %add3A_785 = arith.addi %iota3A, %add3A_784 : vector<16xi32>
        %broadcast_in_dim3A_786 = vector.broadcast %and3A_779 : i32 to vector<16xi32>
        %gather3A = arith.constant 0 : i32
        %gather3A_787 = arith.constant 0 : i32
        %gather3A_788 = tpu.memref_slice %arg12[%while3A_452, %gather3A, %gather3A_787] : memref<6x64x128xf32, #tpu.memory_space<vmem>> -> memref<1x64x128xf32, #tpu.memory_space<vmem>>
        %gather3A_789 = tpu.memref_squeeze %gather3A_788 : memref<1x64x128xf32, #tpu.memory_space<vmem>> -> memref<64x128xf32, #tpu.memory_space<vmem>>
        %gather3A_790 = tpu.vector_load_idx %gather3A_789[%add3A_785, %broadcast_in_dim3A_786] : memref<64x128xf32, #tpu.memory_space<vmem>>[vector<16xi32>, vector<16xi32>], vector<16xf32>,
        %swap3A_791 = arith.index_cast %get3A_782 : i32 to index
        %swap3A_792 = arith.constant 0 : index
        %swap3A_793 = tpu.vector_load %arg13[%swap3A_791, %swap3A_792] {strides = array<i32>} : memref<16x128xf32, #tpu.memory_space<vmem>>, vector<16xf32>,
        tpu.vector_store %arg13[%swap3A_791, %swap3A_792], %gather3A_790 {strides = array<i32>} : memref<16x128xf32, #tpu.memory_space<vmem>>, vector<16xf32>,
        %add3A_794 = arith.constant 16 : i32
        %add3A_795 = vector.broadcast %add3A_794 : i32 to vector<16xi32>
        %add3A_796 = arith.addi %iota3A, %add3A_795 : vector<16xi32>
        %broadcast_in_dim3A_797 = vector.broadcast %and3A_779 : i32 to vector<16xi32>
        %gather3A_798 = arith.constant 0 : i32
        %gather3A_799 = arith.constant 0 : i32
        %gather3A_800 = tpu.memref_slice %arg12[%while3A_452, %gather3A_798, %gather3A_799] : memref<6x64x128xf32, #tpu.memory_space<vmem>> -> memref<1x64x128xf32, #tpu.memory_space<vmem>>
        %gather3A_801 = tpu.memref_squeeze %gather3A_800 : memref<1x64x128xf32, #tpu.memory_space<vmem>> -> memref<64x128xf32, #tpu.memory_space<vmem>>
        %gather3A_802 = tpu.vector_load_idx %gather3A_801[%add3A_796, %broadcast_in_dim3A_797] : memref<64x128xf32, #tpu.memory_space<vmem>>[vector<16xi32>, vector<16xi32>], vector<16xf32>,
        %swap3A_803 = arith.index_cast %get3A_782 : i32 to index
        %swap3A_804 = arith.constant 16 : index
        %swap3A_805 = tpu.vector_load %arg13[%swap3A_803, %swap3A_804] {strides = array<i32>} : memref<16x128xf32, #tpu.memory_space<vmem>>, vector<16xf32>,
        tpu.vector_store %arg13[%swap3A_803, %swap3A_804], %gather3A_802 {strides = array<i32>} : memref<16x128xf32, #tpu.memory_space<vmem>>, vector<16xf32>,
        %add3A_806 = arith.constant 32 : i32
        %add3A_807 = vector.broadcast %add3A_806 : i32 to vector<16xi32>
        %add3A_808 = arith.addi %iota3A, %add3A_807 : vector<16xi32>
        %broadcast_in_dim3A_809 = vector.broadcast %and3A_779 : i32 to vector<16xi32>
        %gather3A_810 = arith.constant 0 : i32
        %gather3A_811 = arith.constant 0 : i32
        %gather3A_812 = tpu.memref_slice %arg12[%while3A_452, %gather3A_810, %gather3A_811] : memref<6x64x128xf32, #tpu.memory_space<vmem>> -> memref<1x64x128xf32, #tpu.memory_space<vmem>>
        %gather3A_813 = tpu.memref_squeeze %gather3A_812 : memref<1x64x128xf32, #tpu.memory_space<vmem>> -> memref<64x128xf32, #tpu.memory_space<vmem>>
        %gather3A_814 = tpu.vector_load_idx %gather3A_813[%add3A_808, %broadcast_in_dim3A_809] : memref<64x128xf32, #tpu.memory_space<vmem>>[vector<16xi32>, vector<16xi32>], vector<16xf32>,
        %swap3A_815 = arith.index_cast %get3A_782 : i32 to index
        %swap3A_816 = arith.constant 32 : index
        %swap3A_817 = tpu.vector_load %arg13[%swap3A_815, %swap3A_816] {strides = array<i32>} : memref<16x128xf32, #tpu.memory_space<vmem>>, vector<16xf32>,
        tpu.vector_store %arg13[%swap3A_815, %swap3A_816], %gather3A_814 {strides = array<i32>} : memref<16x128xf32, #tpu.memory_space<vmem>>, vector<16xf32>,
        %add3A_818 = arith.constant 48 : i32
        %add3A_819 = vector.broadcast %add3A_818 : i32 to vector<16xi32>
        %add3A_820 = arith.addi %iota3A, %add3A_819 : vector<16xi32>
        %broadcast_in_dim3A_821 = vector.broadcast %and3A_779 : i32 to vector<16xi32>
        %gather3A_822 = arith.constant 0 : i32
        %gather3A_823 = arith.constant 0 : i32
        %gather3A_824 = tpu.memref_slice %arg12[%while3A_452, %gather3A_822, %gather3A_823] : memref<6x64x128xf32, #tpu.memory_space<vmem>> -> memref<1x64x128xf32, #tpu.memory_space<vmem>>
        %gather3A_825 = tpu.memref_squeeze %gather3A_824 : memref<1x64x128xf32, #tpu.memory_space<vmem>> -> memref<64x128xf32, #tpu.memory_space<vmem>>
        %gather3A_826 = tpu.vector_load_idx %gather3A_825[%add3A_820, %broadcast_in_dim3A_821] : memref<64x128xf32, #tpu.memory_space<vmem>>[vector<16xi32>, vector<16xi32>], vector<16xf32>,
        %swap3A_827 = arith.index_cast %get3A_782 : i32 to index
        %swap3A_828 = arith.constant 48 : index
        %swap3A_829 = tpu.vector_load %arg13[%swap3A_827, %swap3A_828] {strides = array<i32>} : memref<16x128xf32, #tpu.memory_space<vmem>>, vector<16xf32>,
        tpu.vector_store %arg13[%swap3A_827, %swap3A_828], %gather3A_826 {strides = array<i32>} : memref<16x128xf32, #tpu.memory_space<vmem>>, vector<16xf32>,
        %eq3A = vector.broadcast %get3A_782 : i32 to vector<16xi32>
        %eq3A_830 = arith.cmpi eq, %iota3A, %eq3A : vector<16xi32>
        %broadcast_in_dim3A_831 = vector.broadcast %squeeze3A_774 : i32 to vector<16xi32>
        %get3A_832 = arith.constant 0 : index
        %get3A_833 = tpu.vector_load %arg14[%get3A_832] {strides = array<i32>} : memref<16xi32, #tpu.memory_space<vmem>>, vector<16xi32>,
        %select_n3A_834 = arith.select %eq3A_830, %broadcast_in_dim3A_831, %get3A_833 : vector<16xi1>, vector<16xi32>
        %swap3A_835 = arith.constant 0 : index
        %swap3A_836 = tpu.vector_load %arg14[%swap3A_835] {strides = array<i32>} : memref<16xi32, #tpu.memory_space<vmem>>, vector<16xi32>,
        tpu.vector_store %arg14[%swap3A_835], %select_n3A_834 {strides = array<i32>} : memref<16xi32, #tpu.memory_space<vmem>>, vector<16xi32>,
        %add3A_837 = arith.constant 1 : i32
        %add3A_838 = arith.addi %get3A_782, %add3A_837 : i32
        %eq3A_839 = arith.constant 16 : i32
        %eq3A_840 = arith.cmpi eq, %add3A_838, %eq3A_839 : i32
        %convert_element_type3A = arith.extui %eq3A_840 : i1 to i32
        %cond3A = arith.constant 0 : i32
        %cond3A_841 = arith.cmpi ne, %convert_element_type3A, %cond3A : i32
        scf.if %cond3A_841 {
          %dma_start3A_850 = arith.constant 0 : i32
          %dma_start3A_851 = arith.constant 0 : i32
          %dma_start3A_852 = tpu.memref_slice %arg4[%dma_start3A_850, %dma_start3A_851] : memref<16896x128xf32, #tpu.memory_space<hbm>> -> memref<16896x128xf32, #tpu.memory_space<hbm>>
          tpu.enqueue_indirect_dma source(%arg13 : memref<16x128xf32, #tpu.memory_space<vmem>>) target(%dma_start3A_852 : memref<16896x128xf32, #tpu.memory_space<hbm>>) offsets(%arg14 : memref<16xi32, #tpu.memory_space<vmem>>) semaphore(%arg22 : memref<!tpu.dma_semaphore, #tpu.memory_space<semaphore_mem>>)
          %dma_wait3A_853 = arith.constant 0 : i32
          %dma_wait3A_854 = arith.constant 0 : i32
          %dma_wait3A_855 = tpu.memref_slice %arg4[%dma_wait3A_853, %dma_wait3A_854] : memref<16896x128xf32, #tpu.memory_space<hbm>> -> memref<16896x128xf32, #tpu.memory_space<hbm>>
          tpu.wait_indirect_dma semaphore(%arg22 : memref<!tpu.dma_semaphore, #tpu.memory_space<semaphore_mem>>) src(%arg13 : memref<16x128xf32, #tpu.memory_space<vmem>>) dst(%dma_wait3A_855 : memref<16896x128xf32, #tpu.memory_space<hbm>>)
        } else {
        }
        %eq3A_842 = arith.constant 16 : i32
        %eq3A_843 = arith.cmpi eq, %add3A_838, %eq3A_842 : i32
        %jit3A_844 = arith.constant 0 : i32
        %select_n3A_845 = arith.select %eq3A_843, %jit3A_844, %add3A_838 : i32
        %swap3A_846 = arith.constant 3 : i32
        %swap3A_847 = arith.index_cast %swap3A_846 : i32 to index
        %swap3A_848 = memref.load %arg15[%swap3A_847] : memref<8xi32, #tpu.memory_space<smem>>
        memref.store %select_n3A_845, %arg15[%swap3A_847] : memref<8xi32, #tpu.memory_space<smem>>
        %while3A_849 = arith.constant 0 : i32
        scf.yield %while3A_849 : i32
      }
      %add3A_464 = arith.constant 6 : i32
      %add3A_465 = arith.addi %add3A_421, %add3A_464 : i32
      %min3A_466 = arith.constant 271 : i32
      %min3A_467 = arith.minsi %add3A_465, %min3A_466 : i32
      %get3A_468 = arith.index_cast %min3A_467 : i32 to index
      %get3A_469 = tpu.vector_load %arg11[%get3A_468] {strides = array<i32>} : memref<288xi32, #tpu.memory_space<vmem>>, vector<16xi32>,
      %slice3A_470 = vector.extract_strided_slice %get3A_469 {offsets = [0], sizes = [1], strides = [1]} : vector<16xi32> to vector<1xi32>
      %squeeze3A_471 = vector.extract %slice3A_470[0] : i32 from vector<1xi32>
      %add3A_472 = arith.addi %add3A_4, %squeeze3A_471 : i32
      %mul3A_473 = arith.constant 128 : i32
      %mul3A_474 = arith.muli %add3A_472, %mul3A_473 : i32
      %dma_start3A_475 = arith.constant 1 : i32
      %dma_start3A_476 = arith.constant 0 : i32
      %dma_start3A_477 = arith.constant 0 : i32
      %dma_start3A_478 = tpu.memref_slice %arg12[%dma_start3A_475, %dma_start3A_476, %dma_start3A_477] : memref<6x64x128xf32, #tpu.memory_space<vmem>> -> memref<1x64x128xf32, #tpu.memory_space<vmem>>
      %dma_start3A_479 = tpu.memref_squeeze %dma_start3A_478 : memref<1x64x128xf32, #tpu.memory_space<vmem>> -> memref<64x128xf32, #tpu.memory_space<vmem>>
      %dma_start3A_480 = arith.constant 0 : i32
      %dma_start3A_481 = tpu.memref_slice %arg2[%dma_start3A_480, %mul3A_474] : memref<64x1000000xf32, #tpu.memory_space<hbm>> -> memref<64x128xf32, #tpu.memory_space<hbm>>
      %dma_start3A_482 = arith.constant 0 : i32
      %dma_start3A_483 = arith.constant 0 : i32
      %dma_start3A_484 = tpu.memref_slice %arg12[%dma_start3A_475, %dma_start3A_482, %dma_start3A_483] : memref<6x64x128xf32, #tpu.memory_space<vmem>> -> memref<1x64x128xf32, #tpu.memory_space<vmem>>
      %dma_start3A_485 = tpu.memref_squeeze %dma_start3A_484 : memref<1x64x128xf32, #tpu.memory_space<vmem>> -> memref<64x128xf32, #tpu.memory_space<vmem>>
      %dma_start3A_486 = arith.constant 0 : i32
      %dma_start3A_487 = tpu.memref_slice %arg2[%dma_start3A_486, %mul3A_474] : memref<64x1000000xf32, #tpu.memory_space<hbm>> -> memref<64x128xf32, #tpu.memory_space<hbm>>
      tpu.enqueue_dma source(%dma_start3A_487 : memref<64x128xf32, #tpu.memory_space<hbm>>) target(%dma_start3A_485 : memref<64x128xf32, #tpu.memory_space<vmem>>) target_semaphore(%arg17 : memref<!tpu.dma_semaphore, #tpu.memory_space<semaphore_mem>>)
      %mul3A_488 = arith.constant 6 : i32
      %mul3A_489 = arith.muli %while3A_346, %mul3A_488 : i32
      %add3A_490 = arith.constant 2 : i32
      %add3A_491 = arith.addi %mul3A_489, %add3A_490 : i32
      %dma_wait3A_492 = arith.constant 2 : i32
      %dma_wait3A_493 = arith.constant 0 : i32
      %dma_wait3A_494 = arith.constant 0 : i32
      %dma_wait3A_495 = tpu.memref_slice %arg12[%dma_wait3A_492, %dma_wait3A_493, %dma_wait3A_494] : memref<6x64x128xf32, #tpu.memory_space<vmem>> -> memref<1x64x128xf32, #tpu.memory_space<vmem>>
      %dma_wait3A_496 = tpu.memref_squeeze %dma_wait3A_495 : memref<1x64x128xf32, #tpu.memory_space<vmem>> -> memref<64x128xf32, #tpu.memory_space<vmem>>
      %dma_wait3A_497 = arith.constant 0 : i32
      %dma_wait3A_498 = arith.constant 0 : i32
      %dma_wait3A_499 = tpu.memref_slice %arg2[%dma_wait3A_497, %dma_wait3A_498] : memref<64x1000000xf32, #tpu.memory_space<hbm>> -> memref<64x128xf32, #tpu.memory_space<hbm>>
      %dma_wait3A_500 = arith.constant 0 : i32
      %dma_wait3A_501 = arith.constant 0 : i32
      %dma_wait3A_502 = tpu.memref_slice %arg12[%dma_wait3A_492, %dma_wait3A_500, %dma_wait3A_501] : memref<6x64x128xf32, #tpu.memory_space<vmem>> -> memref<1x64x128xf32, #tpu.memory_space<vmem>>
      %dma_wait3A_503 = tpu.memref_squeeze %dma_wait3A_502 : memref<1x64x128xf32, #tpu.memory_space<vmem>> -> memref<64x128xf32, #tpu.memory_space<vmem>>
      %dma_wait3A_504 = arith.constant 0 : i32
      %dma_wait3A_505 = arith.constant 0 : i32
      %dma_wait3A_506 = tpu.memref_slice %arg2[%dma_wait3A_504, %dma_wait3A_505] : memref<64x1000000xf32, #tpu.memory_space<hbm>> -> memref<64x128xf32, #tpu.memory_space<hbm>>
      tpu.wait_dma2 semaphore(%arg18 : memref<!tpu.dma_semaphore, #tpu.memory_space<semaphore_mem>>) src(%dma_wait3A_506 : memref<64x128xf32, #tpu.memory_space<hbm>>) dst(%dma_wait3A_503 : memref<64x128xf32, #tpu.memory_space<vmem>>)
      %min3A_507 = arith.constant 271 : i32
      %min3A_508 = arith.minsi %add3A_491, %min3A_507 : i32
      %get3A_509 = arith.index_cast %min3A_508 : i32 to index
      %get3A_510 = tpu.vector_load %arg11[%get3A_509] {strides = array<i32>} : memref<288xi32, #tpu.memory_space<vmem>>, vector<16xi32>,
      %slice3A_511 = vector.extract_strided_slice %get3A_510 {offsets = [0], sizes = [1], strides = [1]} : vector<16xi32> to vector<1xi32>
      %squeeze3A_512 = vector.extract %slice3A_511[0] : i32 from vector<1xi32>
      %get3A_513 = arith.index_cast %squeeze3A_512 : i32 to index
      %get3A_514 = tpu.vector_load %arg9[%get3A_513] {strides = array<i32>} : memref<288xi32, #tpu.memory_space<vmem>>, vector<16xi32>,
      %slice3A_515 = vector.extract_strided_slice %get3A_514 {offsets = [0], sizes = [1], strides = [1]} : vector<16xi32> to vector<1xi32>
      %squeeze3A_516 = vector.extract %slice3A_515[0] : i32 from vector<1xi32>
      %get3A_517 = arith.index_cast %squeeze3A_512 : i32 to index
      %get3A_518 = tpu.vector_load %arg8[%get3A_517] {strides = array<i32>} : memref<288xi32, #tpu.memory_space<vmem>>, vector<16xi32>,
      %slice3A_519 = vector.extract_strided_slice %get3A_518 {offsets = [0], sizes = [1], strides = [1]} : vector<16xi32> to vector<1xi32>
      %squeeze3A_520 = vector.extract %slice3A_519[0] : i32 from vector<1xi32>
      %add3A_521 = arith.addi %squeeze3A_516, %squeeze3A_520 : i32
      %while3A_522 = arith.constant 2 : i32
      %while3A_523 = arith.constant 0 : i32
      %while3A_524 = arith.subi %add3A_521, %squeeze3A_516 : i32
      %while3A_525 = arith.addi %squeeze3A_516, %while3A_524 : i32
      %while3A_526 = arith.constant 1 : i32
      %while3A_527 = arith.divsi %while3A_524, %while3A_526 : i32
      %while3A_528 = arith.muli %while3A_527, %while3A_526 : i32
      %while3A_529 = arith.addi %squeeze3A_516, %while3A_528 : i32
      %while3A_530 = arith.constant 1 : i32
      %while3A_531 = scf.for %while3A_769 = %squeeze3A_516 to %while3A_529 step %while3A_530 iter_args(%while3A_770 = %while3A_523) -> (i32)  : i32 {
        %get3A_771 = arith.index_cast %while3A_769 : i32 to index
        %get3A_772 = tpu.vector_load %arg7[%get3A_771] {strides = array<i32>} : memref<16400xi32, #tpu.memory_space<vmem>>, vector<16xi32>,
        %slice3A_773 = vector.extract_strided_slice %get3A_772 {offsets = [0], sizes = [1], strides = [1]} : vector<16xi32> to vector<1xi32>
        %squeeze3A_774 = vector.extract %slice3A_773[0] : i32 from vector<1xi32>
        %get3A_775 = arith.index_cast %squeeze3A_774 : i32 to index
        %get3A_776 = tpu.vector_load %arg5[%get3A_775] {strides = array<i32>} : memref<16400xi32, #tpu.memory_space<vmem>>, vector<16xi32>,
        %slice3A_777 = vector.extract_strided_slice %get3A_776 {offsets = [0], sizes = [1], strides = [1]} : vector<16xi32> to vector<1xi32>
        %squeeze3A_778 = vector.extract %slice3A_777[0] : i32 from vector<1xi32>
        %and3A = arith.constant 127 : i32
        %and3A_779 = arith.andi %squeeze3A_778, %and3A : i32
        %get3A_780 = arith.constant 3 : i32
        %get3A_781 = arith.index_cast %get3A_780 : i32 to index
        %get3A_782 = memref.load %arg15[%get3A_781] : memref<8xi32, #tpu.memory_space<smem>>
        %add3A_783 = arith.constant 0 : i32
        %add3A_784 = vector.broadcast %add3A_783 : i32 to vector<16xi32>
        %add3A_785 = arith.addi %iota3A, %add3A_784 : vector<16xi32>
        %broadcast_in_dim3A_786 = vector.broadcast %and3A_779 : i32 to vector<16xi32>
        %gather3A = arith.constant 0 : i32
        %gather3A_787 = arith.constant 0 : i32
        %gather3A_788 = tpu.memref_slice %arg12[%while3A_522, %gather3A, %gather3A_787] : memref<6x64x128xf32, #tpu.memory_space<vmem>> -> memref<1x64x128xf32, #tpu.memory_space<vmem>>
        %gather3A_789 = tpu.memref_squeeze %gather3A_788 : memref<1x64x128xf32, #tpu.memory_space<vmem>> -> memref<64x128xf32, #tpu.memory_space<vmem>>
        %gather3A_790 = tpu.vector_load_idx %gather3A_789[%add3A_785, %broadcast_in_dim3A_786] : memref<64x128xf32, #tpu.memory_space<vmem>>[vector<16xi32>, vector<16xi32>], vector<16xf32>,
        %swap3A_791 = arith.index_cast %get3A_782 : i32 to index
        %swap3A_792 = arith.constant 0 : index
        %swap3A_793 = tpu.vector_load %arg13[%swap3A_791, %swap3A_792] {strides = array<i32>} : memref<16x128xf32, #tpu.memory_space<vmem>>, vector<16xf32>,
        tpu.vector_store %arg13[%swap3A_791, %swap3A_792], %gather3A_790 {strides = array<i32>} : memref<16x128xf32, #tpu.memory_space<vmem>>, vector<16xf32>,
        %add3A_794 = arith.constant 16 : i32
        %add3A_795 = vector.broadcast %add3A_794 : i32 to vector<16xi32>
        %add3A_796 = arith.addi %iota3A, %add3A_795 : vector<16xi32>
        %broadcast_in_dim3A_797 = vector.broadcast %and3A_779 : i32 to vector<16xi32>
        %gather3A_798 = arith.constant 0 : i32
        %gather3A_799 = arith.constant 0 : i32
        %gather3A_800 = tpu.memref_slice %arg12[%while3A_522, %gather3A_798, %gather3A_799] : memref<6x64x128xf32, #tpu.memory_space<vmem>> -> memref<1x64x128xf32, #tpu.memory_space<vmem>>
        %gather3A_801 = tpu.memref_squeeze %gather3A_800 : memref<1x64x128xf32, #tpu.memory_space<vmem>> -> memref<64x128xf32, #tpu.memory_space<vmem>>
        %gather3A_802 = tpu.vector_load_idx %gather3A_801[%add3A_796, %broadcast_in_dim3A_797] : memref<64x128xf32, #tpu.memory_space<vmem>>[vector<16xi32>, vector<16xi32>], vector<16xf32>,
        %swap3A_803 = arith.index_cast %get3A_782 : i32 to index
        %swap3A_804 = arith.constant 16 : index
        %swap3A_805 = tpu.vector_load %arg13[%swap3A_803, %swap3A_804] {strides = array<i32>} : memref<16x128xf32, #tpu.memory_space<vmem>>, vector<16xf32>,
        tpu.vector_store %arg13[%swap3A_803, %swap3A_804], %gather3A_802 {strides = array<i32>} : memref<16x128xf32, #tpu.memory_space<vmem>>, vector<16xf32>,
        %add3A_806 = arith.constant 32 : i32
        %add3A_807 = vector.broadcast %add3A_806 : i32 to vector<16xi32>
        %add3A_808 = arith.addi %iota3A, %add3A_807 : vector<16xi32>
        %broadcast_in_dim3A_809 = vector.broadcast %and3A_779 : i32 to vector<16xi32>
        %gather3A_810 = arith.constant 0 : i32
        %gather3A_811 = arith.constant 0 : i32
        %gather3A_812 = tpu.memref_slice %arg12[%while3A_522, %gather3A_810, %gather3A_811] : memref<6x64x128xf32, #tpu.memory_space<vmem>> -> memref<1x64x128xf32, #tpu.memory_space<vmem>>
        %gather3A_813 = tpu.memref_squeeze %gather3A_812 : memref<1x64x128xf32, #tpu.memory_space<vmem>> -> memref<64x128xf32, #tpu.memory_space<vmem>>
        %gather3A_814 = tpu.vector_load_idx %gather3A_813[%add3A_808, %broadcast_in_dim3A_809] : memref<64x128xf32, #tpu.memory_space<vmem>>[vector<16xi32>, vector<16xi32>], vector<16xf32>,
        %swap3A_815 = arith.index_cast %get3A_782 : i32 to index
        %swap3A_816 = arith.constant 32 : index
        %swap3A_817 = tpu.vector_load %arg13[%swap3A_815, %swap3A_816] {strides = array<i32>} : memref<16x128xf32, #tpu.memory_space<vmem>>, vector<16xf32>,
        tpu.vector_store %arg13[%swap3A_815, %swap3A_816], %gather3A_814 {strides = array<i32>} : memref<16x128xf32, #tpu.memory_space<vmem>>, vector<16xf32>,
        %add3A_818 = arith.constant 48 : i32
        %add3A_819 = vector.broadcast %add3A_818 : i32 to vector<16xi32>
        %add3A_820 = arith.addi %iota3A, %add3A_819 : vector<16xi32>
        %broadcast_in_dim3A_821 = vector.broadcast %and3A_779 : i32 to vector<16xi32>
        %gather3A_822 = arith.constant 0 : i32
        %gather3A_823 = arith.constant 0 : i32
        %gather3A_824 = tpu.memref_slice %arg12[%while3A_522, %gather3A_822, %gather3A_823] : memref<6x64x128xf32, #tpu.memory_space<vmem>> -> memref<1x64x128xf32, #tpu.memory_space<vmem>>
        %gather3A_825 = tpu.memref_squeeze %gather3A_824 : memref<1x64x128xf32, #tpu.memory_space<vmem>> -> memref<64x128xf32, #tpu.memory_space<vmem>>
        %gather3A_826 = tpu.vector_load_idx %gather3A_825[%add3A_820, %broadcast_in_dim3A_821] : memref<64x128xf32, #tpu.memory_space<vmem>>[vector<16xi32>, vector<16xi32>], vector<16xf32>,
        %swap3A_827 = arith.index_cast %get3A_782 : i32 to index
        %swap3A_828 = arith.constant 48 : index
        %swap3A_829 = tpu.vector_load %arg13[%swap3A_827, %swap3A_828] {strides = array<i32>} : memref<16x128xf32, #tpu.memory_space<vmem>>, vector<16xf32>,
        tpu.vector_store %arg13[%swap3A_827, %swap3A_828], %gather3A_826 {strides = array<i32>} : memref<16x128xf32, #tpu.memory_space<vmem>>, vector<16xf32>,
        %eq3A = vector.broadcast %get3A_782 : i32 to vector<16xi32>
        %eq3A_830 = arith.cmpi eq, %iota3A, %eq3A : vector<16xi32>
        %broadcast_in_dim3A_831 = vector.broadcast %squeeze3A_774 : i32 to vector<16xi32>
        %get3A_832 = arith.constant 0 : index
        %get3A_833 = tpu.vector_load %arg14[%get3A_832] {strides = array<i32>} : memref<16xi32, #tpu.memory_space<vmem>>, vector<16xi32>,
        %select_n3A_834 = arith.select %eq3A_830, %broadcast_in_dim3A_831, %get3A_833 : vector<16xi1>, vector<16xi32>
        %swap3A_835 = arith.constant 0 : index
        %swap3A_836 = tpu.vector_load %arg14[%swap3A_835] {strides = array<i32>} : memref<16xi32, #tpu.memory_space<vmem>>, vector<16xi32>,
        tpu.vector_store %arg14[%swap3A_835], %select_n3A_834 {strides = array<i32>} : memref<16xi32, #tpu.memory_space<vmem>>, vector<16xi32>,
        %add3A_837 = arith.constant 1 : i32
        %add3A_838 = arith.addi %get3A_782, %add3A_837 : i32
        %eq3A_839 = arith.constant 16 : i32
        %eq3A_840 = arith.cmpi eq, %add3A_838, %eq3A_839 : i32
        %convert_element_type3A = arith.extui %eq3A_840 : i1 to i32
        %cond3A = arith.constant 0 : i32
        %cond3A_841 = arith.cmpi ne, %convert_element_type3A, %cond3A : i32
        scf.if %cond3A_841 {
          %dma_start3A_850 = arith.constant 0 : i32
          %dma_start3A_851 = arith.constant 0 : i32
          %dma_start3A_852 = tpu.memref_slice %arg4[%dma_start3A_850, %dma_start3A_851] : memref<16896x128xf32, #tpu.memory_space<hbm>> -> memref<16896x128xf32, #tpu.memory_space<hbm>>
          tpu.enqueue_indirect_dma source(%arg13 : memref<16x128xf32, #tpu.memory_space<vmem>>) target(%dma_start3A_852 : memref<16896x128xf32, #tpu.memory_space<hbm>>) offsets(%arg14 : memref<16xi32, #tpu.memory_space<vmem>>) semaphore(%arg22 : memref<!tpu.dma_semaphore, #tpu.memory_space<semaphore_mem>>)
          %dma_wait3A_853 = arith.constant 0 : i32
          %dma_wait3A_854 = arith.constant 0 : i32
          %dma_wait3A_855 = tpu.memref_slice %arg4[%dma_wait3A_853, %dma_wait3A_854] : memref<16896x128xf32, #tpu.memory_space<hbm>> -> memref<16896x128xf32, #tpu.memory_space<hbm>>
          tpu.wait_indirect_dma semaphore(%arg22 : memref<!tpu.dma_semaphore, #tpu.memory_space<semaphore_mem>>) src(%arg13 : memref<16x128xf32, #tpu.memory_space<vmem>>) dst(%dma_wait3A_855 : memref<16896x128xf32, #tpu.memory_space<hbm>>)
        } else {
        }
        %eq3A_842 = arith.constant 16 : i32
        %eq3A_843 = arith.cmpi eq, %add3A_838, %eq3A_842 : i32
        %jit3A_844 = arith.constant 0 : i32
        %select_n3A_845 = arith.select %eq3A_843, %jit3A_844, %add3A_838 : i32
        %swap3A_846 = arith.constant 3 : i32
        %swap3A_847 = arith.index_cast %swap3A_846 : i32 to index
        %swap3A_848 = memref.load %arg15[%swap3A_847] : memref<8xi32, #tpu.memory_space<smem>>
        memref.store %select_n3A_845, %arg15[%swap3A_847] : memref<8xi32, #tpu.memory_space<smem>>
        %while3A_849 = arith.constant 0 : i32
        scf.yield %while3A_849 : i32
      }
      %while3A_532 = arith.constant 1 : i32
      %while3A_533 = scf.for %while3A_769 = %while3A_529 to %while3A_525 step %while3A_532 iter_args(%while3A_770 = %while3A_531) -> (i32)  : i32 {
        %get3A_771 = arith.index_cast %while3A_769 : i32 to index
        %get3A_772 = tpu.vector_load %arg7[%get3A_771] {strides = array<i32>} : memref<16400xi32, #tpu.memory_space<vmem>>, vector<16xi32>,
        %slice3A_773 = vector.extract_strided_slice %get3A_772 {offsets = [0], sizes = [1], strides = [1]} : vector<16xi32> to vector<1xi32>
        %squeeze3A_774 = vector.extract %slice3A_773[0] : i32 from vector<1xi32>
        %get3A_775 = arith.index_cast %squeeze3A_774 : i32 to index
        %get3A_776 = tpu.vector_load %arg5[%get3A_775] {strides = array<i32>} : memref<16400xi32, #tpu.memory_space<vmem>>, vector<16xi32>,
        %slice3A_777 = vector.extract_strided_slice %get3A_776 {offsets = [0], sizes = [1], strides = [1]} : vector<16xi32> to vector<1xi32>
        %squeeze3A_778 = vector.extract %slice3A_777[0] : i32 from vector<1xi32>
        %and3A = arith.constant 127 : i32
        %and3A_779 = arith.andi %squeeze3A_778, %and3A : i32
        %get3A_780 = arith.constant 3 : i32
        %get3A_781 = arith.index_cast %get3A_780 : i32 to index
        %get3A_782 = memref.load %arg15[%get3A_781] : memref<8xi32, #tpu.memory_space<smem>>
        %add3A_783 = arith.constant 0 : i32
        %add3A_784 = vector.broadcast %add3A_783 : i32 to vector<16xi32>
        %add3A_785 = arith.addi %iota3A, %add3A_784 : vector<16xi32>
        %broadcast_in_dim3A_786 = vector.broadcast %and3A_779 : i32 to vector<16xi32>
        %gather3A = arith.constant 0 : i32
        %gather3A_787 = arith.constant 0 : i32
        %gather3A_788 = tpu.memref_slice %arg12[%while3A_522, %gather3A, %gather3A_787] : memref<6x64x128xf32, #tpu.memory_space<vmem>> -> memref<1x64x128xf32, #tpu.memory_space<vmem>>
        %gather3A_789 = tpu.memref_squeeze %gather3A_788 : memref<1x64x128xf32, #tpu.memory_space<vmem>> -> memref<64x128xf32, #tpu.memory_space<vmem>>
        %gather3A_790 = tpu.vector_load_idx %gather3A_789[%add3A_785, %broadcast_in_dim3A_786] : memref<64x128xf32, #tpu.memory_space<vmem>>[vector<16xi32>, vector<16xi32>], vector<16xf32>,
        %swap3A_791 = arith.index_cast %get3A_782 : i32 to index
        %swap3A_792 = arith.constant 0 : index
        %swap3A_793 = tpu.vector_load %arg13[%swap3A_791, %swap3A_792] {strides = array<i32>} : memref<16x128xf32, #tpu.memory_space<vmem>>, vector<16xf32>,
        tpu.vector_store %arg13[%swap3A_791, %swap3A_792], %gather3A_790 {strides = array<i32>} : memref<16x128xf32, #tpu.memory_space<vmem>>, vector<16xf32>,
        %add3A_794 = arith.constant 16 : i32
        %add3A_795 = vector.broadcast %add3A_794 : i32 to vector<16xi32>
        %add3A_796 = arith.addi %iota3A, %add3A_795 : vector<16xi32>
        %broadcast_in_dim3A_797 = vector.broadcast %and3A_779 : i32 to vector<16xi32>
        %gather3A_798 = arith.constant 0 : i32
        %gather3A_799 = arith.constant 0 : i32
        %gather3A_800 = tpu.memref_slice %arg12[%while3A_522, %gather3A_798, %gather3A_799] : memref<6x64x128xf32, #tpu.memory_space<vmem>> -> memref<1x64x128xf32, #tpu.memory_space<vmem>>
        %gather3A_801 = tpu.memref_squeeze %gather3A_800 : memref<1x64x128xf32, #tpu.memory_space<vmem>> -> memref<64x128xf32, #tpu.memory_space<vmem>>
        %gather3A_802 = tpu.vector_load_idx %gather3A_801[%add3A_796, %broadcast_in_dim3A_797] : memref<64x128xf32, #tpu.memory_space<vmem>>[vector<16xi32>, vector<16xi32>], vector<16xf32>,
        %swap3A_803 = arith.index_cast %get3A_782 : i32 to index
        %swap3A_804 = arith.constant 16 : index
        %swap3A_805 = tpu.vector_load %arg13[%swap3A_803, %swap3A_804] {strides = array<i32>} : memref<16x128xf32, #tpu.memory_space<vmem>>, vector<16xf32>,
        tpu.vector_store %arg13[%swap3A_803, %swap3A_804], %gather3A_802 {strides = array<i32>} : memref<16x128xf32, #tpu.memory_space<vmem>>, vector<16xf32>,
        %add3A_806 = arith.constant 32 : i32
        %add3A_807 = vector.broadcast %add3A_806 : i32 to vector<16xi32>
        %add3A_808 = arith.addi %iota3A, %add3A_807 : vector<16xi32>
        %broadcast_in_dim3A_809 = vector.broadcast %and3A_779 : i32 to vector<16xi32>
        %gather3A_810 = arith.constant 0 : i32
        %gather3A_811 = arith.constant 0 : i32
        %gather3A_812 = tpu.memref_slice %arg12[%while3A_522, %gather3A_810, %gather3A_811] : memref<6x64x128xf32, #tpu.memory_space<vmem>> -> memref<1x64x128xf32, #tpu.memory_space<vmem>>
        %gather3A_813 = tpu.memref_squeeze %gather3A_812 : memref<1x64x128xf32, #tpu.memory_space<vmem>> -> memref<64x128xf32, #tpu.memory_space<vmem>>
        %gather3A_814 = tpu.vector_load_idx %gather3A_813[%add3A_808, %broadcast_in_dim3A_809] : memref<64x128xf32, #tpu.memory_space<vmem>>[vector<16xi32>, vector<16xi32>], vector<16xf32>,
        %swap3A_815 = arith.index_cast %get3A_782 : i32 to index
        %swap3A_816 = arith.constant 32 : index
        %swap3A_817 = tpu.vector_load %arg13[%swap3A_815, %swap3A_816] {strides = array<i32>} : memref<16x128xf32, #tpu.memory_space<vmem>>, vector<16xf32>,
        tpu.vector_store %arg13[%swap3A_815, %swap3A_816], %gather3A_814 {strides = array<i32>} : memref<16x128xf32, #tpu.memory_space<vmem>>, vector<16xf32>,
        %add3A_818 = arith.constant 48 : i32
        %add3A_819 = vector.broadcast %add3A_818 : i32 to vector<16xi32>
        %add3A_820 = arith.addi %iota3A, %add3A_819 : vector<16xi32>
        %broadcast_in_dim3A_821 = vector.broadcast %and3A_779 : i32 to vector<16xi32>
        %gather3A_822 = arith.constant 0 : i32
        %gather3A_823 = arith.constant 0 : i32
        %gather3A_824 = tpu.memref_slice %arg12[%while3A_522, %gather3A_822, %gather3A_823] : memref<6x64x128xf32, #tpu.memory_space<vmem>> -> memref<1x64x128xf32, #tpu.memory_space<vmem>>
        %gather3A_825 = tpu.memref_squeeze %gather3A_824 : memref<1x64x128xf32, #tpu.memory_space<vmem>> -> memref<64x128xf32, #tpu.memory_space<vmem>>
        %gather3A_826 = tpu.vector_load_idx %gather3A_825[%add3A_820, %broadcast_in_dim3A_821] : memref<64x128xf32, #tpu.memory_space<vmem>>[vector<16xi32>, vector<16xi32>], vector<16xf32>,
        %swap3A_827 = arith.index_cast %get3A_782 : i32 to index
        %swap3A_828 = arith.constant 48 : index
        %swap3A_829 = tpu.vector_load %arg13[%swap3A_827, %swap3A_828] {strides = array<i32>} : memref<16x128xf32, #tpu.memory_space<vmem>>, vector<16xf32>,
        tpu.vector_store %arg13[%swap3A_827, %swap3A_828], %gather3A_826 {strides = array<i32>} : memref<16x128xf32, #tpu.memory_space<vmem>>, vector<16xf32>,
        %eq3A = vector.broadcast %get3A_782 : i32 to vector<16xi32>
        %eq3A_830 = arith.cmpi eq, %iota3A, %eq3A : vector<16xi32>
        %broadcast_in_dim3A_831 = vector.broadcast %squeeze3A_774 : i32 to vector<16xi32>
        %get3A_832 = arith.constant 0 : index
        %get3A_833 = tpu.vector_load %arg14[%get3A_832] {strides = array<i32>} : memref<16xi32, #tpu.memory_space<vmem>>, vector<16xi32>,
        %select_n3A_834 = arith.select %eq3A_830, %broadcast_in_dim3A_831, %get3A_833 : vector<16xi1>, vector<16xi32>
        %swap3A_835 = arith.constant 0 : index
        %swap3A_836 = tpu.vector_load %arg14[%swap3A_835] {strides = array<i32>} : memref<16xi32, #tpu.memory_space<vmem>>, vector<16xi32>,
        tpu.vector_store %arg14[%swap3A_835], %select_n3A_834 {strides = array<i32>} : memref<16xi32, #tpu.memory_space<vmem>>, vector<16xi32>,
        %add3A_837 = arith.constant 1 : i32
        %add3A_838 = arith.addi %get3A_782, %add3A_837 : i32
        %eq3A_839 = arith.constant 16 : i32
        %eq3A_840 = arith.cmpi eq, %add3A_838, %eq3A_839 : i32
        %convert_element_type3A = arith.extui %eq3A_840 : i1 to i32
        %cond3A = arith.constant 0 : i32
        %cond3A_841 = arith.cmpi ne, %convert_element_type3A, %cond3A : i32
        scf.if %cond3A_841 {
          %dma_start3A_850 = arith.constant 0 : i32
          %dma_start3A_851 = arith.constant 0 : i32
          %dma_start3A_852 = tpu.memref_slice %arg4[%dma_start3A_850, %dma_start3A_851] : memref<16896x128xf32, #tpu.memory_space<hbm>> -> memref<16896x128xf32, #tpu.memory_space<hbm>>
          tpu.enqueue_indirect_dma source(%arg13 : memref<16x128xf32, #tpu.memory_space<vmem>>) target(%dma_start3A_852 : memref<16896x128xf32, #tpu.memory_space<hbm>>) offsets(%arg14 : memref<16xi32, #tpu.memory_space<vmem>>) semaphore(%arg22 : memref<!tpu.dma_semaphore, #tpu.memory_space<semaphore_mem>>)
          %dma_wait3A_853 = arith.constant 0 : i32
          %dma_wait3A_854 = arith.constant 0 : i32
          %dma_wait3A_855 = tpu.memref_slice %arg4[%dma_wait3A_853, %dma_wait3A_854] : memref<16896x128xf32, #tpu.memory_space<hbm>> -> memref<16896x128xf32, #tpu.memory_space<hbm>>
          tpu.wait_indirect_dma semaphore(%arg22 : memref<!tpu.dma_semaphore, #tpu.memory_space<semaphore_mem>>) src(%arg13 : memref<16x128xf32, #tpu.memory_space<vmem>>) dst(%dma_wait3A_855 : memref<16896x128xf32, #tpu.memory_space<hbm>>)
        } else {
        }
        %eq3A_842 = arith.constant 16 : i32
        %eq3A_843 = arith.cmpi eq, %add3A_838, %eq3A_842 : i32
        %jit3A_844 = arith.constant 0 : i32
        %select_n3A_845 = arith.select %eq3A_843, %jit3A_844, %add3A_838 : i32
        %swap3A_846 = arith.constant 3 : i32
        %swap3A_847 = arith.index_cast %swap3A_846 : i32 to index
        %swap3A_848 = memref.load %arg15[%swap3A_847] : memref<8xi32, #tpu.memory_space<smem>>
        memref.store %select_n3A_845, %arg15[%swap3A_847] : memref<8xi32, #tpu.memory_space<smem>>
        %while3A_849 = arith.constant 0 : i32
        scf.yield %while3A_849 : i32
      }
      %add3A_534 = arith.constant 6 : i32
      %add3A_535 = arith.addi %add3A_491, %add3A_534 : i32
      %min3A_536 = arith.constant 271 : i32
      %min3A_537 = arith.minsi %add3A_535, %min3A_536 : i32
      %get3A_538 = arith.index_cast %min3A_537 : i32 to index
      %get3A_539 = tpu.vector_load %arg11[%get3A_538] {strides = array<i32>} : memref<288xi32, #tpu.memory_space<vmem>>, vector<16xi32>,
      %slice3A_540 = vector.extract_strided_slice %get3A_539 {offsets = [0], sizes = [1], strides = [1]} : vector<16xi32> to vector<1xi32>
      %squeeze3A_541 = vector.extract %slice3A_540[0] : i32 from vector<1xi32>
      %add3A_542 = arith.addi %add3A_4, %squeeze3A_541 : i32
      %mul3A_543 = arith.constant 128 : i32
      %mul3A_544 = arith.muli %add3A_542, %mul3A_543 : i32
      %dma_start3A_545 = arith.constant 2 : i32
      %dma_start3A_546 = arith.constant 0 : i32
      %dma_start3A_547 = arith.constant 0 : i32
      %dma_start3A_548 = tpu.memref_slice %arg12[%dma_start3A_545, %dma_start3A_546, %dma_start3A_547] : memref<6x64x128xf32, #tpu.memory_space<vmem>> -> memref<1x64x128xf32, #tpu.memory_space<vmem>>
      %dma_start3A_549 = tpu.memref_squeeze %dma_start3A_548 : memref<1x64x128xf32, #tpu.memory_space<vmem>> -> memref<64x128xf32, #tpu.memory_space<vmem>>
      %dma_start3A_550 = arith.constant 0 : i32
      %dma_start3A_551 = tpu.memref_slice %arg2[%dma_start3A_550, %mul3A_544] : memref<64x1000000xf32, #tpu.memory_space<hbm>> -> memref<64x128xf32, #tpu.memory_space<hbm>>
      %dma_start3A_552 = arith.constant 0 : i32
      %dma_start3A_553 = arith.constant 0 : i32
      %dma_start3A_554 = tpu.memref_slice %arg12[%dma_start3A_545, %dma_start3A_552, %dma_start3A_553] : memref<6x64x128xf32, #tpu.memory_space<vmem>> -> memref<1x64x128xf32, #tpu.memory_space<vmem>>
      %dma_start3A_555 = tpu.memref_squeeze %dma_start3A_554 : memref<1x64x128xf32, #tpu.memory_space<vmem>> -> memref<64x128xf32, #tpu.memory_space<vmem>>
      %dma_start3A_556 = arith.constant 0 : i32
      %dma_start3A_557 = tpu.memref_slice %arg2[%dma_start3A_556, %mul3A_544] : memref<64x1000000xf32, #tpu.memory_space<hbm>> -> memref<64x128xf32, #tpu.memory_space<hbm>>
      tpu.enqueue_dma source(%dma_start3A_557 : memref<64x128xf32, #tpu.memory_space<hbm>>) target(%dma_start3A_555 : memref<64x128xf32, #tpu.memory_space<vmem>>) target_semaphore(%arg18 : memref<!tpu.dma_semaphore, #tpu.memory_space<semaphore_mem>>)
      %mul3A_558 = arith.constant 6 : i32
      %mul3A_559 = arith.muli %while3A_346, %mul3A_558 : i32
      %add3A_560 = arith.constant 3 : i32
      %add3A_561 = arith.addi %mul3A_559, %add3A_560 : i32
      %dma_wait3A_562 = arith.constant 3 : i32
      %dma_wait3A_563 = arith.constant 0 : i32
      %dma_wait3A_564 = arith.constant 0 : i32
      %dma_wait3A_565 = tpu.memref_slice %arg12[%dma_wait3A_562, %dma_wait3A_563, %dma_wait3A_564] : memref<6x64x128xf32, #tpu.memory_space<vmem>> -> memref<1x64x128xf32, #tpu.memory_space<vmem>>
      %dma_wait3A_566 = tpu.memref_squeeze %dma_wait3A_565 : memref<1x64x128xf32, #tpu.memory_space<vmem>> -> memref<64x128xf32, #tpu.memory_space<vmem>>
      %dma_wait3A_567 = arith.constant 0 : i32
      %dma_wait3A_568 = arith.constant 0 : i32
      %dma_wait3A_569 = tpu.memref_slice %arg2[%dma_wait3A_567, %dma_wait3A_568] : memref<64x1000000xf32, #tpu.memory_space<hbm>> -> memref<64x128xf32, #tpu.memory_space<hbm>>
      %dma_wait3A_570 = arith.constant 0 : i32
      %dma_wait3A_571 = arith.constant 0 : i32
      %dma_wait3A_572 = tpu.memref_slice %arg12[%dma_wait3A_562, %dma_wait3A_570, %dma_wait3A_571] : memref<6x64x128xf32, #tpu.memory_space<vmem>> -> memref<1x64x128xf32, #tpu.memory_space<vmem>>
      %dma_wait3A_573 = tpu.memref_squeeze %dma_wait3A_572 : memref<1x64x128xf32, #tpu.memory_space<vmem>> -> memref<64x128xf32, #tpu.memory_space<vmem>>
      %dma_wait3A_574 = arith.constant 0 : i32
      %dma_wait3A_575 = arith.constant 0 : i32
      %dma_wait3A_576 = tpu.memref_slice %arg2[%dma_wait3A_574, %dma_wait3A_575] : memref<64x1000000xf32, #tpu.memory_space<hbm>> -> memref<64x128xf32, #tpu.memory_space<hbm>>
      tpu.wait_dma2 semaphore(%arg19 : memref<!tpu.dma_semaphore, #tpu.memory_space<semaphore_mem>>) src(%dma_wait3A_576 : memref<64x128xf32, #tpu.memory_space<hbm>>) dst(%dma_wait3A_573 : memref<64x128xf32, #tpu.memory_space<vmem>>)
      %min3A_577 = arith.constant 271 : i32
      %min3A_578 = arith.minsi %add3A_561, %min3A_577 : i32
      %get3A_579 = arith.index_cast %min3A_578 : i32 to index
      %get3A_580 = tpu.vector_load %arg11[%get3A_579] {strides = array<i32>} : memref<288xi32, #tpu.memory_space<vmem>>, vector<16xi32>,
      %slice3A_581 = vector.extract_strided_slice %get3A_580 {offsets = [0], sizes = [1], strides = [1]} : vector<16xi32> to vector<1xi32>
      %squeeze3A_582 = vector.extract %slice3A_581[0] : i32 from vector<1xi32>
      %get3A_583 = arith.index_cast %squeeze3A_582 : i32 to index
      %get3A_584 = tpu.vector_load %arg9[%get3A_583] {strides = array<i32>} : memref<288xi32, #tpu.memory_space<vmem>>, vector<16xi32>,
      %slice3A_585 = vector.extract_strided_slice %get3A_584 {offsets = [0], sizes = [1], strides = [1]} : vector<16xi32> to vector<1xi32>
      %squeeze3A_586 = vector.extract %slice3A_585[0] : i32 from vector<1xi32>
      %get3A_587 = arith.index_cast %squeeze3A_582 : i32 to index
      %get3A_588 = tpu.vector_load %arg8[%get3A_587] {strides = array<i32>} : memref<288xi32, #tpu.memory_space<vmem>>, vector<16xi32>,
      %slice3A_589 = vector.extract_strided_slice %get3A_588 {offsets = [0], sizes = [1], strides = [1]} : vector<16xi32> to vector<1xi32>
      %squeeze3A_590 = vector.extract %slice3A_589[0] : i32 from vector<1xi32>
      %add3A_591 = arith.addi %squeeze3A_586, %squeeze3A_590 : i32
      %while3A_592 = arith.constant 3 : i32
      %while3A_593 = arith.constant 0 : i32
      %while3A_594 = arith.subi %add3A_591, %squeeze3A_586 : i32
      %while3A_595 = arith.addi %squeeze3A_586, %while3A_594 : i32
      %while3A_596 = arith.constant 1 : i32
      %while3A_597 = arith.divsi %while3A_594, %while3A_596 : i32
      %while3A_598 = arith.muli %while3A_597, %while3A_596 : i32
      %while3A_599 = arith.addi %squeeze3A_586, %while3A_598 : i32
      %while3A_600 = arith.constant 1 : i32
      %while3A_601 = scf.for %while3A_769 = %squeeze3A_586 to %while3A_599 step %while3A_600 iter_args(%while3A_770 = %while3A_593) -> (i32)  : i32 {
        %get3A_771 = arith.index_cast %while3A_769 : i32 to index
        %get3A_772 = tpu.vector_load %arg7[%get3A_771] {strides = array<i32>} : memref<16400xi32, #tpu.memory_space<vmem>>, vector<16xi32>,
        %slice3A_773 = vector.extract_strided_slice %get3A_772 {offsets = [0], sizes = [1], strides = [1]} : vector<16xi32> to vector<1xi32>
        %squeeze3A_774 = vector.extract %slice3A_773[0] : i32 from vector<1xi32>
        %get3A_775 = arith.index_cast %squeeze3A_774 : i32 to index
        %get3A_776 = tpu.vector_load %arg5[%get3A_775] {strides = array<i32>} : memref<16400xi32, #tpu.memory_space<vmem>>, vector<16xi32>,
        %slice3A_777 = vector.extract_strided_slice %get3A_776 {offsets = [0], sizes = [1], strides = [1]} : vector<16xi32> to vector<1xi32>
        %squeeze3A_778 = vector.extract %slice3A_777[0] : i32 from vector<1xi32>
        %and3A = arith.constant 127 : i32
        %and3A_779 = arith.andi %squeeze3A_778, %and3A : i32
        %get3A_780 = arith.constant 3 : i32
        %get3A_781 = arith.index_cast %get3A_780 : i32 to index
        %get3A_782 = memref.load %arg15[%get3A_781] : memref<8xi32, #tpu.memory_space<smem>>
        %add3A_783 = arith.constant 0 : i32
        %add3A_784 = vector.broadcast %add3A_783 : i32 to vector<16xi32>
        %add3A_785 = arith.addi %iota3A, %add3A_784 : vector<16xi32>
        %broadcast_in_dim3A_786 = vector.broadcast %and3A_779 : i32 to vector<16xi32>
        %gather3A = arith.constant 0 : i32
        %gather3A_787 = arith.constant 0 : i32
        %gather3A_788 = tpu.memref_slice %arg12[%while3A_592, %gather3A, %gather3A_787] : memref<6x64x128xf32, #tpu.memory_space<vmem>> -> memref<1x64x128xf32, #tpu.memory_space<vmem>>
        %gather3A_789 = tpu.memref_squeeze %gather3A_788 : memref<1x64x128xf32, #tpu.memory_space<vmem>> -> memref<64x128xf32, #tpu.memory_space<vmem>>
        %gather3A_790 = tpu.vector_load_idx %gather3A_789[%add3A_785, %broadcast_in_dim3A_786] : memref<64x128xf32, #tpu.memory_space<vmem>>[vector<16xi32>, vector<16xi32>], vector<16xf32>,
        %swap3A_791 = arith.index_cast %get3A_782 : i32 to index
        %swap3A_792 = arith.constant 0 : index
        %swap3A_793 = tpu.vector_load %arg13[%swap3A_791, %swap3A_792] {strides = array<i32>} : memref<16x128xf32, #tpu.memory_space<vmem>>, vector<16xf32>,
        tpu.vector_store %arg13[%swap3A_791, %swap3A_792], %gather3A_790 {strides = array<i32>} : memref<16x128xf32, #tpu.memory_space<vmem>>, vector<16xf32>,
        %add3A_794 = arith.constant 16 : i32
        %add3A_795 = vector.broadcast %add3A_794 : i32 to vector<16xi32>
        %add3A_796 = arith.addi %iota3A, %add3A_795 : vector<16xi32>
        %broadcast_in_dim3A_797 = vector.broadcast %and3A_779 : i32 to vector<16xi32>
        %gather3A_798 = arith.constant 0 : i32
        %gather3A_799 = arith.constant 0 : i32
        %gather3A_800 = tpu.memref_slice %arg12[%while3A_592, %gather3A_798, %gather3A_799] : memref<6x64x128xf32, #tpu.memory_space<vmem>> -> memref<1x64x128xf32, #tpu.memory_space<vmem>>
        %gather3A_801 = tpu.memref_squeeze %gather3A_800 : memref<1x64x128xf32, #tpu.memory_space<vmem>> -> memref<64x128xf32, #tpu.memory_space<vmem>>
        %gather3A_802 = tpu.vector_load_idx %gather3A_801[%add3A_796, %broadcast_in_dim3A_797] : memref<64x128xf32, #tpu.memory_space<vmem>>[vector<16xi32>, vector<16xi32>], vector<16xf32>,
        %swap3A_803 = arith.index_cast %get3A_782 : i32 to index
        %swap3A_804 = arith.constant 16 : index
        %swap3A_805 = tpu.vector_load %arg13[%swap3A_803, %swap3A_804] {strides = array<i32>} : memref<16x128xf32, #tpu.memory_space<vmem>>, vector<16xf32>,
        tpu.vector_store %arg13[%swap3A_803, %swap3A_804], %gather3A_802 {strides = array<i32>} : memref<16x128xf32, #tpu.memory_space<vmem>>, vector<16xf32>,
        %add3A_806 = arith.constant 32 : i32
        %add3A_807 = vector.broadcast %add3A_806 : i32 to vector<16xi32>
        %add3A_808 = arith.addi %iota3A, %add3A_807 : vector<16xi32>
        %broadcast_in_dim3A_809 = vector.broadcast %and3A_779 : i32 to vector<16xi32>
        %gather3A_810 = arith.constant 0 : i32
        %gather3A_811 = arith.constant 0 : i32
        %gather3A_812 = tpu.memref_slice %arg12[%while3A_592, %gather3A_810, %gather3A_811] : memref<6x64x128xf32, #tpu.memory_space<vmem>> -> memref<1x64x128xf32, #tpu.memory_space<vmem>>
        %gather3A_813 = tpu.memref_squeeze %gather3A_812 : memref<1x64x128xf32, #tpu.memory_space<vmem>> -> memref<64x128xf32, #tpu.memory_space<vmem>>
        %gather3A_814 = tpu.vector_load_idx %gather3A_813[%add3A_808, %broadcast_in_dim3A_809] : memref<64x128xf32, #tpu.memory_space<vmem>>[vector<16xi32>, vector<16xi32>], vector<16xf32>,
        %swap3A_815 = arith.index_cast %get3A_782 : i32 to index
        %swap3A_816 = arith.constant 32 : index
        %swap3A_817 = tpu.vector_load %arg13[%swap3A_815, %swap3A_816] {strides = array<i32>} : memref<16x128xf32, #tpu.memory_space<vmem>>, vector<16xf32>,
        tpu.vector_store %arg13[%swap3A_815, %swap3A_816], %gather3A_814 {strides = array<i32>} : memref<16x128xf32, #tpu.memory_space<vmem>>, vector<16xf32>,
        %add3A_818 = arith.constant 48 : i32
        %add3A_819 = vector.broadcast %add3A_818 : i32 to vector<16xi32>
        %add3A_820 = arith.addi %iota3A, %add3A_819 : vector<16xi32>
        %broadcast_in_dim3A_821 = vector.broadcast %and3A_779 : i32 to vector<16xi32>
        %gather3A_822 = arith.constant 0 : i32
        %gather3A_823 = arith.constant 0 : i32
        %gather3A_824 = tpu.memref_slice %arg12[%while3A_592, %gather3A_822, %gather3A_823] : memref<6x64x128xf32, #tpu.memory_space<vmem>> -> memref<1x64x128xf32, #tpu.memory_space<vmem>>
        %gather3A_825 = tpu.memref_squeeze %gather3A_824 : memref<1x64x128xf32, #tpu.memory_space<vmem>> -> memref<64x128xf32, #tpu.memory_space<vmem>>
        %gather3A_826 = tpu.vector_load_idx %gather3A_825[%add3A_820, %broadcast_in_dim3A_821] : memref<64x128xf32, #tpu.memory_space<vmem>>[vector<16xi32>, vector<16xi32>], vector<16xf32>,
        %swap3A_827 = arith.index_cast %get3A_782 : i32 to index
        %swap3A_828 = arith.constant 48 : index
        %swap3A_829 = tpu.vector_load %arg13[%swap3A_827, %swap3A_828] {strides = array<i32>} : memref<16x128xf32, #tpu.memory_space<vmem>>, vector<16xf32>,
        tpu.vector_store %arg13[%swap3A_827, %swap3A_828], %gather3A_826 {strides = array<i32>} : memref<16x128xf32, #tpu.memory_space<vmem>>, vector<16xf32>,
        %eq3A = vector.broadcast %get3A_782 : i32 to vector<16xi32>
        %eq3A_830 = arith.cmpi eq, %iota3A, %eq3A : vector<16xi32>
        %broadcast_in_dim3A_831 = vector.broadcast %squeeze3A_774 : i32 to vector<16xi32>
        %get3A_832 = arith.constant 0 : index
        %get3A_833 = tpu.vector_load %arg14[%get3A_832] {strides = array<i32>} : memref<16xi32, #tpu.memory_space<vmem>>, vector<16xi32>,
        %select_n3A_834 = arith.select %eq3A_830, %broadcast_in_dim3A_831, %get3A_833 : vector<16xi1>, vector<16xi32>
        %swap3A_835 = arith.constant 0 : index
        %swap3A_836 = tpu.vector_load %arg14[%swap3A_835] {strides = array<i32>} : memref<16xi32, #tpu.memory_space<vmem>>, vector<16xi32>,
        tpu.vector_store %arg14[%swap3A_835], %select_n3A_834 {strides = array<i32>} : memref<16xi32, #tpu.memory_space<vmem>>, vector<16xi32>,
        %add3A_837 = arith.constant 1 : i32
        %add3A_838 = arith.addi %get3A_782, %add3A_837 : i32
        %eq3A_839 = arith.constant 16 : i32
        %eq3A_840 = arith.cmpi eq, %add3A_838, %eq3A_839 : i32
        %convert_element_type3A = arith.extui %eq3A_840 : i1 to i32
        %cond3A = arith.constant 0 : i32
        %cond3A_841 = arith.cmpi ne, %convert_element_type3A, %cond3A : i32
        scf.if %cond3A_841 {
          %dma_start3A_850 = arith.constant 0 : i32
          %dma_start3A_851 = arith.constant 0 : i32
          %dma_start3A_852 = tpu.memref_slice %arg4[%dma_start3A_850, %dma_start3A_851] : memref<16896x128xf32, #tpu.memory_space<hbm>> -> memref<16896x128xf32, #tpu.memory_space<hbm>>
          tpu.enqueue_indirect_dma source(%arg13 : memref<16x128xf32, #tpu.memory_space<vmem>>) target(%dma_start3A_852 : memref<16896x128xf32, #tpu.memory_space<hbm>>) offsets(%arg14 : memref<16xi32, #tpu.memory_space<vmem>>) semaphore(%arg22 : memref<!tpu.dma_semaphore, #tpu.memory_space<semaphore_mem>>)
          %dma_wait3A_853 = arith.constant 0 : i32
          %dma_wait3A_854 = arith.constant 0 : i32
          %dma_wait3A_855 = tpu.memref_slice %arg4[%dma_wait3A_853, %dma_wait3A_854] : memref<16896x128xf32, #tpu.memory_space<hbm>> -> memref<16896x128xf32, #tpu.memory_space<hbm>>
          tpu.wait_indirect_dma semaphore(%arg22 : memref<!tpu.dma_semaphore, #tpu.memory_space<semaphore_mem>>) src(%arg13 : memref<16x128xf32, #tpu.memory_space<vmem>>) dst(%dma_wait3A_855 : memref<16896x128xf32, #tpu.memory_space<hbm>>)
        } else {
        }
        %eq3A_842 = arith.constant 16 : i32
        %eq3A_843 = arith.cmpi eq, %add3A_838, %eq3A_842 : i32
        %jit3A_844 = arith.constant 0 : i32
        %select_n3A_845 = arith.select %eq3A_843, %jit3A_844, %add3A_838 : i32
        %swap3A_846 = arith.constant 3 : i32
        %swap3A_847 = arith.index_cast %swap3A_846 : i32 to index
        %swap3A_848 = memref.load %arg15[%swap3A_847] : memref<8xi32, #tpu.memory_space<smem>>
        memref.store %select_n3A_845, %arg15[%swap3A_847] : memref<8xi32, #tpu.memory_space<smem>>
        %while3A_849 = arith.constant 0 : i32
        scf.yield %while3A_849 : i32
      }
      %while3A_602 = arith.constant 1 : i32
      %while3A_603 = scf.for %while3A_769 = %while3A_599 to %while3A_595 step %while3A_602 iter_args(%while3A_770 = %while3A_601) -> (i32)  : i32 {
        %get3A_771 = arith.index_cast %while3A_769 : i32 to index
        %get3A_772 = tpu.vector_load %arg7[%get3A_771] {strides = array<i32>} : memref<16400xi32, #tpu.memory_space<vmem>>, vector<16xi32>,
        %slice3A_773 = vector.extract_strided_slice %get3A_772 {offsets = [0], sizes = [1], strides = [1]} : vector<16xi32> to vector<1xi32>
        %squeeze3A_774 = vector.extract %slice3A_773[0] : i32 from vector<1xi32>
        %get3A_775 = arith.index_cast %squeeze3A_774 : i32 to index
        %get3A_776 = tpu.vector_load %arg5[%get3A_775] {strides = array<i32>} : memref<16400xi32, #tpu.memory_space<vmem>>, vector<16xi32>,
        %slice3A_777 = vector.extract_strided_slice %get3A_776 {offsets = [0], sizes = [1], strides = [1]} : vector<16xi32> to vector<1xi32>
        %squeeze3A_778 = vector.extract %slice3A_777[0] : i32 from vector<1xi32>
        %and3A = arith.constant 127 : i32
        %and3A_779 = arith.andi %squeeze3A_778, %and3A : i32
        %get3A_780 = arith.constant 3 : i32
        %get3A_781 = arith.index_cast %get3A_780 : i32 to index
        %get3A_782 = memref.load %arg15[%get3A_781] : memref<8xi32, #tpu.memory_space<smem>>
        %add3A_783 = arith.constant 0 : i32
        %add3A_784 = vector.broadcast %add3A_783 : i32 to vector<16xi32>
        %add3A_785 = arith.addi %iota3A, %add3A_784 : vector<16xi32>
        %broadcast_in_dim3A_786 = vector.broadcast %and3A_779 : i32 to vector<16xi32>
        %gather3A = arith.constant 0 : i32
        %gather3A_787 = arith.constant 0 : i32
        %gather3A_788 = tpu.memref_slice %arg12[%while3A_592, %gather3A, %gather3A_787] : memref<6x64x128xf32, #tpu.memory_space<vmem>> -> memref<1x64x128xf32, #tpu.memory_space<vmem>>
        %gather3A_789 = tpu.memref_squeeze %gather3A_788 : memref<1x64x128xf32, #tpu.memory_space<vmem>> -> memref<64x128xf32, #tpu.memory_space<vmem>>
        %gather3A_790 = tpu.vector_load_idx %gather3A_789[%add3A_785, %broadcast_in_dim3A_786] : memref<64x128xf32, #tpu.memory_space<vmem>>[vector<16xi32>, vector<16xi32>], vector<16xf32>,
        %swap3A_791 = arith.index_cast %get3A_782 : i32 to index
        %swap3A_792 = arith.constant 0 : index
        %swap3A_793 = tpu.vector_load %arg13[%swap3A_791, %swap3A_792] {strides = array<i32>} : memref<16x128xf32, #tpu.memory_space<vmem>>, vector<16xf32>,
        tpu.vector_store %arg13[%swap3A_791, %swap3A_792], %gather3A_790 {strides = array<i32>} : memref<16x128xf32, #tpu.memory_space<vmem>>, vector<16xf32>,
        %add3A_794 = arith.constant 16 : i32
        %add3A_795 = vector.broadcast %add3A_794 : i32 to vector<16xi32>
        %add3A_796 = arith.addi %iota3A, %add3A_795 : vector<16xi32>
        %broadcast_in_dim3A_797 = vector.broadcast %and3A_779 : i32 to vector<16xi32>
        %gather3A_798 = arith.constant 0 : i32
        %gather3A_799 = arith.constant 0 : i32
        %gather3A_800 = tpu.memref_slice %arg12[%while3A_592, %gather3A_798, %gather3A_799] : memref<6x64x128xf32, #tpu.memory_space<vmem>> -> memref<1x64x128xf32, #tpu.memory_space<vmem>>
        %gather3A_801 = tpu.memref_squeeze %gather3A_800 : memref<1x64x128xf32, #tpu.memory_space<vmem>> -> memref<64x128xf32, #tpu.memory_space<vmem>>
        %gather3A_802 = tpu.vector_load_idx %gather3A_801[%add3A_796, %broadcast_in_dim3A_797] : memref<64x128xf32, #tpu.memory_space<vmem>>[vector<16xi32>, vector<16xi32>], vector<16xf32>,
        %swap3A_803 = arith.index_cast %get3A_782 : i32 to index
        %swap3A_804 = arith.constant 16 : index
        %swap3A_805 = tpu.vector_load %arg13[%swap3A_803, %swap3A_804] {strides = array<i32>} : memref<16x128xf32, #tpu.memory_space<vmem>>, vector<16xf32>,
        tpu.vector_store %arg13[%swap3A_803, %swap3A_804], %gather3A_802 {strides = array<i32>} : memref<16x128xf32, #tpu.memory_space<vmem>>, vector<16xf32>,
        %add3A_806 = arith.constant 32 : i32
        %add3A_807 = vector.broadcast %add3A_806 : i32 to vector<16xi32>
        %add3A_808 = arith.addi %iota3A, %add3A_807 : vector<16xi32>
        %broadcast_in_dim3A_809 = vector.broadcast %and3A_779 : i32 to vector<16xi32>
        %gather3A_810 = arith.constant 0 : i32
        %gather3A_811 = arith.constant 0 : i32
        %gather3A_812 = tpu.memref_slice %arg12[%while3A_592, %gather3A_810, %gather3A_811] : memref<6x64x128xf32, #tpu.memory_space<vmem>> -> memref<1x64x128xf32, #tpu.memory_space<vmem>>
        %gather3A_813 = tpu.memref_squeeze %gather3A_812 : memref<1x64x128xf32, #tpu.memory_space<vmem>> -> memref<64x128xf32, #tpu.memory_space<vmem>>
        %gather3A_814 = tpu.vector_load_idx %gather3A_813[%add3A_808, %broadcast_in_dim3A_809] : memref<64x128xf32, #tpu.memory_space<vmem>>[vector<16xi32>, vector<16xi32>], vector<16xf32>,
        %swap3A_815 = arith.index_cast %get3A_782 : i32 to index
        %swap3A_816 = arith.constant 32 : index
        %swap3A_817 = tpu.vector_load %arg13[%swap3A_815, %swap3A_816] {strides = array<i32>} : memref<16x128xf32, #tpu.memory_space<vmem>>, vector<16xf32>,
        tpu.vector_store %arg13[%swap3A_815, %swap3A_816], %gather3A_814 {strides = array<i32>} : memref<16x128xf32, #tpu.memory_space<vmem>>, vector<16xf32>,
        %add3A_818 = arith.constant 48 : i32
        %add3A_819 = vector.broadcast %add3A_818 : i32 to vector<16xi32>
        %add3A_820 = arith.addi %iota3A, %add3A_819 : vector<16xi32>
        %broadcast_in_dim3A_821 = vector.broadcast %and3A_779 : i32 to vector<16xi32>
        %gather3A_822 = arith.constant 0 : i32
        %gather3A_823 = arith.constant 0 : i32
        %gather3A_824 = tpu.memref_slice %arg12[%while3A_592, %gather3A_822, %gather3A_823] : memref<6x64x128xf32, #tpu.memory_space<vmem>> -> memref<1x64x128xf32, #tpu.memory_space<vmem>>
        %gather3A_825 = tpu.memref_squeeze %gather3A_824 : memref<1x64x128xf32, #tpu.memory_space<vmem>> -> memref<64x128xf32, #tpu.memory_space<vmem>>
        %gather3A_826 = tpu.vector_load_idx %gather3A_825[%add3A_820, %broadcast_in_dim3A_821] : memref<64x128xf32, #tpu.memory_space<vmem>>[vector<16xi32>, vector<16xi32>], vector<16xf32>,
        %swap3A_827 = arith.index_cast %get3A_782 : i32 to index
        %swap3A_828 = arith.constant 48 : index
        %swap3A_829 = tpu.vector_load %arg13[%swap3A_827, %swap3A_828] {strides = array<i32>} : memref<16x128xf32, #tpu.memory_space<vmem>>, vector<16xf32>,
        tpu.vector_store %arg13[%swap3A_827, %swap3A_828], %gather3A_826 {strides = array<i32>} : memref<16x128xf32, #tpu.memory_space<vmem>>, vector<16xf32>,
        %eq3A = vector.broadcast %get3A_782 : i32 to vector<16xi32>
        %eq3A_830 = arith.cmpi eq, %iota3A, %eq3A : vector<16xi32>
        %broadcast_in_dim3A_831 = vector.broadcast %squeeze3A_774 : i32 to vector<16xi32>
        %get3A_832 = arith.constant 0 : index
        %get3A_833 = tpu.vector_load %arg14[%get3A_832] {strides = array<i32>} : memref<16xi32, #tpu.memory_space<vmem>>, vector<16xi32>,
        %select_n3A_834 = arith.select %eq3A_830, %broadcast_in_dim3A_831, %get3A_833 : vector<16xi1>, vector<16xi32>
        %swap3A_835 = arith.constant 0 : index
        %swap3A_836 = tpu.vector_load %arg14[%swap3A_835] {strides = array<i32>} : memref<16xi32, #tpu.memory_space<vmem>>, vector<16xi32>,
        tpu.vector_store %arg14[%swap3A_835], %select_n3A_834 {strides = array<i32>} : memref<16xi32, #tpu.memory_space<vmem>>, vector<16xi32>,
        %add3A_837 = arith.constant 1 : i32
        %add3A_838 = arith.addi %get3A_782, %add3A_837 : i32
        %eq3A_839 = arith.constant 16 : i32
        %eq3A_840 = arith.cmpi eq, %add3A_838, %eq3A_839 : i32
        %convert_element_type3A = arith.extui %eq3A_840 : i1 to i32
        %cond3A = arith.constant 0 : i32
        %cond3A_841 = arith.cmpi ne, %convert_element_type3A, %cond3A : i32
        scf.if %cond3A_841 {
          %dma_start3A_850 = arith.constant 0 : i32
          %dma_start3A_851 = arith.constant 0 : i32
          %dma_start3A_852 = tpu.memref_slice %arg4[%dma_start3A_850, %dma_start3A_851] : memref<16896x128xf32, #tpu.memory_space<hbm>> -> memref<16896x128xf32, #tpu.memory_space<hbm>>
          tpu.enqueue_indirect_dma source(%arg13 : memref<16x128xf32, #tpu.memory_space<vmem>>) target(%dma_start3A_852 : memref<16896x128xf32, #tpu.memory_space<hbm>>) offsets(%arg14 : memref<16xi32, #tpu.memory_space<vmem>>) semaphore(%arg22 : memref<!tpu.dma_semaphore, #tpu.memory_space<semaphore_mem>>)
          %dma_wait3A_853 = arith.constant 0 : i32
          %dma_wait3A_854 = arith.constant 0 : i32
          %dma_wait3A_855 = tpu.memref_slice %arg4[%dma_wait3A_853, %dma_wait3A_854] : memref<16896x128xf32, #tpu.memory_space<hbm>> -> memref<16896x128xf32, #tpu.memory_space<hbm>>
          tpu.wait_indirect_dma semaphore(%arg22 : memref<!tpu.dma_semaphore, #tpu.memory_space<semaphore_mem>>) src(%arg13 : memref<16x128xf32, #tpu.memory_space<vmem>>) dst(%dma_wait3A_855 : memref<16896x128xf32, #tpu.memory_space<hbm>>)
        } else {
        }
        %eq3A_842 = arith.constant 16 : i32
        %eq3A_843 = arith.cmpi eq, %add3A_838, %eq3A_842 : i32
        %jit3A_844 = arith.constant 0 : i32
        %select_n3A_845 = arith.select %eq3A_843, %jit3A_844, %add3A_838 : i32
        %swap3A_846 = arith.constant 3 : i32
        %swap3A_847 = arith.index_cast %swap3A_846 : i32 to index
        %swap3A_848 = memref.load %arg15[%swap3A_847] : memref<8xi32, #tpu.memory_space<smem>>
        memref.store %select_n3A_845, %arg15[%swap3A_847] : memref<8xi32, #tpu.memory_space<smem>>
        %while3A_849 = arith.constant 0 : i32
        scf.yield %while3A_849 : i32
      }
      %add3A_604 = arith.constant 6 : i32
      %add3A_605 = arith.addi %add3A_561, %add3A_604 : i32
      %min3A_606 = arith.constant 271 : i32
      %min3A_607 = arith.minsi %add3A_605, %min3A_606 : i32
      %get3A_608 = arith.index_cast %min3A_607 : i32 to index
      %get3A_609 = tpu.vector_load %arg11[%get3A_608] {strides = array<i32>} : memref<288xi32, #tpu.memory_space<vmem>>, vector<16xi32>,
      %slice3A_610 = vector.extract_strided_slice %get3A_609 {offsets = [0], sizes = [1], strides = [1]} : vector<16xi32> to vector<1xi32>
      %squeeze3A_611 = vector.extract %slice3A_610[0] : i32 from vector<1xi32>
      %add3A_612 = arith.addi %add3A_4, %squeeze3A_611 : i32
      %mul3A_613 = arith.constant 128 : i32
      %mul3A_614 = arith.muli %add3A_612, %mul3A_613 : i32
      %dma_start3A_615 = arith.constant 3 : i32
      %dma_start3A_616 = arith.constant 0 : i32
      %dma_start3A_617 = arith.constant 0 : i32
      %dma_start3A_618 = tpu.memref_slice %arg12[%dma_start3A_615, %dma_start3A_616, %dma_start3A_617] : memref<6x64x128xf32, #tpu.memory_space<vmem>> -> memref<1x64x128xf32, #tpu.memory_space<vmem>>
      %dma_start3A_619 = tpu.memref_squeeze %dma_start3A_618 : memref<1x64x128xf32, #tpu.memory_space<vmem>> -> memref<64x128xf32, #tpu.memory_space<vmem>>
      %dma_start3A_620 = arith.constant 0 : i32
      %dma_start3A_621 = tpu.memref_slice %arg2[%dma_start3A_620, %mul3A_614] : memref<64x1000000xf32, #tpu.memory_space<hbm>> -> memref<64x128xf32, #tpu.memory_space<hbm>>
      %dma_start3A_622 = arith.constant 0 : i32
      %dma_start3A_623 = arith.constant 0 : i32
      %dma_start3A_624 = tpu.memref_slice %arg12[%dma_start3A_615, %dma_start3A_622, %dma_start3A_623] : memref<6x64x128xf32, #tpu.memory_space<vmem>> -> memref<1x64x128xf32, #tpu.memory_space<vmem>>
      %dma_start3A_625 = tpu.memref_squeeze %dma_start3A_624 : memref<1x64x128xf32, #tpu.memory_space<vmem>> -> memref<64x128xf32, #tpu.memory_space<vmem>>
      %dma_start3A_626 = arith.constant 0 : i32
      %dma_start3A_627 = tpu.memref_slice %arg2[%dma_start3A_626, %mul3A_614] : memref<64x1000000xf32, #tpu.memory_space<hbm>> -> memref<64x128xf32, #tpu.memory_space<hbm>>
      tpu.enqueue_dma source(%dma_start3A_627 : memref<64x128xf32, #tpu.memory_space<hbm>>) target(%dma_start3A_625 : memref<64x128xf32, #tpu.memory_space<vmem>>) target_semaphore(%arg19 : memref<!tpu.dma_semaphore, #tpu.memory_space<semaphore_mem>>)
      %mul3A_628 = arith.constant 6 : i32
      %mul3A_629 = arith.muli %while3A_346, %mul3A_628 : i32
      %add3A_630 = arith.constant 4 : i32
      %add3A_631 = arith.addi %mul3A_629, %add3A_630 : i32
      %dma_wait3A_632 = arith.constant 4 : i32
      %dma_wait3A_633 = arith.constant 0 : i32
      %dma_wait3A_634 = arith.constant 0 : i32
      %dma_wait3A_635 = tpu.memref_slice %arg12[%dma_wait3A_632, %dma_wait3A_633, %dma_wait3A_634] : memref<6x64x128xf32, #tpu.memory_space<vmem>> -> memref<1x64x128xf32, #tpu.memory_space<vmem>>
      %dma_wait3A_636 = tpu.memref_squeeze %dma_wait3A_635 : memref<1x64x128xf32, #tpu.memory_space<vmem>> -> memref<64x128xf32, #tpu.memory_space<vmem>>
      %dma_wait3A_637 = arith.constant 0 : i32
      %dma_wait3A_638 = arith.constant 0 : i32
      %dma_wait3A_639 = tpu.memref_slice %arg2[%dma_wait3A_637, %dma_wait3A_638] : memref<64x1000000xf32, #tpu.memory_space<hbm>> -> memref<64x128xf32, #tpu.memory_space<hbm>>
      %dma_wait3A_640 = arith.constant 0 : i32
      %dma_wait3A_641 = arith.constant 0 : i32
      %dma_wait3A_642 = tpu.memref_slice %arg12[%dma_wait3A_632, %dma_wait3A_640, %dma_wait3A_641] : memref<6x64x128xf32, #tpu.memory_space<vmem>> -> memref<1x64x128xf32, #tpu.memory_space<vmem>>
      %dma_wait3A_643 = tpu.memref_squeeze %dma_wait3A_642 : memref<1x64x128xf32, #tpu.memory_space<vmem>> -> memref<64x128xf32, #tpu.memory_space<vmem>>
      %dma_wait3A_644 = arith.constant 0 : i32
      %dma_wait3A_645 = arith.constant 0 : i32
      %dma_wait3A_646 = tpu.memref_slice %arg2[%dma_wait3A_644, %dma_wait3A_645] : memref<64x1000000xf32, #tpu.memory_space<hbm>> -> memref<64x128xf32, #tpu.memory_space<hbm>>
      tpu.wait_dma2 semaphore(%arg20 : memref<!tpu.dma_semaphore, #tpu.memory_space<semaphore_mem>>) src(%dma_wait3A_646 : memref<64x128xf32, #tpu.memory_space<hbm>>) dst(%dma_wait3A_643 : memref<64x128xf32, #tpu.memory_space<vmem>>)
      %min3A_647 = arith.constant 271 : i32
      %min3A_648 = arith.minsi %add3A_631, %min3A_647 : i32
      %get3A_649 = arith.index_cast %min3A_648 : i32 to index
      %get3A_650 = tpu.vector_load %arg11[%get3A_649] {strides = array<i32>} : memref<288xi32, #tpu.memory_space<vmem>>, vector<16xi32>,
      %slice3A_651 = vector.extract_strided_slice %get3A_650 {offsets = [0], sizes = [1], strides = [1]} : vector<16xi32> to vector<1xi32>
      %squeeze3A_652 = vector.extract %slice3A_651[0] : i32 from vector<1xi32>
      %get3A_653 = arith.index_cast %squeeze3A_652 : i32 to index
      %get3A_654 = tpu.vector_load %arg9[%get3A_653] {strides = array<i32>} : memref<288xi32, #tpu.memory_space<vmem>>, vector<16xi32>,
      %slice3A_655 = vector.extract_strided_slice %get3A_654 {offsets = [0], sizes = [1], strides = [1]} : vector<16xi32> to vector<1xi32>
      %squeeze3A_656 = vector.extract %slice3A_655[0] : i32 from vector<1xi32>
      %get3A_657 = arith.index_cast %squeeze3A_652 : i32 to index
      %get3A_658 = tpu.vector_load %arg8[%get3A_657] {strides = array<i32>} : memref<288xi32, #tpu.memory_space<vmem>>, vector<16xi32>,
      %slice3A_659 = vector.extract_strided_slice %get3A_658 {offsets = [0], sizes = [1], strides = [1]} : vector<16xi32> to vector<1xi32>
      %squeeze3A_660 = vector.extract %slice3A_659[0] : i32 from vector<1xi32>
      %add3A_661 = arith.addi %squeeze3A_656, %squeeze3A_660 : i32
      %while3A_662 = arith.constant 4 : i32
      %while3A_663 = arith.constant 0 : i32
      %while3A_664 = arith.subi %add3A_661, %squeeze3A_656 : i32
      %while3A_665 = arith.addi %squeeze3A_656, %while3A_664 : i32
      %while3A_666 = arith.constant 1 : i32
      %while3A_667 = arith.divsi %while3A_664, %while3A_666 : i32
      %while3A_668 = arith.muli %while3A_667, %while3A_666 : i32
      %while3A_669 = arith.addi %squeeze3A_656, %while3A_668 : i32
      %while3A_670 = arith.constant 1 : i32
      %while3A_671 = scf.for %while3A_769 = %squeeze3A_656 to %while3A_669 step %while3A_670 iter_args(%while3A_770 = %while3A_663) -> (i32)  : i32 {
        %get3A_771 = arith.index_cast %while3A_769 : i32 to index
        %get3A_772 = tpu.vector_load %arg7[%get3A_771] {strides = array<i32>} : memref<16400xi32, #tpu.memory_space<vmem>>, vector<16xi32>,
        %slice3A_773 = vector.extract_strided_slice %get3A_772 {offsets = [0], sizes = [1], strides = [1]} : vector<16xi32> to vector<1xi32>
        %squeeze3A_774 = vector.extract %slice3A_773[0] : i32 from vector<1xi32>
        %get3A_775 = arith.index_cast %squeeze3A_774 : i32 to index
        %get3A_776 = tpu.vector_load %arg5[%get3A_775] {strides = array<i32>} : memref<16400xi32, #tpu.memory_space<vmem>>, vector<16xi32>,
        %slice3A_777 = vector.extract_strided_slice %get3A_776 {offsets = [0], sizes = [1], strides = [1]} : vector<16xi32> to vector<1xi32>
        %squeeze3A_778 = vector.extract %slice3A_777[0] : i32 from vector<1xi32>
        %and3A = arith.constant 127 : i32
        %and3A_779 = arith.andi %squeeze3A_778, %and3A : i32
        %get3A_780 = arith.constant 3 : i32
        %get3A_781 = arith.index_cast %get3A_780 : i32 to index
        %get3A_782 = memref.load %arg15[%get3A_781] : memref<8xi32, #tpu.memory_space<smem>>
        %add3A_783 = arith.constant 0 : i32
        %add3A_784 = vector.broadcast %add3A_783 : i32 to vector<16xi32>
        %add3A_785 = arith.addi %iota3A, %add3A_784 : vector<16xi32>
        %broadcast_in_dim3A_786 = vector.broadcast %and3A_779 : i32 to vector<16xi32>
        %gather3A = arith.constant 0 : i32
        %gather3A_787 = arith.constant 0 : i32
        %gather3A_788 = tpu.memref_slice %arg12[%while3A_662, %gather3A, %gather3A_787] : memref<6x64x128xf32, #tpu.memory_space<vmem>> -> memref<1x64x128xf32, #tpu.memory_space<vmem>>
        %gather3A_789 = tpu.memref_squeeze %gather3A_788 : memref<1x64x128xf32, #tpu.memory_space<vmem>> -> memref<64x128xf32, #tpu.memory_space<vmem>>
        %gather3A_790 = tpu.vector_load_idx %gather3A_789[%add3A_785, %broadcast_in_dim3A_786] : memref<64x128xf32, #tpu.memory_space<vmem>>[vector<16xi32>, vector<16xi32>], vector<16xf32>,
        %swap3A_791 = arith.index_cast %get3A_782 : i32 to index
        %swap3A_792 = arith.constant 0 : index
        %swap3A_793 = tpu.vector_load %arg13[%swap3A_791, %swap3A_792] {strides = array<i32>} : memref<16x128xf32, #tpu.memory_space<vmem>>, vector<16xf32>,
        tpu.vector_store %arg13[%swap3A_791, %swap3A_792], %gather3A_790 {strides = array<i32>} : memref<16x128xf32, #tpu.memory_space<vmem>>, vector<16xf32>,
        %add3A_794 = arith.constant 16 : i32
        %add3A_795 = vector.broadcast %add3A_794 : i32 to vector<16xi32>
        %add3A_796 = arith.addi %iota3A, %add3A_795 : vector<16xi32>
        %broadcast_in_dim3A_797 = vector.broadcast %and3A_779 : i32 to vector<16xi32>
        %gather3A_798 = arith.constant 0 : i32
        %gather3A_799 = arith.constant 0 : i32
        %gather3A_800 = tpu.memref_slice %arg12[%while3A_662, %gather3A_798, %gather3A_799] : memref<6x64x128xf32, #tpu.memory_space<vmem>> -> memref<1x64x128xf32, #tpu.memory_space<vmem>>
        %gather3A_801 = tpu.memref_squeeze %gather3A_800 : memref<1x64x128xf32, #tpu.memory_space<vmem>> -> memref<64x128xf32, #tpu.memory_space<vmem>>
        %gather3A_802 = tpu.vector_load_idx %gather3A_801[%add3A_796, %broadcast_in_dim3A_797] : memref<64x128xf32, #tpu.memory_space<vmem>>[vector<16xi32>, vector<16xi32>], vector<16xf32>,
        %swap3A_803 = arith.index_cast %get3A_782 : i32 to index
        %swap3A_804 = arith.constant 16 : index
        %swap3A_805 = tpu.vector_load %arg13[%swap3A_803, %swap3A_804] {strides = array<i32>} : memref<16x128xf32, #tpu.memory_space<vmem>>, vector<16xf32>,
        tpu.vector_store %arg13[%swap3A_803, %swap3A_804], %gather3A_802 {strides = array<i32>} : memref<16x128xf32, #tpu.memory_space<vmem>>, vector<16xf32>,
        %add3A_806 = arith.constant 32 : i32
        %add3A_807 = vector.broadcast %add3A_806 : i32 to vector<16xi32>
        %add3A_808 = arith.addi %iota3A, %add3A_807 : vector<16xi32>
        %broadcast_in_dim3A_809 = vector.broadcast %and3A_779 : i32 to vector<16xi32>
        %gather3A_810 = arith.constant 0 : i32
        %gather3A_811 = arith.constant 0 : i32
        %gather3A_812 = tpu.memref_slice %arg12[%while3A_662, %gather3A_810, %gather3A_811] : memref<6x64x128xf32, #tpu.memory_space<vmem>> -> memref<1x64x128xf32, #tpu.memory_space<vmem>>
        %gather3A_813 = tpu.memref_squeeze %gather3A_812 : memref<1x64x128xf32, #tpu.memory_space<vmem>> -> memref<64x128xf32, #tpu.memory_space<vmem>>
        %gather3A_814 = tpu.vector_load_idx %gather3A_813[%add3A_808, %broadcast_in_dim3A_809] : memref<64x128xf32, #tpu.memory_space<vmem>>[vector<16xi32>, vector<16xi32>], vector<16xf32>,
        %swap3A_815 = arith.index_cast %get3A_782 : i32 to index
        %swap3A_816 = arith.constant 32 : index
        %swap3A_817 = tpu.vector_load %arg13[%swap3A_815, %swap3A_816] {strides = array<i32>} : memref<16x128xf32, #tpu.memory_space<vmem>>, vector<16xf32>,
        tpu.vector_store %arg13[%swap3A_815, %swap3A_816], %gather3A_814 {strides = array<i32>} : memref<16x128xf32, #tpu.memory_space<vmem>>, vector<16xf32>,
        %add3A_818 = arith.constant 48 : i32
        %add3A_819 = vector.broadcast %add3A_818 : i32 to vector<16xi32>
        %add3A_820 = arith.addi %iota3A, %add3A_819 : vector<16xi32>
        %broadcast_in_dim3A_821 = vector.broadcast %and3A_779 : i32 to vector<16xi32>
        %gather3A_822 = arith.constant 0 : i32
        %gather3A_823 = arith.constant 0 : i32
        %gather3A_824 = tpu.memref_slice %arg12[%while3A_662, %gather3A_822, %gather3A_823] : memref<6x64x128xf32, #tpu.memory_space<vmem>> -> memref<1x64x128xf32, #tpu.memory_space<vmem>>
        %gather3A_825 = tpu.memref_squeeze %gather3A_824 : memref<1x64x128xf32, #tpu.memory_space<vmem>> -> memref<64x128xf32, #tpu.memory_space<vmem>>
        %gather3A_826 = tpu.vector_load_idx %gather3A_825[%add3A_820, %broadcast_in_dim3A_821] : memref<64x128xf32, #tpu.memory_space<vmem>>[vector<16xi32>, vector<16xi32>], vector<16xf32>,
        %swap3A_827 = arith.index_cast %get3A_782 : i32 to index
        %swap3A_828 = arith.constant 48 : index
        %swap3A_829 = tpu.vector_load %arg13[%swap3A_827, %swap3A_828] {strides = array<i32>} : memref<16x128xf32, #tpu.memory_space<vmem>>, vector<16xf32>,
        tpu.vector_store %arg13[%swap3A_827, %swap3A_828], %gather3A_826 {strides = array<i32>} : memref<16x128xf32, #tpu.memory_space<vmem>>, vector<16xf32>,
        %eq3A = vector.broadcast %get3A_782 : i32 to vector<16xi32>
        %eq3A_830 = arith.cmpi eq, %iota3A, %eq3A : vector<16xi32>
        %broadcast_in_dim3A_831 = vector.broadcast %squeeze3A_774 : i32 to vector<16xi32>
        %get3A_832 = arith.constant 0 : index
        %get3A_833 = tpu.vector_load %arg14[%get3A_832] {strides = array<i32>} : memref<16xi32, #tpu.memory_space<vmem>>, vector<16xi32>,
        %select_n3A_834 = arith.select %eq3A_830, %broadcast_in_dim3A_831, %get3A_833 : vector<16xi1>, vector<16xi32>
        %swap3A_835 = arith.constant 0 : index
        %swap3A_836 = tpu.vector_load %arg14[%swap3A_835] {strides = array<i32>} : memref<16xi32, #tpu.memory_space<vmem>>, vector<16xi32>,
        tpu.vector_store %arg14[%swap3A_835], %select_n3A_834 {strides = array<i32>} : memref<16xi32, #tpu.memory_space<vmem>>, vector<16xi32>,
        %add3A_837 = arith.constant 1 : i32
        %add3A_838 = arith.addi %get3A_782, %add3A_837 : i32
        %eq3A_839 = arith.constant 16 : i32
        %eq3A_840 = arith.cmpi eq, %add3A_838, %eq3A_839 : i32
        %convert_element_type3A = arith.extui %eq3A_840 : i1 to i32
        %cond3A = arith.constant 0 : i32
        %cond3A_841 = arith.cmpi ne, %convert_element_type3A, %cond3A : i32
        scf.if %cond3A_841 {
          %dma_start3A_850 = arith.constant 0 : i32
          %dma_start3A_851 = arith.constant 0 : i32
          %dma_start3A_852 = tpu.memref_slice %arg4[%dma_start3A_850, %dma_start3A_851] : memref<16896x128xf32, #tpu.memory_space<hbm>> -> memref<16896x128xf32, #tpu.memory_space<hbm>>
          tpu.enqueue_indirect_dma source(%arg13 : memref<16x128xf32, #tpu.memory_space<vmem>>) target(%dma_start3A_852 : memref<16896x128xf32, #tpu.memory_space<hbm>>) offsets(%arg14 : memref<16xi32, #tpu.memory_space<vmem>>) semaphore(%arg22 : memref<!tpu.dma_semaphore, #tpu.memory_space<semaphore_mem>>)
          %dma_wait3A_853 = arith.constant 0 : i32
          %dma_wait3A_854 = arith.constant 0 : i32
          %dma_wait3A_855 = tpu.memref_slice %arg4[%dma_wait3A_853, %dma_wait3A_854] : memref<16896x128xf32, #tpu.memory_space<hbm>> -> memref<16896x128xf32, #tpu.memory_space<hbm>>
          tpu.wait_indirect_dma semaphore(%arg22 : memref<!tpu.dma_semaphore, #tpu.memory_space<semaphore_mem>>) src(%arg13 : memref<16x128xf32, #tpu.memory_space<vmem>>) dst(%dma_wait3A_855 : memref<16896x128xf32, #tpu.memory_space<hbm>>)
        } else {
        }
        %eq3A_842 = arith.constant 16 : i32
        %eq3A_843 = arith.cmpi eq, %add3A_838, %eq3A_842 : i32
        %jit3A_844 = arith.constant 0 : i32
        %select_n3A_845 = arith.select %eq3A_843, %jit3A_844, %add3A_838 : i32
        %swap3A_846 = arith.constant 3 : i32
        %swap3A_847 = arith.index_cast %swap3A_846 : i32 to index
        %swap3A_848 = memref.load %arg15[%swap3A_847] : memref<8xi32, #tpu.memory_space<smem>>
        memref.store %select_n3A_845, %arg15[%swap3A_847] : memref<8xi32, #tpu.memory_space<smem>>
        %while3A_849 = arith.constant 0 : i32
        scf.yield %while3A_849 : i32
      }
      %while3A_672 = arith.constant 1 : i32
      %while3A_673 = scf.for %while3A_769 = %while3A_669 to %while3A_665 step %while3A_672 iter_args(%while3A_770 = %while3A_671) -> (i32)  : i32 {
        %get3A_771 = arith.index_cast %while3A_769 : i32 to index
        %get3A_772 = tpu.vector_load %arg7[%get3A_771] {strides = array<i32>} : memref<16400xi32, #tpu.memory_space<vmem>>, vector<16xi32>,
        %slice3A_773 = vector.extract_strided_slice %get3A_772 {offsets = [0], sizes = [1], strides = [1]} : vector<16xi32> to vector<1xi32>
        %squeeze3A_774 = vector.extract %slice3A_773[0] : i32 from vector<1xi32>
        %get3A_775 = arith.index_cast %squeeze3A_774 : i32 to index
        %get3A_776 = tpu.vector_load %arg5[%get3A_775] {strides = array<i32>} : memref<16400xi32, #tpu.memory_space<vmem>>, vector<16xi32>,
        %slice3A_777 = vector.extract_strided_slice %get3A_776 {offsets = [0], sizes = [1], strides = [1]} : vector<16xi32> to vector<1xi32>
        %squeeze3A_778 = vector.extract %slice3A_777[0] : i32 from vector<1xi32>
        %and3A = arith.constant 127 : i32
        %and3A_779 = arith.andi %squeeze3A_778, %and3A : i32
        %get3A_780 = arith.constant 3 : i32
        %get3A_781 = arith.index_cast %get3A_780 : i32 to index
        %get3A_782 = memref.load %arg15[%get3A_781] : memref<8xi32, #tpu.memory_space<smem>>
        %add3A_783 = arith.constant 0 : i32
        %add3A_784 = vector.broadcast %add3A_783 : i32 to vector<16xi32>
        %add3A_785 = arith.addi %iota3A, %add3A_784 : vector<16xi32>
        %broadcast_in_dim3A_786 = vector.broadcast %and3A_779 : i32 to vector<16xi32>
        %gather3A = arith.constant 0 : i32
        %gather3A_787 = arith.constant 0 : i32
        %gather3A_788 = tpu.memref_slice %arg12[%while3A_662, %gather3A, %gather3A_787] : memref<6x64x128xf32, #tpu.memory_space<vmem>> -> memref<1x64x128xf32, #tpu.memory_space<vmem>>
        %gather3A_789 = tpu.memref_squeeze %gather3A_788 : memref<1x64x128xf32, #tpu.memory_space<vmem>> -> memref<64x128xf32, #tpu.memory_space<vmem>>
        %gather3A_790 = tpu.vector_load_idx %gather3A_789[%add3A_785, %broadcast_in_dim3A_786] : memref<64x128xf32, #tpu.memory_space<vmem>>[vector<16xi32>, vector<16xi32>], vector<16xf32>,
        %swap3A_791 = arith.index_cast %get3A_782 : i32 to index
        %swap3A_792 = arith.constant 0 : index
        %swap3A_793 = tpu.vector_load %arg13[%swap3A_791, %swap3A_792] {strides = array<i32>} : memref<16x128xf32, #tpu.memory_space<vmem>>, vector<16xf32>,
        tpu.vector_store %arg13[%swap3A_791, %swap3A_792], %gather3A_790 {strides = array<i32>} : memref<16x128xf32, #tpu.memory_space<vmem>>, vector<16xf32>,
        %add3A_794 = arith.constant 16 : i32
        %add3A_795 = vector.broadcast %add3A_794 : i32 to vector<16xi32>
        %add3A_796 = arith.addi %iota3A, %add3A_795 : vector<16xi32>
        %broadcast_in_dim3A_797 = vector.broadcast %and3A_779 : i32 to vector<16xi32>
        %gather3A_798 = arith.constant 0 : i32
        %gather3A_799 = arith.constant 0 : i32
        %gather3A_800 = tpu.memref_slice %arg12[%while3A_662, %gather3A_798, %gather3A_799] : memref<6x64x128xf32, #tpu.memory_space<vmem>> -> memref<1x64x128xf32, #tpu.memory_space<vmem>>
        %gather3A_801 = tpu.memref_squeeze %gather3A_800 : memref<1x64x128xf32, #tpu.memory_space<vmem>> -> memref<64x128xf32, #tpu.memory_space<vmem>>
        %gather3A_802 = tpu.vector_load_idx %gather3A_801[%add3A_796, %broadcast_in_dim3A_797] : memref<64x128xf32, #tpu.memory_space<vmem>>[vector<16xi32>, vector<16xi32>], vector<16xf32>,
        %swap3A_803 = arith.index_cast %get3A_782 : i32 to index
        %swap3A_804 = arith.constant 16 : index
        %swap3A_805 = tpu.vector_load %arg13[%swap3A_803, %swap3A_804] {strides = array<i32>} : memref<16x128xf32, #tpu.memory_space<vmem>>, vector<16xf32>,
        tpu.vector_store %arg13[%swap3A_803, %swap3A_804], %gather3A_802 {strides = array<i32>} : memref<16x128xf32, #tpu.memory_space<vmem>>, vector<16xf32>,
        %add3A_806 = arith.constant 32 : i32
        %add3A_807 = vector.broadcast %add3A_806 : i32 to vector<16xi32>
        %add3A_808 = arith.addi %iota3A, %add3A_807 : vector<16xi32>
        %broadcast_in_dim3A_809 = vector.broadcast %and3A_779 : i32 to vector<16xi32>
        %gather3A_810 = arith.constant 0 : i32
        %gather3A_811 = arith.constant 0 : i32
        %gather3A_812 = tpu.memref_slice %arg12[%while3A_662, %gather3A_810, %gather3A_811] : memref<6x64x128xf32, #tpu.memory_space<vmem>> -> memref<1x64x128xf32, #tpu.memory_space<vmem>>
        %gather3A_813 = tpu.memref_squeeze %gather3A_812 : memref<1x64x128xf32, #tpu.memory_space<vmem>> -> memref<64x128xf32, #tpu.memory_space<vmem>>
        %gather3A_814 = tpu.vector_load_idx %gather3A_813[%add3A_808, %broadcast_in_dim3A_809] : memref<64x128xf32, #tpu.memory_space<vmem>>[vector<16xi32>, vector<16xi32>], vector<16xf32>,
        %swap3A_815 = arith.index_cast %get3A_782 : i32 to index
        %swap3A_816 = arith.constant 32 : index
        %swap3A_817 = tpu.vector_load %arg13[%swap3A_815, %swap3A_816] {strides = array<i32>} : memref<16x128xf32, #tpu.memory_space<vmem>>, vector<16xf32>,
        tpu.vector_store %arg13[%swap3A_815, %swap3A_816], %gather3A_814 {strides = array<i32>} : memref<16x128xf32, #tpu.memory_space<vmem>>, vector<16xf32>,
        %add3A_818 = arith.constant 48 : i32
        %add3A_819 = vector.broadcast %add3A_818 : i32 to vector<16xi32>
        %add3A_820 = arith.addi %iota3A, %add3A_819 : vector<16xi32>
        %broadcast_in_dim3A_821 = vector.broadcast %and3A_779 : i32 to vector<16xi32>
        %gather3A_822 = arith.constant 0 : i32
        %gather3A_823 = arith.constant 0 : i32
        %gather3A_824 = tpu.memref_slice %arg12[%while3A_662, %gather3A_822, %gather3A_823] : memref<6x64x128xf32, #tpu.memory_space<vmem>> -> memref<1x64x128xf32, #tpu.memory_space<vmem>>
        %gather3A_825 = tpu.memref_squeeze %gather3A_824 : memref<1x64x128xf32, #tpu.memory_space<vmem>> -> memref<64x128xf32, #tpu.memory_space<vmem>>
        %gather3A_826 = tpu.vector_load_idx %gather3A_825[%add3A_820, %broadcast_in_dim3A_821] : memref<64x128xf32, #tpu.memory_space<vmem>>[vector<16xi32>, vector<16xi32>], vector<16xf32>,
        %swap3A_827 = arith.index_cast %get3A_782 : i32 to index
        %swap3A_828 = arith.constant 48 : index
        %swap3A_829 = tpu.vector_load %arg13[%swap3A_827, %swap3A_828] {strides = array<i32>} : memref<16x128xf32, #tpu.memory_space<vmem>>, vector<16xf32>,
        tpu.vector_store %arg13[%swap3A_827, %swap3A_828], %gather3A_826 {strides = array<i32>} : memref<16x128xf32, #tpu.memory_space<vmem>>, vector<16xf32>,
        %eq3A = vector.broadcast %get3A_782 : i32 to vector<16xi32>
        %eq3A_830 = arith.cmpi eq, %iota3A, %eq3A : vector<16xi32>
        %broadcast_in_dim3A_831 = vector.broadcast %squeeze3A_774 : i32 to vector<16xi32>
        %get3A_832 = arith.constant 0 : index
        %get3A_833 = tpu.vector_load %arg14[%get3A_832] {strides = array<i32>} : memref<16xi32, #tpu.memory_space<vmem>>, vector<16xi32>,
        %select_n3A_834 = arith.select %eq3A_830, %broadcast_in_dim3A_831, %get3A_833 : vector<16xi1>, vector<16xi32>
        %swap3A_835 = arith.constant 0 : index
        %swap3A_836 = tpu.vector_load %arg14[%swap3A_835] {strides = array<i32>} : memref<16xi32, #tpu.memory_space<vmem>>, vector<16xi32>,
        tpu.vector_store %arg14[%swap3A_835], %select_n3A_834 {strides = array<i32>} : memref<16xi32, #tpu.memory_space<vmem>>, vector<16xi32>,
        %add3A_837 = arith.constant 1 : i32
        %add3A_838 = arith.addi %get3A_782, %add3A_837 : i32
        %eq3A_839 = arith.constant 16 : i32
        %eq3A_840 = arith.cmpi eq, %add3A_838, %eq3A_839 : i32
        %convert_element_type3A = arith.extui %eq3A_840 : i1 to i32
        %cond3A = arith.constant 0 : i32
        %cond3A_841 = arith.cmpi ne, %convert_element_type3A, %cond3A : i32
        scf.if %cond3A_841 {
          %dma_start3A_850 = arith.constant 0 : i32
          %dma_start3A_851 = arith.constant 0 : i32
          %dma_start3A_852 = tpu.memref_slice %arg4[%dma_start3A_850, %dma_start3A_851] : memref<16896x128xf32, #tpu.memory_space<hbm>> -> memref<16896x128xf32, #tpu.memory_space<hbm>>
          tpu.enqueue_indirect_dma source(%arg13 : memref<16x128xf32, #tpu.memory_space<vmem>>) target(%dma_start3A_852 : memref<16896x128xf32, #tpu.memory_space<hbm>>) offsets(%arg14 : memref<16xi32, #tpu.memory_space<vmem>>) semaphore(%arg22 : memref<!tpu.dma_semaphore, #tpu.memory_space<semaphore_mem>>)
          %dma_wait3A_853 = arith.constant 0 : i32
          %dma_wait3A_854 = arith.constant 0 : i32
          %dma_wait3A_855 = tpu.memref_slice %arg4[%dma_wait3A_853, %dma_wait3A_854] : memref<16896x128xf32, #tpu.memory_space<hbm>> -> memref<16896x128xf32, #tpu.memory_space<hbm>>
          tpu.wait_indirect_dma semaphore(%arg22 : memref<!tpu.dma_semaphore, #tpu.memory_space<semaphore_mem>>) src(%arg13 : memref<16x128xf32, #tpu.memory_space<vmem>>) dst(%dma_wait3A_855 : memref<16896x128xf32, #tpu.memory_space<hbm>>)
        } else {
        }
        %eq3A_842 = arith.constant 16 : i32
        %eq3A_843 = arith.cmpi eq, %add3A_838, %eq3A_842 : i32
        %jit3A_844 = arith.constant 0 : i32
        %select_n3A_845 = arith.select %eq3A_843, %jit3A_844, %add3A_838 : i32
        %swap3A_846 = arith.constant 3 : i32
        %swap3A_847 = arith.index_cast %swap3A_846 : i32 to index
        %swap3A_848 = memref.load %arg15[%swap3A_847] : memref<8xi32, #tpu.memory_space<smem>>
        memref.store %select_n3A_845, %arg15[%swap3A_847] : memref<8xi32, #tpu.memory_space<smem>>
        %while3A_849 = arith.constant 0 : i32
        scf.yield %while3A_849 : i32
      }
      %add3A_674 = arith.constant 6 : i32
      %add3A_675 = arith.addi %add3A_631, %add3A_674 : i32
      %min3A_676 = arith.constant 271 : i32
      %min3A_677 = arith.minsi %add3A_675, %min3A_676 : i32
      %get3A_678 = arith.index_cast %min3A_677 : i32 to index
      %get3A_679 = tpu.vector_load %arg11[%get3A_678] {strides = array<i32>} : memref<288xi32, #tpu.memory_space<vmem>>, vector<16xi32>,
      %slice3A_680 = vector.extract_strided_slice %get3A_679 {offsets = [0], sizes = [1], strides = [1]} : vector<16xi32> to vector<1xi32>
      %squeeze3A_681 = vector.extract %slice3A_680[0] : i32 from vector<1xi32>
      %add3A_682 = arith.addi %add3A_4, %squeeze3A_681 : i32
      %mul3A_683 = arith.constant 128 : i32
      %mul3A_684 = arith.muli %add3A_682, %mul3A_683 : i32
      %dma_start3A_685 = arith.constant 4 : i32
      %dma_start3A_686 = arith.constant 0 : i32
      %dma_start3A_687 = arith.constant 0 : i32
      %dma_start3A_688 = tpu.memref_slice %arg12[%dma_start3A_685, %dma_start3A_686, %dma_start3A_687] : memref<6x64x128xf32, #tpu.memory_space<vmem>> -> memref<1x64x128xf32, #tpu.memory_space<vmem>>
      %dma_start3A_689 = tpu.memref_squeeze %dma_start3A_688 : memref<1x64x128xf32, #tpu.memory_space<vmem>> -> memref<64x128xf32, #tpu.memory_space<vmem>>
      %dma_start3A_690 = arith.constant 0 : i32
      %dma_start3A_691 = tpu.memref_slice %arg2[%dma_start3A_690, %mul3A_684] : memref<64x1000000xf32, #tpu.memory_space<hbm>> -> memref<64x128xf32, #tpu.memory_space<hbm>>
      %dma_start3A_692 = arith.constant 0 : i32
      %dma_start3A_693 = arith.constant 0 : i32
      %dma_start3A_694 = tpu.memref_slice %arg12[%dma_start3A_685, %dma_start3A_692, %dma_start3A_693] : memref<6x64x128xf32, #tpu.memory_space<vmem>> -> memref<1x64x128xf32, #tpu.memory_space<vmem>>
      %dma_start3A_695 = tpu.memref_squeeze %dma_start3A_694 : memref<1x64x128xf32, #tpu.memory_space<vmem>> -> memref<64x128xf32, #tpu.memory_space<vmem>>
      %dma_start3A_696 = arith.constant 0 : i32
      %dma_start3A_697 = tpu.memref_slice %arg2[%dma_start3A_696, %mul3A_684] : memref<64x1000000xf32, #tpu.memory_space<hbm>> -> memref<64x128xf32, #tpu.memory_space<hbm>>
      tpu.enqueue_dma source(%dma_start3A_697 : memref<64x128xf32, #tpu.memory_space<hbm>>) target(%dma_start3A_695 : memref<64x128xf32, #tpu.memory_space<vmem>>) target_semaphore(%arg20 : memref<!tpu.dma_semaphore, #tpu.memory_space<semaphore_mem>>)
      %mul3A_698 = arith.constant 6 : i32
      %mul3A_699 = arith.muli %while3A_346, %mul3A_698 : i32
      %add3A_700 = arith.constant 5 : i32
      %add3A_701 = arith.addi %mul3A_699, %add3A_700 : i32
      %dma_wait3A_702 = arith.constant 5 : i32
      %dma_wait3A_703 = arith.constant 0 : i32
      %dma_wait3A_704 = arith.constant 0 : i32
      %dma_wait3A_705 = tpu.memref_slice %arg12[%dma_wait3A_702, %dma_wait3A_703, %dma_wait3A_704] : memref<6x64x128xf32, #tpu.memory_space<vmem>> -> memref<1x64x128xf32, #tpu.memory_space<vmem>>
      %dma_wait3A_706 = tpu.memref_squeeze %dma_wait3A_705 : memref<1x64x128xf32, #tpu.memory_space<vmem>> -> memref<64x128xf32, #tpu.memory_space<vmem>>
      %dma_wait3A_707 = arith.constant 0 : i32
      %dma_wait3A_708 = arith.constant 0 : i32
      %dma_wait3A_709 = tpu.memref_slice %arg2[%dma_wait3A_707, %dma_wait3A_708] : memref<64x1000000xf32, #tpu.memory_space<hbm>> -> memref<64x128xf32, #tpu.memory_space<hbm>>
      %dma_wait3A_710 = arith.constant 0 : i32
      %dma_wait3A_711 = arith.constant 0 : i32
      %dma_wait3A_712 = tpu.memref_slice %arg12[%dma_wait3A_702, %dma_wait3A_710, %dma_wait3A_711] : memref<6x64x128xf32, #tpu.memory_space<vmem>> -> memref<1x64x128xf32, #tpu.memory_space<vmem>>
      %dma_wait3A_713 = tpu.memref_squeeze %dma_wait3A_712 : memref<1x64x128xf32, #tpu.memory_space<vmem>> -> memref<64x128xf32, #tpu.memory_space<vmem>>
      %dma_wait3A_714 = arith.constant 0 : i32
      %dma_wait3A_715 = arith.constant 0 : i32
      %dma_wait3A_716 = tpu.memref_slice %arg2[%dma_wait3A_714, %dma_wait3A_715] : memref<64x1000000xf32, #tpu.memory_space<hbm>> -> memref<64x128xf32, #tpu.memory_space<hbm>>
      tpu.wait_dma2 semaphore(%arg21 : memref<!tpu.dma_semaphore, #tpu.memory_space<semaphore_mem>>) src(%dma_wait3A_716 : memref<64x128xf32, #tpu.memory_space<hbm>>) dst(%dma_wait3A_713 : memref<64x128xf32, #tpu.memory_space<vmem>>)
      %min3A_717 = arith.constant 271 : i32
      %min3A_718 = arith.minsi %add3A_701, %min3A_717 : i32
      %get3A_719 = arith.index_cast %min3A_718 : i32 to index
      %get3A_720 = tpu.vector_load %arg11[%get3A_719] {strides = array<i32>} : memref<288xi32, #tpu.memory_space<vmem>>, vector<16xi32>,
      %slice3A_721 = vector.extract_strided_slice %get3A_720 {offsets = [0], sizes = [1], strides = [1]} : vector<16xi32> to vector<1xi32>
      %squeeze3A_722 = vector.extract %slice3A_721[0] : i32 from vector<1xi32>
      %get3A_723 = arith.index_cast %squeeze3A_722 : i32 to index
      %get3A_724 = tpu.vector_load %arg9[%get3A_723] {strides = array<i32>} : memref<288xi32, #tpu.memory_space<vmem>>, vector<16xi32>,
      %slice3A_725 = vector.extract_strided_slice %get3A_724 {offsets = [0], sizes = [1], strides = [1]} : vector<16xi32> to vector<1xi32>
      %squeeze3A_726 = vector.extract %slice3A_725[0] : i32 from vector<1xi32>
      %get3A_727 = arith.index_cast %squeeze3A_722 : i32 to index
      %get3A_728 = tpu.vector_load %arg8[%get3A_727] {strides = array<i32>} : memref<288xi32, #tpu.memory_space<vmem>>, vector<16xi32>,
      %slice3A_729 = vector.extract_strided_slice %get3A_728 {offsets = [0], sizes = [1], strides = [1]} : vector<16xi32> to vector<1xi32>
      %squeeze3A_730 = vector.extract %slice3A_729[0] : i32 from vector<1xi32>
      %add3A_731 = arith.addi %squeeze3A_726, %squeeze3A_730 : i32
      %while3A_732 = arith.constant 5 : i32
      %while3A_733 = arith.constant 0 : i32
      %while3A_734 = arith.subi %add3A_731, %squeeze3A_726 : i32
      %while3A_735 = arith.addi %squeeze3A_726, %while3A_734 : i32
      %while3A_736 = arith.constant 1 : i32
      %while3A_737 = arith.divsi %while3A_734, %while3A_736 : i32
      %while3A_738 = arith.muli %while3A_737, %while3A_736 : i32
      %while3A_739 = arith.addi %squeeze3A_726, %while3A_738 : i32
      %while3A_740 = arith.constant 1 : i32
      %while3A_741 = scf.for %while3A_769 = %squeeze3A_726 to %while3A_739 step %while3A_740 iter_args(%while3A_770 = %while3A_733) -> (i32)  : i32 {
        %get3A_771 = arith.index_cast %while3A_769 : i32 to index
        %get3A_772 = tpu.vector_load %arg7[%get3A_771] {strides = array<i32>} : memref<16400xi32, #tpu.memory_space<vmem>>, vector<16xi32>,
        %slice3A_773 = vector.extract_strided_slice %get3A_772 {offsets = [0], sizes = [1], strides = [1]} : vector<16xi32> to vector<1xi32>
        %squeeze3A_774 = vector.extract %slice3A_773[0] : i32 from vector<1xi32>
        %get3A_775 = arith.index_cast %squeeze3A_774 : i32 to index
        %get3A_776 = tpu.vector_load %arg5[%get3A_775] {strides = array<i32>} : memref<16400xi32, #tpu.memory_space<vmem>>, vector<16xi32>,
        %slice3A_777 = vector.extract_strided_slice %get3A_776 {offsets = [0], sizes = [1], strides = [1]} : vector<16xi32> to vector<1xi32>
        %squeeze3A_778 = vector.extract %slice3A_777[0] : i32 from vector<1xi32>
        %and3A = arith.constant 127 : i32
        %and3A_779 = arith.andi %squeeze3A_778, %and3A : i32
        %get3A_780 = arith.constant 3 : i32
        %get3A_781 = arith.index_cast %get3A_780 : i32 to index
        %get3A_782 = memref.load %arg15[%get3A_781] : memref<8xi32, #tpu.memory_space<smem>>
        %add3A_783 = arith.constant 0 : i32
        %add3A_784 = vector.broadcast %add3A_783 : i32 to vector<16xi32>
        %add3A_785 = arith.addi %iota3A, %add3A_784 : vector<16xi32>
        %broadcast_in_dim3A_786 = vector.broadcast %and3A_779 : i32 to vector<16xi32>
        %gather3A = arith.constant 0 : i32
        %gather3A_787 = arith.constant 0 : i32
        %gather3A_788 = tpu.memref_slice %arg12[%while3A_732, %gather3A, %gather3A_787] : memref<6x64x128xf32, #tpu.memory_space<vmem>> -> memref<1x64x128xf32, #tpu.memory_space<vmem>>
        %gather3A_789 = tpu.memref_squeeze %gather3A_788 : memref<1x64x128xf32, #tpu.memory_space<vmem>> -> memref<64x128xf32, #tpu.memory_space<vmem>>
        %gather3A_790 = tpu.vector_load_idx %gather3A_789[%add3A_785, %broadcast_in_dim3A_786] : memref<64x128xf32, #tpu.memory_space<vmem>>[vector<16xi32>, vector<16xi32>], vector<16xf32>,
        %swap3A_791 = arith.index_cast %get3A_782 : i32 to index
        %swap3A_792 = arith.constant 0 : index
        %swap3A_793 = tpu.vector_load %arg13[%swap3A_791, %swap3A_792] {strides = array<i32>} : memref<16x128xf32, #tpu.memory_space<vmem>>, vector<16xf32>,
        tpu.vector_store %arg13[%swap3A_791, %swap3A_792], %gather3A_790 {strides = array<i32>} : memref<16x128xf32, #tpu.memory_space<vmem>>, vector<16xf32>,
        %add3A_794 = arith.constant 16 : i32
        %add3A_795 = vector.broadcast %add3A_794 : i32 to vector<16xi32>
        %add3A_796 = arith.addi %iota3A, %add3A_795 : vector<16xi32>
        %broadcast_in_dim3A_797 = vector.broadcast %and3A_779 : i32 to vector<16xi32>
        %gather3A_798 = arith.constant 0 : i32
        %gather3A_799 = arith.constant 0 : i32
        %gather3A_800 = tpu.memref_slice %arg12[%while3A_732, %gather3A_798, %gather3A_799] : memref<6x64x128xf32, #tpu.memory_space<vmem>> -> memref<1x64x128xf32, #tpu.memory_space<vmem>>
        %gather3A_801 = tpu.memref_squeeze %gather3A_800 : memref<1x64x128xf32, #tpu.memory_space<vmem>> -> memref<64x128xf32, #tpu.memory_space<vmem>>
        %gather3A_802 = tpu.vector_load_idx %gather3A_801[%add3A_796, %broadcast_in_dim3A_797] : memref<64x128xf32, #tpu.memory_space<vmem>>[vector<16xi32>, vector<16xi32>], vector<16xf32>,
        %swap3A_803 = arith.index_cast %get3A_782 : i32 to index
        %swap3A_804 = arith.constant 16 : index
        %swap3A_805 = tpu.vector_load %arg13[%swap3A_803, %swap3A_804] {strides = array<i32>} : memref<16x128xf32, #tpu.memory_space<vmem>>, vector<16xf32>,
        tpu.vector_store %arg13[%swap3A_803, %swap3A_804], %gather3A_802 {strides = array<i32>} : memref<16x128xf32, #tpu.memory_space<vmem>>, vector<16xf32>,
        %add3A_806 = arith.constant 32 : i32
        %add3A_807 = vector.broadcast %add3A_806 : i32 to vector<16xi32>
        %add3A_808 = arith.addi %iota3A, %add3A_807 : vector<16xi32>
        %broadcast_in_dim3A_809 = vector.broadcast %and3A_779 : i32 to vector<16xi32>
        %gather3A_810 = arith.constant 0 : i32
        %gather3A_811 = arith.constant 0 : i32
        %gather3A_812 = tpu.memref_slice %arg12[%while3A_732, %gather3A_810, %gather3A_811] : memref<6x64x128xf32, #tpu.memory_space<vmem>> -> memref<1x64x128xf32, #tpu.memory_space<vmem>>
        %gather3A_813 = tpu.memref_squeeze %gather3A_812 : memref<1x64x128xf32, #tpu.memory_space<vmem>> -> memref<64x128xf32, #tpu.memory_space<vmem>>
        %gather3A_814 = tpu.vector_load_idx %gather3A_813[%add3A_808, %broadcast_in_dim3A_809] : memref<64x128xf32, #tpu.memory_space<vmem>>[vector<16xi32>, vector<16xi32>], vector<16xf32>,
        %swap3A_815 = arith.index_cast %get3A_782 : i32 to index
        %swap3A_816 = arith.constant 32 : index
        %swap3A_817 = tpu.vector_load %arg13[%swap3A_815, %swap3A_816] {strides = array<i32>} : memref<16x128xf32, #tpu.memory_space<vmem>>, vector<16xf32>,
        tpu.vector_store %arg13[%swap3A_815, %swap3A_816], %gather3A_814 {strides = array<i32>} : memref<16x128xf32, #tpu.memory_space<vmem>>, vector<16xf32>,
        %add3A_818 = arith.constant 48 : i32
        %add3A_819 = vector.broadcast %add3A_818 : i32 to vector<16xi32>
        %add3A_820 = arith.addi %iota3A, %add3A_819 : vector<16xi32>
        %broadcast_in_dim3A_821 = vector.broadcast %and3A_779 : i32 to vector<16xi32>
        %gather3A_822 = arith.constant 0 : i32
        %gather3A_823 = arith.constant 0 : i32
        %gather3A_824 = tpu.memref_slice %arg12[%while3A_732, %gather3A_822, %gather3A_823] : memref<6x64x128xf32, #tpu.memory_space<vmem>> -> memref<1x64x128xf32, #tpu.memory_space<vmem>>
        %gather3A_825 = tpu.memref_squeeze %gather3A_824 : memref<1x64x128xf32, #tpu.memory_space<vmem>> -> memref<64x128xf32, #tpu.memory_space<vmem>>
        %gather3A_826 = tpu.vector_load_idx %gather3A_825[%add3A_820, %broadcast_in_dim3A_821] : memref<64x128xf32, #tpu.memory_space<vmem>>[vector<16xi32>, vector<16xi32>], vector<16xf32>,
        %swap3A_827 = arith.index_cast %get3A_782 : i32 to index
        %swap3A_828 = arith.constant 48 : index
        %swap3A_829 = tpu.vector_load %arg13[%swap3A_827, %swap3A_828] {strides = array<i32>} : memref<16x128xf32, #tpu.memory_space<vmem>>, vector<16xf32>,
        tpu.vector_store %arg13[%swap3A_827, %swap3A_828], %gather3A_826 {strides = array<i32>} : memref<16x128xf32, #tpu.memory_space<vmem>>, vector<16xf32>,
        %eq3A = vector.broadcast %get3A_782 : i32 to vector<16xi32>
        %eq3A_830 = arith.cmpi eq, %iota3A, %eq3A : vector<16xi32>
        %broadcast_in_dim3A_831 = vector.broadcast %squeeze3A_774 : i32 to vector<16xi32>
        %get3A_832 = arith.constant 0 : index
        %get3A_833 = tpu.vector_load %arg14[%get3A_832] {strides = array<i32>} : memref<16xi32, #tpu.memory_space<vmem>>, vector<16xi32>,
        %select_n3A_834 = arith.select %eq3A_830, %broadcast_in_dim3A_831, %get3A_833 : vector<16xi1>, vector<16xi32>
        %swap3A_835 = arith.constant 0 : index
        %swap3A_836 = tpu.vector_load %arg14[%swap3A_835] {strides = array<i32>} : memref<16xi32, #tpu.memory_space<vmem>>, vector<16xi32>,
        tpu.vector_store %arg14[%swap3A_835], %select_n3A_834 {strides = array<i32>} : memref<16xi32, #tpu.memory_space<vmem>>, vector<16xi32>,
        %add3A_837 = arith.constant 1 : i32
        %add3A_838 = arith.addi %get3A_782, %add3A_837 : i32
        %eq3A_839 = arith.constant 16 : i32
        %eq3A_840 = arith.cmpi eq, %add3A_838, %eq3A_839 : i32
        %convert_element_type3A = arith.extui %eq3A_840 : i1 to i32
        %cond3A = arith.constant 0 : i32
        %cond3A_841 = arith.cmpi ne, %convert_element_type3A, %cond3A : i32
        scf.if %cond3A_841 {
          %dma_start3A_850 = arith.constant 0 : i32
          %dma_start3A_851 = arith.constant 0 : i32
          %dma_start3A_852 = tpu.memref_slice %arg4[%dma_start3A_850, %dma_start3A_851] : memref<16896x128xf32, #tpu.memory_space<hbm>> -> memref<16896x128xf32, #tpu.memory_space<hbm>>
          tpu.enqueue_indirect_dma source(%arg13 : memref<16x128xf32, #tpu.memory_space<vmem>>) target(%dma_start3A_852 : memref<16896x128xf32, #tpu.memory_space<hbm>>) offsets(%arg14 : memref<16xi32, #tpu.memory_space<vmem>>) semaphore(%arg22 : memref<!tpu.dma_semaphore, #tpu.memory_space<semaphore_mem>>)
          %dma_wait3A_853 = arith.constant 0 : i32
          %dma_wait3A_854 = arith.constant 0 : i32
          %dma_wait3A_855 = tpu.memref_slice %arg4[%dma_wait3A_853, %dma_wait3A_854] : memref<16896x128xf32, #tpu.memory_space<hbm>> -> memref<16896x128xf32, #tpu.memory_space<hbm>>
          tpu.wait_indirect_dma semaphore(%arg22 : memref<!tpu.dma_semaphore, #tpu.memory_space<semaphore_mem>>) src(%arg13 : memref<16x128xf32, #tpu.memory_space<vmem>>) dst(%dma_wait3A_855 : memref<16896x128xf32, #tpu.memory_space<hbm>>)
        } else {
        }
        %eq3A_842 = arith.constant 16 : i32
        %eq3A_843 = arith.cmpi eq, %add3A_838, %eq3A_842 : i32
        %jit3A_844 = arith.constant 0 : i32
        %select_n3A_845 = arith.select %eq3A_843, %jit3A_844, %add3A_838 : i32
        %swap3A_846 = arith.constant 3 : i32
        %swap3A_847 = arith.index_cast %swap3A_846 : i32 to index
        %swap3A_848 = memref.load %arg15[%swap3A_847] : memref<8xi32, #tpu.memory_space<smem>>
        memref.store %select_n3A_845, %arg15[%swap3A_847] : memref<8xi32, #tpu.memory_space<smem>>
        %while3A_849 = arith.constant 0 : i32
        scf.yield %while3A_849 : i32
      }
      %while3A_742 = arith.constant 1 : i32
      %while3A_743 = scf.for %while3A_769 = %while3A_739 to %while3A_735 step %while3A_742 iter_args(%while3A_770 = %while3A_741) -> (i32)  : i32 {
        %get3A_771 = arith.index_cast %while3A_769 : i32 to index
        %get3A_772 = tpu.vector_load %arg7[%get3A_771] {strides = array<i32>} : memref<16400xi32, #tpu.memory_space<vmem>>, vector<16xi32>,
        %slice3A_773 = vector.extract_strided_slice %get3A_772 {offsets = [0], sizes = [1], strides = [1]} : vector<16xi32> to vector<1xi32>
        %squeeze3A_774 = vector.extract %slice3A_773[0] : i32 from vector<1xi32>
        %get3A_775 = arith.index_cast %squeeze3A_774 : i32 to index
        %get3A_776 = tpu.vector_load %arg5[%get3A_775] {strides = array<i32>} : memref<16400xi32, #tpu.memory_space<vmem>>, vector<16xi32>,
        %slice3A_777 = vector.extract_strided_slice %get3A_776 {offsets = [0], sizes = [1], strides = [1]} : vector<16xi32> to vector<1xi32>
        %squeeze3A_778 = vector.extract %slice3A_777[0] : i32 from vector<1xi32>
        %and3A = arith.constant 127 : i32
        %and3A_779 = arith.andi %squeeze3A_778, %and3A : i32
        %get3A_780 = arith.constant 3 : i32
        %get3A_781 = arith.index_cast %get3A_780 : i32 to index
        %get3A_782 = memref.load %arg15[%get3A_781] : memref<8xi32, #tpu.memory_space<smem>>
        %add3A_783 = arith.constant 0 : i32
        %add3A_784 = vector.broadcast %add3A_783 : i32 to vector<16xi32>
        %add3A_785 = arith.addi %iota3A, %add3A_784 : vector<16xi32>
        %broadcast_in_dim3A_786 = vector.broadcast %and3A_779 : i32 to vector<16xi32>
        %gather3A = arith.constant 0 : i32
        %gather3A_787 = arith.constant 0 : i32
        %gather3A_788 = tpu.memref_slice %arg12[%while3A_732, %gather3A, %gather3A_787] : memref<6x64x128xf32, #tpu.memory_space<vmem>> -> memref<1x64x128xf32, #tpu.memory_space<vmem>>
        %gather3A_789 = tpu.memref_squeeze %gather3A_788 : memref<1x64x128xf32, #tpu.memory_space<vmem>> -> memref<64x128xf32, #tpu.memory_space<vmem>>
        %gather3A_790 = tpu.vector_load_idx %gather3A_789[%add3A_785, %broadcast_in_dim3A_786] : memref<64x128xf32, #tpu.memory_space<vmem>>[vector<16xi32>, vector<16xi32>], vector<16xf32>,
        %swap3A_791 = arith.index_cast %get3A_782 : i32 to index
        %swap3A_792 = arith.constant 0 : index
        %swap3A_793 = tpu.vector_load %arg13[%swap3A_791, %swap3A_792] {strides = array<i32>} : memref<16x128xf32, #tpu.memory_space<vmem>>, vector<16xf32>,
        tpu.vector_store %arg13[%swap3A_791, %swap3A_792], %gather3A_790 {strides = array<i32>} : memref<16x128xf32, #tpu.memory_space<vmem>>, vector<16xf32>,
        %add3A_794 = arith.constant 16 : i32
        %add3A_795 = vector.broadcast %add3A_794 : i32 to vector<16xi32>
        %add3A_796 = arith.addi %iota3A, %add3A_795 : vector<16xi32>
        %broadcast_in_dim3A_797 = vector.broadcast %and3A_779 : i32 to vector<16xi32>
        %gather3A_798 = arith.constant 0 : i32
        %gather3A_799 = arith.constant 0 : i32
        %gather3A_800 = tpu.memref_slice %arg12[%while3A_732, %gather3A_798, %gather3A_799] : memref<6x64x128xf32, #tpu.memory_space<vmem>> -> memref<1x64x128xf32, #tpu.memory_space<vmem>>
        %gather3A_801 = tpu.memref_squeeze %gather3A_800 : memref<1x64x128xf32, #tpu.memory_space<vmem>> -> memref<64x128xf32, #tpu.memory_space<vmem>>
        %gather3A_802 = tpu.vector_load_idx %gather3A_801[%add3A_796, %broadcast_in_dim3A_797] : memref<64x128xf32, #tpu.memory_space<vmem>>[vector<16xi32>, vector<16xi32>], vector<16xf32>,
        %swap3A_803 = arith.index_cast %get3A_782 : i32 to index
        %swap3A_804 = arith.constant 16 : index
        %swap3A_805 = tpu.vector_load %arg13[%swap3A_803, %swap3A_804] {strides = array<i32>} : memref<16x128xf32, #tpu.memory_space<vmem>>, vector<16xf32>,
        tpu.vector_store %arg13[%swap3A_803, %swap3A_804], %gather3A_802 {strides = array<i32>} : memref<16x128xf32, #tpu.memory_space<vmem>>, vector<16xf32>,
        %add3A_806 = arith.constant 32 : i32
        %add3A_807 = vector.broadcast %add3A_806 : i32 to vector<16xi32>
        %add3A_808 = arith.addi %iota3A, %add3A_807 : vector<16xi32>
        %broadcast_in_dim3A_809 = vector.broadcast %and3A_779 : i32 to vector<16xi32>
        %gather3A_810 = arith.constant 0 : i32
        %gather3A_811 = arith.constant 0 : i32
        %gather3A_812 = tpu.memref_slice %arg12[%while3A_732, %gather3A_810, %gather3A_811] : memref<6x64x128xf32, #tpu.memory_space<vmem>> -> memref<1x64x128xf32, #tpu.memory_space<vmem>>
        %gather3A_813 = tpu.memref_squeeze %gather3A_812 : memref<1x64x128xf32, #tpu.memory_space<vmem>> -> memref<64x128xf32, #tpu.memory_space<vmem>>
        %gather3A_814 = tpu.vector_load_idx %gather3A_813[%add3A_808, %broadcast_in_dim3A_809] : memref<64x128xf32, #tpu.memory_space<vmem>>[vector<16xi32>, vector<16xi32>], vector<16xf32>,
        %swap3A_815 = arith.index_cast %get3A_782 : i32 to index
        %swap3A_816 = arith.constant 32 : index
        %swap3A_817 = tpu.vector_load %arg13[%swap3A_815, %swap3A_816] {strides = array<i32>} : memref<16x128xf32, #tpu.memory_space<vmem>>, vector<16xf32>,
        tpu.vector_store %arg13[%swap3A_815, %swap3A_816], %gather3A_814 {strides = array<i32>} : memref<16x128xf32, #tpu.memory_space<vmem>>, vector<16xf32>,
        %add3A_818 = arith.constant 48 : i32
        %add3A_819 = vector.broadcast %add3A_818 : i32 to vector<16xi32>
        %add3A_820 = arith.addi %iota3A, %add3A_819 : vector<16xi32>
        %broadcast_in_dim3A_821 = vector.broadcast %and3A_779 : i32 to vector<16xi32>
        %gather3A_822 = arith.constant 0 : i32
        %gather3A_823 = arith.constant 0 : i32
        %gather3A_824 = tpu.memref_slice %arg12[%while3A_732, %gather3A_822, %gather3A_823] : memref<6x64x128xf32, #tpu.memory_space<vmem>> -> memref<1x64x128xf32, #tpu.memory_space<vmem>>
        %gather3A_825 = tpu.memref_squeeze %gather3A_824 : memref<1x64x128xf32, #tpu.memory_space<vmem>> -> memref<64x128xf32, #tpu.memory_space<vmem>>
        %gather3A_826 = tpu.vector_load_idx %gather3A_825[%add3A_820, %broadcast_in_dim3A_821] : memref<64x128xf32, #tpu.memory_space<vmem>>[vector<16xi32>, vector<16xi32>], vector<16xf32>,
        %swap3A_827 = arith.index_cast %get3A_782 : i32 to index
        %swap3A_828 = arith.constant 48 : index
        %swap3A_829 = tpu.vector_load %arg13[%swap3A_827, %swap3A_828] {strides = array<i32>} : memref<16x128xf32, #tpu.memory_space<vmem>>, vector<16xf32>,
        tpu.vector_store %arg13[%swap3A_827, %swap3A_828], %gather3A_826 {strides = array<i32>} : memref<16x128xf32, #tpu.memory_space<vmem>>, vector<16xf32>,
        %eq3A = vector.broadcast %get3A_782 : i32 to vector<16xi32>
        %eq3A_830 = arith.cmpi eq, %iota3A, %eq3A : vector<16xi32>
        %broadcast_in_dim3A_831 = vector.broadcast %squeeze3A_774 : i32 to vector<16xi32>
        %get3A_832 = arith.constant 0 : index
        %get3A_833 = tpu.vector_load %arg14[%get3A_832] {strides = array<i32>} : memref<16xi32, #tpu.memory_space<vmem>>, vector<16xi32>,
        %select_n3A_834 = arith.select %eq3A_830, %broadcast_in_dim3A_831, %get3A_833 : vector<16xi1>, vector<16xi32>
        %swap3A_835 = arith.constant 0 : index
        %swap3A_836 = tpu.vector_load %arg14[%swap3A_835] {strides = array<i32>} : memref<16xi32, #tpu.memory_space<vmem>>, vector<16xi32>,
        tpu.vector_store %arg14[%swap3A_835], %select_n3A_834 {strides = array<i32>} : memref<16xi32, #tpu.memory_space<vmem>>, vector<16xi32>,
        %add3A_837 = arith.constant 1 : i32
        %add3A_838 = arith.addi %get3A_782, %add3A_837 : i32
        %eq3A_839 = arith.constant 16 : i32
        %eq3A_840 = arith.cmpi eq, %add3A_838, %eq3A_839 : i32
        %convert_element_type3A = arith.extui %eq3A_840 : i1 to i32
        %cond3A = arith.constant 0 : i32
        %cond3A_841 = arith.cmpi ne, %convert_element_type3A, %cond3A : i32
        scf.if %cond3A_841 {
          %dma_start3A_850 = arith.constant 0 : i32
          %dma_start3A_851 = arith.constant 0 : i32
          %dma_start3A_852 = tpu.memref_slice %arg4[%dma_start3A_850, %dma_start3A_851] : memref<16896x128xf32, #tpu.memory_space<hbm>> -> memref<16896x128xf32, #tpu.memory_space<hbm>>
          tpu.enqueue_indirect_dma source(%arg13 : memref<16x128xf32, #tpu.memory_space<vmem>>) target(%dma_start3A_852 : memref<16896x128xf32, #tpu.memory_space<hbm>>) offsets(%arg14 : memref<16xi32, #tpu.memory_space<vmem>>) semaphore(%arg22 : memref<!tpu.dma_semaphore, #tpu.memory_space<semaphore_mem>>)
          %dma_wait3A_853 = arith.constant 0 : i32
          %dma_wait3A_854 = arith.constant 0 : i32
          %dma_wait3A_855 = tpu.memref_slice %arg4[%dma_wait3A_853, %dma_wait3A_854] : memref<16896x128xf32, #tpu.memory_space<hbm>> -> memref<16896x128xf32, #tpu.memory_space<hbm>>
          tpu.wait_indirect_dma semaphore(%arg22 : memref<!tpu.dma_semaphore, #tpu.memory_space<semaphore_mem>>) src(%arg13 : memref<16x128xf32, #tpu.memory_space<vmem>>) dst(%dma_wait3A_855 : memref<16896x128xf32, #tpu.memory_space<hbm>>)
        } else {
        }
        %eq3A_842 = arith.constant 16 : i32
        %eq3A_843 = arith.cmpi eq, %add3A_838, %eq3A_842 : i32
        %jit3A_844 = arith.constant 0 : i32
        %select_n3A_845 = arith.select %eq3A_843, %jit3A_844, %add3A_838 : i32
        %swap3A_846 = arith.constant 3 : i32
        %swap3A_847 = arith.index_cast %swap3A_846 : i32 to index
        %swap3A_848 = memref.load %arg15[%swap3A_847] : memref<8xi32, #tpu.memory_space<smem>>
        memref.store %select_n3A_845, %arg15[%swap3A_847] : memref<8xi32, #tpu.memory_space<smem>>
        %while3A_849 = arith.constant 0 : i32
        scf.yield %while3A_849 : i32
      }
      %add3A_744 = arith.constant 6 : i32
      %add3A_745 = arith.addi %add3A_701, %add3A_744 : i32
      %min3A_746 = arith.constant 271 : i32
      %min3A_747 = arith.minsi %add3A_745, %min3A_746 : i32
      %get3A_748 = arith.index_cast %min3A_747 : i32 to index
      %get3A_749 = tpu.vector_load %arg11[%get3A_748] {strides = array<i32>} : memref<288xi32, #tpu.memory_space<vmem>>, vector<16xi32>,
      %slice3A_750 = vector.extract_strided_slice %get3A_749 {offsets = [0], sizes = [1], strides = [1]} : vector<16xi32> to vector<1xi32>
      %squeeze3A_751 = vector.extract %slice3A_750[0] : i32 from vector<1xi32>
      %add3A_752 = arith.addi %add3A_4, %squeeze3A_751 : i32
      %mul3A_753 = arith.constant 128 : i32
      %mul3A_754 = arith.muli %add3A_752, %mul3A_753 : i32
      %dma_start3A_755 = arith.constant 5 : i32
      %dma_start3A_756 = arith.constant 0 : i32
      %dma_start3A_757 = arith.constant 0 : i32
      %dma_start3A_758 = tpu.memref_slice %arg12[%dma_start3A_755, %dma_start3A_756, %dma_start3A_757] : memref<6x64x128xf32, #tpu.memory_space<vmem>> -> memref<1x64x128xf32, #tpu.memory_space<vmem>>
      %dma_start3A_759 = tpu.memref_squeeze %dma_start3A_758 : memref<1x64x128xf32, #tpu.memory_space<vmem>> -> memref<64x128xf32, #tpu.memory_space<vmem>>
      %dma_start3A_760 = arith.constant 0 : i32
      %dma_start3A_761 = tpu.memref_slice %arg2[%dma_start3A_760, %mul3A_754] : memref<64x1000000xf32, #tpu.memory_space<hbm>> -> memref<64x128xf32, #tpu.memory_space<hbm>>
      %dma_start3A_762 = arith.constant 0 : i32
      %dma_start3A_763 = arith.constant 0 : i32
      %dma_start3A_764 = tpu.memref_slice %arg12[%dma_start3A_755, %dma_start3A_762, %dma_start3A_763] : memref<6x64x128xf32, #tpu.memory_space<vmem>> -> memref<1x64x128xf32, #tpu.memory_space<vmem>>
      %dma_start3A_765 = tpu.memref_squeeze %dma_start3A_764 : memref<1x64x128xf32, #tpu.memory_space<vmem>> -> memref<64x128xf32, #tpu.memory_space<vmem>>
      %dma_start3A_766 = arith.constant 0 : i32
      %dma_start3A_767 = tpu.memref_slice %arg2[%dma_start3A_766, %mul3A_754] : memref<64x1000000xf32, #tpu.memory_space<hbm>> -> memref<64x128xf32, #tpu.memory_space<hbm>>
      tpu.enqueue_dma source(%dma_start3A_767 : memref<64x128xf32, #tpu.memory_space<hbm>>) target(%dma_start3A_765 : memref<64x128xf32, #tpu.memory_space<vmem>>) target_semaphore(%arg21 : memref<!tpu.dma_semaphore, #tpu.memory_space<semaphore_mem>>)
      %while3A_768 = arith.constant 0 : i32
      scf.yield %while3A_768 : i32
    }
    %dma_wait3A = arith.constant 0 : i32
    %dma_wait3A_235 = arith.constant 0 : i32
    %dma_wait3A_236 = arith.constant 0 : i32
    %dma_wait3A_237 = tpu.memref_slice %arg12[%dma_wait3A, %dma_wait3A_235, %dma_wait3A_236] : memref<6x64x128xf32, #tpu.memory_space<vmem>> -> memref<1x64x128xf32, #tpu.memory_space<vmem>>
    %dma_wait3A_238 = tpu.memref_squeeze %dma_wait3A_237 : memref<1x64x128xf32, #tpu.memory_space<vmem>> -> memref<64x128xf32, #tpu.memory_space<vmem>>
    %dma_wait3A_239 = arith.constant 0 : i32
    %dma_wait3A_240 = arith.constant 0 : i32
    %dma_wait3A_241 = tpu.memref_slice %arg2[%dma_wait3A_239, %dma_wait3A_240] : memref<64x1000000xf32, #tpu.memory_space<hbm>> -> memref<64x128xf32, #tpu.memory_space<hbm>>
    %dma_wait3A_242 = arith.constant 0 : i32
    %dma_wait3A_243 = arith.constant 0 : i32
    %dma_wait3A_244 = tpu.memref_slice %arg12[%dma_wait3A, %dma_wait3A_242, %dma_wait3A_243] : memref<6x64x128xf32, #tpu.memory_space<vmem>> -> memref<1x64x128xf32, #tpu.memory_space<vmem>>
    %dma_wait3A_245 = tpu.memref_squeeze %dma_wait3A_244 : memref<1x64x128xf32, #tpu.memory_space<vmem>> -> memref<64x128xf32, #tpu.memory_space<vmem>>
    %dma_wait3A_246 = arith.constant 0 : i32
    %dma_wait3A_247 = arith.constant 0 : i32
    %dma_wait3A_248 = tpu.memref_slice %arg2[%dma_wait3A_246, %dma_wait3A_247] : memref<64x1000000xf32, #tpu.memory_space<hbm>> -> memref<64x128xf32, #tpu.memory_space<hbm>>
    tpu.wait_dma2 semaphore(%arg16 : memref<!tpu.dma_semaphore, #tpu.memory_space<semaphore_mem>>) src(%dma_wait3A_248 : memref<64x128xf32, #tpu.memory_space<hbm>>) dst(%dma_wait3A_245 : memref<64x128xf32, #tpu.memory_space<vmem>>)
    %dma_wait3A_249 = arith.constant 1 : i32
    %dma_wait3A_250 = arith.constant 0 : i32
    %dma_wait3A_251 = arith.constant 0 : i32
    %dma_wait3A_252 = tpu.memref_slice %arg12[%dma_wait3A_249, %dma_wait3A_250, %dma_wait3A_251] : memref<6x64x128xf32, #tpu.memory_space<vmem>> -> memref<1x64x128xf32, #tpu.memory_space<vmem>>
    %dma_wait3A_253 = tpu.memref_squeeze %dma_wait3A_252 : memref<1x64x128xf32, #tpu.memory_space<vmem>> -> memref<64x128xf32, #tpu.memory_space<vmem>>
    %dma_wait3A_254 = arith.constant 0 : i32
    %dma_wait3A_255 = arith.constant 0 : i32
    %dma_wait3A_256 = tpu.memref_slice %arg2[%dma_wait3A_254, %dma_wait3A_255] : memref<64x1000000xf32, #tpu.memory_space<hbm>> -> memref<64x128xf32, #tpu.memory_space<hbm>>
    %dma_wait3A_257 = arith.constant 0 : i32
    %dma_wait3A_258 = arith.constant 0 : i32
    %dma_wait3A_259 = tpu.memref_slice %arg12[%dma_wait3A_249, %dma_wait3A_257, %dma_wait3A_258] : memref<6x64x128xf32, #tpu.memory_space<vmem>> -> memref<1x64x128xf32, #tpu.memory_space<vmem>>
    %dma_wait3A_260 = tpu.memref_squeeze %dma_wait3A_259 : memref<1x64x128xf32, #tpu.memory_space<vmem>> -> memref<64x128xf32, #tpu.memory_space<vmem>>
    %dma_wait3A_261 = arith.constant 0 : i32
    %dma_wait3A_262 = arith.constant 0 : i32
    %dma_wait3A_263 = tpu.memref_slice %arg2[%dma_wait3A_261, %dma_wait3A_262] : memref<64x1000000xf32, #tpu.memory_space<hbm>> -> memref<64x128xf32, #tpu.memory_space<hbm>>
    tpu.wait_dma2 semaphore(%arg17 : memref<!tpu.dma_semaphore, #tpu.memory_space<semaphore_mem>>) src(%dma_wait3A_263 : memref<64x128xf32, #tpu.memory_space<hbm>>) dst(%dma_wait3A_260 : memref<64x128xf32, #tpu.memory_space<vmem>>)
    %dma_wait3A_264 = arith.constant 2 : i32
    %dma_wait3A_265 = arith.constant 0 : i32
    %dma_wait3A_266 = arith.constant 0 : i32
    %dma_wait3A_267 = tpu.memref_slice %arg12[%dma_wait3A_264, %dma_wait3A_265, %dma_wait3A_266] : memref<6x64x128xf32, #tpu.memory_space<vmem>> -> memref<1x64x128xf32, #tpu.memory_space<vmem>>
    %dma_wait3A_268 = tpu.memref_squeeze %dma_wait3A_267 : memref<1x64x128xf32, #tpu.memory_space<vmem>> -> memref<64x128xf32, #tpu.memory_space<vmem>>
    %dma_wait3A_269 = arith.constant 0 : i32
    %dma_wait3A_270 = arith.constant 0 : i32
    %dma_wait3A_271 = tpu.memref_slice %arg2[%dma_wait3A_269, %dma_wait3A_270] : memref<64x1000000xf32, #tpu.memory_space<hbm>> -> memref<64x128xf32, #tpu.memory_space<hbm>>
    %dma_wait3A_272 = arith.constant 0 : i32
    %dma_wait3A_273 = arith.constant 0 : i32
    %dma_wait3A_274 = tpu.memref_slice %arg12[%dma_wait3A_264, %dma_wait3A_272, %dma_wait3A_273] : memref<6x64x128xf32, #tpu.memory_space<vmem>> -> memref<1x64x128xf32, #tpu.memory_space<vmem>>
    %dma_wait3A_275 = tpu.memref_squeeze %dma_wait3A_274 : memref<1x64x128xf32, #tpu.memory_space<vmem>> -> memref<64x128xf32, #tpu.memory_space<vmem>>
    %dma_wait3A_276 = arith.constant 0 : i32
    %dma_wait3A_277 = arith.constant 0 : i32
    %dma_wait3A_278 = tpu.memref_slice %arg2[%dma_wait3A_276, %dma_wait3A_277] : memref<64x1000000xf32, #tpu.memory_space<hbm>> -> memref<64x128xf32, #tpu.memory_space<hbm>>
    tpu.wait_dma2 semaphore(%arg18 : memref<!tpu.dma_semaphore, #tpu.memory_space<semaphore_mem>>) src(%dma_wait3A_278 : memref<64x128xf32, #tpu.memory_space<hbm>>) dst(%dma_wait3A_275 : memref<64x128xf32, #tpu.memory_space<vmem>>)
    %dma_wait3A_279 = arith.constant 3 : i32
    %dma_wait3A_280 = arith.constant 0 : i32
    %dma_wait3A_281 = arith.constant 0 : i32
    %dma_wait3A_282 = tpu.memref_slice %arg12[%dma_wait3A_279, %dma_wait3A_280, %dma_wait3A_281] : memref<6x64x128xf32, #tpu.memory_space<vmem>> -> memref<1x64x128xf32, #tpu.memory_space<vmem>>
    %dma_wait3A_283 = tpu.memref_squeeze %dma_wait3A_282 : memref<1x64x128xf32, #tpu.memory_space<vmem>> -> memref<64x128xf32, #tpu.memory_space<vmem>>
    %dma_wait3A_284 = arith.constant 0 : i32
    %dma_wait3A_285 = arith.constant 0 : i32
    %dma_wait3A_286 = tpu.memref_slice %arg2[%dma_wait3A_284, %dma_wait3A_285] : memref<64x1000000xf32, #tpu.memory_space<hbm>> -> memref<64x128xf32, #tpu.memory_space<hbm>>
    %dma_wait3A_287 = arith.constant 0 : i32
    %dma_wait3A_288 = arith.constant 0 : i32
    %dma_wait3A_289 = tpu.memref_slice %arg12[%dma_wait3A_279, %dma_wait3A_287, %dma_wait3A_288] : memref<6x64x128xf32, #tpu.memory_space<vmem>> -> memref<1x64x128xf32, #tpu.memory_space<vmem>>
    %dma_wait3A_290 = tpu.memref_squeeze %dma_wait3A_289 : memref<1x64x128xf32, #tpu.memory_space<vmem>> -> memref<64x128xf32, #tpu.memory_space<vmem>>
    %dma_wait3A_291 = arith.constant 0 : i32
    %dma_wait3A_292 = arith.constant 0 : i32
    %dma_wait3A_293 = tpu.memref_slice %arg2[%dma_wait3A_291, %dma_wait3A_292] : memref<64x1000000xf32, #tpu.memory_space<hbm>> -> memref<64x128xf32, #tpu.memory_space<hbm>>
    tpu.wait_dma2 semaphore(%arg19 : memref<!tpu.dma_semaphore, #tpu.memory_space<semaphore_mem>>) src(%dma_wait3A_293 : memref<64x128xf32, #tpu.memory_space<hbm>>) dst(%dma_wait3A_290 : memref<64x128xf32, #tpu.memory_space<vmem>>)
    %dma_wait3A_294 = arith.constant 4 : i32
    %dma_wait3A_295 = arith.constant 0 : i32
    %dma_wait3A_296 = arith.constant 0 : i32
    %dma_wait3A_297 = tpu.memref_slice %arg12[%dma_wait3A_294, %dma_wait3A_295, %dma_wait3A_296] : memref<6x64x128xf32, #tpu.memory_space<vmem>> -> memref<1x64x128xf32, #tpu.memory_space<vmem>>
    %dma_wait3A_298 = tpu.memref_squeeze %dma_wait3A_297 : memref<1x64x128xf32, #tpu.memory_space<vmem>> -> memref<64x128xf32, #tpu.memory_space<vmem>>
    %dma_wait3A_299 = arith.constant 0 : i32
    %dma_wait3A_300 = arith.constant 0 : i32
    %dma_wait3A_301 = tpu.memref_slice %arg2[%dma_wait3A_299, %dma_wait3A_300] : memref<64x1000000xf32, #tpu.memory_space<hbm>> -> memref<64x128xf32, #tpu.memory_space<hbm>>
    %dma_wait3A_302 = arith.constant 0 : i32
    %dma_wait3A_303 = arith.constant 0 : i32
    %dma_wait3A_304 = tpu.memref_slice %arg12[%dma_wait3A_294, %dma_wait3A_302, %dma_wait3A_303] : memref<6x64x128xf32, #tpu.memory_space<vmem>> -> memref<1x64x128xf32, #tpu.memory_space<vmem>>
    %dma_wait3A_305 = tpu.memref_squeeze %dma_wait3A_304 : memref<1x64x128xf32, #tpu.memory_space<vmem>> -> memref<64x128xf32, #tpu.memory_space<vmem>>
    %dma_wait3A_306 = arith.constant 0 : i32
    %dma_wait3A_307 = arith.constant 0 : i32
    %dma_wait3A_308 = tpu.memref_slice %arg2[%dma_wait3A_306, %dma_wait3A_307] : memref<64x1000000xf32, #tpu.memory_space<hbm>> -> memref<64x128xf32, #tpu.memory_space<hbm>>
    tpu.wait_dma2 semaphore(%arg20 : memref<!tpu.dma_semaphore, #tpu.memory_space<semaphore_mem>>) src(%dma_wait3A_308 : memref<64x128xf32, #tpu.memory_space<hbm>>) dst(%dma_wait3A_305 : memref<64x128xf32, #tpu.memory_space<vmem>>)
    %dma_wait3A_309 = arith.constant 5 : i32
    %dma_wait3A_310 = arith.constant 0 : i32
    %dma_wait3A_311 = arith.constant 0 : i32
    %dma_wait3A_312 = tpu.memref_slice %arg12[%dma_wait3A_309, %dma_wait3A_310, %dma_wait3A_311] : memref<6x64x128xf32, #tpu.memory_space<vmem>> -> memref<1x64x128xf32, #tpu.memory_space<vmem>>
    %dma_wait3A_313 = tpu.memref_squeeze %dma_wait3A_312 : memref<1x64x128xf32, #tpu.memory_space<vmem>> -> memref<64x128xf32, #tpu.memory_space<vmem>>
    %dma_wait3A_314 = arith.constant 0 : i32
    %dma_wait3A_315 = arith.constant 0 : i32
    %dma_wait3A_316 = tpu.memref_slice %arg2[%dma_wait3A_314, %dma_wait3A_315] : memref<64x1000000xf32, #tpu.memory_space<hbm>> -> memref<64x128xf32, #tpu.memory_space<hbm>>
    %dma_wait3A_317 = arith.constant 0 : i32
    %dma_wait3A_318 = arith.constant 0 : i32
    %dma_wait3A_319 = tpu.memref_slice %arg12[%dma_wait3A_309, %dma_wait3A_317, %dma_wait3A_318] : memref<6x64x128xf32, #tpu.memory_space<vmem>> -> memref<1x64x128xf32, #tpu.memory_space<vmem>>
    %dma_wait3A_320 = tpu.memref_squeeze %dma_wait3A_319 : memref<1x64x128xf32, #tpu.memory_space<vmem>> -> memref<64x128xf32, #tpu.memory_space<vmem>>
    %dma_wait3A_321 = arith.constant 0 : i32
    %dma_wait3A_322 = arith.constant 0 : i32
    %dma_wait3A_323 = tpu.memref_slice %arg2[%dma_wait3A_321, %dma_wait3A_322] : memref<64x1000000xf32, #tpu.memory_space<hbm>> -> memref<64x128xf32, #tpu.memory_space<hbm>>
    tpu.wait_dma2 semaphore(%arg21 : memref<!tpu.dma_semaphore, #tpu.memory_space<semaphore_mem>>) src(%dma_wait3A_323 : memref<64x128xf32, #tpu.memory_space<hbm>>) dst(%dma_wait3A_320 : memref<64x128xf32, #tpu.memory_space<vmem>>)
    %get3A_324 = arith.constant 3 : i32
    %get3A_325 = arith.index_cast %get3A_324 : i32 to index
    %get3A_326 = memref.load %arg15[%get3A_325] : memref<8xi32, #tpu.memory_space<smem>>
    %mul3A_327 = arith.constant 16 : i32
    %mul3A_328 = arith.muli %add3A, %mul3A_327 : i32
    %add3A_329 = arith.constant 16384 : i32
    %add3A_330 = arith.addi %add3A_329, %mul3A_328 : i32
    %add3A_331 = vector.broadcast %add3A_330 : i32 to vector<16xi32>
    %add3A_332 = arith.addi %add3A_331, %iota3A : vector<16xi32>
    %lt3A_333 = vector.broadcast %get3A_326 : i32 to vector<16xi32>
    %lt3A_334 = arith.cmpi slt, %iota3A, %lt3A_333 : vector<16xi32>
    %get3A_335 = arith.constant 0 : index
    %get3A_336 = tpu.vector_load %arg14[%get3A_335] {strides = array<i32>} : memref<16xi32, #tpu.memory_space<vmem>>, vector<16xi32>,
    %select_n3A_337 = arith.select %lt3A_334, %get3A_336, %add3A_332 : vector<16xi1>, vector<16xi32>
    %swap3A_338 = arith.constant 0 : index
    %swap3A_339 = tpu.vector_load %arg14[%swap3A_338] {strides = array<i32>} : memref<16xi32, #tpu.memory_space<vmem>>, vector<16xi32>,
    tpu.vector_store %arg14[%swap3A_338], %select_n3A_337 {strides = array<i32>} : memref<16xi32, #tpu.memory_space<vmem>>, vector<16xi32>,
    %dma_start3A_340 = arith.constant 0 : i32
    %dma_start3A_341 = arith.constant 0 : i32
    %dma_start3A_342 = tpu.memref_slice %arg4[%dma_start3A_340, %dma_start3A_341] : memref<16896x128xf32, #tpu.memory_space<hbm>> -> memref<16896x128xf32, #tpu.memory_space<hbm>>
    tpu.enqueue_indirect_dma source(%arg13 : memref<16x128xf32, #tpu.memory_space<vmem>>) target(%dma_start3A_342 : memref<16896x128xf32, #tpu.memory_space<hbm>>) offsets(%arg14 : memref<16xi32, #tpu.memory_space<vmem>>) semaphore(%arg22 : memref<!tpu.dma_semaphore, #tpu.memory_space<semaphore_mem>>)
    %dma_wait3A_343 = arith.constant 0 : i32
    %dma_wait3A_344 = arith.constant 0 : i32
    %dma_wait3A_345 = tpu.memref_slice %arg4[%dma_wait3A_343, %dma_wait3A_344] : memref<16896x128xf32, #tpu.memory_space<hbm>> -> memref<16896x128xf32, #tpu.memory_space<hbm>>
    tpu.wait_indirect_dma semaphore(%arg22 : memref<!tpu.dma_semaphore, #tpu.memory_space<semaphore_mem>>) src(%arg13 : memref<16x128xf32, #tpu.memory_space<vmem>>) dst(%dma_wait3A_345 : memref<16896x128xf32, #tpu.memory_space<hbm>>)
    return
  }
}

module attributes {stable_mosaic.version = 14 : i64} {
  func.func @_tc_body(%arg0: i32, %arg1: memref<64x1000xf32, #tpu.memory_space<vmem>>, %arg2: memref<64x64xf32, #tpu.memory_space<vmem>>, %arg3: memref<1x1x512xi32, #tpu.memory_space<vmem>>, %arg4: memref<1x1x512xi32, #tpu.memory_space<vmem>>, %arg5: memref<64x512xf32, #tpu.memory_space<vmem>>, %arg6: memref<64x512xf32, #tpu.memory_space<vmem>>) attributes {dimension_semantics = [#tpu.dimension_semantics<arbitrary>], iteration_bounds = array<i64: 32>, scalar_prefetch = 0 : i64, scratch_operands = 0 : i64, tpu.core_type = #tpu.core_type<tc>, window_params = [{pipeline_mode = #tpu.pipeline_mode<synchronous>, transform_indices = @transform_0, window_bounds = array<i64: 64, 1000>}, {pipeline_mode = #tpu.pipeline_mode<synchronous>, transform_indices = @transform_1, window_bounds = array<i64: 64, 64>}, {transform_indices = @transform_2, window_bounds = array<i64: 1, 1, 512>}, {transform_indices = @transform_3, window_bounds = array<i64: 1, 1, 512>}, {transform_indices = @transform_4, window_bounds = array<i64: 64, 512>}, {transform_indices = @transform_5, window_bounds = array<i64: 64, 512>}]} {
    %get3A = arith.constant 0 : index
    %get3A_0 = arith.constant 0 : index
    %get3A_1 = arith.constant 0 : index
    %get3A_2 = vector.load %arg3[%get3A, %get3A_0, %get3A_1] : memref<1x1x512xi32, #tpu.memory_space<vmem>>, vector<1x1x512xi32>
    %get3A_3 = vector.shape_cast %get3A_2 : vector<1x1x512xi32> to vector<512xi32>
    %get3A_4 = arith.constant 0 : index
    %get3A_5 = arith.constant 0 : index
    %get3A_6 = arith.constant 0 : index
    %get3A_7 = vector.load %arg4[%get3A_4, %get3A_5, %get3A_6] : memref<1x1x512xi32, #tpu.memory_space<vmem>>, vector<1x1x512xi32>
    %get3A_8 = vector.shape_cast %get3A_7 : vector<1x1x512xi32> to vector<512xi32>
    %iota3A = tpu.iota {dimensions = array<i32: 0>} : vector<1000x512xi32>
    %broadcast_in_dim3A = vector.shape_cast %get3A_3 : vector<512xi32> to vector<1x512xi32>
    %eq3A = vector.broadcast %broadcast_in_dim3A : vector<1x512xi32> to vector<1000x512xi32>
    %eq3A_9 = arith.cmpi eq, %iota3A, %eq3A : vector<1000x512xi32>
    %convert_element_type3A = arith.extui %eq3A_9 : vector<1000x512xi1> to vector<1000x512xi32>
    %convert_element_type3A_10 = arith.sitofp %convert_element_type3A : vector<1000x512xi32> to vector<1000x512xf32>
    %get3A_11 = arith.constant 0 : index
    %get3A_12 = arith.constant 0 : index
    %get3A_13 = vector.load %arg1[%get3A_11, %get3A_12] : memref<64x1000xf32, #tpu.memory_space<vmem>>, vector<64x1000xf32>
    %dot_general3A = arith.constant dense<0.000000e+00> : vector<64x512xf32>
    %dot_general3A_14 = tpu.matmul %get3A_13, %convert_element_type3A_10, %dot_general3A {dimension_numbers = #tpu.dot_dimension_numbers<[1], [0], [0], [1], [0, 0, 1, 1], [], []>, precision = #tpu.contract_precision<fp32>, transpose_lhs_hint = false} : vector<64x1000xf32>, vector<1000x512xf32>, vector<64x512xf32> -> vector<64x512xf32>
    %swap3A = arith.constant 0 : index
    %swap3A_15 = arith.constant 0 : index
    %swap3A_16 = vector.load %arg5[%swap3A, %swap3A_15] : memref<64x512xf32, #tpu.memory_space<vmem>>, vector<64x512xf32>
    tpu.vector_store %arg5[%swap3A, %swap3A_15], %dot_general3A_14 {strides = array<i32>} : memref<64x512xf32, #tpu.memory_space<vmem>>, vector<64x512xf32>,
    %iota3A_17 = tpu.iota {dimensions = array<i32: 0>} : vector<64x512xi32>
    %broadcast_in_dim3A_18 = vector.shape_cast %get3A_8 : vector<512xi32> to vector<1x512xi32>
    %sub3A = arith.constant 999936 : i32
    %sub3A_19 = vector.broadcast %sub3A : i32 to vector<1x512xi32>
    %sub3A_20 = arith.subi %broadcast_in_dim3A_18, %sub3A_19 : vector<1x512xi32>
    %eq3A_21 = vector.broadcast %sub3A_20 : vector<1x512xi32> to vector<64x512xi32>
    %eq3A_22 = arith.cmpi eq, %iota3A_17, %eq3A_21 : vector<64x512xi32>
    %convert_element_type3A_23 = arith.extui %eq3A_22 : vector<64x512xi1> to vector<64x512xi32>
    %convert_element_type3A_24 = arith.sitofp %convert_element_type3A_23 : vector<64x512xi32> to vector<64x512xf32>
    %get3A_25 = arith.constant 0 : index
    %get3A_26 = arith.constant 0 : index
    %get3A_27 = vector.load %arg2[%get3A_25, %get3A_26] : memref<64x64xf32, #tpu.memory_space<vmem>>, vector<64x64xf32>
    %dot_general3A_28 = arith.constant dense<0.000000e+00> : vector<64x512xf32>
    %dot_general3A_29 = tpu.matmul %get3A_27, %convert_element_type3A_24, %dot_general3A_28 {dimension_numbers = #tpu.dot_dimension_numbers<[1], [0], [0], [1], [0, 0, 1, 1], [], []>, precision = #tpu.contract_precision<fp32>, transpose_lhs_hint = false} : vector<64x64xf32>, vector<64x512xf32>, vector<64x512xf32> -> vector<64x512xf32>
    %swap3A_30 = arith.constant 0 : index
    %swap3A_31 = arith.constant 0 : index
    %swap3A_32 = vector.load %arg6[%swap3A_30, %swap3A_31] : memref<64x512xf32, #tpu.memory_space<vmem>>, vector<64x512xf32>
    tpu.vector_store %arg6[%swap3A_30, %swap3A_31], %dot_general3A_29 {strides = array<i32>} : memref<64x512xf32, #tpu.memory_space<vmem>>, vector<64x512xf32>,
    return
  }
  func.func @transform_0(%arg0: i32) -> (i32, i32) {
    %c0_i32 = arith.constant 0 : i32
    %c0_i32_0 = arith.constant 0 : i32
    %c0_i32_1 = arith.constant 0 : i32
    return %c0_i32, %c0_i32_0 : i32, i32
  }
  func.func @transform_1(%arg0: i32) -> (i32, i32) {
    %c0_i32 = arith.constant 0 : i32
    %c0_i32_0 = arith.constant 0 : i32
    %c0_i32_1 = arith.constant 0 : i32
    return %c0_i32, %c0_i32_0 : i32, i32
  }
  func.func @transform_2(%arg0: i32) -> (i32, i32, i32) {
    %c0_i32 = arith.constant 0 : i32
    %c0_i32_0 = arith.constant 0 : i32
    %c0_i32_1 = arith.constant 0 : i32
    return %arg0, %c0_i32, %c0_i32_0 : i32, i32, i32
  }
  func.func @transform_3(%arg0: i32) -> (i32, i32, i32) {
    %c0_i32 = arith.constant 0 : i32
    %c0_i32_0 = arith.constant 0 : i32
    %c0_i32_1 = arith.constant 0 : i32
    return %arg0, %c0_i32, %c0_i32_0 : i32, i32, i32
  }
  func.func @transform_4(%arg0: i32) -> (i32, i32) {
    %c0_i32 = arith.constant 0 : i32
    %c0_i32_0 = arith.constant 0 : i32
    return %c0_i32, %arg0 : i32, i32
  }
  func.func @transform_5(%arg0: i32) -> (i32, i32) {
    %c0_i32 = arith.constant 0 : i32
    %c0_i32_0 = arith.constant 0 : i32
    return %c0_i32, %arg0 : i32, i32
  }
}

</mosaic_0001>

<sc_bundles>
// kernel: kernel.4.cloned.1.call-start
scs
__scs_entry_jumppad:
0x0: {  	(pc) =	sbr.rel $0x88, $3  }
0x1: {  	(tag) =	ssettag $0x0;
	lr =	simm.s32 $0x1  }
0x2: {  	[smem:$0x3F9D] =	sst lr;
	_ =	strace $0xD0000000  }
0x3: {  	_ = 	snop  }
0x4: {  	_ = 	snop  }
0x5: {  	_ = 	snop  }
0x6: {  	_ = 	snop  }
0x7: {  	_ = 	snop  }
__scs_overlays_trampoline_lowered:
0x8: {  	[smem:$0x3FAC] =	sst s0  }
0x9: {  	[smem:$0x3FAD] =	sst s1  }
0xa: {  	[smem:$0x3FAE] =	sst s2  }
0xb: {  	[smem:$0x3FAF] =	sst s3  }
0xc: {  	[smem:$0x3FB0] =	sst s4  }
0xd: {  	[smem:$0x3FB1] =	sst s5  }
0xe: {  	[smem:$0x3FB2] =	sst s6  }
0xf: {  	[smem:$0x3FB3] =	sst s7  }
0x10: {  	[smem:$0x3FB4] =	sst s8  }
0x11: {  	[smem:$0x3FB5] =	sst s9;
	s0 =	simm.s32 @!p0 $0x0  }
0x12: {  	s1 =	sld [smem:$0x3F9B];
	s0 =	simm.s32 @p0 $0x1  }
0x13: {  	[smem:$0x3FB6] =	sst s0;
	s0 =	simm.s32 @!p1 $0x0  }
0x14: {  	s2 =	sld [smem:$0x3F9A];
	s0 =	simm.s32 @p1 $0x1  }
0x15: {  	[smem:$0x3FB7] =	sst s0;
	s0 =	simm.s32 @!p2 $0x0  }
0x16: {  	s3 =	sld [smem:$0x3FDB];
	s0 =	simm.s32 @p2 $0x1  }
0x17: {  	s4 =	simm.s32 $0x1BF5;
	[smem:$0x3FB9] =	sst s0  }
0x18: {  	s0 =	sld [smem:$0x3F9C];
	_ =	swait.ge [sflag:s4], $0x0  }
0x19: {  	s7 =	sld [smem:$0x3F9D]  }
0x1a: {  	s8 =	sadd.s32 $0xFFFFE003, lr  }
0x1b: {  	s9 =	sadd.s32 $0xFFFFFEF7, lr;
	s5 =	simm.s32 $0xFFFFFFFF;
	p2 =	slt.u32 s8, $0xFFFFF086  }
0x1c: {  	p1 =	slt.u32 s9, $0xF7A;
	s5 =	simm.s32 @!p2 $0x0  }
0x1d: {  	s5 =	simm.s32 @p1 $0x1;
	p0 =	seq.s32 s7, s2  }
0x1e: {  	s7 =	smul.u32 @!p0 $0xF7A, s2;
	p2 =	seq.s32 @!p0 s5, $0x0  }
0x1f: {  	s9 =	smul.u32 $0xF7A, s1;
	s8 =	simm.s32 @!p0 $0x1BF5;
	p2 =	por !p2, p0  }
0x20: {  	[sflag:s8] =	ssyncset.s32 @!p0 $0xFFFFF086;
	s6 =	sadd.s32 @!p0 s3, s7;
	s7 =	simm.s32 @!p0 $0x108  }
0x21: {  	s3 =	sadd.s32 s3, s9;
	s6 =	sadd.s32 @!p0 $0x88, s6;
	s7 =	simm.s32 @p2 $0x1082  }
0x22: {  	[simem:s7], [sflag:s8] =	dma.local @!p0 [hbm:s6], $0xF7A  }
0x23: {  	s9 =	sor.u32 $0xD0000000, s2;
	s6 =	simm.s32 $0x108;
	_ =	swait.ge @!p0 [sflag:s8], $0x0  }
0x24: {  	s3 =	sadd.s32 $0x88, s3;
	s6 =	simm.s32 @!p1 $0x1082;
	[sflag:s4] =	ssyncset.s32 $0xFFFFF086  }
0x25: {  	[simem:s6], [sflag:s4] =	dma.local [hbm:s3], $0xF7A  }
0x26: {  	[smem:$0x3F9D] =	sst s1;
	(tag) =	ssettag s2;
	_ =	strace s9  }
0x27: {  	s1 =	sld [smem:$0x3FAD]  }
0x28: {  	s2 =	sld [smem:$0x3FAE]  }
0x29: {  	s4 =	sld [smem:$0x3FB0]  }
0x2a: {  	p0 =	seq.s32 s5, $0x0;
	s5 =	sld [smem:$0x3FB1]  }
0x2b: {  	s6 =	sld [smem:$0x3FB2]  }
0x2c: {  	s7 =	sld [smem:$0x3FB3]  }
0x2d: {  	s3 =	simm.s32 $0x108;
	s8 =	sld [smem:$0x3FB4]  }
0x2e: {  	s3 =	simm.s32 @!p0 $0x1082;
	s9 =	sld [smem:$0x3FB5]  }
0x2f: {  	lr =	sadd.s32 s0, s3;
	s0 =	sld [smem:$0x3FAC]  }
0x30: {  	s3 =	sld [smem:$0x3FAF]  }
0x31: {  	[smem:$0x3FB8] =	sst s10  }
0x32: {  	s10 =	sld [smem:$0x3FB6];
	_ =	sdelay $0x3  }
0x33: {  	p0 =	seq.s32 s10, $0x1;
	s10 =	sld [smem:$0x3FB8];
	_ =	sdelay $0x3  }
0x34: {  	[smem:$0x3FB8] =	sst s10  }
0x35: {  	s10 =	sld [smem:$0x3FB7];
	_ =	sdelay $0x3  }
0x36: {  	p1 =	seq.s32 s10, $0x1;
	s10 =	sld [smem:$0x3FB8];
	_ =	sdelay $0x3  }
0x37: {  	[smem:$0x3FB8] =	sst s10  }
0x38: {  	s10 =	sld [smem:$0x3FB9]  }
0x39: {  	_ = 	snop;
	(pc) =	sbr.ind lr, $3  }
0x3a: {  	_ = 	snop  }
0x3b: {  	_ = 	snop  }
0x3c: {  	p2 =	seq.s32 s10, $0x1;
	s10 =	sld [smem:$0x3FB8]  }
0x3d: {  	_ =	shalt  }
0x3e: {  	_ =	shalt  }
0x3f: {  	_ =	shalt  }
0x40: {  	_ =	shalt  }
0x41: {  	_ =	shalt  }
0x42: {  	_ =	shalt  }
0x43: {  	_ =	shalt  }
0x44: {  	_ =	shalt  }
0x45: {  	_ =	shalt  }
0x46: {  	_ =	shalt  }
0x47: {  	_ =	shalt  }
0x48: {  	_ =	shalt  }
0x49: {  	_ =	shalt  }
0x4a: {  	_ =	shalt  }
0x4b: {  	_ =	shalt  }
0x4c: {  	_ =	shalt  }
0x4d: {  	_ =	shalt  }
0x4e: {  	_ =	shalt  }
0x4f: {  	_ =	shalt  }
0x50: {  	_ =	shalt  }
0x51: {  	_ =	shalt  }
0x52: {  	_ =	shalt  }
0x53: {  	_ =	shalt  }
0x54: {  	_ =	shalt  }
0x55: {  	_ =	shalt  }
0x56: {  	_ =	shalt  }
0x57: {  	_ =	shalt  }
0x58: {  	_ =	shalt  }
0x59: {  	_ =	shalt  }
0x5a: {  	_ =	shalt  }
0x5b: {  	_ =	shalt  }
0x5c: {  	_ =	shalt  }
0x5d: {  	_ =	shalt  }
0x5e: {  	_ =	shalt  }
0x5f: {  	_ =	shalt  }
0x60: {  	_ =	shalt  }
0x61: {  	_ =	shalt  }
0x62: {  	_ =	shalt  }
0x63: {  	_ =	shalt  }
0x64: {  	_ =	shalt  }
0x65: {  	_ =	shalt  }
0x66: {  	_ =	shalt  }
0x67: {  	_ =	shalt  }
0x68: {  	_ =	shalt  }
0x69: {  	_ =	shalt  }
0x6a: {  	_ =	shalt  }
0x6b: {  	_ =	shalt  }
0x6c: {  	_ =	shalt  }
0x6d: {  	_ =	shalt  }
0x6e: {  	_ =	shalt  }
0x6f: {  	_ =	shalt  }
0x70: {  	_ =	shalt  }
0x71: {  	_ =	shalt  }
0x72: {  	_ =	shalt  }
0x73: {  	_ =	shalt  }
0x74: {  	_ =	shalt  }
0x75: {  	_ =	shalt  }
0x76: {  	_ =	shalt  }
0x77: {  	_ =	shalt  }
0x78: {  	_ =	shalt  }
0x79: {  	_ =	shalt  }
0x7a: {  	_ =	shalt  }
0x7b: {  	_ =	shalt  }
0x7c: {  	_ =	shalt  }
0x7d: {  	_ =	shalt  }
0x7e: {  	_ =	shalt  }
0x7f: {  	_ =	shalt  }
0x80: {  	_ =	shalt  }
0x81: {  	_ =	shalt  }
0x82: {  	_ =	shalt  }
0x83: {  	_ =	shalt  }
0x84: {  	_ =	shalt  }
0x85: {  	_ =	shalt  }
0x86: {  	_ =	shalt  }
0x87: {  	_ =	shalt  }
.Lfunc_end0:
.L_simem_size_0:
called_computation_lowered:
.L_overlay_start_0:
0x88: {  	s2 =	sld [smem:$0x3FD9]  }
0x89: {  	s3 =	sld [smem:$0x3FFE];
	_ =	sdelay $0x1  }
0x8a: {  	s1 =	srdreg.scid  }
0x8b: {  	s0 =	sand.u32 $0x1, s1  }
0x8c: {  	s17 =	sshll.u32 s0, $0xA;
	s2 =	sadd.s32 s3, s2  }
0x8d: {  	s2 =	sadd.s32 s2, s17  }
0x8e: {  	[smem:$0x3FC4] =	sst s2  }
0x8f: {  	_ = 	snop  }
0x90: {  	s2 =	sld [smem:$0x3FC9]  }
0x91: {  	s18 =	sld [smem:$0x3FC7];
	(tm) =	ssettm $0x1  }
0x92: {  	s4 =	sld [smem:$0x3FFB];
	_ =	sdelay $0x3  }
0x93: {  	_ =	strace s4  }
0x94: {  	s4 =	sld [smem:$0x3FFC];
	_ =	sdelay $0x3  }
0x95: {  	_ =	strace s4  }
0x96: {  	s4 =	sld [smem:$0x3FFD];
	_ =	sdelay $0x3  }
0x97: {  	_ =	strace s4  }
0x98: {  	_ =	strace $0x8FFFFFFF  }
0x99: {  	s19 =	sld [smem:$0x3FDB];
	_ =	sdelay $0x1  }
0x9a: {  	s5 =	simm.s32 $_scs_section_size  }
0x9b: {  	s6 =	simm.s32 $_size__tile_overlayer_lowered;
	s7 =	simm.s32 $_tile_overlayer_lowered  }
0x9c: {  	s22 =	simm.s32 $0x1BFF;
	s21 =	sshll.u32 s7, $0x1;
	s4 =	sadd.s32 s5, s19  }
0x9d: {  	s8 =	simm.s32 $0x0;
	s20 =	sshll.u32 s6, $0x1;
	s6 =	sadd.s32 s21, s4  }
0x9e: {  	[timem:s8], [sflag:s22] =	dma.local [hbm:s6], s20  }
0x9f: {  	_ =	swait.ge [sflag:s22], s20  }
0xa0: {  	s5 =	ssub.s32 $0x0, s20;
	[sflag:s22] =	ssyncset.done $0x0  }
0xa1: {  	[sflag:s22] =	ssyncadd.s32 s5;
	_ =	sdelay $0x1  }
0xa2: {  	s23 =	simm.s32 $0x1B8B  }
0xa3: {  	_ =	swait.ge [sflag:s23], $0x1  }
0xa4: {  	[sflag:s23] =	ssyncset.done $0x0  }
0xa5: {  	s25 =	simm.s32 $0x1B8E;
	s24 =	sld [smem:$0x3FFE];
	[sflag:s23] =	ssyncadd.s32 $0xFFFFFFFF  }
0xa6: {  	s26 =	simm.s32 $execute0_lowered;
	[smem:$0x3FD2] =	sst s25  }
0xa7: {  	s6 =	sshll.u32 s26, $0x1;
	_ =	strace $0x80000046;
	[dreg:$0x1] =	wrdreg $0xFFFFFFFF  }
0xa8: {  	s28 =	simm.s32 $_size_execute0_lowered;
	s4 =	sadd.s32 s4, s6;
	[dreg:$0x0] =	wrdreg $0x0  }
0xa9: {  	s6 =	sshll.u32 s28, $0x1;
	[dreg:$0x2] =	wrdreg s4  }
0xaa: {  	[dreg:$0x3] =	wrdreg s6  }
0xab: {  	[dreg:$0x4] =	wrdreg $0xC0  }
0xac: {  	_ =	task [dreg:s8], $0x5FFFF  }
0xad: {  	[dreg:$0x1] =	wrdreg $0xFFFFFFFF  }
0xae: {  	[dreg:$0x0] =	wrdreg $0x60  }
0xaf: {  	[dreg:$0x2] =	wrdreg s2  }
0xb0: {  	[dreg:$0x3] =	wrdreg s18  }
0xb1: {  	[dreg:$0x4] =	wrdreg s24  }
0xb2: {  	[dreg:$0x5] =	wrdreg $0x9  }
0xb3: {  	_ =	task.clear_ibuf [dreg:s8], $0x6FFFF;
	_ =	strace $0x90000046  }
0xb4: {  	s29 =	simm.s32 $0x9;
	_ =	strace $0x80000048  }
0xb5: {  	_ =	swait.ge [sflag:s29], $0x1  }
0xb6: {  	[sflag:s29] =	ssyncadd.s32 $0xFFFFFFFF  }
0xb7: {  	_ =	strace $0x90000048  }
0xb8: {  	_ =	sfence  }
0xb9: {  	s30 =	sld [smem:$0x0];
	_ =	sdelay $0x2  }
0xba: {  	s31 =	sshll.u32 s1, $0xD;
	s1 =	sshrl.u32 s1, $0x2  }
0xbb: {  	s3 =	sand.u32 $0x4000, s31;
	s1 =	sadd.s32 s1, s30  }
0xbc: {  	s0 =	sor.u32 s3, s0;
	s1 =	sshll.u32 s1, $0x11  }
0xbd: {  	s0 =	sor.u32 s1, s0  }
0xbe: {  	s0 =	sadd.s32 $0x8F2B, s0  }
0xbf: {  	[sflag:s0] =	ssyncadd.remote.s32 $0x1  }
0xc0: {  	_ =	sfence.sel $0xFFFF  }
0xc1: {  	[dreg:$0x0] =	wrdreg $0xFFFFFFFF;
	(pc) =	sbr.abs _section_cstart, $3  }
0xc2: {  	[dreg:$0x1] =	wrdreg $0xFFFFFFFF  }
0xc3: {  	_ =	task.clear_ibuf [dreg:s8], $0x2FFFF;
	_ =	strace $0x9FFFFFFF  }
0xc4: {  	(tm) =	ssettm $0x7FFFFFFF  }
0xc5: {  	_ =	shalt  }
tec
execute0_lowered:
.L_overlay_start_1:
0x0: {  	(tag) =	ssettag $0x1  }
0x1: {  	s1 =	rddreg [dreg:$0x0]  }
0x2: {  	s0 =	rddreg [dreg:$0x2]  }
0x3: {  	s3 =	simm.s32 $0x0;
	s2 =	srdreg.scid;
	s6 =	stileid.u32  }
0x4: {  	s7 =	simm.s32 $0xF5;
	s9 =	simm.s32 $0x4080;
	s10 =	simm.s32 $0xC600  }
0x5: {  	s11 =	simm.s32 $0x400;
	s12 =	simm.s32 $0x7A1400;
	s13 =	simm.s32 $0xC780  }
0x6: {  	s14 =	simm.s32 $0xE780;
	s15 =	simm.s32 $0x10780;
	s16 =	simm.s32 $0x12780  }
0x7: {  	s17 =	simm.s32 $0x14780;
	s18 =	simm.s32 $0x16780;
	s19 =	simm.s32 $0x1  }
0x8: {  	s20 =	simm.s32 $0x2;
	s21 =	simm.s32 $0x3;
	s22 =	simm.s32 $0x4  }
0x9: {  	s23 =	simm.s32 $0x5;
	s2 =	sand.u32 $0x1, s2;
	s26 =	sshll.u32 s6, $0x1  }
0xa: {  	s24 =	simm.s32 $0x6;
	[smem:$0x7FF] =	sst s3;
	s3 =	sor.u32 s2, s26  }
0xb: {  	s29 =	simm.s32 $0x7;
	s5 =	sadd.s32 $0xC00, s0;
	s31 =	smul.u32 $0xF4, s3  }
.Ltmp0:
0xc: {  	v3 =	vlaneseq.u32;
	p0 =	slt.u32 s6, $0x2;
	s28 =	ssub.s32 $0x2, s2;
	(pc) =	sbr.rel .LBB2_1-.Ltmp0, $4  }
0xd: {  	v4 =	vimm.s32 $0x0;
	vm0 =	vcmask $0x300;
	v5 =	vmul.u32 $0x80, v3;
	s7 =	simm.s32 @!p0 $0xF4;
	s4 =	smin.u32 s3, $0x4;
	s8 =	sshrl.u32 s28, $0x1  }
0xe: {  	v7 =	vsel vm0, $0x1, v4;
	vm0 =	vmmov $0x1;
	s3 =	sshll.u32 s3, $0x4;
	v2 =	vmov s7;
	s0 =	ssub.s32 s28, s8;
	s6 =	sadd.s32 s4, s31  }
0xf: {  	v8 =	vor.u32 $0x800, v5;
	v9 =	vor.u32 $0x1000, v5;
	v10 =	vor.u32 $0x1800, v5;
	s3 =	sor.u32 $0x4000, s3;
	s0 =	smax.u32 s0, $0x1;
	s2 =	sadd.s32 s7, s6  }
0x10: {  	s30 =	simm.s32 $0x0;
	_ =	strace $0x80000047;
	v6 =	vor.u32 s3, v3;
	[dreg:$0x4] =	wrdreg s0;
	v0 =	vmov s6;
	v1 =	vmov s2  }
.LBB2_42:
0x11: {  	_ =	swait.ge [sflag:s19], $0x2000  }
0x12: {  	[sflag:s19] =	ssyncset.done $0x0  }
0x13: {  	[sflag:s19] =	ssyncadd.s32 $0xFFFFE000  }
0x14: {  	_ =	swait.ge [sflag:s20], $0x2000  }
0x15: {  	[sflag:s20] =	ssyncset.done $0x0  }
0x16: {  	[sflag:s20] =	ssyncadd.s32 $0xFFFFE000  }
0x17: {  	_ =	swait.ge [sflag:s21], $0x2000  }
0x18: {  	[sflag:s21] =	ssyncset.done $0x0  }
0x19: {  	[sflag:s21] =	ssyncadd.s32 $0xFFFFE000  }
0x1a: {  	_ =	swait.ge [sflag:s22], $0x2000  }
0x1b: {  	[sflag:s22] =	ssyncset.done $0x0  }
0x1c: {  	[sflag:s22] =	ssyncadd.s32 $0xFFFFE000  }
0x1d: {  	_ =	swait.ge [sflag:s23], $0x2000  }
0x1e: {  	[sflag:s23] =	ssyncset.done $0x0  }
0x1f: {  	[sflag:s23] =	ssyncadd.s32 $0xFFFFE000  }
0x20: {  	_ =	swait.ge [sflag:s24], $0x2000  }
0x21: {  	[sflag:s24] =	ssyncset.done $0x0  }
0x22: {  	[sflag:s24] =	ssyncadd.s32 $0xFFFFE000  }
0x23: {  	v11 =	vld [tilespmem:$0x18F80];
	_ =	sdelay $0x2  }
0x24: {  	v12 =	vmov s31  }
0x25: {  	vm1 =	vgt.s32 v12, v3  }
0x26: {  	v11 =	vsel vm1, v11, v6  }
0x27: {  	s0 =	simm.s32 $0x10;
	s2 =	simm.s32 $0x18F80;
	s3 =	simm.s32 $0x18780;
	[tilespmem:$0x18F80] =	vst v11  }
0x28: {  	[hbm4b:s5+s0] =	stream.indirect.scatter [tilespmem:s3], [sflag:$0x7], $0x80, s2, s0, $0xb8;
	[tilespmem:$0x19000] =	vst v63  }
0x29: {  	_ =	swait.ge [sflag:s29], $0x800  }
0x2a: {  	s30 =	sadd.s32 $0x1, s30;
	s31 =	rddreg [dreg:$0x4]  }
0x2b: {  	p0 =	sne.s32 s30, s31  }
.Ltmp1:
0x2c: {  	_ = 	snop;
	(pc) =	sbr.rel @!p0 .LBB2_43-.Ltmp1, $3  }
0x2d: {  	_ =	sdelay $0x1  }
0x2e: {  	[sflag:s29] =	ssyncset.done $0x0  }
0x2f: {  	[sflag:s29] =	ssyncadd.s32 $0xFFFFF800  }
.LBB2_1:
0x30: {  	s0 =	rddreg [dreg:$0x1];
	s2 =	simm.s32 $0x0;
	s31 =	simm.s32 $0x8  }
0x31: {  	[tilespmem:s2], [sflag:$0x8] =	stream.linear.gather [hbm4b:s0+s2], $0x4000, $0x38;
	[tilespmem:$0x19000] =	vst v63  }
0x32: {  	_ =	swait.ge [sflag:s31], $0x4000  }
0x33: {  	s3 =	simm.s32 $0x20;
	[sflag:s31] =	ssyncset.done $0x0  }
0x34: {  	s25 =	simm.s32 $0x0;
	s7 =	simm.s32 $0x0;
	[sflag:s31] =	ssyncadd.s32 $0xFFFFC000  }
.LBB2_2:
0x35: {  	v11 =	vld [tilespmem:s3+$0xFFFFFFE0];
	_ =	sdelay $0x4  }
0x36: {  	v11 =	vshrl.u32 v11, $0x7  }
0x37: {  	vm1 =	vge.u32 v11, v0;
	vm2 =	vlt.u32 v11, v1  }
0x38: {  	vm1 =	vmand vm1, vm2  }
0x39: {  	v11 =	vsel vm1, $0x1, v4  }
0x3a: {  	(xrf0) =	vadd.scan.msk.s32 $0xffff, v11;
	_ =	sdelay $0x2  }
0x3b: {  	v11 =	vmov s7  }
0x3c: {  	v11 =	vadd.s32 $0xFFFFFFFF, v11  }
0x3d: {  	v11 =	vbroadcast v11, $0x0  }
0x3e: {  	v13 =	vmpcnt.ones.xlane vm1;
	v12, _, _ =	vpop (xrf0)  }
0x3f: {  	v11 =	vadd.s32 v11, v12  }
0x40: {  	(v2sf) =	vpush v13, $0x0;
	_ =	sdelay $0x2  }
0x41: {  	v56 =	vor.u32 s25, v3  }
0x42: {  	[tilespmem:v11+s9+$0x0] =	vst.idx.msk vm1, v56  }
0x43: {  	v11 =	vld [tilespmem:s3+$0xFFFFFFF0];
	_ =	sdelay $0x4  }
0x44: {  	v11 =	vshrl.u32 v11, $0x7  }
0x45: {  	vm1 =	vge.u32 v11, v0;
	vm2 =	vlt.u32 v11, v1  }
0x46: {  	vm1 =	vmand vm1, vm2  }
0x47: {  	v11 =	vsel vm1, $0x1, v4  }
0x48: {  	(xrf0) =	vadd.scan.msk.s32 $0xffff, v11  }
0x49: {  	s26 =	spop (v2sf)  }
0x4a: {  	s2 =	sadd.s32 s7, s26  }
0x4b: {  	v11 =	vmov s2  }
0x4c: {  	v11 =	vadd.s32 $0xFFFFFFFF, v11  }
0x4d: {  	v11 =	vbroadcast v11, $0x0  }
0x4e: {  	v58 =	vmpcnt.ones.xlane vm1;
	v57, _, _ =	vpop (xrf0)  }
0x4f: {  	v11 =	vadd.s32 v11, v57  }
0x50: {  	(v2sf) =	vpush v58, $0x0;
	_ =	sdelay $0x1  }
0x51: {  	s4 =	sadd.s32 $0x10, s25  }
0x52: {  	v59 =	vor.u32 s4, v3  }
0x53: {  	[tilespmem:v11+s9+$0x0] =	vst.idx.msk vm1, v59  }
0x54: {  	v11 =	vld [tilespmem:s3+$0x0];
	_ =	sdelay $0x4  }
0x55: {  	v11 =	vshrl.u32 v11, $0x7  }
0x56: {  	vm1 =	vge.u32 v11, v0;
	vm2 =	vlt.u32 v11, v1  }
0x57: {  	vm1 =	vmand vm1, vm2  }
0x58: {  	v11 =	vsel vm1, $0x1, v4  }
0x59: {  	(xrf0) =	vadd.scan.msk.s32 $0xffff, v11  }
0x5a: {  	s4 =	spop (v2sf)  }
0x5b: {  	s2 =	sadd.s32 s2, s4  }
0x5c: {  	v11 =	vmov s2  }
0x5d: {  	v11 =	vadd.s32 $0xFFFFFFFF, v11  }
0x5e: {  	v11 =	vbroadcast v11, $0x0  }
0x5f: {  	v60, _, _ =	vpop (xrf0)  }
0x60: {  	v11 =	vadd.s32 v11, v60;
	_ =	sdelay $0x2  }
0x61: {  	s31 =	sadd.s32 $0x20, s25  }
0x62: {  	v61 =	vor.u32 s31, v3  }
0x63: {  	[tilespmem:v11+s9+$0x0] =	vst.idx.msk vm1, v61;
	v11 =	vmpcnt.ones.xlane vm1  }
0x64: {  	v12 =	vld [tilespmem:s3+$0x10]  }
0x65: {  	(v2sf) =	vpush v11, $0x0;
	_ =	sdelay $0x3  }
0x66: {  	v11 =	vshrl.u32 v12, $0x7  }
0x67: {  	vm1 =	vge.u32 v11, v0;
	vm2 =	vlt.u32 v11, v1  }
0x68: {  	vm1 =	vmand vm1, vm2  }
0x69: {  	v11 =	vmpcnt.ones.xlane vm1;
	_ =	sdelay $0x1  }
0x6a: {  	(v2sf) =	vpush v11, $0x0;
	_ =	sdelay $0x3  }
0x6b: {  	v11 =	vsel vm1, $0x1, v4  }
0x6c: {  	(xrf0) =	vadd.scan.msk.s32 $0xffff, v11  }
0x6d: {  	s28 =	spop (v2sf)  }
0x6e: {  	s8 =	sadd.s32 s2, s28  }
0x6f: {  	v11 =	vmov s8  }
0x70: {  	v11 =	vadd.s32 $0xFFFFFFFF, v11  }
0x71: {  	v11 =	vbroadcast v11, $0x0  }
0x72: {  	v62, _, _ =	vpop (xrf0)  }
0x73: {  	p0 =	sne.s32 s25, $0x3FC0;
	v11 =	vadd.s32 v11, v62  }
.Ltmp2:
0x74: {  	_ = 	snop;
	(pc) =	sbr.rel @p0 .LBB2_2-.Ltmp2, $4  }
0x75: {  	_ = 	snop  }
0x76: {  	s31 =	sadd.s32 $0x30, s25;
	s2 =	spop (v2sf)  }
0x77: {  	s0 =	smov.u32 s7;
	v63 =	vor.u32 s31, v3;
	s7 =	sadd.s32 s8, s2  }
0x78: {  	s25 =	sadd.s32 $0x40, s25;
	s3 =	sadd.s32 $0x40, s3;
	[tilespmem:v11+s9+$0x0] =	vst.idx.msk vm1, v63;
	[smem:$0x0] =	sst s7  }
0x79: {  	[tilespmem:$0xC180] =	vst v4  }
0x7a: {  	[tilespmem:$0xC190] =	vst v4  }
0x7b: {  	[tilespmem:$0xC1A0] =	vst v4  }
0x7c: {  	[tilespmem:$0xC1B0] =	vst v4  }
0x7d: {  	[tilespmem:$0xC1C0] =	vst v4  }
0x7e: {  	[tilespmem:$0xC1D0] =	vst v4  }
0x7f: {  	[tilespmem:$0xC1E0] =	vst v4  }
0x80: {  	[tilespmem:$0xC1F0] =	vst v4  }
0x81: {  	[tilespmem:$0xC200] =	vst v4  }
0x82: {  	[tilespmem:$0xC210] =	vst v4  }
0x83: {  	[tilespmem:$0xC220] =	vst v4  }
0x84: {  	[tilespmem:$0xC230] =	vst v4  }
0x85: {  	[tilespmem:$0xC240] =	vst v4;
	p0 =	slt.s32 s7, $0x1  }
.Ltmp3:
0x86: {  	[tilespmem:$0xC250] =	vst v4;
	(pc) =	sbr.rel @p0 .LBB2_7-.Ltmp3, $4  }
0x87: {  	[tilespmem:$0xC260] =	vst v4  }
0x88: {  	[tilespmem:$0xC270] =	vst v4  }
0x89: {  	[tilespmem:$0xC280] =	vst v4;
	s3 =	sadd.s32 s4, s26  }
0x8a: {  	[tilespmem:$0xC290] =	vst v4;
	s3 =	sadd.s32 s28, s3  }
0x8b: {  	s4 =	sadd.s32 s2, s3  }
0x8c: {  	s4 =	sadd.s32 s0, s4  }
0x8d: {  	p1 =	seq.s32 s4, $0x1  }
.Ltmp4:
0x8e: {  	_ = 	snop;
	(pc) =	sbr.rel @p1 .LBB2_6-.Ltmp4, $3  }
0x8f: {  	_ =	sdelay $0x1  }
0x90: {  	s25 =	simm.s32 $0x4080  }
0x91: {  	v11 =	vld [tilespmem:s25+$0x0];
	s26 =	sadd.s32 $0xFFFFFFFF, s4  }
.LBB2_5:
0x92: {  	p1 =	seq.s32 s26, $0x1;
	_ =	sdelay $0x3  }
0x93: {  	(v2sf) =	vpush v11, $0x0;
	_ =	sdelay $0xe  }
0x94: {  	s4 =	spop (v2sf)  }
0x95: {  	v11 =	vld [tilespmem:s4+$0x0];
	_ =	sdelay $0x4  }
0x96: {  	(v2sf) =	vpush v11, $0x0;
	_ =	sdelay $0xe  }
0x97: {  	s4 =	spop (v2sf)  }
0x98: {  	s4 =	sshrl.u32 s4, $0x7  }
0x99: {  	s4 =	ssub.s32 s4, s6  }
0x9a: {  	v11 =	vld [tilespmem:s4+$0xC180];
	_ =	sdelay $0x2  }
.Ltmp5:
0x9b: {  	(pc) =	sbr.rel @!p1 .LBB2_5-.Ltmp5, $4  }
0x9c: {  	_ = 	snop  }
0x9d: {  	v11 =	vadd.s32 v7, v11  }
0x9e: {  	s25 =	sadd.s32 $0x1, s25;
	[tilespmem:s4+$0xC180] =	vst v11  }
0x9f: {  	s26 =	sadd.s32 $0xFFFFFFFF, s26;
	v11 =	vld [tilespmem:s25+$0x0]  }
.LBB2_6:
0xa0: {  	_ =	sdelay $0x3  }
0xa1: {  	(v2sf) =	vpush v11, $0x0;
	_ =	sdelay $0xe  }
0xa2: {  	s4 =	spop (v2sf)  }
0xa3: {  	v11 =	vld [tilespmem:s4+$0x0];
	_ =	sdelay $0x4  }
0xa4: {  	(v2sf) =	vpush v11, $0x0;
	_ =	sdelay $0xe  }
0xa5: {  	s31 =	spop (v2sf)  }
0xa6: {  	s4 =	sshrl.u32 s31, $0x7  }
0xa7: {  	s4 =	ssub.s32 s4, s6  }
0xa8: {  	v11 =	vld [tilespmem:s4+$0xC180];
	_ =	sdelay $0x4  }
0xa9: {  	v11 =	vadd.s32 v7, v11  }
0xaa: {  	[tilespmem:s4+$0xC180] =	vst v11  }
.LBB2_7:
0xab: {  	s4 =	simm.s32 $0x0  }
0xac: {  	s31 =	simm.s32 $0x10;
	v12 =	vld [tilespmem:s4+$0xC180]  }
0xad: {  	v14 =	vld [tilespmem:s31+$0xC180];
	_ =	sdelay $0x3  }
0xae: {  	(xrf0) =	vadd.scan.msk.s32 $0xffff, v12  }
0xaf: {  	(xrf0) =	vadd.scan.msk.s32 $0xffff, v14;
	_ =	sdelay $0x4  }
0xb0: {  	s25 =	simm.s32 $0x20;
	v13, _, _ =	vpop (xrf0)  }
0xb1: {  	v11 =	vld [tilespmem:s25+$0xC180];
	(v2sf) =	vpush v13, $0xF;
	v15, _, _ =	vpop (xrf0)  }
0xb2: {  	(v2sf) =	vpush v15, $0xF;
	_ =	sdelay $0x3  }
0xb3: {  	s26 =	simm.s32 $0x30;
	(xrf0) =	vadd.scan.msk.s32 $0xffff, v11  }
0xb4: {  	v13 =	vsub.s32 v13, v12;
	v12 =	vld [tilespmem:s26+$0xC180];
	_ =	sdelay $0x3  }
0xb5: {  	s28 =	simm.s32 $0x0;
	s7 =	simm.s32 $0x100;
	v14 =	vsub.s32 v15, v14  }
.LBB2_8:
0xb6: {  	s8 =	sshra.s32 s7, $0x2;
	p1 =	seq.s32 s7, $0x440;
	s7 =	sadd.s32 $0x40, s7;
	(xrf0) =	vadd.scan.msk.s32 $0xffff, v12;
	v15, _, _ =	vpop (xrf0);
	v16 =	vadd.s32 s28, v13;
	v13 =	vmov v14  }
.Ltmp6:
0xb7: {  	v14 =	vsub.s32 v15, v11;
	(v2sf) =	vpush v15, $0xF;
	[tilespmem:s4+$0xC300] =	vst v16;
	v11 =	vmov v12;
	v12 =	vld [tilespmem:s8+$0xC180];
	(pc) =	sbr.rel @!p1 .LBB2_8-.Ltmp6, $4  }
0xb8: {  	[tilespmem:s4+$0xC480] =	vst v16;
	s4 =	smov.u32 s31;
	s31 =	smov.u32 s25;
	s25 =	smov.u32 s26  }
0xb9: {  	s26 =	smov.u32 s8  }
0xba: {  	s8 =	spop (v2sf)  }
0xbb: {  	s28 =	sadd.s32 s28, s8  }
0xbc: {  	(xrf0) =	vadd.scan.msk.s32 $0xffff, v12;
	_ =	sdelay $0x3  }
0xbd: {  	v15, _, _ =	vpop (xrf0)  }
0xbe: {  	(v2sf) =	vpush v15, $0xF  }
0xbf: {  	v16, _, _ =	vpop (xrf0)  }
0xc0: {  	(v2sf) =	vpush v16, $0xF;
	_ =	sdelay $0x8  }
0xc1: {  	s7 =	spop (v2sf);
	v13 =	vadd.s32 s28, v13  }
0xc2: {  	s7 =	sadd.s32 s28, s7;
	[tilespmem:s4+$0xC300] =	vst v13  }
0xc3: {  	[tilespmem:s4+$0xC480] =	vst v13;
	v62 =	vadd.s32 s7, v14;
	s8 =	spop (v2sf)  }
0xc4: {  	v11 =	vsub.s32 v15, v11;
	[tilespmem:s31+$0xC300] =	vst v62;
	s4 =	sadd.s32 s7, s8  }
.Ltmp7:
0xc5: {  	[tilespmem:s31+$0xC480] =	vst v62;
	v11 =	vadd.s32 s4, v11;
	s28 =	spop (v2sf);
	(pc) =	sbr.rel @p0 .LBB2_13-.Ltmp7, $4  }
0xc6: {  	v63 =	vsub.s32 v16, v12;
	[tilespmem:s25+$0xC300] =	vst v11;
	s4 =	sadd.s32 s4, s28  }
0xc7: {  	[tilespmem:s25+$0xC480] =	vst v11;
	v11 =	vadd.s32 s4, v63;
	s31 =	spop (v2sf)  }
0xc8: {  	[tilespmem:s26+$0xC300] =	vst v11;
	s4 =	sadd.s32 s4, s31  }
0xc9: {  	[tilespmem:s26+$0xC480] =	vst v11;
	[smem:$0x1] =	sst s4  }
0xca: {  	s2 =	sadd.s32 s2, s3  }
0xcb: {  	s2 =	sadd.s32 s0, s2;
	s0 =	simm.s32 $0x4080  }
0xcc: {  	v11 =	vld [tilespmem:s0+$0x0];
	_ =	sdelay $0x4  }
0xcd: {  	(v2sf) =	vpush v11, $0x0;
	_ =	sdelay $0xe  }
0xce: {  	s28 =	spop (v2sf)  }
0xcf: {  	v12 =	vld [tilespmem:s28+$0x0];
	_ =	sdelay $0x4  }
0xd0: {  	(v2sf) =	vpush v12, $0x0;
	_ =	sdelay $0xe  }
0xd1: {  	s31 =	spop (v2sf)  }
0xd2: {  	s3 =	sshrl.u32 s31, $0x7  }
0xd3: {  	s3 =	ssub.s32 s3, s6  }
0xd4: {  	v62 =	vld [tilespmem:s3+$0xC480];
	_ =	sdelay $0x4  }
0xd5: {  	(v2sf) =	vpush v62, $0x0;
	_ =	sdelay $0xe  }
0xd6: {  	s4 =	spop (v2sf)  }
0xd7: {  	v63 =	vld [tilespmem:s4+$0x8100];
	_ =	sdelay $0x4  }
0xd8: {  	v11 =	vsel vm0, v11, v63  }
0xd9: {  	[tilespmem:s4+$0x8100] =	vst v11  }
0xda: {  	p0 =	seq.s32 s2, $0x1;
	v11 =	vld [tilespmem:s3+$0xC480]  }
.Ltmp8:
0xdb: {  	_ = 	snop;
	(pc) =	sbr.rel @p0 .LBB2_12-.Ltmp8, $2  }
0xdc: {  	_ =	sdelay $0x2  }
0xdd: {  	s2 =	sadd.s32 $0xFFFFFFFF, s2;
	v11 =	vadd.s32 v7, v11  }
.LBB2_11:
0xde: {  	p0 =	seq.s32 s2, $0x1;
	s2 =	sadd.s32 $0xFFFFFFFF, s2;
	[tilespmem:s3+$0xC480] =	vst v11;
	s0 =	sadd.s32 $0x1, s0  }
0xdf: {  	v11 =	vld [tilespmem:s0+$0x0];
	_ =	sdelay $0x4  }
0xe0: {  	(v2sf) =	vpush v11, $0x0;
	_ =	sdelay $0xe  }
0xe1: {  	s3 =	spop (v2sf)  }
0xe2: {  	v12 =	vld [tilespmem:s3+$0x0];
	_ =	sdelay $0x4  }
0xe3: {  	(v2sf) =	vpush v12, $0x0;
	_ =	sdelay $0xe  }
0xe4: {  	s3 =	spop (v2sf)  }
0xe5: {  	s3 =	sshrl.u32 s3, $0x7  }
0xe6: {  	s3 =	ssub.s32 s3, s6  }
0xe7: {  	v12 =	vld [tilespmem:s3+$0xC480];
	_ =	sdelay $0x4  }
0xe8: {  	(v2sf) =	vpush v12, $0x0;
	_ =	sdelay $0xe  }
0xe9: {  	s4 =	spop (v2sf)  }
0xea: {  	v12 =	vld [tilespmem:s4+$0x8100];
	_ =	sdelay $0x4  }
0xeb: {  	v11 =	vsel vm0, v11, v12  }
0xec: {  	[tilespmem:s4+$0x8100] =	vst v11  }
0xed: {  	v11 =	vld [tilespmem:s3+$0xC480]  }
.Ltmp9:
0xee: {  	(pc) =	sbr.rel @!p0 .LBB2_11-.Ltmp9, $2  }
0xef: {  	_ =	sdelay $0x2  }
0xf0: {  	v11 =	vadd.s32 v7, v11  }
.LBB2_12:
0xf1: {  	[tilespmem:s3+$0xC480] =	vst v11  }
.LBB2_13:
0xf2: {  	[tilespmem:$0xC600] =	vst v4  }
0xf3: {  	[tilespmem:$0xC610] =	vst v4  }
0xf4: {  	[tilespmem:$0xC620] =	vst v4  }
0xf5: {  	[tilespmem:$0xC630] =	vst v4  }
0xf6: {  	[tilespmem:$0xC640] =	vst v4  }
0xf7: {  	[tilespmem:$0xC650] =	vst v4  }
0xf8: {  	[tilespmem:$0xC660] =	vst v4  }
0xf9: {  	[tilespmem:$0xC670] =	vst v4  }
0xfa: {  	[tilespmem:$0xC680] =	vst v4  }
0xfb: {  	[tilespmem:$0xC690] =	vst v4  }
0xfc: {  	[tilespmem:$0xC6A0] =	vst v4  }
0xfd: {  	[tilespmem:$0xC6B0] =	vst v4  }
0xfe: {  	[tilespmem:$0xC6C0] =	vst v4  }
0xff: {  	[tilespmem:$0xC6D0] =	vst v4  }
0x100: {  	[tilespmem:$0xC6E0] =	vst v4  }
0x101: {  	[tilespmem:$0xC6F0] =	vst v4  }
0x102: {  	[tilespmem:$0xC700] =	vst v4  }
0x103: {  	[tilespmem:$0xC710] =	vst v4;
	s2 =	simm.s32 $0xC180  }
0x104: {  	v11 =	vld [tilespmem:s2+$0x0];
	_ =	sdelay $0x2  }
0x105: {  	s0 =	simm.s32 $0x0  }
0x106: {  	v12 =	vor.u32 s0, v3  }
0x107: {  	vm2 =	vlt.u32 v12, v2;
	vm1 =	vgt.s32 v11, $0x0  }
0x108: {  	vm1 =	vmand vm2, vm1  }
0x109: {  	v11 =	vmpcnt.ones.xlane vm1;
	_ =	sdelay $0x1  }
0x10a: {  	(v2sf) =	vpush v11, $0x0;
	v11 =	vsel vm1, $0x1, v4  }
0x10b: {  	(xrf0) =	vadd.scan.msk.s32 $0xffff, v11;
	_ =	sdelay $0x2  }
0x10c: {  	v11 =	vmov s0  }
0x10d: {  	v11 =	vadd.s32 $0xFFFFFFFF, v11  }
0x10e: {  	v11 =	vbroadcast v11, $0x0  }
0x10f: {  	v13, _, _ =	vpop (xrf0)  }
0x110: {  	v11 =	vadd.s32 v11, v13;
	_ =	sdelay $0x4  }
0x111: {  	s2 =	simm.s32 $0xC190;
	[tilespmem:v11+s10+$0x0] =	vst.idx.msk vm1, v12  }
0x112: {  	v12 =	vld [tilespmem:s2+$0x0];
	_ =	sdelay $0x1  }
0x113: {  	s31 =	simm.s32 $0x10;
	s4 =	spop (v2sf)  }
0x114: {  	s3 =	simm.s32 $0x20;
	v11 =	vor.u32 s31, v3;
	s0 =	sadd.s32 $0x0, s4  }
.LBB2_14:
0x115: {  	p0 =	sne.s32 s3, $0xF0  }
0x116: {  	vm1 =	vgt.s32 v12, $0x0;
	vm2 =	vlt.u32 v11, v2;
	[smem:$0x2] =	sst s0;
	s4 =	smov.u32 s3;
	s3 =	sadd.s32 $0x10, s3  }
0x117: {  	vm1 =	vmand vm2, vm1  }
0x118: {  	v12 =	vsel vm1, $0x1, v4;
	v13 =	vmpcnt.ones.xlane vm1  }
0x119: {  	(xrf0) =	vadd.scan.msk.s32 $0xffff, v12  }
0x11a: {  	(v2sf) =	vpush v13, $0x0;
	_ =	sdelay $0x1  }
0x11b: {  	v12 =	vmov s0  }
0x11c: {  	v12 =	vadd.s32 $0xFFFFFFFF, v12  }
0x11d: {  	v12 =	vbroadcast v12, $0x0  }
0x11e: {  	v13, _, _ =	vpop (xrf0)  }
0x11f: {  	v12 =	vadd.s32 v12, v13;
	_ =	sdelay $0x4  }
0x120: {  	s2 =	sadd.s32 $0x10, s2;
	[tilespmem:v12+s10+$0x0] =	vst.idx.msk vm1, v11  }
.Ltmp10:
0x121: {  	v12 =	vld [tilespmem:s2+$0x0];
	(pc) =	sbr.rel @p0 .LBB2_14-.Ltmp10, $3  }
0x122: {  	_ =	sdelay $0x1  }
0x123: {  	s7 =	spop (v2sf)  }
0x124: {  	v11 =	vor.u32 s4, v3;
	s0 =	sadd.s32 s0, s7  }
0x125: {  	vm1 =	vgt.s32 v12, $0x0;
	vm2 =	vlt.u32 v11, v2  }
0x126: {  	vm1 =	vmand vm2, vm1  }
0x127: {  	v61 =	vsel vm1, $0x1, v4  }
0x128: {  	(xrf0) =	vadd.scan.msk.s32 $0xffff, v61;
	_ =	sdelay $0x2  }
0x129: {  	v62 =	vmov s0  }
0x12a: {  	v12 =	vadd.s32 $0xFFFFFFFF, v62  }
0x12b: {  	v12 =	vbroadcast v12, $0x0  }
0x12c: {  	v13, _, _ =	vpop (xrf0)  }
0x12d: {  	v12 =	vadd.s32 v12, v13;
	_ =	sdelay $0x4  }
0x12e: {  	[tilespmem:v12+s10+$0x0] =	vst.idx.msk vm1, v11  }
0x12f: {  	v11 =	vld [tilespmem:$0xC600];
	_ =	sdelay $0x1  }
0x130: {  	v63 =	vmpcnt.ones.xlane vm1;
	_ =	sdelay $0x1  }
0x131: {  	(v2sf) =	vpush v63, $0x0  }
0x132: {  	(v2sf) =	vpush v11, $0x0;
	_ =	sdelay $0xd  }
0x133: {  	s2 =	spop (v2sf)  }
0x134: {  	s3 =	spop (v2sf)  }
0x135: {  	s3 =	sadd.s32 s6, s3  }
0x136: {  	s3 =	sshll.u32 s3, $0x7  }
0x137: {  	s3 =	sand.u32 $0x1FFFFF80, s3  }
0x138: {  	s3 =	sadd.s32 s1, s3  }
0x139: {  	[tilespmem:s13], [sflag:$0x1] =	stream.strided.gather [hbm4b:s3+s11], $0x2000, s12, s11, $0x38;
	[tilespmem:$0x19000] =	vst v63  }
0x13a: {  	v11 =	vld [tilespmem:$0xC601];
	_ =	sdelay $0x4  }
0x13b: {  	(v2sf) =	vpush v11, $0x0;
	_ =	sdelay $0xe  }
0x13c: {  	s4 =	spop (v2sf)  }
0x13d: {  	s3 =	sadd.s32 s6, s4  }
0x13e: {  	s3 =	sshll.u32 s3, $0x7  }
0x13f: {  	s3 =	sand.u32 $0x1FFFFF80, s3  }
0x140: {  	s3 =	sadd.s32 s1, s3  }
0x141: {  	[tilespmem:s14], [sflag:$0x2] =	stream.strided.gather [hbm4b:s3+s11], $0x2000, s12, s11, $0x38;
	[tilespmem:$0x19000] =	vst v63  }
0x142: {  	v11 =	vld [tilespmem:$0xC602];
	_ =	sdelay $0x4  }
0x143: {  	(v2sf) =	vpush v11, $0x0;
	_ =	sdelay $0xe  }
0x144: {  	s7 =	spop (v2sf)  }
0x145: {  	s3 =	sadd.s32 s6, s7  }
0x146: {  	s3 =	sshll.u32 s3, $0x7  }
0x147: {  	s3 =	sand.u32 $0x1FFFFF80, s3  }
0x148: {  	s3 =	sadd.s32 s1, s3  }
0x149: {  	[tilespmem:s15], [sflag:$0x3] =	stream.strided.gather [hbm4b:s3+s11], $0x2000, s12, s11, $0x38;
	[tilespmem:$0x19000] =	vst v63  }
0x14a: {  	v11 =	vld [tilespmem:$0xC603];
	_ =	sdelay $0x4  }
0x14b: {  	(v2sf) =	vpush v11, $0x0;
	_ =	sdelay $0xe  }
0x14c: {  	s8 =	spop (v2sf)  }
0x14d: {  	s3 =	sadd.s32 s6, s8  }
0x14e: {  	s3 =	sshll.u32 s3, $0x7  }
0x14f: {  	s3 =	sand.u32 $0x1FFFFF80, s3  }
0x150: {  	s3 =	sadd.s32 s1, s3  }
0x151: {  	[tilespmem:s16], [sflag:$0x4] =	stream.strided.gather [hbm4b:s3+s11], $0x2000, s12, s11, $0x38;
	[tilespmem:$0x19000] =	vst v63  }
0x152: {  	v11 =	vld [tilespmem:$0xC604];
	_ =	sdelay $0x4  }
0x153: {  	(v2sf) =	vpush v11, $0x0;
	_ =	sdelay $0xe  }
0x154: {  	s25 =	spop (v2sf)  }
0x155: {  	s3 =	sadd.s32 s6, s25  }
0x156: {  	s3 =	sshll.u32 s3, $0x7  }
0x157: {  	s3 =	sand.u32 $0x1FFFFF80, s3  }
0x158: {  	s3 =	sadd.s32 s1, s3  }
0x159: {  	[tilespmem:s17], [sflag:$0x5] =	stream.strided.gather [hbm4b:s3+s11], $0x2000, s12, s11, $0x38;
	[tilespmem:$0x19000] =	vst v63  }
0x15a: {  	v11 =	vld [tilespmem:$0xC605];
	_ =	sdelay $0x4  }
0x15b: {  	(v2sf) =	vpush v11, $0x0;
	_ =	sdelay $0xd  }
0x15c: {  	[smem:$0x2] =	sst s0;
	s0 =	sadd.s32 s0, s2  }
0x15d: {  	p0 =	slt.s32 s0, $0xFFFFFFFB;
	s26 =	spop (v2sf)  }
.Ltmp11:
0x15e: {  	s3 =	sadd.s32 s6, s26;
	(pc) =	sbr.rel @p0 .LBB2_42-.Ltmp11, $4  }
0x15f: {  	s3 =	sshll.u32 s3, $0x7  }
0x160: {  	s31 =	simm.s32 $0x0;
	[smem:$0x2] =	sst s0;
	s3 =	sand.u32 $0x1FFFFF80, s3  }
0x161: {  	[smem:$0x3] =	sst s31;
	s28 =	sadd.s32 s1, s3  }
0x162: {  	[tilespmem:s18], [sflag:$0x6] =	stream.strided.gather [hbm4b:s28+s11], $0x2000, s12, s11, $0x38;
	[tilespmem:$0x19000] =	vst v63  }
0x163: {  	s2 =	smulhi.u32 $0x2AAAAAAB, s0;
	s28 =	sshra.s32 s0, $0x1F  }
0x164: {  	s0 =	smul.u32 $0x2AAAAAAB, s28  }
.Ltmp12:
0x165: {  	_ = 	snop;
	(pc) =	sbr.rel .LBB2_17-.Ltmp12, $4  }
0x166: {  	_ = 	snop  }
0x167: {  	s0 =	sadd.s32 s0, s2  }
0x168: {  	s2 =	sshrl.u32 s0, $0x1F  }
0x169: {  	s31 =	simm.s32 $0x0;
	s3 =	simm.s32 $0x0;
	s0 =	sadd.s32 s2, s0  }
.LBB2_40:
0x16a: {  	[sflag:s4] =	ssyncadd.s32 @!p1 $0xFFFFF800  }
0x16b: {  	[smem:$0x3] =	sst s31  }
.LBB2_41:
0x16c: {  	s2 =	sadd.s32 $0xB, s2  }
0x16d: {  	p0 =	slt.s32 s2, $0x10F  }
0x16e: {  	s2 =	simm.s32 @!p0 $0x10F  }
0x16f: {  	v11 =	vld [tilespmem:s2+$0xC600];
	_ =	sdelay $0x4  }
0x170: {  	(v2sf) =	vpush v11, $0x0;
	_ =	sdelay $0xe  }
0x171: {  	p0 =	sne.s32 s3, s0;
	s26 =	spop (v2sf)  }
.Ltmp13:
0x172: {  	s2 =	sadd.s32 s6, s26;
	(pc) =	sbr.rel @!p0 .LBB2_42-.Ltmp13, $4  }
0x173: {  	s2 =	sshll.u32 s2, $0x7  }
0x174: {  	s28 =	sadd.s32 $0x1, s3;
	s2 =	sand.u32 $0x1FFFFF80, s2  }
0x175: {  	s3 =	smov.u32 s28;
	s2 =	sadd.s32 s1, s2  }
0x176: {  	[tilespmem:s18], [sflag:$0x6] =	stream.strided.gather [hbm4b:s2+s11], $0x2000, s12, s11, $0x38;
	[tilespmem:$0x19000] =	vst v63  }
.LBB2_17:
0x177: {  	s2 =	smul.u32 $0x6, s3  }
0x178: {  	_ =	swait.ge [sflag:s19], $0x2000  }
0x179: {  	[sflag:s19] =	ssyncset.done $0x0;
	p0 =	slt.s32 s2, $0x10F;
	s4 =	smov.u32 s2  }
0x17a: {  	[sflag:s19] =	ssyncadd.s32 $0xFFFFE000;
	s4 =	simm.s32 @!p0 $0x10F  }
0x17b: {  	v11 =	vld [tilespmem:s4+$0xC600];
	_ =	sdelay $0x4  }
0x17c: {  	(v2sf) =	vpush v11, $0x0;
	_ =	sdelay $0xe  }
0x17d: {  	s28 =	spop (v2sf)  }
0x17e: {  	v11 =	vld [tilespmem:s28+$0xC300]  }
0x17f: {  	v12 =	vld [tilespmem:s28+$0xC180];
	_ =	sdelay $0x3  }
0x180: {  	(v2sf) =	vpush v11, $0x0  }
0x181: {  	(v2sf) =	vpush v12, $0x0;
	_ =	sdelay $0xd  }
0x182: {  	s7 =	spop (v2sf)  }
0x183: {  	s4 =	spop (v2sf)  }
0x184: {  	s8 =	sadd.s32 s7, s4  }
0x185: {  	p0 =	sge.s32 s7, s8  }
.Ltmp14:
0x186: {  	_ = 	snop;
	(pc) =	sbr.rel @p0 .LBB2_21-.Ltmp14, $1  }
0x187: {  	_ =	sdelay $0x3  }
0x188: {  	s7 =	sshll.u32 s7, $0x2  }
0x189: {  	s7 =	sshra.s32 s7, $0x2  }
0x18a: {  	s25 =	sadd.s32 $0x8100, s7  }
0x18b: {  	v11 =	vld [tilespmem:s25+$0x0];
	_ =	sdelay $0x4  }
0x18c: {  	(v2sf) =	vpush v11, $0x0;
	_ =	sdelay $0xe  }
0x18d: {  	s26 =	spop (v2sf)  }
0x18e: {  	v12 =	vld [tilespmem:s26+$0x0];
	_ =	sdelay $0x4  }
0x18f: {  	(v2sf) =	vpush v12, $0x0;
	_ =	sdelay $0xe  }
0x190: {  	s28 =	spop (v2sf)  }
0x191: {  	s7 =	sand.u32 $0x7F, s28  }
0x192: {  	v60 =	vor.u32 s7, v5;
	_ =	sdelay $0x4  }
0x193: {  	v12 =	vld.idx.msk [tilespmem:v60+s13+$0x0], $0xffff  }
0x194: {  	v13 =	vor.u32 s7, v8;
	_ =	sdelay $0x1  }
0x195: {  	s8 =	sshll.u32 s31, $0x9  }
0x196: {  	s8 =	sshra.s32 s8, $0x2  }
0x197: {  	[tilespmem:s8+$0x18780] =	vst v12  }
0x198: {  	v12 =	vld.idx.msk [tilespmem:v13+s13+$0x0], $0xffff  }
0x199: {  	v61 =	vor.u32 s7, v9;
	_ =	sdelay $0x3  }
0x19a: {  	[tilespmem:s8+$0x18790] =	vst v12  }
0x19b: {  	v12 =	vld.idx.msk [tilespmem:v61+s13+$0x0], $0xffff  }
0x19c: {  	v62 =	vor.u32 s7, v10;
	_ =	sdelay $0x3  }
0x19d: {  	[tilespmem:s8+$0x187A0] =	vst v12  }
0x19e: {  	v12 =	vld.idx.msk [tilespmem:v62+s13+$0x0], $0xffff;
	_ =	sdelay $0x4  }
0x19f: {  	[tilespmem:s8+$0x187B0] =	vst v12  }
0x1a0: {  	v12 =	vld [tilespmem:$0x18F80];
	_ =	sdelay $0x2  }
0x1a1: {  	v63 =	vmov s31;
	v11 =	vbroadcast v11, $0x0  }
0x1a2: {  	s31 =	sadd.s32 $0x1, s31;
	vm1 =	veq.s32 v63, v3  }
0x1a3: {  	p1 =	sne.s32 s31, $0x10;
	v11 =	vsel vm1, v11, v12  }
0x1a4: {  	s26 =	simm.s32 @!p1 $0x18780;
	s7 =	simm.s32 @!p1 $0x10;
	s8 =	simm.s32 @!p1 $0x18F80;
	[tilespmem:$0x18F80] =	vst v11  }
0x1a5: {  	[hbm4b:s5+s7] =	stream.indirect.scatter @!p1 [tilespmem:s26], [sflag:$0x7], $0x80, s8, s7, $0xb8;
	[tilespmem:$0x19000] =	vst v63  }
0x1a6: {  	s26 =	sadd.s32 $0xFFFFFFFF, s4  }
0x1a7: {  	p0 =	sne.s32 s26, $0x0  }
.Ltmp15:
0x1a8: {  	_ = 	snop;
	(pc) =	sbr.rel @!p0 .LBB2_20-.Ltmp15, $4  }
0x1a9: {  	_ = 	snop  }
0x1aa: {  	s4 =	simm.s32 @!p1 $0x7  }
0x1ab: {  	_ =	swait.ge @!p1 [sflag:s4], $0x800  }
0x1ac: {  	s31 =	simm.s32 @!p1 $0x0;
	[sflag:s4] =	ssyncset.done @!p1 $0x0  }
.LBB2_19:
0x1ad: {  	s26 =	sadd.s32 $0xFFFFFFFF, s26;
	[sflag:s4] =	ssyncadd.s32 @!p1 $0xFFFFF800;
	s25 =	sadd.s32 $0x1, s25  }
0x1ae: {  	v11 =	vld [tilespmem:s25+$0x0];
	p0 =	sne.s32 s26, $0x0;
	[smem:$0x3] =	sst s31;
	_ =	sdelay $0x4  }
0x1af: {  	(v2sf) =	vpush v11, $0x0;
	_ =	sdelay $0xe  }
0x1b0: {  	s4 =	spop (v2sf)  }
0x1b1: {  	v12 =	vld [tilespmem:s4+$0x0];
	_ =	sdelay $0x4  }
0x1b2: {  	(v2sf) =	vpush v12, $0x0;
	_ =	sdelay $0xe  }
0x1b3: {  	s4 =	spop (v2sf)  }
0x1b4: {  	s4 =	sand.u32 $0x7F, s4  }
0x1b5: {  	v12 =	vor.u32 s4, v5;
	_ =	sdelay $0x4  }
0x1b6: {  	v12 =	vld.idx.msk [tilespmem:v12+s13+$0x0], $0xffff;
	_ =	sdelay $0x1  }
0x1b7: {  	v13 =	vor.u32 s4, v8;
	_ =	sdelay $0x1  }
0x1b8: {  	s7 =	sshll.u32 s31, $0x9  }
0x1b9: {  	s7 =	sshra.s32 s7, $0x2  }
0x1ba: {  	[tilespmem:s7+$0x18780] =	vst v12  }
0x1bb: {  	v12 =	vld.idx.msk [tilespmem:v13+s13+$0x0], $0xffff;
	_ =	sdelay $0x1  }
0x1bc: {  	v13 =	vor.u32 s4, v9;
	_ =	sdelay $0x3  }
0x1bd: {  	[tilespmem:s7+$0x18790] =	vst v12  }
0x1be: {  	v12 =	vld.idx.msk [tilespmem:v13+s13+$0x0], $0xffff;
	_ =	sdelay $0x1  }
0x1bf: {  	v13 =	vor.u32 s4, v10;
	_ =	sdelay $0x3  }
0x1c0: {  	[tilespmem:s7+$0x187A0] =	vst v12  }
0x1c1: {  	v12 =	vld.idx.msk [tilespmem:v13+s13+$0x0], $0xffff;
	_ =	sdelay $0x5  }
0x1c2: {  	[tilespmem:s7+$0x187B0] =	vst v12  }
0x1c3: {  	v12 =	vld [tilespmem:$0x18F80];
	_ =	sdelay $0x2  }
0x1c4: {  	v11 =	vbroadcast v11, $0x0;
	v13 =	vmov s31;
	s31 =	sadd.s32 $0x1, s31  }
0x1c5: {  	vm1 =	veq.s32 v13, v3;
	p1 =	sne.s32 s31, $0x10  }
0x1c6: {  	s4 =	simm.s32 @!p1 $0x10;
	v11 =	vsel vm1, v11, v12  }
.Ltmp16:
0x1c7: {  	s8 =	simm.s32 @!p1 $0x18780;
	s7 =	simm.s32 @!p1 $0x18F80;
	[tilespmem:$0x18F80] =	vst v11;
	(pc) =	sbr.rel @p0 .LBB2_19-.Ltmp16, $4  }
0x1c8: {  	[hbm4b:s5+s4] =	stream.indirect.scatter @!p1 [tilespmem:s8], [sflag:$0x7], $0x80, s7, s4, $0xb8;
	[tilespmem:$0x19000] =	vst v63  }
0x1c9: {  	s31 =	simm.s32 @!p1 $0x0;
	s4 =	simm.s32 @!p1 $0x7  }
0x1ca: {  	_ =	swait.ge @!p1 [sflag:s4], $0x800  }
0x1cb: {  	[sflag:s4] =	ssyncset.done @!p1 $0x0  }
.LBB2_20:
0x1cc: {  	[sflag:s4] =	ssyncadd.s32 @!p1 $0xFFFFF800  }
0x1cd: {  	[smem:$0x3] =	sst s31  }
.LBB2_21:
0x1ce: {  	s4 =	sadd.s32 $0x6, s2  }
0x1cf: {  	p0 =	slt.s32 s4, $0x10F  }
0x1d0: {  	s4 =	simm.s32 @!p0 $0x10F  }
0x1d1: {  	v11 =	vld [tilespmem:s4+$0xC600];
	_ =	sdelay $0x4  }
0x1d2: {  	(v2sf) =	vpush v11, $0x0;
	_ =	sdelay $0xe  }
0x1d3: {  	s26 =	spop (v2sf)  }
0x1d4: {  	s4 =	sadd.s32 s6, s26  }
0x1d5: {  	s4 =	sshll.u32 s4, $0x7  }
0x1d6: {  	s4 =	sand.u32 $0x1FFFFF80, s4  }
0x1d7: {  	s4 =	sadd.s32 s1, s4  }
0x1d8: {  	[tilespmem:s13], [sflag:$0x1] =	stream.strided.gather [hbm4b:s4+s11], $0x2000, s12, s11, $0x38;
	[tilespmem:$0x19000] =	vst v63  }
0x1d9: {  	s4 =	sor.u32 $0x1, s2;
	_ =	swait.ge [sflag:s20], $0x2000  }
0x1da: {  	p0 =	slt.s32 s4, $0x10F;
	[sflag:s20] =	ssyncset.done $0x0  }
0x1db: {  	s4 =	simm.s32 @!p0 $0x10F;
	[sflag:s20] =	ssyncadd.s32 $0xFFFFE000  }
0x1dc: {  	v11 =	vld [tilespmem:s4+$0xC600];
	_ =	sdelay $0x4  }
0x1dd: {  	(v2sf) =	vpush v11, $0x0;
	_ =	sdelay $0xe  }
0x1de: {  	s28 =	spop (v2sf)  }
0x1df: {  	v11 =	vld [tilespmem:s28+$0xC300]  }
0x1e0: {  	v12 =	vld [tilespmem:s28+$0xC180];
	_ =	sdelay $0x3  }
0x1e1: {  	(v2sf) =	vpush v11, $0x0  }
0x1e2: {  	(v2sf) =	vpush v12, $0x0;
	_ =	sdelay $0xd  }
0x1e3: {  	s7 =	spop (v2sf)  }
0x1e4: {  	s4 =	spop (v2sf)  }
0x1e5: {  	s8 =	sadd.s32 s7, s4  }
0x1e6: {  	p0 =	sge.s32 s7, s8  }
.Ltmp17:
0x1e7: {  	_ = 	snop;
	(pc) =	sbr.rel @p0 .LBB2_25-.Ltmp17, $1  }
0x1e8: {  	_ =	sdelay $0x3  }
0x1e9: {  	s7 =	sshll.u32 s7, $0x2  }
0x1ea: {  	s7 =	sshra.s32 s7, $0x2  }
0x1eb: {  	s25 =	sadd.s32 $0x8100, s7  }
0x1ec: {  	v11 =	vld [tilespmem:s25+$0x0];
	_ =	sdelay $0x4  }
0x1ed: {  	(v2sf) =	vpush v11, $0x0;
	_ =	sdelay $0xe  }
0x1ee: {  	s26 =	spop (v2sf)  }
0x1ef: {  	v12 =	vld [tilespmem:s26+$0x0];
	_ =	sdelay $0x4  }
0x1f0: {  	(v2sf) =	vpush v12, $0x0;
	_ =	sdelay $0xe  }
0x1f1: {  	s28 =	spop (v2sf)  }
0x1f2: {  	s7 =	sand.u32 $0x7F, s28  }
0x1f3: {  	v60 =	vor.u32 s7, v5;
	_ =	sdelay $0x4  }
0x1f4: {  	v12 =	vld.idx.msk [tilespmem:v60+s14+$0x0], $0xffff  }
0x1f5: {  	v13 =	vor.u32 s7, v8;
	_ =	sdelay $0x1  }
0x1f6: {  	s8 =	sshll.u32 s31, $0x9  }
0x1f7: {  	s8 =	sshra.s32 s8, $0x2  }
0x1f8: {  	[tilespmem:s8+$0x18780] =	vst v12  }
0x1f9: {  	v12 =	vld.idx.msk [tilespmem:v13+s14+$0x0], $0xffff  }
0x1fa: {  	v61 =	vor.u32 s7, v9;
	_ =	sdelay $0x3  }
0x1fb: {  	[tilespmem:s8+$0x18790] =	vst v12  }
0x1fc: {  	v12 =	vld.idx.msk [tilespmem:v61+s14+$0x0], $0xffff  }
0x1fd: {  	v62 =	vor.u32 s7, v10;
	_ =	sdelay $0x3  }
0x1fe: {  	[tilespmem:s8+$0x187A0] =	vst v12  }
0x1ff: {  	v12 =	vld.idx.msk [tilespmem:v62+s14+$0x0], $0xffff;
	_ =	sdelay $0x4  }
0x200: {  	[tilespmem:s8+$0x187B0] =	vst v12  }
0x201: {  	v12 =	vld [tilespmem:$0x18F80];
	_ =	sdelay $0x2  }
0x202: {  	v63 =	vmov s31;
	v11 =	vbroadcast v11, $0x0  }
0x203: {  	s31 =	sadd.s32 $0x1, s31;
	vm1 =	veq.s32 v63, v3  }
0x204: {  	p1 =	sne.s32 s31, $0x10;
	v11 =	vsel vm1, v11, v12  }
0x205: {  	s26 =	simm.s32 @!p1 $0x18780;
	s7 =	simm.s32 @!p1 $0x10;
	s8 =	simm.s32 @!p1 $0x18F80;
	[tilespmem:$0x18F80] =	vst v11  }
0x206: {  	[hbm4b:s5+s7] =	stream.indirect.scatter @!p1 [tilespmem:s26], [sflag:$0x7], $0x80, s8, s7, $0xb8;
	[tilespmem:$0x19000] =	vst v63  }
0x207: {  	s26 =	sadd.s32 $0xFFFFFFFF, s4  }
0x208: {  	p0 =	sne.s32 s26, $0x0  }
.Ltmp18:
0x209: {  	_ = 	snop;
	(pc) =	sbr.rel @!p0 .LBB2_24-.Ltmp18, $4  }
0x20a: {  	_ = 	snop  }
0x20b: {  	s4 =	simm.s32 @!p1 $0x7  }
0x20c: {  	_ =	swait.ge @!p1 [sflag:s4], $0x800  }
0x20d: {  	s31 =	simm.s32 @!p1 $0x0;
	[sflag:s4] =	ssyncset.done @!p1 $0x0  }
.LBB2_23:
0x20e: {  	s26 =	sadd.s32 $0xFFFFFFFF, s26;
	[sflag:s4] =	ssyncadd.s32 @!p1 $0xFFFFF800;
	s25 =	sadd.s32 $0x1, s25  }
0x20f: {  	v11 =	vld [tilespmem:s25+$0x0];
	p0 =	sne.s32 s26, $0x0;
	[smem:$0x3] =	sst s31;
	_ =	sdelay $0x4  }
0x210: {  	(v2sf) =	vpush v11, $0x0;
	_ =	sdelay $0xe  }
0x211: {  	s4 =	spop (v2sf)  }
0x212: {  	v12 =	vld [tilespmem:s4+$0x0];
	_ =	sdelay $0x4  }
0x213: {  	(v2sf) =	vpush v12, $0x0;
	_ =	sdelay $0xe  }
0x214: {  	s4 =	spop (v2sf)  }
0x215: {  	s4 =	sand.u32 $0x7F, s4  }
0x216: {  	v12 =	vor.u32 s4, v5;
	_ =	sdelay $0x4  }
0x217: {  	v12 =	vld.idx.msk [tilespmem:v12+s14+$0x0], $0xffff;
	_ =	sdelay $0x1  }
0x218: {  	v13 =	vor.u32 s4, v8;
	_ =	sdelay $0x1  }
0x219: {  	s7 =	sshll.u32 s31, $0x9  }
0x21a: {  	s7 =	sshra.s32 s7, $0x2  }
0x21b: {  	[tilespmem:s7+$0x18780] =	vst v12  }
0x21c: {  	v12 =	vld.idx.msk [tilespmem:v13+s14+$0x0], $0xffff;
	_ =	sdelay $0x1  }
0x21d: {  	v13 =	vor.u32 s4, v9;
	_ =	sdelay $0x3  }
0x21e: {  	[tilespmem:s7+$0x18790] =	vst v12  }
0x21f: {  	v12 =	vld.idx.msk [tilespmem:v13+s14+$0x0], $0xffff;
	_ =	sdelay $0x1  }
0x220: {  	v13 =	vor.u32 s4, v10;
	_ =	sdelay $0x3  }
0x221: {  	[tilespmem:s7+$0x187A0] =	vst v12  }
0x222: {  	v12 =	vld.idx.msk [tilespmem:v13+s14+$0x0], $0xffff;
	_ =	sdelay $0x5  }
0x223: {  	[tilespmem:s7+$0x187B0] =	vst v12  }
0x224: {  	v12 =	vld [tilespmem:$0x18F80];
	_ =	sdelay $0x2  }
0x225: {  	v11 =	vbroadcast v11, $0x0;
	v13 =	vmov s31;
	s31 =	sadd.s32 $0x1, s31  }
0x226: {  	vm1 =	veq.s32 v13, v3;
	p1 =	sne.s32 s31, $0x10  }
0x227: {  	s4 =	simm.s32 @!p1 $0x10;
	v11 =	vsel vm1, v11, v12  }
.Ltmp19:
0x228: {  	s8 =	simm.s32 @!p1 $0x18780;
	s7 =	simm.s32 @!p1 $0x18F80;
	[tilespmem:$0x18F80] =	vst v11;
	(pc) =	sbr.rel @p0 .LBB2_23-.Ltmp19, $4  }
0x229: {  	[hbm4b:s5+s4] =	stream.indirect.scatter @!p1 [tilespmem:s8], [sflag:$0x7], $0x80, s7, s4, $0xb8;
	[tilespmem:$0x19000] =	vst v63  }
0x22a: {  	s31 =	simm.s32 @!p1 $0x0;
	s4 =	simm.s32 @!p1 $0x7  }
0x22b: {  	_ =	swait.ge @!p1 [sflag:s4], $0x800  }
0x22c: {  	[sflag:s4] =	ssyncset.done @!p1 $0x0  }
.LBB2_24:
0x22d: {  	[sflag:s4] =	ssyncadd.s32 @!p1 $0xFFFFF800  }
0x22e: {  	[smem:$0x3] =	sst s31  }
.LBB2_25:
0x22f: {  	s4 =	sadd.s32 $0x7, s2  }
0x230: {  	p0 =	slt.s32 s4, $0x10F  }
0x231: {  	s4 =	simm.s32 @!p0 $0x10F  }
0x232: {  	v11 =	vld [tilespmem:s4+$0xC600];
	_ =	sdelay $0x4  }
0x233: {  	(v2sf) =	vpush v11, $0x0;
	_ =	sdelay $0xe  }
0x234: {  	s26 =	spop (v2sf)  }
0x235: {  	s4 =	sadd.s32 s6, s26  }
0x236: {  	s4 =	sshll.u32 s4, $0x7  }
0x237: {  	s4 =	sand.u32 $0x1FFFFF80, s4  }
0x238: {  	s4 =	sadd.s32 s1, s4  }
0x239: {  	[tilespmem:s14], [sflag:$0x2] =	stream.strided.gather [hbm4b:s4+s11], $0x2000, s12, s11, $0x38;
	[tilespmem:$0x19000] =	vst v63  }
0x23a: {  	s4 =	sadd.s32 $0x2, s2;
	_ =	swait.ge [sflag:s21], $0x2000  }
0x23b: {  	p0 =	slt.s32 s4, $0x10F;
	[sflag:s21] =	ssyncset.done $0x0  }
0x23c: {  	s4 =	simm.s32 @!p0 $0x10F;
	[sflag:s21] =	ssyncadd.s32 $0xFFFFE000  }
0x23d: {  	v11 =	vld [tilespmem:s4+$0xC600];
	_ =	sdelay $0x4  }
0x23e: {  	(v2sf) =	vpush v11, $0x0;
	_ =	sdelay $0xe  }
0x23f: {  	s28 =	spop (v2sf)  }
0x240: {  	v11 =	vld [tilespmem:s28+$0xC300]  }
0x241: {  	v12 =	vld [tilespmem:s28+$0xC180];
	_ =	sdelay $0x3  }
0x242: {  	(v2sf) =	vpush v11, $0x0  }
0x243: {  	(v2sf) =	vpush v12, $0x0;
	_ =	sdelay $0xd  }
0x244: {  	s7 =	spop (v2sf)  }
0x245: {  	s4 =	spop (v2sf)  }
0x246: {  	s8 =	sadd.s32 s7, s4  }
0x247: {  	p0 =	sge.s32 s7, s8  }
.Ltmp20:
0x248: {  	_ = 	snop;
	(pc) =	sbr.rel @p0 .LBB2_29-.Ltmp20, $1  }
0x249: {  	_ =	sdelay $0x3  }
0x24a: {  	s7 =	sshll.u32 s7, $0x2  }
0x24b: {  	s7 =	sshra.s32 s7, $0x2  }
0x24c: {  	s25 =	sadd.s32 $0x8100, s7  }
0x24d: {  	v11 =	vld [tilespmem:s25+$0x0];
	_ =	sdelay $0x4  }
0x24e: {  	(v2sf) =	vpush v11, $0x0;
	_ =	sdelay $0xe  }
0x24f: {  	s26 =	spop (v2sf)  }
0x250: {  	v12 =	vld [tilespmem:s26+$0x0];
	_ =	sdelay $0x4  }
0x251: {  	(v2sf) =	vpush v12, $0x0;
	_ =	sdelay $0xe  }
0x252: {  	s28 =	spop (v2sf)  }
0x253: {  	s7 =	sand.u32 $0x7F, s28  }
0x254: {  	v60 =	vor.u32 s7, v5;
	_ =	sdelay $0x4  }
0x255: {  	v12 =	vld.idx.msk [tilespmem:v60+s15+$0x0], $0xffff  }
0x256: {  	v13 =	vor.u32 s7, v8;
	_ =	sdelay $0x1  }
0x257: {  	s8 =	sshll.u32 s31, $0x9  }
0x258: {  	s8 =	sshra.s32 s8, $0x2  }
0x259: {  	[tilespmem:s8+$0x18780] =	vst v12  }
0x25a: {  	v12 =	vld.idx.msk [tilespmem:v13+s15+$0x0], $0xffff  }
0x25b: {  	v61 =	vor.u32 s7, v9;
	_ =	sdelay $0x3  }
0x25c: {  	[tilespmem:s8+$0x18790] =	vst v12  }
0x25d: {  	v12 =	vld.idx.msk [tilespmem:v61+s15+$0x0], $0xffff  }
0x25e: {  	v62 =	vor.u32 s7, v10;
	_ =	sdelay $0x3  }
0x25f: {  	[tilespmem:s8+$0x187A0] =	vst v12  }
0x260: {  	v12 =	vld.idx.msk [tilespmem:v62+s15+$0x0], $0xffff;
	_ =	sdelay $0x4  }
0x261: {  	[tilespmem:s8+$0x187B0] =	vst v12  }
0x262: {  	v12 =	vld [tilespmem:$0x18F80];
	_ =	sdelay $0x2  }
0x263: {  	v63 =	vmov s31;
	v11 =	vbroadcast v11, $0x0  }
0x264: {  	s31 =	sadd.s32 $0x1, s31;
	vm1 =	veq.s32 v63, v3  }
0x265: {  	p1 =	sne.s32 s31, $0x10;
	v11 =	vsel vm1, v11, v12  }
0x266: {  	s26 =	simm.s32 @!p1 $0x18780;
	s7 =	simm.s32 @!p1 $0x10;
	s8 =	simm.s32 @!p1 $0x18F80;
	[tilespmem:$0x18F80] =	vst v11  }
0x267: {  	[hbm4b:s5+s7] =	stream.indirect.scatter @!p1 [tilespmem:s26], [sflag:$0x7], $0x80, s8, s7, $0xb8;
	[tilespmem:$0x19000] =	vst v63  }
0x268: {  	s26 =	sadd.s32 $0xFFFFFFFF, s4  }
0x269: {  	p0 =	sne.s32 s26, $0x0  }
.Ltmp21:
0x26a: {  	_ = 	snop;
	(pc) =	sbr.rel @!p0 .LBB2_28-.Ltmp21, $4  }
0x26b: {  	_ = 	snop  }
0x26c: {  	s4 =	simm.s32 @!p1 $0x7  }
0x26d: {  	_ =	swait.ge @!p1 [sflag:s4], $0x800  }
0x26e: {  	s31 =	simm.s32 @!p1 $0x0;
	[sflag:s4] =	ssyncset.done @!p1 $0x0  }
.LBB2_27:
0x26f: {  	s26 =	sadd.s32 $0xFFFFFFFF, s26;
	[sflag:s4] =	ssyncadd.s32 @!p1 $0xFFFFF800;
	s25 =	sadd.s32 $0x1, s25  }
0x270: {  	v11 =	vld [tilespmem:s25+$0x0];
	p0 =	sne.s32 s26, $0x0;
	[smem:$0x3] =	sst s31;
	_ =	sdelay $0x4  }
0x271: {  	(v2sf) =	vpush v11, $0x0;
	_ =	sdelay $0xe  }
0x272: {  	s4 =	spop (v2sf)  }
0x273: {  	v12 =	vld [tilespmem:s4+$0x0];
	_ =	sdelay $0x4  }
0x274: {  	(v2sf) =	vpush v12, $0x0;
	_ =	sdelay $0xe  }
0x275: {  	s4 =	spop (v2sf)  }
0x276: {  	s4 =	sand.u32 $0x7F, s4  }
0x277: {  	v12 =	vor.u32 s4, v5;
	_ =	sdelay $0x4  }
0x278: {  	v12 =	vld.idx.msk [tilespmem:v12+s15+$0x0], $0xffff;
	_ =	sdelay $0x1  }
0x279: {  	v13 =	vor.u32 s4, v8;
	_ =	sdelay $0x1  }
0x27a: {  	s7 =	sshll.u32 s31, $0x9  }
0x27b: {  	s7 =	sshra.s32 s7, $0x2  }
0x27c: {  	[tilespmem:s7+$0x18780] =	vst v12  }
0x27d: {  	v12 =	vld.idx.msk [tilespmem:v13+s15+$0x0], $0xffff;
	_ =	sdelay $0x1  }
0x27e: {  	v13 =	vor.u32 s4, v9;
	_ =	sdelay $0x3  }
0x27f: {  	[tilespmem:s7+$0x18790] =	vst v12  }
0x280: {  	v12 =	vld.idx.msk [tilespmem:v13+s15+$0x0], $0xffff;
	_ =	sdelay $0x1  }
0x281: {  	v13 =	vor.u32 s4, v10;
	_ =	sdelay $0x3  }
0x282: {  	[tilespmem:s7+$0x187A0] =	vst v12  }
0x283: {  	v12 =	vld.idx.msk [tilespmem:v13+s15+$0x0], $0xffff;
	_ =	sdelay $0x5  }
0x284: {  	[tilespmem:s7+$0x187B0] =	vst v12  }
0x285: {  	v12 =	vld [tilespmem:$0x18F80];
	_ =	sdelay $0x2  }
0x286: {  	v11 =	vbroadcast v11, $0x0;
	v13 =	vmov s31;
	s31 =	sadd.s32 $0x1, s31  }
0x287: {  	vm1 =	veq.s32 v13, v3;
	p1 =	sne.s32 s31, $0x10  }
0x288: {  	s4 =	simm.s32 @!p1 $0x10;
	v11 =	vsel vm1, v11, v12  }
.Ltmp22:
0x289: {  	s8 =	simm.s32 @!p1 $0x18780;
	s7 =	simm.s32 @!p1 $0x18F80;
	[tilespmem:$0x18F80] =	vst v11;
	(pc) =	sbr.rel @p0 .LBB2_27-.Ltmp22, $4  }
0x28a: {  	[hbm4b:s5+s4] =	stream.indirect.scatter @!p1 [tilespmem:s8], [sflag:$0x7], $0x80, s7, s4, $0xb8;
	[tilespmem:$0x19000] =	vst v63  }
0x28b: {  	s31 =	simm.s32 @!p1 $0x0;
	s4 =	simm.s32 @!p1 $0x7  }
0x28c: {  	_ =	swait.ge @!p1 [sflag:s4], $0x800  }
0x28d: {  	[sflag:s4] =	ssyncset.done @!p1 $0x0  }
.LBB2_28:
0x28e: {  	[sflag:s4] =	ssyncadd.s32 @!p1 $0xFFFFF800  }
0x28f: {  	[smem:$0x3] =	sst s31  }
.LBB2_29:
0x290: {  	s4 =	sadd.s32 $0x8, s2  }
0x291: {  	p0 =	slt.s32 s4, $0x10F  }
0x292: {  	s4 =	simm.s32 @!p0 $0x10F  }
0x293: {  	v11 =	vld [tilespmem:s4+$0xC600];
	_ =	sdelay $0x4  }
0x294: {  	(v2sf) =	vpush v11, $0x0;
	_ =	sdelay $0xe  }
0x295: {  	s26 =	spop (v2sf)  }
0x296: {  	s4 =	sadd.s32 s6, s26  }
0x297: {  	s4 =	sshll.u32 s4, $0x7  }
0x298: {  	s4 =	sand.u32 $0x1FFFFF80, s4  }
0x299: {  	s4 =	sadd.s32 s1, s4  }
0x29a: {  	[tilespmem:s15], [sflag:$0x3] =	stream.strided.gather [hbm4b:s4+s11], $0x2000, s12, s11, $0x38;
	[tilespmem:$0x19000] =	vst v63  }
0x29b: {  	s4 =	sadd.s32 $0x3, s2;
	_ =	swait.ge [sflag:s22], $0x2000  }
0x29c: {  	p0 =	slt.s32 s4, $0x10F;
	[sflag:s22] =	ssyncset.done $0x0  }
0x29d: {  	s4 =	simm.s32 @!p0 $0x10F;
	[sflag:s22] =	ssyncadd.s32 $0xFFFFE000  }
0x29e: {  	v11 =	vld [tilespmem:s4+$0xC600];
	_ =	sdelay $0x4  }
0x29f: {  	(v2sf) =	vpush v11, $0x0;
	_ =	sdelay $0xe  }
0x2a0: {  	s28 =	spop (v2sf)  }
0x2a1: {  	v11 =	vld [tilespmem:s28+$0xC300]  }
0x2a2: {  	v12 =	vld [tilespmem:s28+$0xC180];
	_ =	sdelay $0x3  }
0x2a3: {  	(v2sf) =	vpush v11, $0x0  }
0x2a4: {  	(v2sf) =	vpush v12, $0x0;
	_ =	sdelay $0xd  }
0x2a5: {  	s7 =	spop (v2sf)  }
0x2a6: {  	s4 =	spop (v2sf)  }
0x2a7: {  	s8 =	sadd.s32 s7, s4  }
0x2a8: {  	p0 =	sge.s32 s7, s8  }
.Ltmp23:
0x2a9: {  	_ = 	snop;
	(pc) =	sbr.rel @p0 .LBB2_33-.Ltmp23, $1  }
0x2aa: {  	_ =	sdelay $0x3  }
0x2ab: {  	s7 =	sshll.u32 s7, $0x2  }
0x2ac: {  	s7 =	sshra.s32 s7, $0x2  }
0x2ad: {  	s25 =	sadd.s32 $0x8100, s7  }
0x2ae: {  	v11 =	vld [tilespmem:s25+$0x0];
	_ =	sdelay $0x4  }
0x2af: {  	(v2sf) =	vpush v11, $0x0;
	_ =	sdelay $0xe  }
0x2b0: {  	s26 =	spop (v2sf)  }
0x2b1: {  	v12 =	vld [tilespmem:s26+$0x0];
	_ =	sdelay $0x4  }
0x2b2: {  	(v2sf) =	vpush v12, $0x0;
	_ =	sdelay $0xe  }
0x2b3: {  	s28 =	spop (v2sf)  }
0x2b4: {  	s7 =	sand.u32 $0x7F, s28  }
0x2b5: {  	v60 =	vor.u32 s7, v5;
	_ =	sdelay $0x4  }
0x2b6: {  	v12 =	vld.idx.msk [tilespmem:v60+s16+$0x0], $0xffff  }
0x2b7: {  	v13 =	vor.u32 s7, v8;
	_ =	sdelay $0x1  }
0x2b8: {  	s8 =	sshll.u32 s31, $0x9  }
0x2b9: {  	s8 =	sshra.s32 s8, $0x2  }
0x2ba: {  	[tilespmem:s8+$0x18780] =	vst v12  }
0x2bb: {  	v12 =	vld.idx.msk [tilespmem:v13+s16+$0x0], $0xffff  }
0x2bc: {  	v61 =	vor.u32 s7, v9;
	_ =	sdelay $0x3  }
0x2bd: {  	[tilespmem:s8+$0x18790] =	vst v12  }
0x2be: {  	v12 =	vld.idx.msk [tilespmem:v61+s16+$0x0], $0xffff  }
0x2bf: {  	v62 =	vor.u32 s7, v10;
	_ =	sdelay $0x3  }
0x2c0: {  	[tilespmem:s8+$0x187A0] =	vst v12  }
0x2c1: {  	v12 =	vld.idx.msk [tilespmem:v62+s16+$0x0], $0xffff;
	_ =	sdelay $0x4  }
0x2c2: {  	[tilespmem:s8+$0x187B0] =	vst v12  }
0x2c3: {  	v12 =	vld [tilespmem:$0x18F80];
	_ =	sdelay $0x2  }
0x2c4: {  	v63 =	vmov s31;
	v11 =	vbroadcast v11, $0x0  }
0x2c5: {  	s31 =	sadd.s32 $0x1, s31;
	vm1 =	veq.s32 v63, v3  }
0x2c6: {  	p1 =	sne.s32 s31, $0x10;
	v11 =	vsel vm1, v11, v12  }
0x2c7: {  	s26 =	simm.s32 @!p1 $0x18780;
	s7 =	simm.s32 @!p1 $0x10;
	s8 =	simm.s32 @!p1 $0x18F80;
	[tilespmem:$0x18F80] =	vst v11  }
0x2c8: {  	[hbm4b:s5+s7] =	stream.indirect.scatter @!p1 [tilespmem:s26], [sflag:$0x7], $0x80, s8, s7, $0xb8;
	[tilespmem:$0x19000] =	vst v63  }
0x2c9: {  	s26 =	sadd.s32 $0xFFFFFFFF, s4  }
0x2ca: {  	p0 =	sne.s32 s26, $0x0  }
.Ltmp24:
0x2cb: {  	_ = 	snop;
	(pc) =	sbr.rel @!p0 .LBB2_32-.Ltmp24, $4  }
0x2cc: {  	_ = 	snop  }
0x2cd: {  	s4 =	simm.s32 @!p1 $0x7  }
0x2ce: {  	_ =	swait.ge @!p1 [sflag:s4], $0x800  }
0x2cf: {  	s31 =	simm.s32 @!p1 $0x0;
	[sflag:s4] =	ssyncset.done @!p1 $0x0  }
.LBB2_31:
0x2d0: {  	s26 =	sadd.s32 $0xFFFFFFFF, s26;
	[sflag:s4] =	ssyncadd.s32 @!p1 $0xFFFFF800;
	s25 =	sadd.s32 $0x1, s25  }
0x2d1: {  	v11 =	vld [tilespmem:s25+$0x0];
	p0 =	sne.s32 s26, $0x0;
	[smem:$0x3] =	sst s31;
	_ =	sdelay $0x4  }
0x2d2: {  	(v2sf) =	vpush v11, $0x0;
	_ =	sdelay $0xe  }
0x2d3: {  	s4 =	spop (v2sf)  }
0x2d4: {  	v12 =	vld [tilespmem:s4+$0x0];
	_ =	sdelay $0x4  }
0x2d5: {  	(v2sf) =	vpush v12, $0x0;
	_ =	sdelay $0xe  }
0x2d6: {  	s4 =	spop (v2sf)  }
0x2d7: {  	s4 =	sand.u32 $0x7F, s4  }
0x2d8: {  	v12 =	vor.u32 s4, v5;
	_ =	sdelay $0x4  }
0x2d9: {  	v12 =	vld.idx.msk [tilespmem:v12+s16+$0x0], $0xffff;
	_ =	sdelay $0x1  }
0x2da: {  	v13 =	vor.u32 s4, v8;
	_ =	sdelay $0x1  }
0x2db: {  	s7 =	sshll.u32 s31, $0x9  }
0x2dc: {  	s7 =	sshra.s32 s7, $0x2  }
0x2dd: {  	[tilespmem:s7+$0x18780] =	vst v12  }
0x2de: {  	v12 =	vld.idx.msk [tilespmem:v13+s16+$0x0], $0xffff;
	_ =	sdelay $0x1  }
0x2df: {  	v13 =	vor.u32 s4, v9;
	_ =	sdelay $0x3  }
0x2e0: {  	[tilespmem:s7+$0x18790] =	vst v12  }
0x2e1: {  	v12 =	vld.idx.msk [tilespmem:v13+s16+$0x0], $0xffff;
	_ =	sdelay $0x1  }
0x2e2: {  	v13 =	vor.u32 s4, v10;
	_ =	sdelay $0x3  }
0x2e3: {  	[tilespmem:s7+$0x187A0] =	vst v12  }
0x2e4: {  	v12 =	vld.idx.msk [tilespmem:v13+s16+$0x0], $0xffff;
	_ =	sdelay $0x5  }
0x2e5: {  	[tilespmem:s7+$0x187B0] =	vst v12  }
0x2e6: {  	v12 =	vld [tilespmem:$0x18F80];
	_ =	sdelay $0x2  }
0x2e7: {  	v11 =	vbroadcast v11, $0x0;
	v13 =	vmov s31;
	s31 =	sadd.s32 $0x1, s31  }
0x2e8: {  	vm1 =	veq.s32 v13, v3;
	p1 =	sne.s32 s31, $0x10  }
0x2e9: {  	s4 =	simm.s32 @!p1 $0x10;
	v11 =	vsel vm1, v11, v12  }
.Ltmp25:
0x2ea: {  	s8 =	simm.s32 @!p1 $0x18780;
	s7 =	simm.s32 @!p1 $0x18F80;
	[tilespmem:$0x18F80] =	vst v11;
	(pc) =	sbr.rel @p0 .LBB2_31-.Ltmp25, $4  }
0x2eb: {  	[hbm4b:s5+s4] =	stream.indirect.scatter @!p1 [tilespmem:s8], [sflag:$0x7], $0x80, s7, s4, $0xb8;
	[tilespmem:$0x19000] =	vst v63  }
0x2ec: {  	s31 =	simm.s32 @!p1 $0x0;
	s4 =	simm.s32 @!p1 $0x7  }
0x2ed: {  	_ =	swait.ge @!p1 [sflag:s4], $0x800  }
0x2ee: {  	[sflag:s4] =	ssyncset.done @!p1 $0x0  }
.LBB2_32:
0x2ef: {  	[sflag:s4] =	ssyncadd.s32 @!p1 $0xFFFFF800  }
0x2f0: {  	[smem:$0x3] =	sst s31  }
.LBB2_33:
0x2f1: {  	s4 =	sadd.s32 $0x9, s2  }
0x2f2: {  	p0 =	slt.s32 s4, $0x10F  }
0x2f3: {  	s4 =	simm.s32 @!p0 $0x10F  }
0x2f4: {  	v11 =	vld [tilespmem:s4+$0xC600];
	_ =	sdelay $0x4  }
0x2f5: {  	(v2sf) =	vpush v11, $0x0;
	_ =	sdelay $0xe  }
0x2f6: {  	s26 =	spop (v2sf)  }
0x2f7: {  	s4 =	sadd.s32 s6, s26  }
0x2f8: {  	s4 =	sshll.u32 s4, $0x7  }
0x2f9: {  	s4 =	sand.u32 $0x1FFFFF80, s4  }
0x2fa: {  	s4 =	sadd.s32 s1, s4  }
0x2fb: {  	[tilespmem:s16], [sflag:$0x4] =	stream.strided.gather [hbm4b:s4+s11], $0x2000, s12, s11, $0x38;
	[tilespmem:$0x19000] =	vst v63  }
0x2fc: {  	s4 =	sadd.s32 $0x4, s2;
	_ =	swait.ge [sflag:s23], $0x2000  }
0x2fd: {  	p0 =	slt.s32 s4, $0x10F;
	[sflag:s23] =	ssyncset.done $0x0  }
0x2fe: {  	s4 =	simm.s32 @!p0 $0x10F;
	[sflag:s23] =	ssyncadd.s32 $0xFFFFE000  }
0x2ff: {  	v11 =	vld [tilespmem:s4+$0xC600];
	_ =	sdelay $0x4  }
0x300: {  	(v2sf) =	vpush v11, $0x0;
	_ =	sdelay $0xe  }
0x301: {  	s28 =	spop (v2sf)  }
0x302: {  	v11 =	vld [tilespmem:s28+$0xC300]  }
0x303: {  	v12 =	vld [tilespmem:s28+$0xC180];
	_ =	sdelay $0x3  }
0x304: {  	(v2sf) =	vpush v11, $0x0  }
0x305: {  	(v2sf) =	vpush v12, $0x0;
	_ =	sdelay $0xd  }
0x306: {  	s7 =	spop (v2sf)  }
0x307: {  	s4 =	spop (v2sf)  }
0x308: {  	s8 =	sadd.s32 s7, s4  }
0x309: {  	p0 =	sge.s32 s7, s8  }
.Ltmp26:
0x30a: {  	_ = 	snop;
	(pc) =	sbr.rel @p0 .LBB2_37-.Ltmp26, $1  }
0x30b: {  	_ =	sdelay $0x3  }
0x30c: {  	s7 =	sshll.u32 s7, $0x2  }
0x30d: {  	s7 =	sshra.s32 s7, $0x2  }
0x30e: {  	s25 =	sadd.s32 $0x8100, s7  }
0x30f: {  	v11 =	vld [tilespmem:s25+$0x0];
	_ =	sdelay $0x4  }
0x310: {  	(v2sf) =	vpush v11, $0x0;
	_ =	sdelay $0xe  }
0x311: {  	s26 =	spop (v2sf)  }
0x312: {  	v12 =	vld [tilespmem:s26+$0x0];
	_ =	sdelay $0x4  }
0x313: {  	(v2sf) =	vpush v12, $0x0;
	_ =	sdelay $0xe  }
0x314: {  	s28 =	spop (v2sf)  }
0x315: {  	s7 =	sand.u32 $0x7F, s28  }
0x316: {  	v60 =	vor.u32 s7, v5;
	_ =	sdelay $0x4  }
0x317: {  	v12 =	vld.idx.msk [tilespmem:v60+s17+$0x0], $0xffff  }
0x318: {  	v13 =	vor.u32 s7, v8;
	_ =	sdelay $0x1  }
0x319: {  	s8 =	sshll.u32 s31, $0x9  }
0x31a: {  	s8 =	sshra.s32 s8, $0x2  }
0x31b: {  	[tilespmem:s8+$0x18780] =	vst v12  }
0x31c: {  	v12 =	vld.idx.msk [tilespmem:v13+s17+$0x0], $0xffff  }
0x31d: {  	v61 =	vor.u32 s7, v9;
	_ =	sdelay $0x3  }
0x31e: {  	[tilespmem:s8+$0x18790] =	vst v12  }
0x31f: {  	v12 =	vld.idx.msk [tilespmem:v61+s17+$0x0], $0xffff  }
0x320: {  	v62 =	vor.u32 s7, v10;
	_ =	sdelay $0x3  }
0x321: {  	[tilespmem:s8+$0x187A0] =	vst v12  }
0x322: {  	v12 =	vld.idx.msk [tilespmem:v62+s17+$0x0], $0xffff;
	_ =	sdelay $0x4  }
0x323: {  	[tilespmem:s8+$0x187B0] =	vst v12  }
0x324: {  	v12 =	vld [tilespmem:$0x18F80];
	_ =	sdelay $0x2  }
0x325: {  	v63 =	vmov s31;
	v11 =	vbroadcast v11, $0x0  }
0x326: {  	s31 =	sadd.s32 $0x1, s31;
	vm1 =	veq.s32 v63, v3  }
0x327: {  	p1 =	sne.s32 s31, $0x10;
	v11 =	vsel vm1, v11, v12  }
0x328: {  	s26 =	simm.s32 @!p1 $0x18780;
	s7 =	simm.s32 @!p1 $0x10;
	s8 =	simm.s32 @!p1 $0x18F80;
	[tilespmem:$0x18F80] =	vst v11  }
0x329: {  	[hbm4b:s5+s7] =	stream.indirect.scatter @!p1 [tilespmem:s26], [sflag:$0x7], $0x80, s8, s7, $0xb8;
	[tilespmem:$0x19000] =	vst v63  }
0x32a: {  	s26 =	sadd.s32 $0xFFFFFFFF, s4  }
0x32b: {  	p0 =	sne.s32 s26, $0x0  }
.Ltmp27:
0x32c: {  	_ = 	snop;
	(pc) =	sbr.rel @!p0 .LBB2_36-.Ltmp27, $4  }
0x32d: {  	_ = 	snop  }
0x32e: {  	s4 =	simm.s32 @!p1 $0x7  }
0x32f: {  	_ =	swait.ge @!p1 [sflag:s4], $0x800  }
0x330: {  	s31 =	simm.s32 @!p1 $0x0;
	[sflag:s4] =	ssyncset.done @!p1 $0x0  }
.LBB2_35:
0x331: {  	s26 =	sadd.s32 $0xFFFFFFFF, s26;
	[sflag:s4] =	ssyncadd.s32 @!p1 $0xFFFFF800;
	s25 =	sadd.s32 $0x1, s25  }
0x332: {  	v11 =	vld [tilespmem:s25+$0x0];
	p0 =	sne.s32 s26, $0x0;
	[smem:$0x3] =	sst s31;
	_ =	sdelay $0x4  }
0x333: {  	(v2sf) =	vpush v11, $0x0;
	_ =	sdelay $0xe  }
0x334: {  	s4 =	spop (v2sf)  }
0x335: {  	v12 =	vld [tilespmem:s4+$0x0];
	_ =	sdelay $0x4  }
0x336: {  	(v2sf) =	vpush v12, $0x0;
	_ =	sdelay $0xe  }
0x337: {  	s4 =	spop (v2sf)  }
0x338: {  	s4 =	sand.u32 $0x7F, s4  }
0x339: {  	v12 =	vor.u32 s4, v5;
	_ =	sdelay $0x4  }
0x33a: {  	v12 =	vld.idx.msk [tilespmem:v12+s17+$0x0], $0xffff;
	_ =	sdelay $0x1  }
0x33b: {  	v13 =	vor.u32 s4, v8;
	_ =	sdelay $0x1  }
0x33c: {  	s7 =	sshll.u32 s31, $0x9  }
0x33d: {  	s7 =	sshra.s32 s7, $0x2  }
0x33e: {  	[tilespmem:s7+$0x18780] =	vst v12  }
0x33f: {  	v12 =	vld.idx.msk [tilespmem:v13+s17+$0x0], $0xffff;
	_ =	sdelay $0x1  }
0x340: {  	v13 =	vor.u32 s4, v9;
	_ =	sdelay $0x3  }
0x341: {  	[tilespmem:s7+$0x18790] =	vst v12  }
0x342: {  	v12 =	vld.idx.msk [tilespmem:v13+s17+$0x0], $0xffff;
	_ =	sdelay $0x1  }
0x343: {  	v13 =	vor.u32 s4, v10;
	_ =	sdelay $0x3  }
0x344: {  	[tilespmem:s7+$0x187A0] =	vst v12  }
0x345: {  	v12 =	vld.idx.msk [tilespmem:v13+s17+$0x0], $0xffff;
	_ =	sdelay $0x5  }
0x346: {  	[tilespmem:s7+$0x187B0] =	vst v12  }
0x347: {  	v12 =	vld [tilespmem:$0x18F80];
	_ =	sdelay $0x2  }
0x348: {  	v11 =	vbroadcast v11, $0x0;
	v13 =	vmov s31;
	s31 =	sadd.s32 $0x1, s31  }
0x349: {  	vm1 =	veq.s32 v13, v3;
	p1 =	sne.s32 s31, $0x10  }
0x34a: {  	s4 =	simm.s32 @!p1 $0x10;
	v11 =	vsel vm1, v11, v12  }
.Ltmp28:
0x34b: {  	s8 =	simm.s32 @!p1 $0x18780;
	s7 =	simm.s32 @!p1 $0x18F80;
	[tilespmem:$0x18F80] =	vst v11;
	(pc) =	sbr.rel @p0 .LBB2_35-.Ltmp28, $4  }
0x34c: {  	[hbm4b:s5+s4] =	stream.indirect.scatter @!p1 [tilespmem:s8], [sflag:$0x7], $0x80, s7, s4, $0xb8;
	[tilespmem:$0x19000] =	vst v63  }
0x34d: {  	s31 =	simm.s32 @!p1 $0x0;
	s4 =	simm.s32 @!p1 $0x7  }
0x34e: {  	_ =	swait.ge @!p1 [sflag:s4], $0x800  }
0x34f: {  	[sflag:s4] =	ssyncset.done @!p1 $0x0  }
.LBB2_36:
0x350: {  	[sflag:s4] =	ssyncadd.s32 @!p1 $0xFFFFF800  }
0x351: {  	[smem:$0x3] =	sst s31  }
.LBB2_37:
0x352: {  	s4 =	sadd.s32 $0xA, s2  }
0x353: {  	p0 =	slt.s32 s4, $0x10F  }
0x354: {  	s4 =	simm.s32 @!p0 $0x10F  }
0x355: {  	v11 =	vld [tilespmem:s4+$0xC600];
	_ =	sdelay $0x4  }
0x356: {  	(v2sf) =	vpush v11, $0x0;
	_ =	sdelay $0xe  }
0x357: {  	s26 =	spop (v2sf)  }
0x358: {  	s4 =	sadd.s32 s6, s26  }
0x359: {  	s4 =	sshll.u32 s4, $0x7  }
0x35a: {  	s4 =	sand.u32 $0x1FFFFF80, s4  }
0x35b: {  	s4 =	sadd.s32 s1, s4  }
0x35c: {  	[tilespmem:s17], [sflag:$0x5] =	stream.strided.gather [hbm4b:s4+s11], $0x2000, s12, s11, $0x38;
	[tilespmem:$0x19000] =	vst v63  }
0x35d: {  	s4 =	sadd.s32 $0x5, s2;
	_ =	swait.ge [sflag:s24], $0x2000  }
0x35e: {  	p0 =	slt.s32 s4, $0x10F;
	[sflag:s24] =	ssyncset.done $0x0  }
0x35f: {  	s4 =	simm.s32 @!p0 $0x10F;
	[sflag:s24] =	ssyncadd.s32 $0xFFFFE000  }
0x360: {  	v11 =	vld [tilespmem:s4+$0xC600];
	_ =	sdelay $0x4  }
0x361: {  	(v2sf) =	vpush v11, $0x0;
	_ =	sdelay $0xe  }
0x362: {  	s28 =	spop (v2sf)  }
0x363: {  	v11 =	vld [tilespmem:s28+$0xC300]  }
0x364: {  	v12 =	vld [tilespmem:s28+$0xC180];
	_ =	sdelay $0x3  }
0x365: {  	(v2sf) =	vpush v11, $0x0  }
0x366: {  	(v2sf) =	vpush v12, $0x0;
	_ =	sdelay $0xd  }
0x367: {  	s7 =	spop (v2sf)  }
0x368: {  	s4 =	spop (v2sf)  }
0x369: {  	s8 =	sadd.s32 s7, s4  }
0x36a: {  	p0 =	sge.s32 s7, s8  }
.Ltmp29:
0x36b: {  	_ = 	snop;
	(pc) =	sbr.rel @p0 .LBB2_41-.Ltmp29, $1  }
0x36c: {  	_ =	sdelay $0x3  }
0x36d: {  	s7 =	sshll.u32 s7, $0x2  }
0x36e: {  	s7 =	sshra.s32 s7, $0x2  }
0x36f: {  	s25 =	sadd.s32 $0x8100, s7  }
0x370: {  	v11 =	vld [tilespmem:s25+$0x0];
	_ =	sdelay $0x4  }
0x371: {  	(v2sf) =	vpush v11, $0x0;
	_ =	sdelay $0xe  }
0x372: {  	s26 =	spop (v2sf)  }
0x373: {  	v12 =	vld [tilespmem:s26+$0x0];
	_ =	sdelay $0x4  }
0x374: {  	(v2sf) =	vpush v12, $0x0;
	_ =	sdelay $0xe  }
0x375: {  	s28 =	spop (v2sf)  }
0x376: {  	s7 =	sand.u32 $0x7F, s28  }
0x377: {  	v60 =	vor.u32 s7, v5;
	_ =	sdelay $0x4  }
0x378: {  	v12 =	vld.idx.msk [tilespmem:v60+s18+$0x0], $0xffff  }
0x379: {  	v13 =	vor.u32 s7, v8;
	_ =	sdelay $0x1  }
0x37a: {  	s8 =	sshll.u32 s31, $0x9  }
0x37b: {  	s8 =	sshra.s32 s8, $0x2  }
0x37c: {  	[tilespmem:s8+$0x18780] =	vst v12  }
0x37d: {  	v12 =	vld.idx.msk [tilespmem:v13+s18+$0x0], $0xffff  }
0x37e: {  	v61 =	vor.u32 s7, v9;
	_ =	sdelay $0x3  }
0x37f: {  	[tilespmem:s8+$0x18790] =	vst v12  }
0x380: {  	v12 =	vld.idx.msk [tilespmem:v61+s18+$0x0], $0xffff  }
0x381: {  	v62 =	vor.u32 s7, v10;
	_ =	sdelay $0x3  }
0x382: {  	[tilespmem:s8+$0x187A0] =	vst v12  }
0x383: {  	v12 =	vld.idx.msk [tilespmem:v62+s18+$0x0], $0xffff;
	_ =	sdelay $0x4  }
0x384: {  	[tilespmem:s8+$0x187B0] =	vst v12  }
0x385: {  	v12 =	vld [tilespmem:$0x18F80];
	_ =	sdelay $0x2  }
0x386: {  	v63 =	vmov s31;
	v11 =	vbroadcast v11, $0x0  }
0x387: {  	s31 =	sadd.s32 $0x1, s31;
	vm1 =	veq.s32 v63, v3  }
0x388: {  	p1 =	sne.s32 s31, $0x10;
	v11 =	vsel vm1, v11, v12  }
0x389: {  	s26 =	simm.s32 @!p1 $0x18780;
	s7 =	simm.s32 @!p1 $0x10;
	s8 =	simm.s32 @!p1 $0x18F80;
	[tilespmem:$0x18F80] =	vst v11  }
0x38a: {  	[hbm4b:s5+s7] =	stream.indirect.scatter @!p1 [tilespmem:s26], [sflag:$0x7], $0x80, s8, s7, $0xb8;
	[tilespmem:$0x19000] =	vst v63  }
0x38b: {  	s26 =	sadd.s32 $0xFFFFFFFF, s4  }
0x38c: {  	p0 =	sne.s32 s26, $0x0  }
.Ltmp30:
0x38d: {  	_ = 	snop;
	(pc) =	sbr.rel @!p0 .LBB2_40-.Ltmp30, $4  }
0x38e: {  	_ = 	snop  }
0x38f: {  	s4 =	simm.s32 @!p1 $0x7  }
0x390: {  	_ =	swait.ge @!p1 [sflag:s4], $0x800  }
0x391: {  	s31 =	simm.s32 @!p1 $0x0;
	[sflag:s4] =	ssyncset.done @!p1 $0x0  }
.LBB2_39:
0x392: {  	s26 =	sadd.s32 $0xFFFFFFFF, s26;
	[sflag:s4] =	ssyncadd.s32 @!p1 $0xFFFFF800;
	s25 =	sadd.s32 $0x1, s25  }
0x393: {  	v11 =	vld [tilespmem:s25+$0x0];
	p0 =	sne.s32 s26, $0x0;
	[smem:$0x3] =	sst s31;
	_ =	sdelay $0x4  }
0x394: {  	(v2sf) =	vpush v11, $0x0;
	_ =	sdelay $0xe  }
0x395: {  	s4 =	spop (v2sf)  }
0x396: {  	v12 =	vld [tilespmem:s4+$0x0];
	_ =	sdelay $0x4  }
0x397: {  	(v2sf) =	vpush v12, $0x0;
	_ =	sdelay $0xe  }
0x398: {  	s4 =	spop (v2sf)  }
0x399: {  	s4 =	sand.u32 $0x7F, s4  }
0x39a: {  	v12 =	vor.u32 s4, v5;
	_ =	sdelay $0x4  }
0x39b: {  	v12 =	vld.idx.msk [tilespmem:v12+s18+$0x0], $0xffff;
	_ =	sdelay $0x1  }
0x39c: {  	v13 =	vor.u32 s4, v8;
	_ =	sdelay $0x1  }
0x39d: {  	s7 =	sshll.u32 s31, $0x9  }
0x39e: {  	s7 =	sshra.s32 s7, $0x2  }
0x39f: {  	[tilespmem:s7+$0x18780] =	vst v12  }
0x3a0: {  	v12 =	vld.idx.msk [tilespmem:v13+s18+$0x0], $0xffff;
	_ =	sdelay $0x1  }
0x3a1: {  	v13 =	vor.u32 s4, v9;
	_ =	sdelay $0x3  }
0x3a2: {  	[tilespmem:s7+$0x18790] =	vst v12  }
0x3a3: {  	v12 =	vld.idx.msk [tilespmem:v13+s18+$0x0], $0xffff;
	_ =	sdelay $0x1  }
0x3a4: {  	v13 =	vor.u32 s4, v10;
	_ =	sdelay $0x3  }
0x3a5: {  	[tilespmem:s7+$0x187A0] =	vst v12  }
0x3a6: {  	v12 =	vld.idx.msk [tilespmem:v13+s18+$0x0], $0xffff;
	_ =	sdelay $0x5  }
0x3a7: {  	[tilespmem:s7+$0x187B0] =	vst v12  }
0x3a8: {  	v12 =	vld [tilespmem:$0x18F80];
	_ =	sdelay $0x2  }
0x3a9: {  	v11 =	vbroadcast v11, $0x0;
	v13 =	vmov s31;
	s31 =	sadd.s32 $0x1, s31  }
0x3aa: {  	vm1 =	veq.s32 v13, v3;
	p1 =	sne.s32 s31, $0x10  }
0x3ab: {  	s4 =	simm.s32 @!p1 $0x10;
	v11 =	vsel vm1, v11, v12  }
.Ltmp31:
0x3ac: {  	s8 =	simm.s32 @!p1 $0x18780;
	s7 =	simm.s32 @!p1 $0x18F80;
	[tilespmem:$0x18F80] =	vst v11;
	(pc) =	sbr.rel @p0 .LBB2_39-.Ltmp31, $4  }
0x3ad: {  	[hbm4b:s5+s4] =	stream.indirect.scatter @!p1 [tilespmem:s8], [sflag:$0x7], $0x80, s7, s4, $0xb8;
	[tilespmem:$0x19000] =	vst v63  }
0x3ae: {  	s31 =	simm.s32 @!p1 $0x0;
	s4 =	simm.s32 @!p1 $0x7  }
0x3af: {  	_ =	swait.ge @!p1 [sflag:s4], $0x800  }
0x3b0: {  	[sflag:s4] =	ssyncset.done @!p1 $0x0  }
.Ltmp32:
0x3b1: {  	_ = 	snop;
	(pc) =	sbr.rel .LBB2_40-.Ltmp32, $1  }
0x3b2: {  	_ =	sdelay $0x3  }
.LBB2_43:
0x3b3: {  	_ =	sfence.sel $0x180000  }
0x3b4: {  	[bflag:$0x0] =	sbarrier.arrive $0xFFFF  }
0x3b5: {  	_ =	strace $0x90000047  }
0x3b6: {  	s0 =	stileid.u32;
	[bflag:$0x2] =	sbarrier.arrive $0xFFFF  }
0x3b7: {  	p0 =	sne.s32 s0, $0x0;
	s0 =	rddreg [dreg:$0x3]  }
0x3b8: {  	s0 =	sadd.s32 @!p0 $0x100000, s0  }
0x3b9: {  	[sflag:s0] =	ssyncadd.tile.s32 @!p0 $0x1;
	_ =	shalt  }
.Lfunc_end2:
_tile_overlayer_lowered:
.L_overlay_start_2:
0x3ba: {  	(tag) =	ssettag $0x2  }
0x3bb: {  	s0 =	rddreg [dreg:$0x0];
	s2 =	stileid.u32  }
0x3bc: {  	s1 =	rddreg [dreg:$0x1];
	p0 =	sne.s32 s2, $0x0  }
0x3bd: {  	s3 =	rddreg [dreg:$0x2];
	[bflag:$0x3] =	sbarrier.arrive $0xFFFF;
	s2 =	simm.s32 @!p0 $0x1C08  }
0x3be: {  	[timem:s3], [sflag:s2] =	dma.local @!p0 [hbm:s0], s1  }
0x3bf: {  	s0 =	simm.s32 @!p0 $0x8  }
0x3c0: {  	_ =	swait.ge @!p0 [sflag:s0], s1  }
0x3c1: {  	s1 =	ssub.s32 @!p0 $0x0, s1;
	[sflag:s0] =	ssyncset.done @!p0 $0x0  }
0x3c2: {  	[sflag:s0] =	ssyncadd.s32 @!p0 s1  }
0x3c3: {  	[bflag:$0x3] =	sbarrier.arrive $0xFFFF  }
0x3c4: {  	_ =	shalt  }

</sc_bundles>
